<compile_context>
chip_gen: v7x
topology: tpu7x:2x2x1
jax: 0.10.2.dev20260603
libtpu: 0.0.44.dev20260713+nightly
codegen_flags: <defaults>
</compile_context>

<pallas_src>
import functools

import jax
import jax.numpy as jnp
from jax import lax
from jax.experimental import pallas as pl
from jax.experimental.pallas import tpu as pltpu
from jax.experimental.pallas import tpu_sc as plsc

N = 10000
E = 320000
D = 128
H = 128

NC = 2
NS = 16
NW = NC * NS
EPW = E // NW
CHUNK_ROWS = 80
NCHUNK = EPW // CHUNK_ROWS
ACHUNK = 80
ANCHUNK = EPW // ACHUNK
NPAD = 10240
ROWS_PER_TILE = NPAD // NS
ZROWS = 128


def _sc_mesh():
    return plsc.VectorSubcoreMesh(
        core_axis_name="c", subcore_axis_name="s", num_cores=NC, num_subcores=NS
    )




def _sc_degree_body(dst_hbm, degp_hbm, didx_v, ones_v, zbuf_v, acc_s):
    c = lax.axis_index("c")
    s = lax.axis_index("s")
    wid = c * NS + s

    def init_ones(i, carry):
        ones_v[pl.ds(i * 16, 16)] = jnp.ones((16,), jnp.float32)
        return carry

    lax.fori_loop(0, CHUNK_ROWS // 16, init_ones, 0)

    def init_zero(i, carry):
        zbuf_v[pl.ds(i * 16, 16)] = jnp.zeros((16,), jnp.float32)
        return carry

    lax.fori_loop(0, N // 16, init_zero, 0)

    @pl.when(s == 0)
    def _():
        pltpu.sync_copy(zbuf_v, acc_s)

    pltpu.sync_copy(dst_hbm.at[wid], didx_v)
    plsc.subcore_barrier()

    def body(j, carry):
        pltpu.sync_copy(ones_v, acc_s.at[didx_v.at[j]], add=True)
        return carry

    lax.fori_loop(0, NCHUNK, body, 0)
    plsc.subcore_barrier()

    @pl.when(s == 0)
    def _():
        pltpu.sync_copy(acc_s, degp_hbm.at[c])


def _sc_degree(dst):
    return pl.kernel(
        _sc_degree_body,
        out_type=jax.ShapeDtypeStruct((NC, N), jnp.float32),
        mesh=_sc_mesh(),
        scratch_types=[
            pltpu.VMEM((NCHUNK, CHUNK_ROWS), jnp.int32),
            pltpu.VMEM((CHUNK_ROWS,), jnp.float32),
            pltpu.VMEM((N,), jnp.float32),
            pltpu.VMEM_SHARED((N,), jnp.float32),
        ],
    )(dst)


def _sc_agg_body(feat_hbm, pidx_hbm, out_hbm,
                 pidx_v, si_v, di_v, gbuf_v, acc_s, sem_g, sem_s):
    c = lax.axis_index("c")
    s = lax.axis_index("s")
    wid = c * NS + s

    def init_zero(i, carry):
        gbuf_v[0, i // 8, pl.ds((i % 8) * 16, 16)] = jnp.zeros(
            (16,), jnp.float32)
        return carry

    lax.fori_loop(0, ACHUNK * 8, init_zero, 0)

    for k in range(ROWS_PER_TILE // ACHUNK):
        pltpu.sync_copy(
            gbuf_v.at[0],
            acc_s.at[pl.ds(s * ROWS_PER_TILE + k * ACHUNK, ACHUNK)]
        )

    pltpu.sync_copy(pidx_hbm.at[wid], pidx_v)
    plsc.subcore_barrier()

    def unpack(j, b):
        for k in range(ACHUNK // 16):
            pk = pidx_v[j, pl.ds(k * 16, 16)]
            si_v[b, pl.ds(k * 16, 16)] = pk & 0xFFFF
            di_v[b, pl.ds(k * 16, 16)] = lax.shift_right_logical(pk, 16)

    def gstart(b):
        pltpu.async_copy(feat_hbm.at[si_v.at[b]], gbuf_v.at[b], sem_g.at[b])

    def gwait(b):
        pltpu.make_async_copy(
            feat_hbm.at[si_v.at[b]], gbuf_v.at[b], sem_g.at[b]).wait()

    def sstart(b):
        pltpu.async_copy(gbuf_v.at[b], acc_s.at[di_v.at[b]],
                         sem_s.at[b], add=True)

    def swait(b):
        pltpu.make_async_copy(gbuf_v.at[b], acc_s.at[di_v.at[b]],
                              sem_s.at[b]).wait()

    unpack(0, 0)
    gstart(0)
    unpack(1, 1)
    gstart(1)
    gwait(0)
    sstart(0)
    unpack(2, 2)
    gstart(2)

    def step(j, bg, bp):
        gwait(bg)
        swait(bp)
        sstart(bg)
        unpack(j + 2, bp)
        gstart(bp)

    def triple(q, carry):
        j = 1 + 3 * q
        step(j, 1, 0)
        step(j + 1, 2, 1)
        step(j + 2, 0, 2)
        return carry

    lax.fori_loop(0, (ANCHUNK - 5) // 3, triple, 0)

    step(ANCHUNK - 4, 1, 0)
    step(ANCHUNK - 3, 2, 1)
    gwait(0)
    swait(2)
    sstart(0)
    gwait(1)
    swait(0)
    sstart(1)
    swait(1)
    plsc.subcore_barrier()

    for k in range(ROWS_PER_TILE // ZROWS):
        sl = pl.ds(s * ROWS_PER_TILE + k * ZROWS, ZROWS)
        pltpu.sync_copy(acc_s.at[sl], out_hbm.at[c, sl])


_AGG_SCRATCH = [
    pltpu.VMEM((ANCHUNK, ACHUNK), jnp.int32),
    pltpu.VMEM((3, ACHUNK), jnp.int32),
    pltpu.VMEM((3, ACHUNK), jnp.int32),
    pltpu.VMEM((3, ACHUNK, D), jnp.float32),
    pltpu.VMEM_SHARED((NPAD, D), jnp.float32),
    pltpu.SemaphoreType.DMA((3,)),
    pltpu.SemaphoreType.DMA((3,)),
]


def _sc_agg(feat, pidx):
    return pl.kernel(
        _sc_agg_body,
        out_type=jax.ShapeDtypeStruct((NC, NPAD, D), jnp.float32),
        mesh=_sc_mesh(),
        scratch_types=_AGG_SCRATCH,
    )(feat, pidx)




def _tc_lin_body(x_ref, w_ref, b_ref, d0_ref, d1_ref, hn_ref, norm_ref):
    deg = d0_ref[...] + d1_ref[...]
    norm = lax.rsqrt(jnp.maximum(deg, 1.0))
    h = jnp.dot(x_ref[...], w_ref[...], preferred_element_type=jnp.float32)
    h = h + b_ref[...]
    hn_ref[...] = h * norm
    norm_ref[...] = norm


def _tc_lin(x, w, b, d0, d1):
    return pl.pallas_call(
        _tc_lin_body,
        out_shape=(
            jax.ShapeDtypeStruct((N, D), jnp.float32),
            jax.ShapeDtypeStruct((N, 1), jnp.float32),
        ),
    )(x, w, b, d0, d1)


def _tc_layer_body(p0_ref, p1_ref, norm_ref, w_ref, b_ref, a_ref, out_ref,
                   *, scale_out):
    norm = norm_ref[...]
    agg = (p0_ref[...][:N] + p1_ref[...][:N]) * norm
    t = jnp.dot(agg, w_ref[...], preferred_element_type=jnp.float32)
    t = t + b_ref[...]
    h = jnp.where(t >= 0, t, a_ref[...] * t)
    out_ref[...] = h * norm if scale_out else h


def _tc_layer(p0, p1, norm, w, b, a, scale_out):
    body = functools.partial(_tc_layer_body, scale_out=scale_out)
    return pl.pallas_call(
        body,
        out_shape=jax.ShapeDtypeStruct((N, H), jnp.float32),
    )(p0, p1, norm, w, b, a)




def kernel(x, edge_index, W_lin, b_lin, W_g1, b_g1, W_g2, b_g2, a1, a2):
    dst = edge_index[1].reshape(NW, NCHUNK, CHUNK_ROWS)
    packed = (edge_index[0] | (edge_index[1] << 16)).reshape(
        NW, ANCHUNK, ACHUNK)

    degp = _sc_degree(dst)
    hn, norm = _tc_lin(
        x, W_lin, b_lin.reshape(1, D),
        degp[0].reshape(N, 1), degp[1].reshape(N, 1),
    )
    p = _sc_agg(hn, packed)
    hn1 = _tc_layer(p[0], p[1], norm, W_g1, b_g1.reshape(1, H),
                    a1.reshape(1, 1), scale_out=True)
    q = _sc_agg(hn1, packed)
    h2 = _tc_layer(q[0], q[1], norm, W_g2, b_g2.reshape(1, H),
                   a2.reshape(1, 1), scale_out=False)
    return h2

# --- scband reference (transcript-rebuilt; emitter-appended) ---
"""Pipeline reference for scband-model-9216999817958 (READ-ONLY COPY).

The authoritative reference and input builder live on the scoring server;
editing this copy changes nothing except your own understanding.
"""

import jax, jax.numpy as jnp
import numpy as np

N = 10000
E = 320000
D = 128
H = 128


def prelu(x, a):
    return jnp.where(x >= 0, x, a * x)


def setup_inputs(seed: int = 0) -> dict:
    key = jax.random.key(seed)
    ks = jax.random.split(key, 8)
    x = jax.random.normal(ks[0], (N, D), dtype=jnp.float32)
    edge_index = jax.random.randint(ks[1], (2, E), 0, N, dtype=jnp.int32)
    W_lin = jax.random.normal(ks[2], (D, H), dtype=jnp.float32) / np.sqrt(D)
    b_lin = jnp.zeros((H,), dtype=jnp.float32)
    W_g1 = jax.random.normal(ks[3], (H, H), dtype=jnp.float32) / np.sqrt(H)
    b_g1 = jnp.zeros((H,), dtype=jnp.float32)
    W_g2 = jax.random.normal(ks[4], (H, H), dtype=jnp.float32) / np.sqrt(H)
    b_g2 = jnp.zeros((H,), dtype=jnp.float32)
    a1 = jnp.full((1,), 0.25, dtype=jnp.float32)
    a2 = jnp.full((1,), 0.25, dtype=jnp.float32)
    return {"x": x, "edge_index": edge_index, "W_lin": W_lin, "b_lin": b_lin,
            "W_g1": W_g1, "b_g1": b_g1, "W_g2": W_g2, "b_g2": b_g2,
            "a1": a1, "a2": a2}


def reference(x, edge_index, W_lin, b_lin, W_g1, b_g1, W_g2, b_g2, a1, a2):
    # Node-type linear projection (drug/disease linear layers flattened to one homogeneous x)
    src = edge_index[0]
    dst = edge_index[1]
    h = x @ W_lin + b_lin
    # Symmetric degree normalization as in dgl GraphConv (norm='both')
    deg = jax.ops.segment_sum(jnp.ones((E,), dtype=jnp.float32), dst, num_segments=N)
    norm = jax.lax.rsqrt(jnp.clip(deg, 1.0, None))

    def gconv(h_in, W, b):
        m = (h_in * norm[:, None])[src]              # gather source messages
        agg = jax.ops.segment_sum(m, dst, num_segments=N)  # scatter-add to dst
        return (agg * norm[:, None]) @ W + b

    # feat_generate_layer1 / layer2: GraphConv -> PReLU
    h1 = prelu(gconv(h, W_g1, b_g1), a1)
    h2 = prelu(gconv(h1, W_g2, b_g2), a2)
    return h2

if __name__ == "__main__":
    import jax
    _d = setup_inputs()
    print(jax.jit(kernel)(*tuple(_d.values())))

</pallas_src>

<mosaic_0001>
#map = affine_map<(d0, d1) -> (0, 0)>
#map1 = affine_map<(d0, d1) -> (0, 0, 0)>
module attributes {stable_mosaic.version = 14 : i64} {
  func.func @_sc_agg_body(%arg0: i32, %arg1: i32, %arg2: memref<10000x128xf32, #tpu.memory_space<hbm>>, %arg3: memref<32x125x80xi32, #tpu.memory_space<hbm>>, %arg4: memref<2x10240x128xf32, #tpu.memory_space<hbm>>, %arg5: memref<125x80xi32, #tpu.memory_space<vmem>>, %arg6: memref<3x80xi32, #tpu.memory_space<vmem>>, %arg7: memref<3x80xi32, #tpu.memory_space<vmem>>, %arg8: memref<3x80x128xf32, #tpu.memory_space<vmem>>, %arg9: memref<10240x128xf32, #tpu.memory_space<vmem_shared>>, %arg10: memref<3x!tpu.dma_semaphore, #tpu.memory_space<semaphore_mem>>, %arg11: memref<3x!tpu.dma_semaphore, #tpu.memory_space<semaphore_mem>>) attributes {dimension_semantics = [#tpu.dimension_semantics<core_parallel>, #tpu.dimension_semantics<subcore_parallel>], iteration_bounds = array<i64: 2, 16>, scalar_prefetch = 0 : i64, scratch_operands = 7 : i64, tpu.core_type = #tpu.core_type<sc_vector_subcore>, window_params = [{transform_indices = #map}, {transform_indices = #map1}, {transform_indices = #map1}]} {
    %mul3A = arith.constant 16 : i32
    %mul3A_0 = arith.muli %arg0, %mul3A : i32
    %add3A = arith.addi %mul3A_0, %arg1 : i32
    %scan3A = arith.constant 0 : i32
    %scan3A_1 = arith.constant 0 : i32
    %scan3A_2 = arith.constant 640 : i32
    %scan3A_3 = arith.addi %scan3A_1, %scan3A_2 : i32
    %scan3A_4 = arith.constant 1 : i32
    scf.for %scan3A_941 = %scan3A_1 to %scan3A_3 step %scan3A_4  : i32 {
      %broadcast_in_dim3A = arith.constant 0.000000e+00 : f32
      %broadcast_in_dim3A_942 = vector.broadcast %broadcast_in_dim3A : f32 to vector<16xf32>
      %jit3A = arith.constant 8 : i32
      %div3A = arith.divsi %scan3A_941, %jit3A : i32
      %sign3A = arith.constant 0 : i32
      %sign3A_943 = arith.cmpi sgt, %scan3A_941, %sign3A : i32
      %sign3A_944 = arith.extui %sign3A_943 : i1 to i32
      %sign3A_945 = arith.constant 0 : i32
      %sign3A_946 = arith.cmpi slt, %scan3A_941, %sign3A_945 : i32
      %sign3A_947 = arith.extui %sign3A_946 : i1 to i32
      %sign3A_948 = arith.subi %sign3A_944, %sign3A_947 : i32
      %sign3A_949 = arith.constant 0 : i32
      %sign3A_950 = arith.cmpi sgt, %jit3A, %sign3A_949 : i32
      %sign3A_951 = arith.extui %sign3A_950 : i1 to i32
      %sign3A_952 = arith.constant 0 : i32
      %sign3A_953 = arith.cmpi slt, %jit3A, %sign3A_952 : i32
      %sign3A_954 = arith.extui %sign3A_953 : i1 to i32
      %sign3A_955 = arith.subi %sign3A_951, %sign3A_954 : i32
      %ne3A = arith.cmpi ne, %sign3A_948, %sign3A_955 : i32
      %rem3A = arith.remsi %scan3A_941, %jit3A : i32
      %ne3A_956 = arith.constant 0 : i32
      %ne3A_957 = arith.cmpi ne, %rem3A, %ne3A_956 : i32
      %and3A_958 = arith.andi %ne3A, %ne3A_957 : i1
      %sub3A = arith.constant 1 : i32
      %sub3A_959 = arith.subi %div3A, %sub3A : i32
      %select_n3A = arith.select %and3A_958, %sub3A_959, %div3A : i32
      %jit3A_960 = arith.constant 8 : i32
      %eq3A = arith.constant 0 : i32
      %eq3A_961 = arith.cmpi eq, %jit3A_960, %eq3A : i32
      %jit3A_962 = arith.constant 1 : i32
      %select_n3A_963 = arith.select %eq3A_961, %jit3A_962, %jit3A_960 : i32
      %rem3A_964 = arith.remsi %scan3A_941, %select_n3A_963 : i32
      %ne3A_965 = arith.constant 0 : i32
      %ne3A_966 = arith.cmpi ne, %rem3A_964, %ne3A_965 : i32
      %lt3A = arith.constant 0 : i32
      %lt3A_967 = arith.cmpi slt, %rem3A_964, %lt3A : i32
      %lt3A_968 = arith.constant 0 : i32
      %lt3A_969 = arith.cmpi slt, %select_n3A_963, %lt3A_968 : i32
      %ne3A_970 = arith.xori %lt3A_967, %lt3A_969 : i1
      %and3A_971 = arith.andi %ne3A_970, %ne3A_966 : i1
      %add3A_972 = arith.addi %rem3A_964, %select_n3A_963 : i32
      %select_n3A_973 = arith.select %and3A_971, %add3A_972, %rem3A_964 : i32
      %mul3A_974 = arith.constant 16 : i32
      %mul3A_975 = arith.muli %select_n3A_973, %mul3A_974 : i32
      %swap3A_976 = arith.constant 0 : i32
      %swap3A_977 = arith.index_cast %swap3A_976 : i32 to index
      %swap3A_978 = arith.index_cast %select_n3A : i32 to index
      %swap3A_979 = arith.index_cast %mul3A_975 : i32 to index
      %swap3A_980 = tpu.vector_load %arg8[%swap3A_977, %swap3A_978, %swap3A_979] {strides = array<i32>} : memref<3x80x128xf32, #tpu.memory_space<vmem>>, vector<1x1x16xf32>,
      %swap3A_981 = vector.shape_cast %swap3A_980 : vector<1x1x16xf32> to vector<16xf32>
      %swap3A_982 = vector.shape_cast %broadcast_in_dim3A_942 : vector<16xf32> to vector<1x1x16xf32>
      tpu.vector_store %arg8[%swap3A_977, %swap3A_978, %swap3A_979], %swap3A_982 {strides = array<i32>} : memref<3x80x128xf32, #tpu.memory_space<vmem>>, vector<1x1x16xf32>,
    }
    %scan3A_5 = arith.constant 640 : i32
    %mul3A_6 = arith.constant 640 : i32
    %mul3A_7 = arith.muli %arg1, %mul3A_6 : i32
    %add3A_8 = arith.constant 0 : i32
    %add3A_9 = arith.addi %mul3A_7, %add3A_8 : i32
    %run_scoped3A = arith.constant 0 : i32
    "tpu.region"() ({
      %run_scoped3A_941 = tpu.sem_alloc : memref<!tpu.dma_semaphore, #tpu.memory_space<semaphore_mem>>
      %dma_start3A_942 = arith.constant 0 : i32
      %dma_start3A_943 = arith.constant 0 : i32
      %dma_start3A_944 = tpu.memref_slice %arg8[%run_scoped3A, %dma_start3A_942, %dma_start3A_943] : memref<3x80x128xf32, #tpu.memory_space<vmem>> -> memref<1x80x128xf32, #tpu.memory_space<vmem>>
      %dma_start3A_945 = tpu.memref_squeeze %dma_start3A_944 : memref<1x80x128xf32, #tpu.memory_space<vmem>> -> memref<80x128xf32, #tpu.memory_space<vmem>>
      %dma_start3A_946 = arith.constant 0 : i32
      %dma_start3A_947 = tpu.memref_slice %arg9[%add3A_9, %dma_start3A_946] : memref<10240x128xf32, #tpu.memory_space<vmem_shared>> -> memref<80x128xf32, #tpu.memory_space<vmem_shared>>
      %dma_start3A_948 = arith.constant 0 : i32
      %dma_start3A_949 = tpu.memref_slice %arg9[%add3A_9, %dma_start3A_948] : memref<10240x128xf32, #tpu.memory_space<vmem_shared>> -> memref<80x128xf32, #tpu.memory_space<vmem_shared>>
      %dma_start3A_950 = arith.constant 0 : i32
      %dma_start3A_951 = arith.constant 0 : i32
      %dma_start3A_952 = tpu.memref_slice %arg8[%run_scoped3A, %dma_start3A_950, %dma_start3A_951] : memref<3x80x128xf32, #tpu.memory_space<vmem>> -> memref<1x80x128xf32, #tpu.memory_space<vmem>>
      %dma_start3A_953 = tpu.memref_squeeze %dma_start3A_952 : memref<1x80x128xf32, #tpu.memory_space<vmem>> -> memref<80x128xf32, #tpu.memory_space<vmem>>
      tpu.enqueue_dma source(%dma_start3A_953 : memref<80x128xf32, #tpu.memory_space<vmem>>) target(%dma_start3A_949 : memref<80x128xf32, #tpu.memory_space<vmem_shared>>) target_semaphore(%run_scoped3A_941 : memref<!tpu.dma_semaphore, #tpu.memory_space<semaphore_mem>>)
      %dma_wait3A_954 = arith.constant 0 : i32
      %dma_wait3A_955 = arith.constant 0 : i32
      %dma_wait3A_956 = tpu.memref_slice %arg8[%run_scoped3A, %dma_wait3A_954, %dma_wait3A_955] : memref<3x80x128xf32, #tpu.memory_space<vmem>> -> memref<1x80x128xf32, #tpu.memory_space<vmem>>
      %dma_wait3A_957 = tpu.memref_squeeze %dma_wait3A_956 : memref<1x80x128xf32, #tpu.memory_space<vmem>> -> memref<80x128xf32, #tpu.memory_space<vmem>>
      %dma_wait3A_958 = arith.constant 0 : i32
      %dma_wait3A_959 = tpu.memref_slice %arg9[%add3A_9, %dma_wait3A_958] : memref<10240x128xf32, #tpu.memory_space<vmem_shared>> -> memref<80x128xf32, #tpu.memory_space<vmem_shared>>
      %dma_wait3A_960 = arith.constant 0 : i32
      %dma_wait3A_961 = tpu.memref_slice %arg9[%add3A_9, %dma_wait3A_960] : memref<10240x128xf32, #tpu.memory_space<vmem_shared>> -> memref<80x128xf32, #tpu.memory_space<vmem_shared>>
      %dma_wait3A_962 = arith.constant 0 : i32
      %dma_wait3A_963 = arith.constant 0 : i32
      %dma_wait3A_964 = tpu.memref_slice %arg8[%run_scoped3A, %dma_wait3A_962, %dma_wait3A_963] : memref<3x80x128xf32, #tpu.memory_space<vmem>> -> memref<1x80x128xf32, #tpu.memory_space<vmem>>
      %dma_wait3A_965 = tpu.memref_squeeze %dma_wait3A_964 : memref<1x80x128xf32, #tpu.memory_space<vmem>> -> memref<80x128xf32, #tpu.memory_space<vmem>>
      tpu.wait_dma2 semaphore(%run_scoped3A_941 : memref<!tpu.dma_semaphore, #tpu.memory_space<semaphore_mem>>) src(%dma_wait3A_965 : memref<80x128xf32, #tpu.memory_space<vmem>>) dst(%dma_wait3A_961 : memref<80x128xf32, #tpu.memory_space<vmem_shared>>)
      tpu.yield
    }) : () -> ()
    %mul3A_10 = arith.constant 640 : i32
    %mul3A_11 = arith.muli %arg1, %mul3A_10 : i32
    %add3A_12 = arith.constant 80 : i32
    %add3A_13 = arith.addi %mul3A_11, %add3A_12 : i32
    %run_scoped3A_14 = arith.constant 0 : i32
    "tpu.region"() ({
      %run_scoped3A_941 = tpu.sem_alloc : memref<!tpu.dma_semaphore, #tpu.memory_space<semaphore_mem>>
      %dma_start3A_942 = arith.constant 0 : i32
      %dma_start3A_943 = arith.constant 0 : i32
      %dma_start3A_944 = tpu.memref_slice %arg8[%run_scoped3A_14, %dma_start3A_942, %dma_start3A_943] : memref<3x80x128xf32, #tpu.memory_space<vmem>> -> memref<1x80x128xf32, #tpu.memory_space<vmem>>
      %dma_start3A_945 = tpu.memref_squeeze %dma_start3A_944 : memref<1x80x128xf32, #tpu.memory_space<vmem>> -> memref<80x128xf32, #tpu.memory_space<vmem>>
      %dma_start3A_946 = arith.constant 0 : i32
      %dma_start3A_947 = tpu.memref_slice %arg9[%add3A_13, %dma_start3A_946] : memref<10240x128xf32, #tpu.memory_space<vmem_shared>> -> memref<80x128xf32, #tpu.memory_space<vmem_shared>>
      %dma_start3A_948 = arith.constant 0 : i32
      %dma_start3A_949 = tpu.memref_slice %arg9[%add3A_13, %dma_start3A_948] : memref<10240x128xf32, #tpu.memory_space<vmem_shared>> -> memref<80x128xf32, #tpu.memory_space<vmem_shared>>
      %dma_start3A_950 = arith.constant 0 : i32
      %dma_start3A_951 = arith.constant 0 : i32
      %dma_start3A_952 = tpu.memref_slice %arg8[%run_scoped3A_14, %dma_start3A_950, %dma_start3A_951] : memref<3x80x128xf32, #tpu.memory_space<vmem>> -> memref<1x80x128xf32, #tpu.memory_space<vmem>>
      %dma_start3A_953 = tpu.memref_squeeze %dma_start3A_952 : memref<1x80x128xf32, #tpu.memory_space<vmem>> -> memref<80x128xf32, #tpu.memory_space<vmem>>
      tpu.enqueue_dma source(%dma_start3A_953 : memref<80x128xf32, #tpu.memory_space<vmem>>) target(%dma_start3A_949 : memref<80x128xf32, #tpu.memory_space<vmem_shared>>) target_semaphore(%run_scoped3A_941 : memref<!tpu.dma_semaphore, #tpu.memory_space<semaphore_mem>>)
      %dma_wait3A_954 = arith.constant 0 : i32
      %dma_wait3A_955 = arith.constant 0 : i32
      %dma_wait3A_956 = tpu.memref_slice %arg8[%run_scoped3A_14, %dma_wait3A_954, %dma_wait3A_955] : memref<3x80x128xf32, #tpu.memory_space<vmem>> -> memref<1x80x128xf32, #tpu.memory_space<vmem>>
      %dma_wait3A_957 = tpu.memref_squeeze %dma_wait3A_956 : memref<1x80x128xf32, #tpu.memory_space<vmem>> -> memref<80x128xf32, #tpu.memory_space<vmem>>
      %dma_wait3A_958 = arith.constant 0 : i32
      %dma_wait3A_959 = tpu.memref_slice %arg9[%add3A_13, %dma_wait3A_958] : memref<10240x128xf32, #tpu.memory_space<vmem_shared>> -> memref<80x128xf32, #tpu.memory_space<vmem_shared>>
      %dma_wait3A_960 = arith.constant 0 : i32
      %dma_wait3A_961 = tpu.memref_slice %arg9[%add3A_13, %dma_wait3A_960] : memref<10240x128xf32, #tpu.memory_space<vmem_shared>> -> memref<80x128xf32, #tpu.memory_space<vmem_shared>>
      %dma_wait3A_962 = arith.constant 0 : i32
      %dma_wait3A_963 = arith.constant 0 : i32
      %dma_wait3A_964 = tpu.memref_slice %arg8[%run_scoped3A_14, %dma_wait3A_962, %dma_wait3A_963] : memref<3x80x128xf32, #tpu.memory_space<vmem>> -> memref<1x80x128xf32, #tpu.memory_space<vmem>>
      %dma_wait3A_965 = tpu.memref_squeeze %dma_wait3A_964 : memref<1x80x128xf32, #tpu.memory_space<vmem>> -> memref<80x128xf32, #tpu.memory_space<vmem>>
      tpu.wait_dma2 semaphore(%run_scoped3A_941 : memref<!tpu.dma_semaphore, #tpu.memory_space<semaphore_mem>>) src(%dma_wait3A_965 : memref<80x128xf32, #tpu.memory_space<vmem>>) dst(%dma_wait3A_961 : memref<80x128xf32, #tpu.memory_space<vmem_shared>>)
      tpu.yield
    }) : () -> ()
    %mul3A_15 = arith.constant 640 : i32
    %mul3A_16 = arith.muli %arg1, %mul3A_15 : i32
    %add3A_17 = arith.constant 160 : i32
    %add3A_18 = arith.addi %mul3A_16, %add3A_17 : i32
    %run_scoped3A_19 = arith.constant 0 : i32
    "tpu.region"() ({
      %run_scoped3A_941 = tpu.sem_alloc : memref<!tpu.dma_semaphore, #tpu.memory_space<semaphore_mem>>
      %dma_start3A_942 = arith.constant 0 : i32
      %dma_start3A_943 = arith.constant 0 : i32
      %dma_start3A_944 = tpu.memref_slice %arg8[%run_scoped3A_19, %dma_start3A_942, %dma_start3A_943] : memref<3x80x128xf32, #tpu.memory_space<vmem>> -> memref<1x80x128xf32, #tpu.memory_space<vmem>>
      %dma_start3A_945 = tpu.memref_squeeze %dma_start3A_944 : memref<1x80x128xf32, #tpu.memory_space<vmem>> -> memref<80x128xf32, #tpu.memory_space<vmem>>
      %dma_start3A_946 = arith.constant 0 : i32
      %dma_start3A_947 = tpu.memref_slice %arg9[%add3A_18, %dma_start3A_946] : memref<10240x128xf32, #tpu.memory_space<vmem_shared>> -> memref<80x128xf32, #tpu.memory_space<vmem_shared>>
      %dma_start3A_948 = arith.constant 0 : i32
      %dma_start3A_949 = tpu.memref_slice %arg9[%add3A_18, %dma_start3A_948] : memref<10240x128xf32, #tpu.memory_space<vmem_shared>> -> memref<80x128xf32, #tpu.memory_space<vmem_shared>>
      %dma_start3A_950 = arith.constant 0 : i32
      %dma_start3A_951 = arith.constant 0 : i32
      %dma_start3A_952 = tpu.memref_slice %arg8[%run_scoped3A_19, %dma_start3A_950, %dma_start3A_951] : memref<3x80x128xf32, #tpu.memory_space<vmem>> -> memref<1x80x128xf32, #tpu.memory_space<vmem>>
      %dma_start3A_953 = tpu.memref_squeeze %dma_start3A_952 : memref<1x80x128xf32, #tpu.memory_space<vmem>> -> memref<80x128xf32, #tpu.memory_space<vmem>>
      tpu.enqueue_dma source(%dma_start3A_953 : memref<80x128xf32, #tpu.memory_space<vmem>>) target(%dma_start3A_949 : memref<80x128xf32, #tpu.memory_space<vmem_shared>>) target_semaphore(%run_scoped3A_941 : memref<!tpu.dma_semaphore, #tpu.memory_space<semaphore_mem>>)
      %dma_wait3A_954 = arith.constant 0 : i32
      %dma_wait3A_955 = arith.constant 0 : i32
      %dma_wait3A_956 = tpu.memref_slice %arg8[%run_scoped3A_19, %dma_wait3A_954, %dma_wait3A_955] : memref<3x80x128xf32, #tpu.memory_space<vmem>> -> memref<1x80x128xf32, #tpu.memory_space<vmem>>
      %dma_wait3A_957 = tpu.memref_squeeze %dma_wait3A_956 : memref<1x80x128xf32, #tpu.memory_space<vmem>> -> memref<80x128xf32, #tpu.memory_space<vmem>>
      %dma_wait3A_958 = arith.constant 0 : i32
      %dma_wait3A_959 = tpu.memref_slice %arg9[%add3A_18, %dma_wait3A_958] : memref<10240x128xf32, #tpu.memory_space<vmem_shared>> -> memref<80x128xf32, #tpu.memory_space<vmem_shared>>
      %dma_wait3A_960 = arith.constant 0 : i32
      %dma_wait3A_961 = tpu.memref_slice %arg9[%add3A_18, %dma_wait3A_960] : memref<10240x128xf32, #tpu.memory_space<vmem_shared>> -> memref<80x128xf32, #tpu.memory_space<vmem_shared>>
      %dma_wait3A_962 = arith.constant 0 : i32
      %dma_wait3A_963 = arith.constant 0 : i32
      %dma_wait3A_964 = tpu.memref_slice %arg8[%run_scoped3A_19, %dma_wait3A_962, %dma_wait3A_963] : memref<3x80x128xf32, #tpu.memory_space<vmem>> -> memref<1x80x128xf32, #tpu.memory_space<vmem>>
      %dma_wait3A_965 = tpu.memref_squeeze %dma_wait3A_964 : memref<1x80x128xf32, #tpu.memory_space<vmem>> -> memref<80x128xf32, #tpu.memory_space<vmem>>
      tpu.wait_dma2 semaphore(%run_scoped3A_941 : memref<!tpu.dma_semaphore, #tpu.memory_space<semaphore_mem>>) src(%dma_wait3A_965 : memref<80x128xf32, #tpu.memory_space<vmem>>) dst(%dma_wait3A_961 : memref<80x128xf32, #tpu.memory_space<vmem_shared>>)
      tpu.yield
    }) : () -> ()
    %mul3A_20 = arith.constant 640 : i32
    %mul3A_21 = arith.muli %arg1, %mul3A_20 : i32
    %add3A_22 = arith.constant 240 : i32
    %add3A_23 = arith.addi %mul3A_21, %add3A_22 : i32
    %run_scoped3A_24 = arith.constant 0 : i32
    "tpu.region"() ({
      %run_scoped3A_941 = tpu.sem_alloc : memref<!tpu.dma_semaphore, #tpu.memory_space<semaphore_mem>>
      %dma_start3A_942 = arith.constant 0 : i32
      %dma_start3A_943 = arith.constant 0 : i32
      %dma_start3A_944 = tpu.memref_slice %arg8[%run_scoped3A_24, %dma_start3A_942, %dma_start3A_943] : memref<3x80x128xf32, #tpu.memory_space<vmem>> -> memref<1x80x128xf32, #tpu.memory_space<vmem>>
      %dma_start3A_945 = tpu.memref_squeeze %dma_start3A_944 : memref<1x80x128xf32, #tpu.memory_space<vmem>> -> memref<80x128xf32, #tpu.memory_space<vmem>>
      %dma_start3A_946 = arith.constant 0 : i32
      %dma_start3A_947 = tpu.memref_slice %arg9[%add3A_23, %dma_start3A_946] : memref<10240x128xf32, #tpu.memory_space<vmem_shared>> -> memref<80x128xf32, #tpu.memory_space<vmem_shared>>
      %dma_start3A_948 = arith.constant 0 : i32
      %dma_start3A_949 = tpu.memref_slice %arg9[%add3A_23, %dma_start3A_948] : memref<10240x128xf32, #tpu.memory_space<vmem_shared>> -> memref<80x128xf32, #tpu.memory_space<vmem_shared>>
      %dma_start3A_950 = arith.constant 0 : i32
      %dma_start3A_951 = arith.constant 0 : i32
      %dma_start3A_952 = tpu.memref_slice %arg8[%run_scoped3A_24, %dma_start3A_950, %dma_start3A_951] : memref<3x80x128xf32, #tpu.memory_space<vmem>> -> memref<1x80x128xf32, #tpu.memory_space<vmem>>
      %dma_start3A_953 = tpu.memref_squeeze %dma_start3A_952 : memref<1x80x128xf32, #tpu.memory_space<vmem>> -> memref<80x128xf32, #tpu.memory_space<vmem>>
      tpu.enqueue_dma source(%dma_start3A_953 : memref<80x128xf32, #tpu.memory_space<vmem>>) target(%dma_start3A_949 : memref<80x128xf32, #tpu.memory_space<vmem_shared>>) target_semaphore(%run_scoped3A_941 : memref<!tpu.dma_semaphore, #tpu.memory_space<semaphore_mem>>)
      %dma_wait3A_954 = arith.constant 0 : i32
      %dma_wait3A_955 = arith.constant 0 : i32
      %dma_wait3A_956 = tpu.memref_slice %arg8[%run_scoped3A_24, %dma_wait3A_954, %dma_wait3A_955] : memref<3x80x128xf32, #tpu.memory_space<vmem>> -> memref<1x80x128xf32, #tpu.memory_space<vmem>>
      %dma_wait3A_957 = tpu.memref_squeeze %dma_wait3A_956 : memref<1x80x128xf32, #tpu.memory_space<vmem>> -> memref<80x128xf32, #tpu.memory_space<vmem>>
      %dma_wait3A_958 = arith.constant 0 : i32
      %dma_wait3A_959 = tpu.memref_slice %arg9[%add3A_23, %dma_wait3A_958] : memref<10240x128xf32, #tpu.memory_space<vmem_shared>> -> memref<80x128xf32, #tpu.memory_space<vmem_shared>>
      %dma_wait3A_960 = arith.constant 0 : i32
      %dma_wait3A_961 = tpu.memref_slice %arg9[%add3A_23, %dma_wait3A_960] : memref<10240x128xf32, #tpu.memory_space<vmem_shared>> -> memref<80x128xf32, #tpu.memory_space<vmem_shared>>
      %dma_wait3A_962 = arith.constant 0 : i32
      %dma_wait3A_963 = arith.constant 0 : i32
      %dma_wait3A_964 = tpu.memref_slice %arg8[%run_scoped3A_24, %dma_wait3A_962, %dma_wait3A_963] : memref<3x80x128xf32, #tpu.memory_space<vmem>> -> memref<1x80x128xf32, #tpu.memory_space<vmem>>
      %dma_wait3A_965 = tpu.memref_squeeze %dma_wait3A_964 : memref<1x80x128xf32, #tpu.memory_space<vmem>> -> memref<80x128xf32, #tpu.memory_space<vmem>>
      tpu.wait_dma2 semaphore(%run_scoped3A_941 : memref<!tpu.dma_semaphore, #tpu.memory_space<semaphore_mem>>) src(%dma_wait3A_965 : memref<80x128xf32, #tpu.memory_space<vmem>>) dst(%dma_wait3A_961 : memref<80x128xf32, #tpu.memory_space<vmem_shared>>)
      tpu.yield
    }) : () -> ()
    %mul3A_25 = arith.constant 640 : i32
    %mul3A_26 = arith.muli %arg1, %mul3A_25 : i32
    %add3A_27 = arith.constant 320 : i32
    %add3A_28 = arith.addi %mul3A_26, %add3A_27 : i32
    %run_scoped3A_29 = arith.constant 0 : i32
    "tpu.region"() ({
      %run_scoped3A_941 = tpu.sem_alloc : memref<!tpu.dma_semaphore, #tpu.memory_space<semaphore_mem>>
      %dma_start3A_942 = arith.constant 0 : i32
      %dma_start3A_943 = arith.constant 0 : i32
      %dma_start3A_944 = tpu.memref_slice %arg8[%run_scoped3A_29, %dma_start3A_942, %dma_start3A_943] : memref<3x80x128xf32, #tpu.memory_space<vmem>> -> memref<1x80x128xf32, #tpu.memory_space<vmem>>
      %dma_start3A_945 = tpu.memref_squeeze %dma_start3A_944 : memref<1x80x128xf32, #tpu.memory_space<vmem>> -> memref<80x128xf32, #tpu.memory_space<vmem>>
      %dma_start3A_946 = arith.constant 0 : i32
      %dma_start3A_947 = tpu.memref_slice %arg9[%add3A_28, %dma_start3A_946] : memref<10240x128xf32, #tpu.memory_space<vmem_shared>> -> memref<80x128xf32, #tpu.memory_space<vmem_shared>>
      %dma_start3A_948 = arith.constant 0 : i32
      %dma_start3A_949 = tpu.memref_slice %arg9[%add3A_28, %dma_start3A_948] : memref<10240x128xf32, #tpu.memory_space<vmem_shared>> -> memref<80x128xf32, #tpu.memory_space<vmem_shared>>
      %dma_start3A_950 = arith.constant 0 : i32
      %dma_start3A_951 = arith.constant 0 : i32
      %dma_start3A_952 = tpu.memref_slice %arg8[%run_scoped3A_29, %dma_start3A_950, %dma_start3A_951] : memref<3x80x128xf32, #tpu.memory_space<vmem>> -> memref<1x80x128xf32, #tpu.memory_space<vmem>>
      %dma_start3A_953 = tpu.memref_squeeze %dma_start3A_952 : memref<1x80x128xf32, #tpu.memory_space<vmem>> -> memref<80x128xf32, #tpu.memory_space<vmem>>
      tpu.enqueue_dma source(%dma_start3A_953 : memref<80x128xf32, #tpu.memory_space<vmem>>) target(%dma_start3A_949 : memref<80x128xf32, #tpu.memory_space<vmem_shared>>) target_semaphore(%run_scoped3A_941 : memref<!tpu.dma_semaphore, #tpu.memory_space<semaphore_mem>>)
      %dma_wait3A_954 = arith.constant 0 : i32
      %dma_wait3A_955 = arith.constant 0 : i32
      %dma_wait3A_956 = tpu.memref_slice %arg8[%run_scoped3A_29, %dma_wait3A_954, %dma_wait3A_955] : memref<3x80x128xf32, #tpu.memory_space<vmem>> -> memref<1x80x128xf32, #tpu.memory_space<vmem>>
      %dma_wait3A_957 = tpu.memref_squeeze %dma_wait3A_956 : memref<1x80x128xf32, #tpu.memory_space<vmem>> -> memref<80x128xf32, #tpu.memory_space<vmem>>
      %dma_wait3A_958 = arith.constant 0 : i32
      %dma_wait3A_959 = tpu.memref_slice %arg9[%add3A_28, %dma_wait3A_958] : memref<10240x128xf32, #tpu.memory_space<vmem_shared>> -> memref<80x128xf32, #tpu.memory_space<vmem_shared>>
      %dma_wait3A_960 = arith.constant 0 : i32
      %dma_wait3A_961 = tpu.memref_slice %arg9[%add3A_28, %dma_wait3A_960] : memref<10240x128xf32, #tpu.memory_space<vmem_shared>> -> memref<80x128xf32, #tpu.memory_space<vmem_shared>>
      %dma_wait3A_962 = arith.constant 0 : i32
      %dma_wait3A_963 = arith.constant 0 : i32
      %dma_wait3A_964 = tpu.memref_slice %arg8[%run_scoped3A_29, %dma_wait3A_962, %dma_wait3A_963] : memref<3x80x128xf32, #tpu.memory_space<vmem>> -> memref<1x80x128xf32, #tpu.memory_space<vmem>>
      %dma_wait3A_965 = tpu.memref_squeeze %dma_wait3A_964 : memref<1x80x128xf32, #tpu.memory_space<vmem>> -> memref<80x128xf32, #tpu.memory_space<vmem>>
      tpu.wait_dma2 semaphore(%run_scoped3A_941 : memref<!tpu.dma_semaphore, #tpu.memory_space<semaphore_mem>>) src(%dma_wait3A_965 : memref<80x128xf32, #tpu.memory_space<vmem>>) dst(%dma_wait3A_961 : memref<80x128xf32, #tpu.memory_space<vmem_shared>>)
      tpu.yield
    }) : () -> ()
    %mul3A_30 = arith.constant 640 : i32
    %mul3A_31 = arith.muli %arg1, %mul3A_30 : i32
    %add3A_32 = arith.constant 400 : i32
    %add3A_33 = arith.addi %mul3A_31, %add3A_32 : i32
    %run_scoped3A_34 = arith.constant 0 : i32
    "tpu.region"() ({
      %run_scoped3A_941 = tpu.sem_alloc : memref<!tpu.dma_semaphore, #tpu.memory_space<semaphore_mem>>
      %dma_start3A_942 = arith.constant 0 : i32
      %dma_start3A_943 = arith.constant 0 : i32
      %dma_start3A_944 = tpu.memref_slice %arg8[%run_scoped3A_34, %dma_start3A_942, %dma_start3A_943] : memref<3x80x128xf32, #tpu.memory_space<vmem>> -> memref<1x80x128xf32, #tpu.memory_space<vmem>>
      %dma_start3A_945 = tpu.memref_squeeze %dma_start3A_944 : memref<1x80x128xf32, #tpu.memory_space<vmem>> -> memref<80x128xf32, #tpu.memory_space<vmem>>
      %dma_start3A_946 = arith.constant 0 : i32
      %dma_start3A_947 = tpu.memref_slice %arg9[%add3A_33, %dma_start3A_946] : memref<10240x128xf32, #tpu.memory_space<vmem_shared>> -> memref<80x128xf32, #tpu.memory_space<vmem_shared>>
      %dma_start3A_948 = arith.constant 0 : i32
      %dma_start3A_949 = tpu.memref_slice %arg9[%add3A_33, %dma_start3A_948] : memref<10240x128xf32, #tpu.memory_space<vmem_shared>> -> memref<80x128xf32, #tpu.memory_space<vmem_shared>>
      %dma_start3A_950 = arith.constant 0 : i32
      %dma_start3A_951 = arith.constant 0 : i32
      %dma_start3A_952 = tpu.memref_slice %arg8[%run_scoped3A_34, %dma_start3A_950, %dma_start3A_951] : memref<3x80x128xf32, #tpu.memory_space<vmem>> -> memref<1x80x128xf32, #tpu.memory_space<vmem>>
      %dma_start3A_953 = tpu.memref_squeeze %dma_start3A_952 : memref<1x80x128xf32, #tpu.memory_space<vmem>> -> memref<80x128xf32, #tpu.memory_space<vmem>>
      tpu.enqueue_dma source(%dma_start3A_953 : memref<80x128xf32, #tpu.memory_space<vmem>>) target(%dma_start3A_949 : memref<80x128xf32, #tpu.memory_space<vmem_shared>>) target_semaphore(%run_scoped3A_941 : memref<!tpu.dma_semaphore, #tpu.memory_space<semaphore_mem>>)
      %dma_wait3A_954 = arith.constant 0 : i32
      %dma_wait3A_955 = arith.constant 0 : i32
      %dma_wait3A_956 = tpu.memref_slice %arg8[%run_scoped3A_34, %dma_wait3A_954, %dma_wait3A_955] : memref<3x80x128xf32, #tpu.memory_space<vmem>> -> memref<1x80x128xf32, #tpu.memory_space<vmem>>
      %dma_wait3A_957 = tpu.memref_squeeze %dma_wait3A_956 : memref<1x80x128xf32, #tpu.memory_space<vmem>> -> memref<80x128xf32, #tpu.memory_space<vmem>>
      %dma_wait3A_958 = arith.constant 0 : i32
      %dma_wait3A_959 = tpu.memref_slice %arg9[%add3A_33, %dma_wait3A_958] : memref<10240x128xf32, #tpu.memory_space<vmem_shared>> -> memref<80x128xf32, #tpu.memory_space<vmem_shared>>
      %dma_wait3A_960 = arith.constant 0 : i32
      %dma_wait3A_961 = tpu.memref_slice %arg9[%add3A_33, %dma_wait3A_960] : memref<10240x128xf32, #tpu.memory_space<vmem_shared>> -> memref<80x128xf32, #tpu.memory_space<vmem_shared>>
      %dma_wait3A_962 = arith.constant 0 : i32
      %dma_wait3A_963 = arith.constant 0 : i32
      %dma_wait3A_964 = tpu.memref_slice %arg8[%run_scoped3A_34, %dma_wait3A_962, %dma_wait3A_963] : memref<3x80x128xf32, #tpu.memory_space<vmem>> -> memref<1x80x128xf32, #tpu.memory_space<vmem>>
      %dma_wait3A_965 = tpu.memref_squeeze %dma_wait3A_964 : memref<1x80x128xf32, #tpu.memory_space<vmem>> -> memref<80x128xf32, #tpu.memory_space<vmem>>
      tpu.wait_dma2 semaphore(%run_scoped3A_941 : memref<!tpu.dma_semaphore, #tpu.memory_space<semaphore_mem>>) src(%dma_wait3A_965 : memref<80x128xf32, #tpu.memory_space<vmem>>) dst(%dma_wait3A_961 : memref<80x128xf32, #tpu.memory_space<vmem_shared>>)
      tpu.yield
    }) : () -> ()
    %mul3A_35 = arith.constant 640 : i32
    %mul3A_36 = arith.muli %arg1, %mul3A_35 : i32
    %add3A_37 = arith.constant 480 : i32
    %add3A_38 = arith.addi %mul3A_36, %add3A_37 : i32
    %run_scoped3A_39 = arith.constant 0 : i32
    "tpu.region"() ({
      %run_scoped3A_941 = tpu.sem_alloc : memref<!tpu.dma_semaphore, #tpu.memory_space<semaphore_mem>>
      %dma_start3A_942 = arith.constant 0 : i32
      %dma_start3A_943 = arith.constant 0 : i32
      %dma_start3A_944 = tpu.memref_slice %arg8[%run_scoped3A_39, %dma_start3A_942, %dma_start3A_943] : memref<3x80x128xf32, #tpu.memory_space<vmem>> -> memref<1x80x128xf32, #tpu.memory_space<vmem>>
      %dma_start3A_945 = tpu.memref_squeeze %dma_start3A_944 : memref<1x80x128xf32, #tpu.memory_space<vmem>> -> memref<80x128xf32, #tpu.memory_space<vmem>>
      %dma_start3A_946 = arith.constant 0 : i32
      %dma_start3A_947 = tpu.memref_slice %arg9[%add3A_38, %dma_start3A_946] : memref<10240x128xf32, #tpu.memory_space<vmem_shared>> -> memref<80x128xf32, #tpu.memory_space<vmem_shared>>
      %dma_start3A_948 = arith.constant 0 : i32
      %dma_start3A_949 = tpu.memref_slice %arg9[%add3A_38, %dma_start3A_948] : memref<10240x128xf32, #tpu.memory_space<vmem_shared>> -> memref<80x128xf32, #tpu.memory_space<vmem_shared>>
      %dma_start3A_950 = arith.constant 0 : i32
      %dma_start3A_951 = arith.constant 0 : i32
      %dma_start3A_952 = tpu.memref_slice %arg8[%run_scoped3A_39, %dma_start3A_950, %dma_start3A_951] : memref<3x80x128xf32, #tpu.memory_space<vmem>> -> memref<1x80x128xf32, #tpu.memory_space<vmem>>
      %dma_start3A_953 = tpu.memref_squeeze %dma_start3A_952 : memref<1x80x128xf32, #tpu.memory_space<vmem>> -> memref<80x128xf32, #tpu.memory_space<vmem>>
      tpu.enqueue_dma source(%dma_start3A_953 : memref<80x128xf32, #tpu.memory_space<vmem>>) target(%dma_start3A_949 : memref<80x128xf32, #tpu.memory_space<vmem_shared>>) target_semaphore(%run_scoped3A_941 : memref<!tpu.dma_semaphore, #tpu.memory_space<semaphore_mem>>)
      %dma_wait3A_954 = arith.constant 0 : i32
      %dma_wait3A_955 = arith.constant 0 : i32
      %dma_wait3A_956 = tpu.memref_slice %arg8[%run_scoped3A_39, %dma_wait3A_954, %dma_wait3A_955] : memref<3x80x128xf32, #tpu.memory_space<vmem>> -> memref<1x80x128xf32, #tpu.memory_space<vmem>>
      %dma_wait3A_957 = tpu.memref_squeeze %dma_wait3A_956 : memref<1x80x128xf32, #tpu.memory_space<vmem>> -> memref<80x128xf32, #tpu.memory_space<vmem>>
      %dma_wait3A_958 = arith.constant 0 : i32
      %dma_wait3A_959 = tpu.memref_slice %arg9[%add3A_38, %dma_wait3A_958] : memref<10240x128xf32, #tpu.memory_space<vmem_shared>> -> memref<80x128xf32, #tpu.memory_space<vmem_shared>>
      %dma_wait3A_960 = arith.constant 0 : i32
      %dma_wait3A_961 = tpu.memref_slice %arg9[%add3A_38, %dma_wait3A_960] : memref<10240x128xf32, #tpu.memory_space<vmem_shared>> -> memref<80x128xf32, #tpu.memory_space<vmem_shared>>
      %dma_wait3A_962 = arith.constant 0 : i32
      %dma_wait3A_963 = arith.constant 0 : i32
      %dma_wait3A_964 = tpu.memref_slice %arg8[%run_scoped3A_39, %dma_wait3A_962, %dma_wait3A_963] : memref<3x80x128xf32, #tpu.memory_space<vmem>> -> memref<1x80x128xf32, #tpu.memory_space<vmem>>
      %dma_wait3A_965 = tpu.memref_squeeze %dma_wait3A_964 : memref<1x80x128xf32, #tpu.memory_space<vmem>> -> memref<80x128xf32, #tpu.memory_space<vmem>>
      tpu.wait_dma2 semaphore(%run_scoped3A_941 : memref<!tpu.dma_semaphore, #tpu.memory_space<semaphore_mem>>) src(%dma_wait3A_965 : memref<80x128xf32, #tpu.memory_space<vmem>>) dst(%dma_wait3A_961 : memref<80x128xf32, #tpu.memory_space<vmem_shared>>)
      tpu.yield
    }) : () -> ()
    %mul3A_40 = arith.constant 640 : i32
    %mul3A_41 = arith.muli %arg1, %mul3A_40 : i32
    %add3A_42 = arith.constant 560 : i32
    %add3A_43 = arith.addi %mul3A_41, %add3A_42 : i32
    %run_scoped3A_44 = arith.constant 0 : i32
    "tpu.region"() ({
      %run_scoped3A_941 = tpu.sem_alloc : memref<!tpu.dma_semaphore, #tpu.memory_space<semaphore_mem>>
      %dma_start3A_942 = arith.constant 0 : i32
      %dma_start3A_943 = arith.constant 0 : i32
      %dma_start3A_944 = tpu.memref_slice %arg8[%run_scoped3A_44, %dma_start3A_942, %dma_start3A_943] : memref<3x80x128xf32, #tpu.memory_space<vmem>> -> memref<1x80x128xf32, #tpu.memory_space<vmem>>
      %dma_start3A_945 = tpu.memref_squeeze %dma_start3A_944 : memref<1x80x128xf32, #tpu.memory_space<vmem>> -> memref<80x128xf32, #tpu.memory_space<vmem>>
      %dma_start3A_946 = arith.constant 0 : i32
      %dma_start3A_947 = tpu.memref_slice %arg9[%add3A_43, %dma_start3A_946] : memref<10240x128xf32, #tpu.memory_space<vmem_shared>> -> memref<80x128xf32, #tpu.memory_space<vmem_shared>>
      %dma_start3A_948 = arith.constant 0 : i32
      %dma_start3A_949 = tpu.memref_slice %arg9[%add3A_43, %dma_start3A_948] : memref<10240x128xf32, #tpu.memory_space<vmem_shared>> -> memref<80x128xf32, #tpu.memory_space<vmem_shared>>
      %dma_start3A_950 = arith.constant 0 : i32
      %dma_start3A_951 = arith.constant 0 : i32
      %dma_start3A_952 = tpu.memref_slice %arg8[%run_scoped3A_44, %dma_start3A_950, %dma_start3A_951] : memref<3x80x128xf32, #tpu.memory_space<vmem>> -> memref<1x80x128xf32, #tpu.memory_space<vmem>>
      %dma_start3A_953 = tpu.memref_squeeze %dma_start3A_952 : memref<1x80x128xf32, #tpu.memory_space<vmem>> -> memref<80x128xf32, #tpu.memory_space<vmem>>
      tpu.enqueue_dma source(%dma_start3A_953 : memref<80x128xf32, #tpu.memory_space<vmem>>) target(%dma_start3A_949 : memref<80x128xf32, #tpu.memory_space<vmem_shared>>) target_semaphore(%run_scoped3A_941 : memref<!tpu.dma_semaphore, #tpu.memory_space<semaphore_mem>>)
      %dma_wait3A_954 = arith.constant 0 : i32
      %dma_wait3A_955 = arith.constant 0 : i32
      %dma_wait3A_956 = tpu.memref_slice %arg8[%run_scoped3A_44, %dma_wait3A_954, %dma_wait3A_955] : memref<3x80x128xf32, #tpu.memory_space<vmem>> -> memref<1x80x128xf32, #tpu.memory_space<vmem>>
      %dma_wait3A_957 = tpu.memref_squeeze %dma_wait3A_956 : memref<1x80x128xf32, #tpu.memory_space<vmem>> -> memref<80x128xf32, #tpu.memory_space<vmem>>
      %dma_wait3A_958 = arith.constant 0 : i32
      %dma_wait3A_959 = tpu.memref_slice %arg9[%add3A_43, %dma_wait3A_958] : memref<10240x128xf32, #tpu.memory_space<vmem_shared>> -> memref<80x128xf32, #tpu.memory_space<vmem_shared>>
      %dma_wait3A_960 = arith.constant 0 : i32
      %dma_wait3A_961 = tpu.memref_slice %arg9[%add3A_43, %dma_wait3A_960] : memref<10240x128xf32, #tpu.memory_space<vmem_shared>> -> memref<80x128xf32, #tpu.memory_space<vmem_shared>>
      %dma_wait3A_962 = arith.constant 0 : i32
      %dma_wait3A_963 = arith.constant 0 : i32
      %dma_wait3A_964 = tpu.memref_slice %arg8[%run_scoped3A_44, %dma_wait3A_962, %dma_wait3A_963] : memref<3x80x128xf32, #tpu.memory_space<vmem>> -> memref<1x80x128xf32, #tpu.memory_space<vmem>>
      %dma_wait3A_965 = tpu.memref_squeeze %dma_wait3A_964 : memref<1x80x128xf32, #tpu.memory_space<vmem>> -> memref<80x128xf32, #tpu.memory_space<vmem>>
      tpu.wait_dma2 semaphore(%run_scoped3A_941 : memref<!tpu.dma_semaphore, #tpu.memory_space<semaphore_mem>>) src(%dma_wait3A_965 : memref<80x128xf32, #tpu.memory_space<vmem>>) dst(%dma_wait3A_961 : memref<80x128xf32, #tpu.memory_space<vmem_shared>>)
      tpu.yield
    }) : () -> ()
    "tpu.region"() ({
      %run_scoped3A_941 = tpu.sem_alloc : memref<!tpu.dma_semaphore, #tpu.memory_space<semaphore_mem>>
      %dma_start3A_942 = arith.constant 0 : i32
      %dma_start3A_943 = arith.constant 0 : i32
      %dma_start3A_944 = tpu.memref_slice %arg3[%add3A, %dma_start3A_942, %dma_start3A_943] : memref<32x125x80xi32, #tpu.memory_space<hbm>> -> memref<1x125x80xi32, #tpu.memory_space<hbm>>
      %dma_start3A_945 = tpu.memref_squeeze %dma_start3A_944 : memref<1x125x80xi32, #tpu.memory_space<hbm>> -> memref<125x80xi32, #tpu.memory_space<hbm>>
      %dma_start3A_946 = arith.constant 0 : i32
      %dma_start3A_947 = arith.constant 0 : i32
      %dma_start3A_948 = tpu.memref_slice %arg3[%add3A, %dma_start3A_946, %dma_start3A_947] : memref<32x125x80xi32, #tpu.memory_space<hbm>> -> memref<1x125x80xi32, #tpu.memory_space<hbm>>
      %dma_start3A_949 = tpu.memref_squeeze %dma_start3A_948 : memref<1x125x80xi32, #tpu.memory_space<hbm>> -> memref<125x80xi32, #tpu.memory_space<hbm>>
      tpu.enqueue_dma source(%dma_start3A_949 : memref<125x80xi32, #tpu.memory_space<hbm>>) target(%arg5 : memref<125x80xi32, #tpu.memory_space<vmem>>) target_semaphore(%run_scoped3A_941 : memref<!tpu.dma_semaphore, #tpu.memory_space<semaphore_mem>>)
      %dma_wait3A_950 = arith.constant 0 : i32
      %dma_wait3A_951 = arith.constant 0 : i32
      %dma_wait3A_952 = tpu.memref_slice %arg3[%add3A, %dma_wait3A_950, %dma_wait3A_951] : memref<32x125x80xi32, #tpu.memory_space<hbm>> -> memref<1x125x80xi32, #tpu.memory_space<hbm>>
      %dma_wait3A_953 = tpu.memref_squeeze %dma_wait3A_952 : memref<1x125x80xi32, #tpu.memory_space<hbm>> -> memref<125x80xi32, #tpu.memory_space<hbm>>
      %dma_wait3A_954 = arith.constant 0 : i32
      %dma_wait3A_955 = arith.constant 0 : i32
      %dma_wait3A_956 = tpu.memref_slice %arg3[%add3A, %dma_wait3A_954, %dma_wait3A_955] : memref<32x125x80xi32, #tpu.memory_space<hbm>> -> memref<1x125x80xi32, #tpu.memory_space<hbm>>
      %dma_wait3A_957 = tpu.memref_squeeze %dma_wait3A_956 : memref<1x125x80xi32, #tpu.memory_space<hbm>> -> memref<125x80xi32, #tpu.memory_space<hbm>>
      tpu.wait_dma2 semaphore(%run_scoped3A_941 : memref<!tpu.dma_semaphore, #tpu.memory_space<semaphore_mem>>) src(%dma_wait3A_957 : memref<125x80xi32, #tpu.memory_space<hbm>>) dst(%arg5 : memref<125x80xi32, #tpu.memory_space<vmem>>)
      tpu.yield
    }) : () -> ()
    %barrier3A = arith.constant 0 : index
    tpu.barrier barrier_id(%barrier3A)
    %get3A = arith.constant 0 : i32
    %get3A_45 = arith.index_cast %get3A : i32 to index
    %get3A_46 = arith.constant 0 : index
    %get3A_47 = tpu.vector_load %arg5[%get3A_45, %get3A_46] {strides = array<i32>} : memref<125x80xi32, #tpu.memory_space<vmem>>, vector<1x16xi32>,
    %get3A_48 = vector.shape_cast %get3A_47 : vector<1x16xi32> to vector<16xi32>
    %and3A = arith.constant 65535 : i32
    %and3A_49 = vector.broadcast %and3A : i32 to vector<16xi32>
    %and3A_50 = arith.andi %get3A_48, %and3A_49 : vector<16xi32>
    %swap3A = arith.constant 0 : i32
    %swap3A_51 = arith.index_cast %swap3A : i32 to index
    %swap3A_52 = arith.constant 0 : index
    %swap3A_53 = tpu.vector_load %arg6[%swap3A_51, %swap3A_52] {strides = array<i32>} : memref<3x80xi32, #tpu.memory_space<vmem>>, vector<1x16xi32>,
    %swap3A_54 = vector.shape_cast %swap3A_53 : vector<1x16xi32> to vector<16xi32>
    %swap3A_55 = vector.shape_cast %and3A_50 : vector<16xi32> to vector<1x16xi32>
    tpu.vector_store %arg6[%swap3A_51, %swap3A_52], %swap3A_55 {strides = array<i32>} : memref<3x80xi32, #tpu.memory_space<vmem>>, vector<1x16xi32>,
    %shift_right_logical3A = arith.constant 16 : i32
    %shift_right_logical3A_56 = vector.broadcast %shift_right_logical3A : i32 to vector<16xi32>
    %shift_right_logical3A_57 = arith.shrui %get3A_48, %shift_right_logical3A_56 : vector<16xi32>
    %swap3A_58 = arith.constant 0 : i32
    %swap3A_59 = arith.index_cast %swap3A_58 : i32 to index
    %swap3A_60 = arith.constant 0 : index
    %swap3A_61 = tpu.vector_load %arg7[%swap3A_59, %swap3A_60] {strides = array<i32>} : memref<3x80xi32, #tpu.memory_space<vmem>>, vector<1x16xi32>,
    %swap3A_62 = vector.shape_cast %swap3A_61 : vector<1x16xi32> to vector<16xi32>
    %swap3A_63 = vector.shape_cast %shift_right_logical3A_57 : vector<16xi32> to vector<1x16xi32>
    tpu.vector_store %arg7[%swap3A_59, %swap3A_60], %swap3A_63 {strides = array<i32>} : memref<3x80xi32, #tpu.memory_space<vmem>>, vector<1x16xi32>,
    %get3A_64 = arith.constant 0 : i32
    %get3A_65 = arith.index_cast %get3A_64 : i32 to index
    %get3A_66 = arith.constant 16 : index
    %get3A_67 = tpu.vector_load %arg5[%get3A_65, %get3A_66] {strides = array<i32>} : memref<125x80xi32, #tpu.memory_space<vmem>>, vector<1x16xi32>,
    %get3A_68 = vector.shape_cast %get3A_67 : vector<1x16xi32> to vector<16xi32>
    %and3A_69 = arith.constant 65535 : i32
    %and3A_70 = vector.broadcast %and3A_69 : i32 to vector<16xi32>
    %and3A_71 = arith.andi %get3A_68, %and3A_70 : vector<16xi32>
    %swap3A_72 = arith.constant 0 : i32
    %swap3A_73 = arith.index_cast %swap3A_72 : i32 to index
    %swap3A_74 = arith.constant 16 : index
    %swap3A_75 = tpu.vector_load %arg6[%swap3A_73, %swap3A_74] {strides = array<i32>} : memref<3x80xi32, #tpu.memory_space<vmem>>, vector<1x16xi32>,
    %swap3A_76 = vector.shape_cast %swap3A_75 : vector<1x16xi32> to vector<16xi32>
    %swap3A_77 = vector.shape_cast %and3A_71 : vector<16xi32> to vector<1x16xi32>
    tpu.vector_store %arg6[%swap3A_73, %swap3A_74], %swap3A_77 {strides = array<i32>} : memref<3x80xi32, #tpu.memory_space<vmem>>, vector<1x16xi32>,
    %shift_right_logical3A_78 = arith.constant 16 : i32
    %shift_right_logical3A_79 = vector.broadcast %shift_right_logical3A_78 : i32 to vector<16xi32>
    %shift_right_logical3A_80 = arith.shrui %get3A_68, %shift_right_logical3A_79 : vector<16xi32>
    %swap3A_81 = arith.constant 0 : i32
    %swap3A_82 = arith.index_cast %swap3A_81 : i32 to index
    %swap3A_83 = arith.constant 16 : index
    %swap3A_84 = tpu.vector_load %arg7[%swap3A_82, %swap3A_83] {strides = array<i32>} : memref<3x80xi32, #tpu.memory_space<vmem>>, vector<1x16xi32>,
    %swap3A_85 = vector.shape_cast %swap3A_84 : vector<1x16xi32> to vector<16xi32>
    %swap3A_86 = vector.shape_cast %shift_right_logical3A_80 : vector<16xi32> to vector<1x16xi32>
    tpu.vector_store %arg7[%swap3A_82, %swap3A_83], %swap3A_86 {strides = array<i32>} : memref<3x80xi32, #tpu.memory_space<vmem>>, vector<1x16xi32>,
    %get3A_87 = arith.constant 0 : i32
    %get3A_88 = arith.index_cast %get3A_87 : i32 to index
    %get3A_89 = arith.constant 32 : index
    %get3A_90 = tpu.vector_load %arg5[%get3A_88, %get3A_89] {strides = array<i32>} : memref<125x80xi32, #tpu.memory_space<vmem>>, vector<1x16xi32>,
    %get3A_91 = vector.shape_cast %get3A_90 : vector<1x16xi32> to vector<16xi32>
    %and3A_92 = arith.constant 65535 : i32
    %and3A_93 = vector.broadcast %and3A_92 : i32 to vector<16xi32>
    %and3A_94 = arith.andi %get3A_91, %and3A_93 : vector<16xi32>
    %swap3A_95 = arith.constant 0 : i32
    %swap3A_96 = arith.index_cast %swap3A_95 : i32 to index
    %swap3A_97 = arith.constant 32 : index
    %swap3A_98 = tpu.vector_load %arg6[%swap3A_96, %swap3A_97] {strides = array<i32>} : memref<3x80xi32, #tpu.memory_space<vmem>>, vector<1x16xi32>,
    %swap3A_99 = vector.shape_cast %swap3A_98 : vector<1x16xi32> to vector<16xi32>
    %swap3A_100 = vector.shape_cast %and3A_94 : vector<16xi32> to vector<1x16xi32>
    tpu.vector_store %arg6[%swap3A_96, %swap3A_97], %swap3A_100 {strides = array<i32>} : memref<3x80xi32, #tpu.memory_space<vmem>>, vector<1x16xi32>,
    %shift_right_logical3A_101 = arith.constant 16 : i32
    %shift_right_logical3A_102 = vector.broadcast %shift_right_logical3A_101 : i32 to vector<16xi32>
    %shift_right_logical3A_103 = arith.shrui %get3A_91, %shift_right_logical3A_102 : vector<16xi32>
    %swap3A_104 = arith.constant 0 : i32
    %swap3A_105 = arith.index_cast %swap3A_104 : i32 to index
    %swap3A_106 = arith.constant 32 : index
    %swap3A_107 = tpu.vector_load %arg7[%swap3A_105, %swap3A_106] {strides = array<i32>} : memref<3x80xi32, #tpu.memory_space<vmem>>, vector<1x16xi32>,
    %swap3A_108 = vector.shape_cast %swap3A_107 : vector<1x16xi32> to vector<16xi32>
    %swap3A_109 = vector.shape_cast %shift_right_logical3A_103 : vector<16xi32> to vector<1x16xi32>
    tpu.vector_store %arg7[%swap3A_105, %swap3A_106], %swap3A_109 {strides = array<i32>} : memref<3x80xi32, #tpu.memory_space<vmem>>, vector<1x16xi32>,
    %get3A_110 = arith.constant 0 : i32
    %get3A_111 = arith.index_cast %get3A_110 : i32 to index
    %get3A_112 = arith.constant 48 : index
    %get3A_113 = tpu.vector_load %arg5[%get3A_111, %get3A_112] {strides = array<i32>} : memref<125x80xi32, #tpu.memory_space<vmem>>, vector<1x16xi32>,
    %get3A_114 = vector.shape_cast %get3A_113 : vector<1x16xi32> to vector<16xi32>
    %and3A_115 = arith.constant 65535 : i32
    %and3A_116 = vector.broadcast %and3A_115 : i32 to vector<16xi32>
    %and3A_117 = arith.andi %get3A_114, %and3A_116 : vector<16xi32>
    %swap3A_118 = arith.constant 0 : i32
    %swap3A_119 = arith.index_cast %swap3A_118 : i32 to index
    %swap3A_120 = arith.constant 48 : index
    %swap3A_121 = tpu.vector_load %arg6[%swap3A_119, %swap3A_120] {strides = array<i32>} : memref<3x80xi32, #tpu.memory_space<vmem>>, vector<1x16xi32>,
    %swap3A_122 = vector.shape_cast %swap3A_121 : vector<1x16xi32> to vector<16xi32>
    %swap3A_123 = vector.shape_cast %and3A_117 : vector<16xi32> to vector<1x16xi32>
    tpu.vector_store %arg6[%swap3A_119, %swap3A_120], %swap3A_123 {strides = array<i32>} : memref<3x80xi32, #tpu.memory_space<vmem>>, vector<1x16xi32>,
    %shift_right_logical3A_124 = arith.constant 16 : i32
    %shift_right_logical3A_125 = vector.broadcast %shift_right_logical3A_124 : i32 to vector<16xi32>
    %shift_right_logical3A_126 = arith.shrui %get3A_114, %shift_right_logical3A_125 : vector<16xi32>
    %swap3A_127 = arith.constant 0 : i32
    %swap3A_128 = arith.index_cast %swap3A_127 : i32 to index
    %swap3A_129 = arith.constant 48 : index
    %swap3A_130 = tpu.vector_load %arg7[%swap3A_128, %swap3A_129] {strides = array<i32>} : memref<3x80xi32, #tpu.memory_space<vmem>>, vector<1x16xi32>,
    %swap3A_131 = vector.shape_cast %swap3A_130 : vector<1x16xi32> to vector<16xi32>
    %swap3A_132 = vector.shape_cast %shift_right_logical3A_126 : vector<16xi32> to vector<1x16xi32>
    tpu.vector_store %arg7[%swap3A_128, %swap3A_129], %swap3A_132 {strides = array<i32>} : memref<3x80xi32, #tpu.memory_space<vmem>>, vector<1x16xi32>,
    %get3A_133 = arith.constant 0 : i32
    %get3A_134 = arith.index_cast %get3A_133 : i32 to index
    %get3A_135 = arith.constant 64 : index
    %get3A_136 = tpu.vector_load %arg5[%get3A_134, %get3A_135] {strides = array<i32>} : memref<125x80xi32, #tpu.memory_space<vmem>>, vector<1x16xi32>,
    %get3A_137 = vector.shape_cast %get3A_136 : vector<1x16xi32> to vector<16xi32>
    %and3A_138 = arith.constant 65535 : i32
    %and3A_139 = vector.broadcast %and3A_138 : i32 to vector<16xi32>
    %and3A_140 = arith.andi %get3A_137, %and3A_139 : vector<16xi32>
    %swap3A_141 = arith.constant 0 : i32
    %swap3A_142 = arith.index_cast %swap3A_141 : i32 to index
    %swap3A_143 = arith.constant 64 : index
    %swap3A_144 = tpu.vector_load %arg6[%swap3A_142, %swap3A_143] {strides = array<i32>} : memref<3x80xi32, #tpu.memory_space<vmem>>, vector<1x16xi32>,
    %swap3A_145 = vector.shape_cast %swap3A_144 : vector<1x16xi32> to vector<16xi32>
    %swap3A_146 = vector.shape_cast %and3A_140 : vector<16xi32> to vector<1x16xi32>
    tpu.vector_store %arg6[%swap3A_142, %swap3A_143], %swap3A_146 {strides = array<i32>} : memref<3x80xi32, #tpu.memory_space<vmem>>, vector<1x16xi32>,
    %shift_right_logical3A_147 = arith.constant 16 : i32
    %shift_right_logical3A_148 = vector.broadcast %shift_right_logical3A_147 : i32 to vector<16xi32>
    %shift_right_logical3A_149 = arith.shrui %get3A_137, %shift_right_logical3A_148 : vector<16xi32>
    %swap3A_150 = arith.constant 0 : i32
    %swap3A_151 = arith.index_cast %swap3A_150 : i32 to index
    %swap3A_152 = arith.constant 64 : index
    %swap3A_153 = tpu.vector_load %arg7[%swap3A_151, %swap3A_152] {strides = array<i32>} : memref<3x80xi32, #tpu.memory_space<vmem>>, vector<1x16xi32>,
    %swap3A_154 = vector.shape_cast %swap3A_153 : vector<1x16xi32> to vector<16xi32>
    %swap3A_155 = vector.shape_cast %shift_right_logical3A_149 : vector<16xi32> to vector<1x16xi32>
    tpu.vector_store %arg7[%swap3A_151, %swap3A_152], %swap3A_155 {strides = array<i32>} : memref<3x80xi32, #tpu.memory_space<vmem>>, vector<1x16xi32>,
    %dma_start3A = arith.constant 0 : i32
    %dma_start3A_156 = arith.constant 0 : i32
    %dma_start3A_157 = arith.constant 0 : i32
    %dma_start3A_158 = arith.constant 0 : i32
    %dma_start3A_159 = arith.constant 0 : i32
    %dma_start3A_160 = tpu.memref_slice %arg8[%dma_start3A_156, %dma_start3A_158, %dma_start3A_159] : memref<3x80x128xf32, #tpu.memory_space<vmem>> -> memref<1x80x128xf32, #tpu.memory_space<vmem>>
    %dma_start3A_161 = tpu.memref_squeeze %dma_start3A_160 : memref<1x80x128xf32, #tpu.memory_space<vmem>> -> memref<80x128xf32, #tpu.memory_space<vmem>>
    %dma_start3A_162 = arith.constant 0 : i32
    %dma_start3A_163 = tpu.memref_slice %arg6[%dma_start3A, %dma_start3A_162] : memref<3x80xi32, #tpu.memory_space<vmem>> -> memref<1x80xi32, #tpu.memory_space<vmem>>
    %dma_start3A_164 = tpu.memref_squeeze %dma_start3A_163 : memref<1x80xi32, #tpu.memory_space<vmem>> -> memref<80xi32, #tpu.memory_space<vmem>>
    %dma_start3A_165 = arith.constant 0 : i32
    %dma_start3A_166 = arith.constant 0 : i32
    %dma_start3A_167 = tpu.memref_slice %arg2[%dma_start3A_165, %dma_start3A_166] : memref<10000x128xf32, #tpu.memory_space<hbm>> -> memref<10000x128xf32, #tpu.memory_space<hbm>>
    %dma_start3A_168 = tpu.memref_slice %arg10[%dma_start3A_157] : memref<3x!tpu.dma_semaphore, #tpu.memory_space<semaphore_mem>> -> memref<1x!tpu.dma_semaphore, #tpu.memory_space<semaphore_mem>>
    %dma_start3A_169 = tpu.memref_squeeze %dma_start3A_168 : memref<1x!tpu.dma_semaphore, #tpu.memory_space<semaphore_mem>> -> memref<!tpu.dma_semaphore, #tpu.memory_space<semaphore_mem>>
    tpu.enqueue_indirect_dma source(%dma_start3A_167 : memref<10000x128xf32, #tpu.memory_space<hbm>>) target(%dma_start3A_161 : memref<80x128xf32, #tpu.memory_space<vmem>>) offsets(%dma_start3A_164 : memref<80xi32, #tpu.memory_space<vmem>>) semaphore(%dma_start3A_169 : memref<!tpu.dma_semaphore, #tpu.memory_space<semaphore_mem>>)
    %get3A_170 = arith.constant 1 : i32
    %get3A_171 = arith.index_cast %get3A_170 : i32 to index
    %get3A_172 = arith.constant 0 : index
    %get3A_173 = tpu.vector_load %arg5[%get3A_171, %get3A_172] {strides = array<i32>} : memref<125x80xi32, #tpu.memory_space<vmem>>, vector<1x16xi32>,
    %get3A_174 = vector.shape_cast %get3A_173 : vector<1x16xi32> to vector<16xi32>
    %and3A_175 = arith.constant 65535 : i32
    %and3A_176 = vector.broadcast %and3A_175 : i32 to vector<16xi32>
    %and3A_177 = arith.andi %get3A_174, %and3A_176 : vector<16xi32>
    %swap3A_178 = arith.constant 1 : i32
    %swap3A_179 = arith.index_cast %swap3A_178 : i32 to index
    %swap3A_180 = arith.constant 0 : index
    %swap3A_181 = tpu.vector_load %arg6[%swap3A_179, %swap3A_180] {strides = array<i32>} : memref<3x80xi32, #tpu.memory_space<vmem>>, vector<1x16xi32>,
    %swap3A_182 = vector.shape_cast %swap3A_181 : vector<1x16xi32> to vector<16xi32>
    %swap3A_183 = vector.shape_cast %and3A_177 : vector<16xi32> to vector<1x16xi32>
    tpu.vector_store %arg6[%swap3A_179, %swap3A_180], %swap3A_183 {strides = array<i32>} : memref<3x80xi32, #tpu.memory_space<vmem>>, vector<1x16xi32>,
    %shift_right_logical3A_184 = arith.constant 16 : i32
    %shift_right_logical3A_185 = vector.broadcast %shift_right_logical3A_184 : i32 to vector<16xi32>
    %shift_right_logical3A_186 = arith.shrui %get3A_174, %shift_right_logical3A_185 : vector<16xi32>
    %swap3A_187 = arith.constant 1 : i32
    %swap3A_188 = arith.index_cast %swap3A_187 : i32 to index
    %swap3A_189 = arith.constant 0 : index
    %swap3A_190 = tpu.vector_load %arg7[%swap3A_188, %swap3A_189] {strides = array<i32>} : memref<3x80xi32, #tpu.memory_space<vmem>>, vector<1x16xi32>,
    %swap3A_191 = vector.shape_cast %swap3A_190 : vector<1x16xi32> to vector<16xi32>
    %swap3A_192 = vector.shape_cast %shift_right_logical3A_186 : vector<16xi32> to vector<1x16xi32>
    tpu.vector_store %arg7[%swap3A_188, %swap3A_189], %swap3A_192 {strides = array<i32>} : memref<3x80xi32, #tpu.memory_space<vmem>>, vector<1x16xi32>,
    %get3A_193 = arith.constant 1 : i32
    %get3A_194 = arith.index_cast %get3A_193 : i32 to index
    %get3A_195 = arith.constant 16 : index
    %get3A_196 = tpu.vector_load %arg5[%get3A_194, %get3A_195] {strides = array<i32>} : memref<125x80xi32, #tpu.memory_space<vmem>>, vector<1x16xi32>,
    %get3A_197 = vector.shape_cast %get3A_196 : vector<1x16xi32> to vector<16xi32>
    %and3A_198 = arith.constant 65535 : i32
    %and3A_199 = vector.broadcast %and3A_198 : i32 to vector<16xi32>
    %and3A_200 = arith.andi %get3A_197, %and3A_199 : vector<16xi32>
    %swap3A_201 = arith.constant 1 : i32
    %swap3A_202 = arith.index_cast %swap3A_201 : i32 to index
    %swap3A_203 = arith.constant 16 : index
    %swap3A_204 = tpu.vector_load %arg6[%swap3A_202, %swap3A_203] {strides = array<i32>} : memref<3x80xi32, #tpu.memory_space<vmem>>, vector<1x16xi32>,
    %swap3A_205 = vector.shape_cast %swap3A_204 : vector<1x16xi32> to vector<16xi32>
    %swap3A_206 = vector.shape_cast %and3A_200 : vector<16xi32> to vector<1x16xi32>
    tpu.vector_store %arg6[%swap3A_202, %swap3A_203], %swap3A_206 {strides = array<i32>} : memref<3x80xi32, #tpu.memory_space<vmem>>, vector<1x16xi32>,
    %shift_right_logical3A_207 = arith.constant 16 : i32
    %shift_right_logical3A_208 = vector.broadcast %shift_right_logical3A_207 : i32 to vector<16xi32>
    %shift_right_logical3A_209 = arith.shrui %get3A_197, %shift_right_logical3A_208 : vector<16xi32>
    %swap3A_210 = arith.constant 1 : i32
    %swap3A_211 = arith.index_cast %swap3A_210 : i32 to index
    %swap3A_212 = arith.constant 16 : index
    %swap3A_213 = tpu.vector_load %arg7[%swap3A_211, %swap3A_212] {strides = array<i32>} : memref<3x80xi32, #tpu.memory_space<vmem>>, vector<1x16xi32>,
    %swap3A_214 = vector.shape_cast %swap3A_213 : vector<1x16xi32> to vector<16xi32>
    %swap3A_215 = vector.shape_cast %shift_right_logical3A_209 : vector<16xi32> to vector<1x16xi32>
    tpu.vector_store %arg7[%swap3A_211, %swap3A_212], %swap3A_215 {strides = array<i32>} : memref<3x80xi32, #tpu.memory_space<vmem>>, vector<1x16xi32>,
    %get3A_216 = arith.constant 1 : i32
    %get3A_217 = arith.index_cast %get3A_216 : i32 to index
    %get3A_218 = arith.constant 32 : index
    %get3A_219 = tpu.vector_load %arg5[%get3A_217, %get3A_218] {strides = array<i32>} : memref<125x80xi32, #tpu.memory_space<vmem>>, vector<1x16xi32>,
    %get3A_220 = vector.shape_cast %get3A_219 : vector<1x16xi32> to vector<16xi32>
    %and3A_221 = arith.constant 65535 : i32
    %and3A_222 = vector.broadcast %and3A_221 : i32 to vector<16xi32>
    %and3A_223 = arith.andi %get3A_220, %and3A_222 : vector<16xi32>
    %swap3A_224 = arith.constant 1 : i32
    %swap3A_225 = arith.index_cast %swap3A_224 : i32 to index
    %swap3A_226 = arith.constant 32 : index
    %swap3A_227 = tpu.vector_load %arg6[%swap3A_225, %swap3A_226] {strides = array<i32>} : memref<3x80xi32, #tpu.memory_space<vmem>>, vector<1x16xi32>,
    %swap3A_228 = vector.shape_cast %swap3A_227 : vector<1x16xi32> to vector<16xi32>
    %swap3A_229 = vector.shape_cast %and3A_223 : vector<16xi32> to vector<1x16xi32>
    tpu.vector_store %arg6[%swap3A_225, %swap3A_226], %swap3A_229 {strides = array<i32>} : memref<3x80xi32, #tpu.memory_space<vmem>>, vector<1x16xi32>,
    %shift_right_logical3A_230 = arith.constant 16 : i32
    %shift_right_logical3A_231 = vector.broadcast %shift_right_logical3A_230 : i32 to vector<16xi32>
    %shift_right_logical3A_232 = arith.shrui %get3A_220, %shift_right_logical3A_231 : vector<16xi32>
    %swap3A_233 = arith.constant 1 : i32
    %swap3A_234 = arith.index_cast %swap3A_233 : i32 to index
    %swap3A_235 = arith.constant 32 : index
    %swap3A_236 = tpu.vector_load %arg7[%swap3A_234, %swap3A_235] {strides = array<i32>} : memref<3x80xi32, #tpu.memory_space<vmem>>, vector<1x16xi32>,
    %swap3A_237 = vector.shape_cast %swap3A_236 : vector<1x16xi32> to vector<16xi32>
    %swap3A_238 = vector.shape_cast %shift_right_logical3A_232 : vector<16xi32> to vector<1x16xi32>
    tpu.vector_store %arg7[%swap3A_234, %swap3A_235], %swap3A_238 {strides = array<i32>} : memref<3x80xi32, #tpu.memory_space<vmem>>, vector<1x16xi32>,
    %get3A_239 = arith.constant 1 : i32
    %get3A_240 = arith.index_cast %get3A_239 : i32 to index
    %get3A_241 = arith.constant 48 : index
    %get3A_242 = tpu.vector_load %arg5[%get3A_240, %get3A_241] {strides = array<i32>} : memref<125x80xi32, #tpu.memory_space<vmem>>, vector<1x16xi32>,
    %get3A_243 = vector.shape_cast %get3A_242 : vector<1x16xi32> to vector<16xi32>
    %and3A_244 = arith.constant 65535 : i32
    %and3A_245 = vector.broadcast %and3A_244 : i32 to vector<16xi32>
    %and3A_246 = arith.andi %get3A_243, %and3A_245 : vector<16xi32>
    %swap3A_247 = arith.constant 1 : i32
    %swap3A_248 = arith.index_cast %swap3A_247 : i32 to index
    %swap3A_249 = arith.constant 48 : index
    %swap3A_250 = tpu.vector_load %arg6[%swap3A_248, %swap3A_249] {strides = array<i32>} : memref<3x80xi32, #tpu.memory_space<vmem>>, vector<1x16xi32>,
    %swap3A_251 = vector.shape_cast %swap3A_250 : vector<1x16xi32> to vector<16xi32>
    %swap3A_252 = vector.shape_cast %and3A_246 : vector<16xi32> to vector<1x16xi32>
    tpu.vector_store %arg6[%swap3A_248, %swap3A_249], %swap3A_252 {strides = array<i32>} : memref<3x80xi32, #tpu.memory_space<vmem>>, vector<1x16xi32>,
    %shift_right_logical3A_253 = arith.constant 16 : i32
    %shift_right_logical3A_254 = vector.broadcast %shift_right_logical3A_253 : i32 to vector<16xi32>
    %shift_right_logical3A_255 = arith.shrui %get3A_243, %shift_right_logical3A_254 : vector<16xi32>
    %swap3A_256 = arith.constant 1 : i32
    %swap3A_257 = arith.index_cast %swap3A_256 : i32 to index
    %swap3A_258 = arith.constant 48 : index
    %swap3A_259 = tpu.vector_load %arg7[%swap3A_257, %swap3A_258] {strides = array<i32>} : memref<3x80xi32, #tpu.memory_space<vmem>>, vector<1x16xi32>,
    %swap3A_260 = vector.shape_cast %swap3A_259 : vector<1x16xi32> to vector<16xi32>
    %swap3A_261 = vector.shape_cast %shift_right_logical3A_255 : vector<16xi32> to vector<1x16xi32>
    tpu.vector_store %arg7[%swap3A_257, %swap3A_258], %swap3A_261 {strides = array<i32>} : memref<3x80xi32, #tpu.memory_space<vmem>>, vector<1x16xi32>,
    %get3A_262 = arith.constant 1 : i32
    %get3A_263 = arith.index_cast %get3A_262 : i32 to index
    %get3A_264 = arith.constant 64 : index
    %get3A_265 = tpu.vector_load %arg5[%get3A_263, %get3A_264] {strides = array<i32>} : memref<125x80xi32, #tpu.memory_space<vmem>>, vector<1x16xi32>,
    %get3A_266 = vector.shape_cast %get3A_265 : vector<1x16xi32> to vector<16xi32>
    %and3A_267 = arith.constant 65535 : i32
    %and3A_268 = vector.broadcast %and3A_267 : i32 to vector<16xi32>
    %and3A_269 = arith.andi %get3A_266, %and3A_268 : vector<16xi32>
    %swap3A_270 = arith.constant 1 : i32
    %swap3A_271 = arith.index_cast %swap3A_270 : i32 to index
    %swap3A_272 = arith.constant 64 : index
    %swap3A_273 = tpu.vector_load %arg6[%swap3A_271, %swap3A_272] {strides = array<i32>} : memref<3x80xi32, #tpu.memory_space<vmem>>, vector<1x16xi32>,
    %swap3A_274 = vector.shape_cast %swap3A_273 : vector<1x16xi32> to vector<16xi32>
    %swap3A_275 = vector.shape_cast %and3A_269 : vector<16xi32> to vector<1x16xi32>
    tpu.vector_store %arg6[%swap3A_271, %swap3A_272], %swap3A_275 {strides = array<i32>} : memref<3x80xi32, #tpu.memory_space<vmem>>, vector<1x16xi32>,
    %shift_right_logical3A_276 = arith.constant 16 : i32
    %shift_right_logical3A_277 = vector.broadcast %shift_right_logical3A_276 : i32 to vector<16xi32>
    %shift_right_logical3A_278 = arith.shrui %get3A_266, %shift_right_logical3A_277 : vector<16xi32>
    %swap3A_279 = arith.constant 1 : i32
    %swap3A_280 = arith.index_cast %swap3A_279 : i32 to index
    %swap3A_281 = arith.constant 64 : index
    %swap3A_282 = tpu.vector_load %arg7[%swap3A_280, %swap3A_281] {strides = array<i32>} : memref<3x80xi32, #tpu.memory_space<vmem>>, vector<1x16xi32>,
    %swap3A_283 = vector.shape_cast %swap3A_282 : vector<1x16xi32> to vector<16xi32>
    %swap3A_284 = vector.shape_cast %shift_right_logical3A_278 : vector<16xi32> to vector<1x16xi32>
    tpu.vector_store %arg7[%swap3A_280, %swap3A_281], %swap3A_284 {strides = array<i32>} : memref<3x80xi32, #tpu.memory_space<vmem>>, vector<1x16xi32>,
    %dma_start3A_285 = arith.constant 1 : i32
    %dma_start3A_286 = arith.constant 1 : i32
    %dma_start3A_287 = arith.constant 1 : i32
    %dma_start3A_288 = arith.constant 0 : i32
    %dma_start3A_289 = arith.constant 0 : i32
    %dma_start3A_290 = tpu.memref_slice %arg8[%dma_start3A_286, %dma_start3A_288, %dma_start3A_289] : memref<3x80x128xf32, #tpu.memory_space<vmem>> -> memref<1x80x128xf32, #tpu.memory_space<vmem>>
    %dma_start3A_291 = tpu.memref_squeeze %dma_start3A_290 : memref<1x80x128xf32, #tpu.memory_space<vmem>> -> memref<80x128xf32, #tpu.memory_space<vmem>>
    %dma_start3A_292 = arith.constant 0 : i32
    %dma_start3A_293 = tpu.memref_slice %arg6[%dma_start3A_285, %dma_start3A_292] : memref<3x80xi32, #tpu.memory_space<vmem>> -> memref<1x80xi32, #tpu.memory_space<vmem>>
    %dma_start3A_294 = tpu.memref_squeeze %dma_start3A_293 : memref<1x80xi32, #tpu.memory_space<vmem>> -> memref<80xi32, #tpu.memory_space<vmem>>
    %dma_start3A_295 = arith.constant 0 : i32
    %dma_start3A_296 = arith.constant 0 : i32
    %dma_start3A_297 = tpu.memref_slice %arg2[%dma_start3A_295, %dma_start3A_296] : memref<10000x128xf32, #tpu.memory_space<hbm>> -> memref<10000x128xf32, #tpu.memory_space<hbm>>
    %dma_start3A_298 = tpu.memref_slice %arg10[%dma_start3A_287] : memref<3x!tpu.dma_semaphore, #tpu.memory_space<semaphore_mem>> -> memref<1x!tpu.dma_semaphore, #tpu.memory_space<semaphore_mem>>
    %dma_start3A_299 = tpu.memref_squeeze %dma_start3A_298 : memref<1x!tpu.dma_semaphore, #tpu.memory_space<semaphore_mem>> -> memref<!tpu.dma_semaphore, #tpu.memory_space<semaphore_mem>>
    tpu.enqueue_indirect_dma source(%dma_start3A_297 : memref<10000x128xf32, #tpu.memory_space<hbm>>) target(%dma_start3A_291 : memref<80x128xf32, #tpu.memory_space<vmem>>) offsets(%dma_start3A_294 : memref<80xi32, #tpu.memory_space<vmem>>) semaphore(%dma_start3A_299 : memref<!tpu.dma_semaphore, #tpu.memory_space<semaphore_mem>>)
    %dma_wait3A = arith.constant 0 : i32
    %dma_wait3A_300 = arith.constant 0 : i32
    %dma_wait3A_301 = arith.constant 0 : i32
    %dma_wait3A_302 = arith.constant 0 : i32
    %dma_wait3A_303 = arith.constant 0 : i32
    %dma_wait3A_304 = tpu.memref_slice %arg8[%dma_wait3A_300, %dma_wait3A_302, %dma_wait3A_303] : memref<3x80x128xf32, #tpu.memory_space<vmem>> -> memref<1x80x128xf32, #tpu.memory_space<vmem>>
    %dma_wait3A_305 = tpu.memref_squeeze %dma_wait3A_304 : memref<1x80x128xf32, #tpu.memory_space<vmem>> -> memref<80x128xf32, #tpu.memory_space<vmem>>
    %dma_wait3A_306 = arith.constant 0 : i32
    %dma_wait3A_307 = tpu.memref_slice %arg6[%dma_wait3A, %dma_wait3A_306] : memref<3x80xi32, #tpu.memory_space<vmem>> -> memref<1x80xi32, #tpu.memory_space<vmem>>
    %dma_wait3A_308 = tpu.memref_squeeze %dma_wait3A_307 : memref<1x80xi32, #tpu.memory_space<vmem>> -> memref<80xi32, #tpu.memory_space<vmem>>
    %dma_wait3A_309 = arith.constant 0 : i32
    %dma_wait3A_310 = arith.constant 0 : i32
    %dma_wait3A_311 = tpu.memref_slice %arg2[%dma_wait3A_309, %dma_wait3A_310] : memref<10000x128xf32, #tpu.memory_space<hbm>> -> memref<10000x128xf32, #tpu.memory_space<hbm>>
    %dma_wait3A_312 = tpu.memref_slice %arg10[%dma_wait3A_301] : memref<3x!tpu.dma_semaphore, #tpu.memory_space<semaphore_mem>> -> memref<1x!tpu.dma_semaphore, #tpu.memory_space<semaphore_mem>>
    %dma_wait3A_313 = tpu.memref_squeeze %dma_wait3A_312 : memref<1x!tpu.dma_semaphore, #tpu.memory_space<semaphore_mem>> -> memref<!tpu.dma_semaphore, #tpu.memory_space<semaphore_mem>>
    tpu.wait_indirect_dma semaphore(%dma_wait3A_313 : memref<!tpu.dma_semaphore, #tpu.memory_space<semaphore_mem>>) src(%dma_wait3A_311 : memref<10000x128xf32, #tpu.memory_space<hbm>>) dst(%dma_wait3A_305 : memref<80x128xf32, #tpu.memory_space<vmem>>)
    %dma_start3A_314 = arith.constant 0 : i32
    %dma_start3A_315 = arith.constant 0 : i32
    %dma_start3A_316 = arith.constant 0 : i32
    %dma_start3A_317 = arith.constant 0 : i32
    %dma_start3A_318 = arith.constant 0 : i32
    %dma_start3A_319 = tpu.memref_slice %arg8[%dma_start3A_314, %dma_start3A_317, %dma_start3A_318] : memref<3x80x128xf32, #tpu.memory_space<vmem>> -> memref<1x80x128xf32, #tpu.memory_space<vmem>>
    %dma_start3A_320 = tpu.memref_squeeze %dma_start3A_319 : memref<1x80x128xf32, #tpu.memory_space<vmem>> -> memref<80x128xf32, #tpu.memory_space<vmem>>
    %dma_start3A_321 = arith.constant 0 : i32
    %dma_start3A_322 = tpu.memref_slice %arg7[%dma_start3A_315, %dma_start3A_321] : memref<3x80xi32, #tpu.memory_space<vmem>> -> memref<1x80xi32, #tpu.memory_space<vmem>>
    %dma_start3A_323 = tpu.memref_squeeze %dma_start3A_322 : memref<1x80xi32, #tpu.memory_space<vmem>> -> memref<80xi32, #tpu.memory_space<vmem>>
    %dma_start3A_324 = arith.constant 0 : i32
    %dma_start3A_325 = arith.constant 0 : i32
    %dma_start3A_326 = tpu.memref_slice %arg9[%dma_start3A_324, %dma_start3A_325] : memref<10240x128xf32, #tpu.memory_space<vmem_shared>> -> memref<10240x128xf32, #tpu.memory_space<vmem_shared>>
    %dma_start3A_327 = tpu.memref_slice %arg11[%dma_start3A_316] : memref<3x!tpu.dma_semaphore, #tpu.memory_space<semaphore_mem>> -> memref<1x!tpu.dma_semaphore, #tpu.memory_space<semaphore_mem>>
    %dma_start3A_328 = tpu.memref_squeeze %dma_start3A_327 : memref<1x!tpu.dma_semaphore, #tpu.memory_space<semaphore_mem>> -> memref<!tpu.dma_semaphore, #tpu.memory_space<semaphore_mem>>
    tpu.enqueue_indirect_dma source(%dma_start3A_320 : memref<80x128xf32, #tpu.memory_space<vmem>>) target(%dma_start3A_326 : memref<10240x128xf32, #tpu.memory_space<vmem_shared>>) offsets(%dma_start3A_323 : memref<80xi32, #tpu.memory_space<vmem>>) semaphore(%dma_start3A_328 : memref<!tpu.dma_semaphore, #tpu.memory_space<semaphore_mem>>) {add = true}
    %get3A_329 = arith.constant 2 : i32
    %get3A_330 = arith.index_cast %get3A_329 : i32 to index
    %get3A_331 = arith.constant 0 : index
    %get3A_332 = tpu.vector_load %arg5[%get3A_330, %get3A_331] {strides = array<i32>} : memref<125x80xi32, #tpu.memory_space<vmem>>, vector<1x16xi32>,
    %get3A_333 = vector.shape_cast %get3A_332 : vector<1x16xi32> to vector<16xi32>
    %and3A_334 = arith.constant 65535 : i32
    %and3A_335 = vector.broadcast %and3A_334 : i32 to vector<16xi32>
    %and3A_336 = arith.andi %get3A_333, %and3A_335 : vector<16xi32>
    %swap3A_337 = arith.constant 2 : i32
    %swap3A_338 = arith.index_cast %swap3A_337 : i32 to index
    %swap3A_339 = arith.constant 0 : index
    %swap3A_340 = tpu.vector_load %arg6[%swap3A_338, %swap3A_339] {strides = array<i32>} : memref<3x80xi32, #tpu.memory_space<vmem>>, vector<1x16xi32>,
    %swap3A_341 = vector.shape_cast %swap3A_340 : vector<1x16xi32> to vector<16xi32>
    %swap3A_342 = vector.shape_cast %and3A_336 : vector<16xi32> to vector<1x16xi32>
    tpu.vector_store %arg6[%swap3A_338, %swap3A_339], %swap3A_342 {strides = array<i32>} : memref<3x80xi32, #tpu.memory_space<vmem>>, vector<1x16xi32>,
    %shift_right_logical3A_343 = arith.constant 16 : i32
    %shift_right_logical3A_344 = vector.broadcast %shift_right_logical3A_343 : i32 to vector<16xi32>
    %shift_right_logical3A_345 = arith.shrui %get3A_333, %shift_right_logical3A_344 : vector<16xi32>
    %swap3A_346 = arith.constant 2 : i32
    %swap3A_347 = arith.index_cast %swap3A_346 : i32 to index
    %swap3A_348 = arith.constant 0 : index
    %swap3A_349 = tpu.vector_load %arg7[%swap3A_347, %swap3A_348] {strides = array<i32>} : memref<3x80xi32, #tpu.memory_space<vmem>>, vector<1x16xi32>,
    %swap3A_350 = vector.shape_cast %swap3A_349 : vector<1x16xi32> to vector<16xi32>
    %swap3A_351 = vector.shape_cast %shift_right_logical3A_345 : vector<16xi32> to vector<1x16xi32>
    tpu.vector_store %arg7[%swap3A_347, %swap3A_348], %swap3A_351 {strides = array<i32>} : memref<3x80xi32, #tpu.memory_space<vmem>>, vector<1x16xi32>,
    %get3A_352 = arith.constant 2 : i32
    %get3A_353 = arith.index_cast %get3A_352 : i32 to index
    %get3A_354 = arith.constant 16 : index
    %get3A_355 = tpu.vector_load %arg5[%get3A_353, %get3A_354] {strides = array<i32>} : memref<125x80xi32, #tpu.memory_space<vmem>>, vector<1x16xi32>,
    %get3A_356 = vector.shape_cast %get3A_355 : vector<1x16xi32> to vector<16xi32>
    %and3A_357 = arith.constant 65535 : i32
    %and3A_358 = vector.broadcast %and3A_357 : i32 to vector<16xi32>
    %and3A_359 = arith.andi %get3A_356, %and3A_358 : vector<16xi32>
    %swap3A_360 = arith.constant 2 : i32
    %swap3A_361 = arith.index_cast %swap3A_360 : i32 to index
    %swap3A_362 = arith.constant 16 : index
    %swap3A_363 = tpu.vector_load %arg6[%swap3A_361, %swap3A_362] {strides = array<i32>} : memref<3x80xi32, #tpu.memory_space<vmem>>, vector<1x16xi32>,
    %swap3A_364 = vector.shape_cast %swap3A_363 : vector<1x16xi32> to vector<16xi32>
    %swap3A_365 = vector.shape_cast %and3A_359 : vector<16xi32> to vector<1x16xi32>
    tpu.vector_store %arg6[%swap3A_361, %swap3A_362], %swap3A_365 {strides = array<i32>} : memref<3x80xi32, #tpu.memory_space<vmem>>, vector<1x16xi32>,
    %shift_right_logical3A_366 = arith.constant 16 : i32
    %shift_right_logical3A_367 = vector.broadcast %shift_right_logical3A_366 : i32 to vector<16xi32>
    %shift_right_logical3A_368 = arith.shrui %get3A_356, %shift_right_logical3A_367 : vector<16xi32>
    %swap3A_369 = arith.constant 2 : i32
    %swap3A_370 = arith.index_cast %swap3A_369 : i32 to index
    %swap3A_371 = arith.constant 16 : index
    %swap3A_372 = tpu.vector_load %arg7[%swap3A_370, %swap3A_371] {strides = array<i32>} : memref<3x80xi32, #tpu.memory_space<vmem>>, vector<1x16xi32>,
    %swap3A_373 = vector.shape_cast %swap3A_372 : vector<1x16xi32> to vector<16xi32>
    %swap3A_374 = vector.shape_cast %shift_right_logical3A_368 : vector<16xi32> to vector<1x16xi32>
    tpu.vector_store %arg7[%swap3A_370, %swap3A_371], %swap3A_374 {strides = array<i32>} : memref<3x80xi32, #tpu.memory_space<vmem>>, vector<1x16xi32>,
    %get3A_375 = arith.constant 2 : i32
    %get3A_376 = arith.index_cast %get3A_375 : i32 to index
    %get3A_377 = arith.constant 32 : index
    %get3A_378 = tpu.vector_load %arg5[%get3A_376, %get3A_377] {strides = array<i32>} : memref<125x80xi32, #tpu.memory_space<vmem>>, vector<1x16xi32>,
    %get3A_379 = vector.shape_cast %get3A_378 : vector<1x16xi32> to vector<16xi32>
    %and3A_380 = arith.constant 65535 : i32
    %and3A_381 = vector.broadcast %and3A_380 : i32 to vector<16xi32>
    %and3A_382 = arith.andi %get3A_379, %and3A_381 : vector<16xi32>
    %swap3A_383 = arith.constant 2 : i32
    %swap3A_384 = arith.index_cast %swap3A_383 : i32 to index
    %swap3A_385 = arith.constant 32 : index
    %swap3A_386 = tpu.vector_load %arg6[%swap3A_384, %swap3A_385] {strides = array<i32>} : memref<3x80xi32, #tpu.memory_space<vmem>>, vector<1x16xi32>,
    %swap3A_387 = vector.shape_cast %swap3A_386 : vector<1x16xi32> to vector<16xi32>
    %swap3A_388 = vector.shape_cast %and3A_382 : vector<16xi32> to vector<1x16xi32>
    tpu.vector_store %arg6[%swap3A_384, %swap3A_385], %swap3A_388 {strides = array<i32>} : memref<3x80xi32, #tpu.memory_space<vmem>>, vector<1x16xi32>,
    %shift_right_logical3A_389 = arith.constant 16 : i32
    %shift_right_logical3A_390 = vector.broadcast %shift_right_logical3A_389 : i32 to vector<16xi32>
    %shift_right_logical3A_391 = arith.shrui %get3A_379, %shift_right_logical3A_390 : vector<16xi32>
    %swap3A_392 = arith.constant 2 : i32
    %swap3A_393 = arith.index_cast %swap3A_392 : i32 to index
    %swap3A_394 = arith.constant 32 : index
    %swap3A_395 = tpu.vector_load %arg7[%swap3A_393, %swap3A_394] {strides = array<i32>} : memref<3x80xi32, #tpu.memory_space<vmem>>, vector<1x16xi32>,
    %swap3A_396 = vector.shape_cast %swap3A_395 : vector<1x16xi32> to vector<16xi32>
    %swap3A_397 = vector.shape_cast %shift_right_logical3A_391 : vector<16xi32> to vector<1x16xi32>
    tpu.vector_store %arg7[%swap3A_393, %swap3A_394], %swap3A_397 {strides = array<i32>} : memref<3x80xi32, #tpu.memory_space<vmem>>, vector<1x16xi32>,
    %get3A_398 = arith.constant 2 : i32
    %get3A_399 = arith.index_cast %get3A_398 : i32 to index
    %get3A_400 = arith.constant 48 : index
    %get3A_401 = tpu.vector_load %arg5[%get3A_399, %get3A_400] {strides = array<i32>} : memref<125x80xi32, #tpu.memory_space<vmem>>, vector<1x16xi32>,
    %get3A_402 = vector.shape_cast %get3A_401 : vector<1x16xi32> to vector<16xi32>
    %and3A_403 = arith.constant 65535 : i32
    %and3A_404 = vector.broadcast %and3A_403 : i32 to vector<16xi32>
    %and3A_405 = arith.andi %get3A_402, %and3A_404 : vector<16xi32>
    %swap3A_406 = arith.constant 2 : i32
    %swap3A_407 = arith.index_cast %swap3A_406 : i32 to index
    %swap3A_408 = arith.constant 48 : index
    %swap3A_409 = tpu.vector_load %arg6[%swap3A_407, %swap3A_408] {strides = array<i32>} : memref<3x80xi32, #tpu.memory_space<vmem>>, vector<1x16xi32>,
    %swap3A_410 = vector.shape_cast %swap3A_409 : vector<1x16xi32> to vector<16xi32>
    %swap3A_411 = vector.shape_cast %and3A_405 : vector<16xi32> to vector<1x16xi32>
    tpu.vector_store %arg6[%swap3A_407, %swap3A_408], %swap3A_411 {strides = array<i32>} : memref<3x80xi32, #tpu.memory_space<vmem>>, vector<1x16xi32>,
    %shift_right_logical3A_412 = arith.constant 16 : i32
    %shift_right_logical3A_413 = vector.broadcast %shift_right_logical3A_412 : i32 to vector<16xi32>
    %shift_right_logical3A_414 = arith.shrui %get3A_402, %shift_right_logical3A_413 : vector<16xi32>
    %swap3A_415 = arith.constant 2 : i32
    %swap3A_416 = arith.index_cast %swap3A_415 : i32 to index
    %swap3A_417 = arith.constant 48 : index
    %swap3A_418 = tpu.vector_load %arg7[%swap3A_416, %swap3A_417] {strides = array<i32>} : memref<3x80xi32, #tpu.memory_space<vmem>>, vector<1x16xi32>,
    %swap3A_419 = vector.shape_cast %swap3A_418 : vector<1x16xi32> to vector<16xi32>
    %swap3A_420 = vector.shape_cast %shift_right_logical3A_414 : vector<16xi32> to vector<1x16xi32>
    tpu.vector_store %arg7[%swap3A_416, %swap3A_417], %swap3A_420 {strides = array<i32>} : memref<3x80xi32, #tpu.memory_space<vmem>>, vector<1x16xi32>,
    %get3A_421 = arith.constant 2 : i32
    %get3A_422 = arith.index_cast %get3A_421 : i32 to index
    %get3A_423 = arith.constant 64 : index
    %get3A_424 = tpu.vector_load %arg5[%get3A_422, %get3A_423] {strides = array<i32>} : memref<125x80xi32, #tpu.memory_space<vmem>>, vector<1x16xi32>,
    %get3A_425 = vector.shape_cast %get3A_424 : vector<1x16xi32> to vector<16xi32>
    %and3A_426 = arith.constant 65535 : i32
    %and3A_427 = vector.broadcast %and3A_426 : i32 to vector<16xi32>
    %and3A_428 = arith.andi %get3A_425, %and3A_427 : vector<16xi32>
    %swap3A_429 = arith.constant 2 : i32
    %swap3A_430 = arith.index_cast %swap3A_429 : i32 to index
    %swap3A_431 = arith.constant 64 : index
    %swap3A_432 = tpu.vector_load %arg6[%swap3A_430, %swap3A_431] {strides = array<i32>} : memref<3x80xi32, #tpu.memory_space<vmem>>, vector<1x16xi32>,
    %swap3A_433 = vector.shape_cast %swap3A_432 : vector<1x16xi32> to vector<16xi32>
    %swap3A_434 = vector.shape_cast %and3A_428 : vector<16xi32> to vector<1x16xi32>
    tpu.vector_store %arg6[%swap3A_430, %swap3A_431], %swap3A_434 {strides = array<i32>} : memref<3x80xi32, #tpu.memory_space<vmem>>, vector<1x16xi32>,
    %shift_right_logical3A_435 = arith.constant 16 : i32
    %shift_right_logical3A_436 = vector.broadcast %shift_right_logical3A_435 : i32 to vector<16xi32>
    %shift_right_logical3A_437 = arith.shrui %get3A_425, %shift_right_logical3A_436 : vector<16xi32>
    %swap3A_438 = arith.constant 2 : i32
    %swap3A_439 = arith.index_cast %swap3A_438 : i32 to index
    %swap3A_440 = arith.constant 64 : index
    %swap3A_441 = tpu.vector_load %arg7[%swap3A_439, %swap3A_440] {strides = array<i32>} : memref<3x80xi32, #tpu.memory_space<vmem>>, vector<1x16xi32>,
    %swap3A_442 = vector.shape_cast %swap3A_441 : vector<1x16xi32> to vector<16xi32>
    %swap3A_443 = vector.shape_cast %shift_right_logical3A_437 : vector<16xi32> to vector<1x16xi32>
    tpu.vector_store %arg7[%swap3A_439, %swap3A_440], %swap3A_443 {strides = array<i32>} : memref<3x80xi32, #tpu.memory_space<vmem>>, vector<1x16xi32>,
    %dma_start3A_444 = arith.constant 2 : i32
    %dma_start3A_445 = arith.constant 2 : i32
    %dma_start3A_446 = arith.constant 2 : i32
    %dma_start3A_447 = arith.constant 0 : i32
    %dma_start3A_448 = arith.constant 0 : i32
    %dma_start3A_449 = tpu.memref_slice %arg8[%dma_start3A_445, %dma_start3A_447, %dma_start3A_448] : memref<3x80x128xf32, #tpu.memory_space<vmem>> -> memref<1x80x128xf32, #tpu.memory_space<vmem>>
    %dma_start3A_450 = tpu.memref_squeeze %dma_start3A_449 : memref<1x80x128xf32, #tpu.memory_space<vmem>> -> memref<80x128xf32, #tpu.memory_space<vmem>>
    %dma_start3A_451 = arith.constant 0 : i32
    %dma_start3A_452 = tpu.memref_slice %arg6[%dma_start3A_444, %dma_start3A_451] : memref<3x80xi32, #tpu.memory_space<vmem>> -> memref<1x80xi32, #tpu.memory_space<vmem>>
    %dma_start3A_453 = tpu.memref_squeeze %dma_start3A_452 : memref<1x80xi32, #tpu.memory_space<vmem>> -> memref<80xi32, #tpu.memory_space<vmem>>
    %dma_start3A_454 = arith.constant 0 : i32
    %dma_start3A_455 = arith.constant 0 : i32
    %dma_start3A_456 = tpu.memref_slice %arg2[%dma_start3A_454, %dma_start3A_455] : memref<10000x128xf32, #tpu.memory_space<hbm>> -> memref<10000x128xf32, #tpu.memory_space<hbm>>
    %dma_start3A_457 = tpu.memref_slice %arg10[%dma_start3A_446] : memref<3x!tpu.dma_semaphore, #tpu.memory_space<semaphore_mem>> -> memref<1x!tpu.dma_semaphore, #tpu.memory_space<semaphore_mem>>
    %dma_start3A_458 = tpu.memref_squeeze %dma_start3A_457 : memref<1x!tpu.dma_semaphore, #tpu.memory_space<semaphore_mem>> -> memref<!tpu.dma_semaphore, #tpu.memory_space<semaphore_mem>>
    tpu.enqueue_indirect_dma source(%dma_start3A_456 : memref<10000x128xf32, #tpu.memory_space<hbm>>) target(%dma_start3A_450 : memref<80x128xf32, #tpu.memory_space<vmem>>) offsets(%dma_start3A_453 : memref<80xi32, #tpu.memory_space<vmem>>) semaphore(%dma_start3A_458 : memref<!tpu.dma_semaphore, #tpu.memory_space<semaphore_mem>>)
    %scan3A_459 = arith.constant 0 : i32
    %scan3A_460 = arith.constant 0 : i32
    %scan3A_461 = arith.constant 40 : i32
    %scan3A_462 = arith.addi %scan3A_460, %scan3A_461 : i32
    %scan3A_463 = arith.constant 1 : i32
    scf.for %scan3A_941 = %scan3A_460 to %scan3A_462 step %scan3A_463  : i32 {
      %mul3A_942 = arith.constant 3 : i32
      %mul3A_943 = arith.muli %mul3A_942, %scan3A_941 : i32
      %add3A_944 = arith.constant 1 : i32
      %add3A_945 = arith.addi %add3A_944, %mul3A_943 : i32
      %dma_wait3A_946 = arith.constant 1 : i32
      %dma_wait3A_947 = arith.constant 1 : i32
      %dma_wait3A_948 = arith.constant 1 : i32
      %dma_wait3A_949 = arith.constant 0 : i32
      %dma_wait3A_950 = arith.constant 0 : i32
      %dma_wait3A_951 = tpu.memref_slice %arg8[%dma_wait3A_947, %dma_wait3A_949, %dma_wait3A_950] : memref<3x80x128xf32, #tpu.memory_space<vmem>> -> memref<1x80x128xf32, #tpu.memory_space<vmem>>
      %dma_wait3A_952 = tpu.memref_squeeze %dma_wait3A_951 : memref<1x80x128xf32, #tpu.memory_space<vmem>> -> memref<80x128xf32, #tpu.memory_space<vmem>>
      %dma_wait3A_953 = arith.constant 0 : i32
      %dma_wait3A_954 = tpu.memref_slice %arg6[%dma_wait3A_946, %dma_wait3A_953] : memref<3x80xi32, #tpu.memory_space<vmem>> -> memref<1x80xi32, #tpu.memory_space<vmem>>
      %dma_wait3A_955 = tpu.memref_squeeze %dma_wait3A_954 : memref<1x80xi32, #tpu.memory_space<vmem>> -> memref<80xi32, #tpu.memory_space<vmem>>
      %dma_wait3A_956 = arith.constant 0 : i32
      %dma_wait3A_957 = arith.constant 0 : i32
      %dma_wait3A_958 = tpu.memref_slice %arg2[%dma_wait3A_956, %dma_wait3A_957] : memref<10000x128xf32, #tpu.memory_space<hbm>> -> memref<10000x128xf32, #tpu.memory_space<hbm>>
      %dma_wait3A_959 = tpu.memref_slice %arg10[%dma_wait3A_948] : memref<3x!tpu.dma_semaphore, #tpu.memory_space<semaphore_mem>> -> memref<1x!tpu.dma_semaphore, #tpu.memory_space<semaphore_mem>>
      %dma_wait3A_960 = tpu.memref_squeeze %dma_wait3A_959 : memref<1x!tpu.dma_semaphore, #tpu.memory_space<semaphore_mem>> -> memref<!tpu.dma_semaphore, #tpu.memory_space<semaphore_mem>>
      tpu.wait_indirect_dma semaphore(%dma_wait3A_960 : memref<!tpu.dma_semaphore, #tpu.memory_space<semaphore_mem>>) src(%dma_wait3A_958 : memref<10000x128xf32, #tpu.memory_space<hbm>>) dst(%dma_wait3A_952 : memref<80x128xf32, #tpu.memory_space<vmem>>)
      %dma_wait3A_961 = arith.constant 0 : i32
      %dma_wait3A_962 = arith.constant 0 : i32
      %dma_wait3A_963 = arith.constant 0 : i32
      %dma_wait3A_964 = arith.constant 0 : i32
      %dma_wait3A_965 = arith.constant 0 : i32
      %dma_wait3A_966 = tpu.memref_slice %arg8[%dma_wait3A_961, %dma_wait3A_964, %dma_wait3A_965] : memref<3x80x128xf32, #tpu.memory_space<vmem>> -> memref<1x80x128xf32, #tpu.memory_space<vmem>>
      %dma_wait3A_967 = tpu.memref_squeeze %dma_wait3A_966 : memref<1x80x128xf32, #tpu.memory_space<vmem>> -> memref<80x128xf32, #tpu.memory_space<vmem>>
      %dma_wait3A_968 = arith.constant 0 : i32
      %dma_wait3A_969 = tpu.memref_slice %arg7[%dma_wait3A_962, %dma_wait3A_968] : memref<3x80xi32, #tpu.memory_space<vmem>> -> memref<1x80xi32, #tpu.memory_space<vmem>>
      %dma_wait3A_970 = tpu.memref_squeeze %dma_wait3A_969 : memref<1x80xi32, #tpu.memory_space<vmem>> -> memref<80xi32, #tpu.memory_space<vmem>>
      %dma_wait3A_971 = arith.constant 0 : i32
      %dma_wait3A_972 = arith.constant 0 : i32
      %dma_wait3A_973 = tpu.memref_slice %arg9[%dma_wait3A_971, %dma_wait3A_972] : memref<10240x128xf32, #tpu.memory_space<vmem_shared>> -> memref<10240x128xf32, #tpu.memory_space<vmem_shared>>
      %dma_wait3A_974 = tpu.memref_slice %arg11[%dma_wait3A_963] : memref<3x!tpu.dma_semaphore, #tpu.memory_space<semaphore_mem>> -> memref<1x!tpu.dma_semaphore, #tpu.memory_space<semaphore_mem>>
      %dma_wait3A_975 = tpu.memref_squeeze %dma_wait3A_974 : memref<1x!tpu.dma_semaphore, #tpu.memory_space<semaphore_mem>> -> memref<!tpu.dma_semaphore, #tpu.memory_space<semaphore_mem>>
      tpu.wait_indirect_dma semaphore(%dma_wait3A_975 : memref<!tpu.dma_semaphore, #tpu.memory_space<semaphore_mem>>) src(%dma_wait3A_967 : memref<80x128xf32, #tpu.memory_space<vmem>>) dst(%dma_wait3A_973 : memref<10240x128xf32, #tpu.memory_space<vmem_shared>>)
      %dma_start3A_976 = arith.constant 1 : i32
      %dma_start3A_977 = arith.constant 1 : i32
      %dma_start3A_978 = arith.constant 1 : i32
      %dma_start3A_979 = arith.constant 0 : i32
      %dma_start3A_980 = arith.constant 0 : i32
      %dma_start3A_981 = tpu.memref_slice %arg8[%dma_start3A_976, %dma_start3A_979, %dma_start3A_980] : memref<3x80x128xf32, #tpu.memory_space<vmem>> -> memref<1x80x128xf32, #tpu.memory_space<vmem>>
      %dma_start3A_982 = tpu.memref_squeeze %dma_start3A_981 : memref<1x80x128xf32, #tpu.memory_space<vmem>> -> memref<80x128xf32, #tpu.memory_space<vmem>>
      %dma_start3A_983 = arith.constant 0 : i32
      %dma_start3A_984 = tpu.memref_slice %arg7[%dma_start3A_977, %dma_start3A_983] : memref<3x80xi32, #tpu.memory_space<vmem>> -> memref<1x80xi32, #tpu.memory_space<vmem>>
      %dma_start3A_985 = tpu.memref_squeeze %dma_start3A_984 : memref<1x80xi32, #tpu.memory_space<vmem>> -> memref<80xi32, #tpu.memory_space<vmem>>
      %dma_start3A_986 = arith.constant 0 : i32
      %dma_start3A_987 = arith.constant 0 : i32
      %dma_start3A_988 = tpu.memref_slice %arg9[%dma_start3A_986, %dma_start3A_987] : memref<10240x128xf32, #tpu.memory_space<vmem_shared>> -> memref<10240x128xf32, #tpu.memory_space<vmem_shared>>
      %dma_start3A_989 = tpu.memref_slice %arg11[%dma_start3A_978] : memref<3x!tpu.dma_semaphore, #tpu.memory_space<semaphore_mem>> -> memref<1x!tpu.dma_semaphore, #tpu.memory_space<semaphore_mem>>
      %dma_start3A_990 = tpu.memref_squeeze %dma_start3A_989 : memref<1x!tpu.dma_semaphore, #tpu.memory_space<semaphore_mem>> -> memref<!tpu.dma_semaphore, #tpu.memory_space<semaphore_mem>>
      tpu.enqueue_indirect_dma source(%dma_start3A_982 : memref<80x128xf32, #tpu.memory_space<vmem>>) target(%dma_start3A_988 : memref<10240x128xf32, #tpu.memory_space<vmem_shared>>) offsets(%dma_start3A_985 : memref<80xi32, #tpu.memory_space<vmem>>) semaphore(%dma_start3A_990 : memref<!tpu.dma_semaphore, #tpu.memory_space<semaphore_mem>>) {add = true}
      %add3A_991 = arith.constant 2 : i32
      %add3A_992 = arith.addi %add3A_945, %add3A_991 : i32
      %get3A_993 = arith.index_cast %add3A_992 : i32 to index
      %get3A_994 = arith.constant 0 : index
      %get3A_995 = tpu.vector_load %arg5[%get3A_993, %get3A_994] {strides = array<i32>} : memref<125x80xi32, #tpu.memory_space<vmem>>, vector<1x16xi32>,
      %get3A_996 = vector.shape_cast %get3A_995 : vector<1x16xi32> to vector<16xi32>
      %and3A_997 = arith.constant 65535 : i32
      %and3A_998 = vector.broadcast %and3A_997 : i32 to vector<16xi32>
      %and3A_999 = arith.andi %get3A_996, %and3A_998 : vector<16xi32>
      %swap3A_1000 = arith.constant 0 : i32
      %swap3A_1001 = arith.index_cast %swap3A_1000 : i32 to index
      %swap3A_1002 = arith.constant 0 : index
      %swap3A_1003 = tpu.vector_load %arg6[%swap3A_1001, %swap3A_1002] {strides = array<i32>} : memref<3x80xi32, #tpu.memory_space<vmem>>, vector<1x16xi32>,
      %swap3A_1004 = vector.shape_cast %swap3A_1003 : vector<1x16xi32> to vector<16xi32>
      %swap3A_1005 = vector.shape_cast %and3A_999 : vector<16xi32> to vector<1x16xi32>
      tpu.vector_store %arg6[%swap3A_1001, %swap3A_1002], %swap3A_1005 {strides = array<i32>} : memref<3x80xi32, #tpu.memory_space<vmem>>, vector<1x16xi32>,
      %shift_right_logical3A_1006 = arith.constant 16 : i32
      %shift_right_logical3A_1007 = vector.broadcast %shift_right_logical3A_1006 : i32 to vector<16xi32>
      %shift_right_logical3A_1008 = arith.shrui %get3A_996, %shift_right_logical3A_1007 : vector<16xi32>
      %swap3A_1009 = arith.constant 0 : i32
      %swap3A_1010 = arith.index_cast %swap3A_1009 : i32 to index
      %swap3A_1011 = arith.constant 0 : index
      %swap3A_1012 = tpu.vector_load %arg7[%swap3A_1010, %swap3A_1011] {strides = array<i32>} : memref<3x80xi32, #tpu.memory_space<vmem>>, vector<1x16xi32>,
      %swap3A_1013 = vector.shape_cast %swap3A_1012 : vector<1x16xi32> to vector<16xi32>
      %swap3A_1014 = vector.shape_cast %shift_right_logical3A_1008 : vector<16xi32> to vector<1x16xi32>
      tpu.vector_store %arg7[%swap3A_1010, %swap3A_1011], %swap3A_1014 {strides = array<i32>} : memref<3x80xi32, #tpu.memory_space<vmem>>, vector<1x16xi32>,
      %get3A_1015 = arith.index_cast %add3A_992 : i32 to index
      %get3A_1016 = arith.constant 16 : index
      %get3A_1017 = tpu.vector_load %arg5[%get3A_1015, %get3A_1016] {strides = array<i32>} : memref<125x80xi32, #tpu.memory_space<vmem>>, vector<1x16xi32>,
      %get3A_1018 = vector.shape_cast %get3A_1017 : vector<1x16xi32> to vector<16xi32>
      %and3A_1019 = arith.constant 65535 : i32
      %and3A_1020 = vector.broadcast %and3A_1019 : i32 to vector<16xi32>
      %and3A_1021 = arith.andi %get3A_1018, %and3A_1020 : vector<16xi32>
      %swap3A_1022 = arith.constant 0 : i32
      %swap3A_1023 = arith.index_cast %swap3A_1022 : i32 to index
      %swap3A_1024 = arith.constant 16 : index
      %swap3A_1025 = tpu.vector_load %arg6[%swap3A_1023, %swap3A_1024] {strides = array<i32>} : memref<3x80xi32, #tpu.memory_space<vmem>>, vector<1x16xi32>,
      %swap3A_1026 = vector.shape_cast %swap3A_1025 : vector<1x16xi32> to vector<16xi32>
      %swap3A_1027 = vector.shape_cast %and3A_1021 : vector<16xi32> to vector<1x16xi32>
      tpu.vector_store %arg6[%swap3A_1023, %swap3A_1024], %swap3A_1027 {strides = array<i32>} : memref<3x80xi32, #tpu.memory_space<vmem>>, vector<1x16xi32>,
      %shift_right_logical3A_1028 = arith.constant 16 : i32
      %shift_right_logical3A_1029 = vector.broadcast %shift_right_logical3A_1028 : i32 to vector<16xi32>
      %shift_right_logical3A_1030 = arith.shrui %get3A_1018, %shift_right_logical3A_1029 : vector<16xi32>
      %swap3A_1031 = arith.constant 0 : i32
      %swap3A_1032 = arith.index_cast %swap3A_1031 : i32 to index
      %swap3A_1033 = arith.constant 16 : index
      %swap3A_1034 = tpu.vector_load %arg7[%swap3A_1032, %swap3A_1033] {strides = array<i32>} : memref<3x80xi32, #tpu.memory_space<vmem>>, vector<1x16xi32>,
      %swap3A_1035 = vector.shape_cast %swap3A_1034 : vector<1x16xi32> to vector<16xi32>
      %swap3A_1036 = vector.shape_cast %shift_right_logical3A_1030 : vector<16xi32> to vector<1x16xi32>
      tpu.vector_store %arg7[%swap3A_1032, %swap3A_1033], %swap3A_1036 {strides = array<i32>} : memref<3x80xi32, #tpu.memory_space<vmem>>, vector<1x16xi32>,
      %get3A_1037 = arith.index_cast %add3A_992 : i32 to index
      %get3A_1038 = arith.constant 32 : index
      %get3A_1039 = tpu.vector_load %arg5[%get3A_1037, %get3A_1038] {strides = array<i32>} : memref<125x80xi32, #tpu.memory_space<vmem>>, vector<1x16xi32>,
      %get3A_1040 = vector.shape_cast %get3A_1039 : vector<1x16xi32> to vector<16xi32>
      %and3A_1041 = arith.constant 65535 : i32
      %and3A_1042 = vector.broadcast %and3A_1041 : i32 to vector<16xi32>
      %and3A_1043 = arith.andi %get3A_1040, %and3A_1042 : vector<16xi32>
      %swap3A_1044 = arith.constant 0 : i32
      %swap3A_1045 = arith.index_cast %swap3A_1044 : i32 to index
      %swap3A_1046 = arith.constant 32 : index
      %swap3A_1047 = tpu.vector_load %arg6[%swap3A_1045, %swap3A_1046] {strides = array<i32>} : memref<3x80xi32, #tpu.memory_space<vmem>>, vector<1x16xi32>,
      %swap3A_1048 = vector.shape_cast %swap3A_1047 : vector<1x16xi32> to vector<16xi32>
      %swap3A_1049 = vector.shape_cast %and3A_1043 : vector<16xi32> to vector<1x16xi32>
      tpu.vector_store %arg6[%swap3A_1045, %swap3A_1046], %swap3A_1049 {strides = array<i32>} : memref<3x80xi32, #tpu.memory_space<vmem>>, vector<1x16xi32>,
      %shift_right_logical3A_1050 = arith.constant 16 : i32
      %shift_right_logical3A_1051 = vector.broadcast %shift_right_logical3A_1050 : i32 to vector<16xi32>
      %shift_right_logical3A_1052 = arith.shrui %get3A_1040, %shift_right_logical3A_1051 : vector<16xi32>
      %swap3A_1053 = arith.constant 0 : i32
      %swap3A_1054 = arith.index_cast %swap3A_1053 : i32 to index
      %swap3A_1055 = arith.constant 32 : index
      %swap3A_1056 = tpu.vector_load %arg7[%swap3A_1054, %swap3A_1055] {strides = array<i32>} : memref<3x80xi32, #tpu.memory_space<vmem>>, vector<1x16xi32>,
      %swap3A_1057 = vector.shape_cast %swap3A_1056 : vector<1x16xi32> to vector<16xi32>
      %swap3A_1058 = vector.shape_cast %shift_right_logical3A_1052 : vector<16xi32> to vector<1x16xi32>
      tpu.vector_store %arg7[%swap3A_1054, %swap3A_1055], %swap3A_1058 {strides = array<i32>} : memref<3x80xi32, #tpu.memory_space<vmem>>, vector<1x16xi32>,
      %get3A_1059 = arith.index_cast %add3A_992 : i32 to index
      %get3A_1060 = arith.constant 48 : index
      %get3A_1061 = tpu.vector_load %arg5[%get3A_1059, %get3A_1060] {strides = array<i32>} : memref<125x80xi32, #tpu.memory_space<vmem>>, vector<1x16xi32>,
      %get3A_1062 = vector.shape_cast %get3A_1061 : vector<1x16xi32> to vector<16xi32>
      %and3A_1063 = arith.constant 65535 : i32
      %and3A_1064 = vector.broadcast %and3A_1063 : i32 to vector<16xi32>
      %and3A_1065 = arith.andi %get3A_1062, %and3A_1064 : vector<16xi32>
      %swap3A_1066 = arith.constant 0 : i32
      %swap3A_1067 = arith.index_cast %swap3A_1066 : i32 to index
      %swap3A_1068 = arith.constant 48 : index
      %swap3A_1069 = tpu.vector_load %arg6[%swap3A_1067, %swap3A_1068] {strides = array<i32>} : memref<3x80xi32, #tpu.memory_space<vmem>>, vector<1x16xi32>,
      %swap3A_1070 = vector.shape_cast %swap3A_1069 : vector<1x16xi32> to vector<16xi32>
      %swap3A_1071 = vector.shape_cast %and3A_1065 : vector<16xi32> to vector<1x16xi32>
      tpu.vector_store %arg6[%swap3A_1067, %swap3A_1068], %swap3A_1071 {strides = array<i32>} : memref<3x80xi32, #tpu.memory_space<vmem>>, vector<1x16xi32>,
      %shift_right_logical3A_1072 = arith.constant 16 : i32
      %shift_right_logical3A_1073 = vector.broadcast %shift_right_logical3A_1072 : i32 to vector<16xi32>
      %shift_right_logical3A_1074 = arith.shrui %get3A_1062, %shift_right_logical3A_1073 : vector<16xi32>
      %swap3A_1075 = arith.constant 0 : i32
      %swap3A_1076 = arith.index_cast %swap3A_1075 : i32 to index
      %swap3A_1077 = arith.constant 48 : index
      %swap3A_1078 = tpu.vector_load %arg7[%swap3A_1076, %swap3A_1077] {strides = array<i32>} : memref<3x80xi32, #tpu.memory_space<vmem>>, vector<1x16xi32>,
      %swap3A_1079 = vector.shape_cast %swap3A_1078 : vector<1x16xi32> to vector<16xi32>
      %swap3A_1080 = vector.shape_cast %shift_right_logical3A_1074 : vector<16xi32> to vector<1x16xi32>
      tpu.vector_store %arg7[%swap3A_1076, %swap3A_1077], %swap3A_1080 {strides = array<i32>} : memref<3x80xi32, #tpu.memory_space<vmem>>, vector<1x16xi32>,
      %get3A_1081 = arith.index_cast %add3A_992 : i32 to index
      %get3A_1082 = arith.constant 64 : index
      %get3A_1083 = tpu.vector_load %arg5[%get3A_1081, %get3A_1082] {strides = array<i32>} : memref<125x80xi32, #tpu.memory_space<vmem>>, vector<1x16xi32>,
      %get3A_1084 = vector.shape_cast %get3A_1083 : vector<1x16xi32> to vector<16xi32>
      %and3A_1085 = arith.constant 65535 : i32
      %and3A_1086 = vector.broadcast %and3A_1085 : i32 to vector<16xi32>
      %and3A_1087 = arith.andi %get3A_1084, %and3A_1086 : vector<16xi32>
      %swap3A_1088 = arith.constant 0 : i32
      %swap3A_1089 = arith.index_cast %swap3A_1088 : i32 to index
      %swap3A_1090 = arith.constant 64 : index
      %swap3A_1091 = tpu.vector_load %arg6[%swap3A_1089, %swap3A_1090] {strides = array<i32>} : memref<3x80xi32, #tpu.memory_space<vmem>>, vector<1x16xi32>,
      %swap3A_1092 = vector.shape_cast %swap3A_1091 : vector<1x16xi32> to vector<16xi32>
      %swap3A_1093 = vector.shape_cast %and3A_1087 : vector<16xi32> to vector<1x16xi32>
      tpu.vector_store %arg6[%swap3A_1089, %swap3A_1090], %swap3A_1093 {strides = array<i32>} : memref<3x80xi32, #tpu.memory_space<vmem>>, vector<1x16xi32>,
      %shift_right_logical3A_1094 = arith.constant 16 : i32
      %shift_right_logical3A_1095 = vector.broadcast %shift_right_logical3A_1094 : i32 to vector<16xi32>
      %shift_right_logical3A_1096 = arith.shrui %get3A_1084, %shift_right_logical3A_1095 : vector<16xi32>
      %swap3A_1097 = arith.constant 0 : i32
      %swap3A_1098 = arith.index_cast %swap3A_1097 : i32 to index
      %swap3A_1099 = arith.constant 64 : index
      %swap3A_1100 = tpu.vector_load %arg7[%swap3A_1098, %swap3A_1099] {strides = array<i32>} : memref<3x80xi32, #tpu.memory_space<vmem>>, vector<1x16xi32>,
      %swap3A_1101 = vector.shape_cast %swap3A_1100 : vector<1x16xi32> to vector<16xi32>
      %swap3A_1102 = vector.shape_cast %shift_right_logical3A_1096 : vector<16xi32> to vector<1x16xi32>
      tpu.vector_store %arg7[%swap3A_1098, %swap3A_1099], %swap3A_1102 {strides = array<i32>} : memref<3x80xi32, #tpu.memory_space<vmem>>, vector<1x16xi32>,
      %dma_start3A_1103 = arith.constant 0 : i32
      %dma_start3A_1104 = arith.constant 0 : i32
      %dma_start3A_1105 = arith.constant 0 : i32
      %dma_start3A_1106 = arith.constant 0 : i32
      %dma_start3A_1107 = arith.constant 0 : i32
      %dma_start3A_1108 = tpu.memref_slice %arg8[%dma_start3A_1104, %dma_start3A_1106, %dma_start3A_1107] : memref<3x80x128xf32, #tpu.memory_space<vmem>> -> memref<1x80x128xf32, #tpu.memory_space<vmem>>
      %dma_start3A_1109 = tpu.memref_squeeze %dma_start3A_1108 : memref<1x80x128xf32, #tpu.memory_space<vmem>> -> memref<80x128xf32, #tpu.memory_space<vmem>>
      %dma_start3A_1110 = arith.constant 0 : i32
      %dma_start3A_1111 = tpu.memref_slice %arg6[%dma_start3A_1103, %dma_start3A_1110] : memref<3x80xi32, #tpu.memory_space<vmem>> -> memref<1x80xi32, #tpu.memory_space<vmem>>
      %dma_start3A_1112 = tpu.memref_squeeze %dma_start3A_1111 : memref<1x80xi32, #tpu.memory_space<vmem>> -> memref<80xi32, #tpu.memory_space<vmem>>
      %dma_start3A_1113 = arith.constant 0 : i32
      %dma_start3A_1114 = arith.constant 0 : i32
      %dma_start3A_1115 = tpu.memref_slice %arg2[%dma_start3A_1113, %dma_start3A_1114] : memref<10000x128xf32, #tpu.memory_space<hbm>> -> memref<10000x128xf32, #tpu.memory_space<hbm>>
      %dma_start3A_1116 = tpu.memref_slice %arg10[%dma_start3A_1105] : memref<3x!tpu.dma_semaphore, #tpu.memory_space<semaphore_mem>> -> memref<1x!tpu.dma_semaphore, #tpu.memory_space<semaphore_mem>>
      %dma_start3A_1117 = tpu.memref_squeeze %dma_start3A_1116 : memref<1x!tpu.dma_semaphore, #tpu.memory_space<semaphore_mem>> -> memref<!tpu.dma_semaphore, #tpu.memory_space<semaphore_mem>>
      tpu.enqueue_indirect_dma source(%dma_start3A_1115 : memref<10000x128xf32, #tpu.memory_space<hbm>>) target(%dma_start3A_1109 : memref<80x128xf32, #tpu.memory_space<vmem>>) offsets(%dma_start3A_1112 : memref<80xi32, #tpu.memory_space<vmem>>) semaphore(%dma_start3A_1117 : memref<!tpu.dma_semaphore, #tpu.memory_space<semaphore_mem>>)
      %add3A_1118 = arith.constant 1 : i32
      %add3A_1119 = arith.addi %add3A_945, %add3A_1118 : i32
      %dma_wait3A_1120 = arith.constant 2 : i32
      %dma_wait3A_1121 = arith.constant 2 : i32
      %dma_wait3A_1122 = arith.constant 2 : i32
      %dma_wait3A_1123 = arith.constant 0 : i32
      %dma_wait3A_1124 = arith.constant 0 : i32
      %dma_wait3A_1125 = tpu.memref_slice %arg8[%dma_wait3A_1121, %dma_wait3A_1123, %dma_wait3A_1124] : memref<3x80x128xf32, #tpu.memory_space<vmem>> -> memref<1x80x128xf32, #tpu.memory_space<vmem>>
      %dma_wait3A_1126 = tpu.memref_squeeze %dma_wait3A_1125 : memref<1x80x128xf32, #tpu.memory_space<vmem>> -> memref<80x128xf32, #tpu.memory_space<vmem>>
      %dma_wait3A_1127 = arith.constant 0 : i32
      %dma_wait3A_1128 = tpu.memref_slice %arg6[%dma_wait3A_1120, %dma_wait3A_1127] : memref<3x80xi32, #tpu.memory_space<vmem>> -> memref<1x80xi32, #tpu.memory_space<vmem>>
      %dma_wait3A_1129 = tpu.memref_squeeze %dma_wait3A_1128 : memref<1x80xi32, #tpu.memory_space<vmem>> -> memref<80xi32, #tpu.memory_space<vmem>>
      %dma_wait3A_1130 = arith.constant 0 : i32
      %dma_wait3A_1131 = arith.constant 0 : i32
      %dma_wait3A_1132 = tpu.memref_slice %arg2[%dma_wait3A_1130, %dma_wait3A_1131] : memref<10000x128xf32, #tpu.memory_space<hbm>> -> memref<10000x128xf32, #tpu.memory_space<hbm>>
      %dma_wait3A_1133 = tpu.memref_slice %arg10[%dma_wait3A_1122] : memref<3x!tpu.dma_semaphore, #tpu.memory_space<semaphore_mem>> -> memref<1x!tpu.dma_semaphore, #tpu.memory_space<semaphore_mem>>
      %dma_wait3A_1134 = tpu.memref_squeeze %dma_wait3A_1133 : memref<1x!tpu.dma_semaphore, #tpu.memory_space<semaphore_mem>> -> memref<!tpu.dma_semaphore, #tpu.memory_space<semaphore_mem>>
      tpu.wait_indirect_dma semaphore(%dma_wait3A_1134 : memref<!tpu.dma_semaphore, #tpu.memory_space<semaphore_mem>>) src(%dma_wait3A_1132 : memref<10000x128xf32, #tpu.memory_space<hbm>>) dst(%dma_wait3A_1126 : memref<80x128xf32, #tpu.memory_space<vmem>>)
      %dma_wait3A_1135 = arith.constant 1 : i32
      %dma_wait3A_1136 = arith.constant 1 : i32
      %dma_wait3A_1137 = arith.constant 1 : i32
      %dma_wait3A_1138 = arith.constant 0 : i32
      %dma_wait3A_1139 = arith.constant 0 : i32
      %dma_wait3A_1140 = tpu.memref_slice %arg8[%dma_wait3A_1135, %dma_wait3A_1138, %dma_wait3A_1139] : memref<3x80x128xf32, #tpu.memory_space<vmem>> -> memref<1x80x128xf32, #tpu.memory_space<vmem>>
      %dma_wait3A_1141 = tpu.memref_squeeze %dma_wait3A_1140 : memref<1x80x128xf32, #tpu.memory_space<vmem>> -> memref<80x128xf32, #tpu.memory_space<vmem>>
      %dma_wait3A_1142 = arith.constant 0 : i32
      %dma_wait3A_1143 = tpu.memref_slice %arg7[%dma_wait3A_1136, %dma_wait3A_1142] : memref<3x80xi32, #tpu.memory_space<vmem>> -> memref<1x80xi32, #tpu.memory_space<vmem>>
      %dma_wait3A_1144 = tpu.memref_squeeze %dma_wait3A_1143 : memref<1x80xi32, #tpu.memory_space<vmem>> -> memref<80xi32, #tpu.memory_space<vmem>>
      %dma_wait3A_1145 = arith.constant 0 : i32
      %dma_wait3A_1146 = arith.constant 0 : i32
      %dma_wait3A_1147 = tpu.memref_slice %arg9[%dma_wait3A_1145, %dma_wait3A_1146] : memref<10240x128xf32, #tpu.memory_space<vmem_shared>> -> memref<10240x128xf32, #tpu.memory_space<vmem_shared>>
      %dma_wait3A_1148 = tpu.memref_slice %arg11[%dma_wait3A_1137] : memref<3x!tpu.dma_semaphore, #tpu.memory_space<semaphore_mem>> -> memref<1x!tpu.dma_semaphore, #tpu.memory_space<semaphore_mem>>
      %dma_wait3A_1149 = tpu.memref_squeeze %dma_wait3A_1148 : memref<1x!tpu.dma_semaphore, #tpu.memory_space<semaphore_mem>> -> memref<!tpu.dma_semaphore, #tpu.memory_space<semaphore_mem>>
      tpu.wait_indirect_dma semaphore(%dma_wait3A_1149 : memref<!tpu.dma_semaphore, #tpu.memory_space<semaphore_mem>>) src(%dma_wait3A_1141 : memref<80x128xf32, #tpu.memory_space<vmem>>) dst(%dma_wait3A_1147 : memref<10240x128xf32, #tpu.memory_space<vmem_shared>>)
      %dma_start3A_1150 = arith.constant 2 : i32
      %dma_start3A_1151 = arith.constant 2 : i32
      %dma_start3A_1152 = arith.constant 2 : i32
      %dma_start3A_1153 = arith.constant 0 : i32
      %dma_start3A_1154 = arith.constant 0 : i32
      %dma_start3A_1155 = tpu.memref_slice %arg8[%dma_start3A_1150, %dma_start3A_1153, %dma_start3A_1154] : memref<3x80x128xf32, #tpu.memory_space<vmem>> -> memref<1x80x128xf32, #tpu.memory_space<vmem>>
      %dma_start3A_1156 = tpu.memref_squeeze %dma_start3A_1155 : memref<1x80x128xf32, #tpu.memory_space<vmem>> -> memref<80x128xf32, #tpu.memory_space<vmem>>
      %dma_start3A_1157 = arith.constant 0 : i32
      %dma_start3A_1158 = tpu.memref_slice %arg7[%dma_start3A_1151, %dma_start3A_1157] : memref<3x80xi32, #tpu.memory_space<vmem>> -> memref<1x80xi32, #tpu.memory_space<vmem>>
      %dma_start3A_1159 = tpu.memref_squeeze %dma_start3A_1158 : memref<1x80xi32, #tpu.memory_space<vmem>> -> memref<80xi32, #tpu.memory_space<vmem>>
      %dma_start3A_1160 = arith.constant 0 : i32
      %dma_start3A_1161 = arith.constant 0 : i32
      %dma_start3A_1162 = tpu.memref_slice %arg9[%dma_start3A_1160, %dma_start3A_1161] : memref<10240x128xf32, #tpu.memory_space<vmem_shared>> -> memref<10240x128xf32, #tpu.memory_space<vmem_shared>>
      %dma_start3A_1163 = tpu.memref_slice %arg11[%dma_start3A_1152] : memref<3x!tpu.dma_semaphore, #tpu.memory_space<semaphore_mem>> -> memref<1x!tpu.dma_semaphore, #tpu.memory_space<semaphore_mem>>
      %dma_start3A_1164 = tpu.memref_squeeze %dma_start3A_1163 : memref<1x!tpu.dma_semaphore, #tpu.memory_space<semaphore_mem>> -> memref<!tpu.dma_semaphore, #tpu.memory_space<semaphore_mem>>
      tpu.enqueue_indirect_dma source(%dma_start3A_1156 : memref<80x128xf32, #tpu.memory_space<vmem>>) target(%dma_start3A_1162 : memref<10240x128xf32, #tpu.memory_space<vmem_shared>>) offsets(%dma_start3A_1159 : memref<80xi32, #tpu.memory_space<vmem>>) semaphore(%dma_start3A_1164 : memref<!tpu.dma_semaphore, #tpu.memory_space<semaphore_mem>>) {add = true}
      %add3A_1165 = arith.constant 2 : i32
      %add3A_1166 = arith.addi %add3A_1119, %add3A_1165 : i32
      %get3A_1167 = arith.index_cast %add3A_1166 : i32 to index
      %get3A_1168 = arith.constant 0 : index
      %get3A_1169 = tpu.vector_load %arg5[%get3A_1167, %get3A_1168] {strides = array<i32>} : memref<125x80xi32, #tpu.memory_space<vmem>>, vector<1x16xi32>,
      %get3A_1170 = vector.shape_cast %get3A_1169 : vector<1x16xi32> to vector<16xi32>
      %and3A_1171 = arith.constant 65535 : i32
      %and3A_1172 = vector.broadcast %and3A_1171 : i32 to vector<16xi32>
      %and3A_1173 = arith.andi %get3A_1170, %and3A_1172 : vector<16xi32>
      %swap3A_1174 = arith.constant 1 : i32
      %swap3A_1175 = arith.index_cast %swap3A_1174 : i32 to index
      %swap3A_1176 = arith.constant 0 : index
      %swap3A_1177 = tpu.vector_load %arg6[%swap3A_1175, %swap3A_1176] {strides = array<i32>} : memref<3x80xi32, #tpu.memory_space<vmem>>, vector<1x16xi32>,
      %swap3A_1178 = vector.shape_cast %swap3A_1177 : vector<1x16xi32> to vector<16xi32>
      %swap3A_1179 = vector.shape_cast %and3A_1173 : vector<16xi32> to vector<1x16xi32>
      tpu.vector_store %arg6[%swap3A_1175, %swap3A_1176], %swap3A_1179 {strides = array<i32>} : memref<3x80xi32, #tpu.memory_space<vmem>>, vector<1x16xi32>,
      %shift_right_logical3A_1180 = arith.constant 16 : i32
      %shift_right_logical3A_1181 = vector.broadcast %shift_right_logical3A_1180 : i32 to vector<16xi32>
      %shift_right_logical3A_1182 = arith.shrui %get3A_1170, %shift_right_logical3A_1181 : vector<16xi32>
      %swap3A_1183 = arith.constant 1 : i32
      %swap3A_1184 = arith.index_cast %swap3A_1183 : i32 to index
      %swap3A_1185 = arith.constant 0 : index
      %swap3A_1186 = tpu.vector_load %arg7[%swap3A_1184, %swap3A_1185] {strides = array<i32>} : memref<3x80xi32, #tpu.memory_space<vmem>>, vector<1x16xi32>,
      %swap3A_1187 = vector.shape_cast %swap3A_1186 : vector<1x16xi32> to vector<16xi32>
      %swap3A_1188 = vector.shape_cast %shift_right_logical3A_1182 : vector<16xi32> to vector<1x16xi32>
      tpu.vector_store %arg7[%swap3A_1184, %swap3A_1185], %swap3A_1188 {strides = array<i32>} : memref<3x80xi32, #tpu.memory_space<vmem>>, vector<1x16xi32>,
      %get3A_1189 = arith.index_cast %add3A_1166 : i32 to index
      %get3A_1190 = arith.constant 16 : index
      %get3A_1191 = tpu.vector_load %arg5[%get3A_1189, %get3A_1190] {strides = array<i32>} : memref<125x80xi32, #tpu.memory_space<vmem>>, vector<1x16xi32>,
      %get3A_1192 = vector.shape_cast %get3A_1191 : vector<1x16xi32> to vector<16xi32>
      %and3A_1193 = arith.constant 65535 : i32
      %and3A_1194 = vector.broadcast %and3A_1193 : i32 to vector<16xi32>
      %and3A_1195 = arith.andi %get3A_1192, %and3A_1194 : vector<16xi32>
      %swap3A_1196 = arith.constant 1 : i32
      %swap3A_1197 = arith.index_cast %swap3A_1196 : i32 to index
      %swap3A_1198 = arith.constant 16 : index
      %swap3A_1199 = tpu.vector_load %arg6[%swap3A_1197, %swap3A_1198] {strides = array<i32>} : memref<3x80xi32, #tpu.memory_space<vmem>>, vector<1x16xi32>,
      %swap3A_1200 = vector.shape_cast %swap3A_1199 : vector<1x16xi32> to vector<16xi32>
      %swap3A_1201 = vector.shape_cast %and3A_1195 : vector<16xi32> to vector<1x16xi32>
      tpu.vector_store %arg6[%swap3A_1197, %swap3A_1198], %swap3A_1201 {strides = array<i32>} : memref<3x80xi32, #tpu.memory_space<vmem>>, vector<1x16xi32>,
      %shift_right_logical3A_1202 = arith.constant 16 : i32
      %shift_right_logical3A_1203 = vector.broadcast %shift_right_logical3A_1202 : i32 to vector<16xi32>
      %shift_right_logical3A_1204 = arith.shrui %get3A_1192, %shift_right_logical3A_1203 : vector<16xi32>
      %swap3A_1205 = arith.constant 1 : i32
      %swap3A_1206 = arith.index_cast %swap3A_1205 : i32 to index
      %swap3A_1207 = arith.constant 16 : index
      %swap3A_1208 = tpu.vector_load %arg7[%swap3A_1206, %swap3A_1207] {strides = array<i32>} : memref<3x80xi32, #tpu.memory_space<vmem>>, vector<1x16xi32>,
      %swap3A_1209 = vector.shape_cast %swap3A_1208 : vector<1x16xi32> to vector<16xi32>
      %swap3A_1210 = vector.shape_cast %shift_right_logical3A_1204 : vector<16xi32> to vector<1x16xi32>
      tpu.vector_store %arg7[%swap3A_1206, %swap3A_1207], %swap3A_1210 {strides = array<i32>} : memref<3x80xi32, #tpu.memory_space<vmem>>, vector<1x16xi32>,
      %get3A_1211 = arith.index_cast %add3A_1166 : i32 to index
      %get3A_1212 = arith.constant 32 : index
      %get3A_1213 = tpu.vector_load %arg5[%get3A_1211, %get3A_1212] {strides = array<i32>} : memref<125x80xi32, #tpu.memory_space<vmem>>, vector<1x16xi32>,
      %get3A_1214 = vector.shape_cast %get3A_1213 : vector<1x16xi32> to vector<16xi32>
      %and3A_1215 = arith.constant 65535 : i32
      %and3A_1216 = vector.broadcast %and3A_1215 : i32 to vector<16xi32>
      %and3A_1217 = arith.andi %get3A_1214, %and3A_1216 : vector<16xi32>
      %swap3A_1218 = arith.constant 1 : i32
      %swap3A_1219 = arith.index_cast %swap3A_1218 : i32 to index
      %swap3A_1220 = arith.constant 32 : index
      %swap3A_1221 = tpu.vector_load %arg6[%swap3A_1219, %swap3A_1220] {strides = array<i32>} : memref<3x80xi32, #tpu.memory_space<vmem>>, vector<1x16xi32>,
      %swap3A_1222 = vector.shape_cast %swap3A_1221 : vector<1x16xi32> to vector<16xi32>
      %swap3A_1223 = vector.shape_cast %and3A_1217 : vector<16xi32> to vector<1x16xi32>
      tpu.vector_store %arg6[%swap3A_1219, %swap3A_1220], %swap3A_1223 {strides = array<i32>} : memref<3x80xi32, #tpu.memory_space<vmem>>, vector<1x16xi32>,
      %shift_right_logical3A_1224 = arith.constant 16 : i32
      %shift_right_logical3A_1225 = vector.broadcast %shift_right_logical3A_1224 : i32 to vector<16xi32>
      %shift_right_logical3A_1226 = arith.shrui %get3A_1214, %shift_right_logical3A_1225 : vector<16xi32>
      %swap3A_1227 = arith.constant 1 : i32
      %swap3A_1228 = arith.index_cast %swap3A_1227 : i32 to index
      %swap3A_1229 = arith.constant 32 : index
      %swap3A_1230 = tpu.vector_load %arg7[%swap3A_1228, %swap3A_1229] {strides = array<i32>} : memref<3x80xi32, #tpu.memory_space<vmem>>, vector<1x16xi32>,
      %swap3A_1231 = vector.shape_cast %swap3A_1230 : vector<1x16xi32> to vector<16xi32>
      %swap3A_1232 = vector.shape_cast %shift_right_logical3A_1226 : vector<16xi32> to vector<1x16xi32>
      tpu.vector_store %arg7[%swap3A_1228, %swap3A_1229], %swap3A_1232 {strides = array<i32>} : memref<3x80xi32, #tpu.memory_space<vmem>>, vector<1x16xi32>,
      %get3A_1233 = arith.index_cast %add3A_1166 : i32 to index
      %get3A_1234 = arith.constant 48 : index
      %get3A_1235 = tpu.vector_load %arg5[%get3A_1233, %get3A_1234] {strides = array<i32>} : memref<125x80xi32, #tpu.memory_space<vmem>>, vector<1x16xi32>,
      %get3A_1236 = vector.shape_cast %get3A_1235 : vector<1x16xi32> to vector<16xi32>
      %and3A_1237 = arith.constant 65535 : i32
      %and3A_1238 = vector.broadcast %and3A_1237 : i32 to vector<16xi32>
      %and3A_1239 = arith.andi %get3A_1236, %and3A_1238 : vector<16xi32>
      %swap3A_1240 = arith.constant 1 : i32
      %swap3A_1241 = arith.index_cast %swap3A_1240 : i32 to index
      %swap3A_1242 = arith.constant 48 : index
      %swap3A_1243 = tpu.vector_load %arg6[%swap3A_1241, %swap3A_1242] {strides = array<i32>} : memref<3x80xi32, #tpu.memory_space<vmem>>, vector<1x16xi32>,
      %swap3A_1244 = vector.shape_cast %swap3A_1243 : vector<1x16xi32> to vector<16xi32>
      %swap3A_1245 = vector.shape_cast %and3A_1239 : vector<16xi32> to vector<1x16xi32>
      tpu.vector_store %arg6[%swap3A_1241, %swap3A_1242], %swap3A_1245 {strides = array<i32>} : memref<3x80xi32, #tpu.memory_space<vmem>>, vector<1x16xi32>,
      %shift_right_logical3A_1246 = arith.constant 16 : i32
      %shift_right_logical3A_1247 = vector.broadcast %shift_right_logical3A_1246 : i32 to vector<16xi32>
      %shift_right_logical3A_1248 = arith.shrui %get3A_1236, %shift_right_logical3A_1247 : vector<16xi32>
      %swap3A_1249 = arith.constant 1 : i32
      %swap3A_1250 = arith.index_cast %swap3A_1249 : i32 to index
      %swap3A_1251 = arith.constant 48 : index
      %swap3A_1252 = tpu.vector_load %arg7[%swap3A_1250, %swap3A_1251] {strides = array<i32>} : memref<3x80xi32, #tpu.memory_space<vmem>>, vector<1x16xi32>,
      %swap3A_1253 = vector.shape_cast %swap3A_1252 : vector<1x16xi32> to vector<16xi32>
      %swap3A_1254 = vector.shape_cast %shift_right_logical3A_1248 : vector<16xi32> to vector<1x16xi32>
      tpu.vector_store %arg7[%swap3A_1250, %swap3A_1251], %swap3A_1254 {strides = array<i32>} : memref<3x80xi32, #tpu.memory_space<vmem>>, vector<1x16xi32>,
      %get3A_1255 = arith.index_cast %add3A_1166 : i32 to index
      %get3A_1256 = arith.constant 64 : index
      %get3A_1257 = tpu.vector_load %arg5[%get3A_1255, %get3A_1256] {strides = array<i32>} : memref<125x80xi32, #tpu.memory_space<vmem>>, vector<1x16xi32>,
      %get3A_1258 = vector.shape_cast %get3A_1257 : vector<1x16xi32> to vector<16xi32>
      %and3A_1259 = arith.constant 65535 : i32
      %and3A_1260 = vector.broadcast %and3A_1259 : i32 to vector<16xi32>
      %and3A_1261 = arith.andi %get3A_1258, %and3A_1260 : vector<16xi32>
      %swap3A_1262 = arith.constant 1 : i32
      %swap3A_1263 = arith.index_cast %swap3A_1262 : i32 to index
      %swap3A_1264 = arith.constant 64 : index
      %swap3A_1265 = tpu.vector_load %arg6[%swap3A_1263, %swap3A_1264] {strides = array<i32>} : memref<3x80xi32, #tpu.memory_space<vmem>>, vector<1x16xi32>,
      %swap3A_1266 = vector.shape_cast %swap3A_1265 : vector<1x16xi32> to vector<16xi32>
      %swap3A_1267 = vector.shape_cast %and3A_1261 : vector<16xi32> to vector<1x16xi32>
      tpu.vector_store %arg6[%swap3A_1263, %swap3A_1264], %swap3A_1267 {strides = array<i32>} : memref<3x80xi32, #tpu.memory_space<vmem>>, vector<1x16xi32>,
      %shift_right_logical3A_1268 = arith.constant 16 : i32
      %shift_right_logical3A_1269 = vector.broadcast %shift_right_logical3A_1268 : i32 to vector<16xi32>
      %shift_right_logical3A_1270 = arith.shrui %get3A_1258, %shift_right_logical3A_1269 : vector<16xi32>
      %swap3A_1271 = arith.constant 1 : i32
      %swap3A_1272 = arith.index_cast %swap3A_1271 : i32 to index
      %swap3A_1273 = arith.constant 64 : index
      %swap3A_1274 = tpu.vector_load %arg7[%swap3A_1272, %swap3A_1273] {strides = array<i32>} : memref<3x80xi32, #tpu.memory_space<vmem>>, vector<1x16xi32>,
      %swap3A_1275 = vector.shape_cast %swap3A_1274 : vector<1x16xi32> to vector<16xi32>
      %swap3A_1276 = vector.shape_cast %shift_right_logical3A_1270 : vector<16xi32> to vector<1x16xi32>
      tpu.vector_store %arg7[%swap3A_1272, %swap3A_1273], %swap3A_1276 {strides = array<i32>} : memref<3x80xi32, #tpu.memory_space<vmem>>, vector<1x16xi32>,
      %dma_start3A_1277 = arith.constant 1 : i32
      %dma_start3A_1278 = arith.constant 1 : i32
      %dma_start3A_1279 = arith.constant 1 : i32
      %dma_start3A_1280 = arith.constant 0 : i32
      %dma_start3A_1281 = arith.constant 0 : i32
      %dma_start3A_1282 = tpu.memref_slice %arg8[%dma_start3A_1278, %dma_start3A_1280, %dma_start3A_1281] : memref<3x80x128xf32, #tpu.memory_space<vmem>> -> memref<1x80x128xf32, #tpu.memory_space<vmem>>
      %dma_start3A_1283 = tpu.memref_squeeze %dma_start3A_1282 : memref<1x80x128xf32, #tpu.memory_space<vmem>> -> memref<80x128xf32, #tpu.memory_space<vmem>>
      %dma_start3A_1284 = arith.constant 0 : i32
      %dma_start3A_1285 = tpu.memref_slice %arg6[%dma_start3A_1277, %dma_start3A_1284] : memref<3x80xi32, #tpu.memory_space<vmem>> -> memref<1x80xi32, #tpu.memory_space<vmem>>
      %dma_start3A_1286 = tpu.memref_squeeze %dma_start3A_1285 : memref<1x80xi32, #tpu.memory_space<vmem>> -> memref<80xi32, #tpu.memory_space<vmem>>
      %dma_start3A_1287 = arith.constant 0 : i32
      %dma_start3A_1288 = arith.constant 0 : i32
      %dma_start3A_1289 = tpu.memref_slice %arg2[%dma_start3A_1287, %dma_start3A_1288] : memref<10000x128xf32, #tpu.memory_space<hbm>> -> memref<10000x128xf32, #tpu.memory_space<hbm>>
      %dma_start3A_1290 = tpu.memref_slice %arg10[%dma_start3A_1279] : memref<3x!tpu.dma_semaphore, #tpu.memory_space<semaphore_mem>> -> memref<1x!tpu.dma_semaphore, #tpu.memory_space<semaphore_mem>>
      %dma_start3A_1291 = tpu.memref_squeeze %dma_start3A_1290 : memref<1x!tpu.dma_semaphore, #tpu.memory_space<semaphore_mem>> -> memref<!tpu.dma_semaphore, #tpu.memory_space<semaphore_mem>>
      tpu.enqueue_indirect_dma source(%dma_start3A_1289 : memref<10000x128xf32, #tpu.memory_space<hbm>>) target(%dma_start3A_1283 : memref<80x128xf32, #tpu.memory_space<vmem>>) offsets(%dma_start3A_1286 : memref<80xi32, #tpu.memory_space<vmem>>) semaphore(%dma_start3A_1291 : memref<!tpu.dma_semaphore, #tpu.memory_space<semaphore_mem>>)
      %add3A_1292 = arith.constant 2 : i32
      %add3A_1293 = arith.addi %add3A_945, %add3A_1292 : i32
      %dma_wait3A_1294 = arith.constant 0 : i32
      %dma_wait3A_1295 = arith.constant 0 : i32
      %dma_wait3A_1296 = arith.constant 0 : i32
      %dma_wait3A_1297 = arith.constant 0 : i32
      %dma_wait3A_1298 = arith.constant 0 : i32
      %dma_wait3A_1299 = tpu.memref_slice %arg8[%dma_wait3A_1295, %dma_wait3A_1297, %dma_wait3A_1298] : memref<3x80x128xf32, #tpu.memory_space<vmem>> -> memref<1x80x128xf32, #tpu.memory_space<vmem>>
      %dma_wait3A_1300 = tpu.memref_squeeze %dma_wait3A_1299 : memref<1x80x128xf32, #tpu.memory_space<vmem>> -> memref<80x128xf32, #tpu.memory_space<vmem>>
      %dma_wait3A_1301 = arith.constant 0 : i32
      %dma_wait3A_1302 = tpu.memref_slice %arg6[%dma_wait3A_1294, %dma_wait3A_1301] : memref<3x80xi32, #tpu.memory_space<vmem>> -> memref<1x80xi32, #tpu.memory_space<vmem>>
      %dma_wait3A_1303 = tpu.memref_squeeze %dma_wait3A_1302 : memref<1x80xi32, #tpu.memory_space<vmem>> -> memref<80xi32, #tpu.memory_space<vmem>>
      %dma_wait3A_1304 = arith.constant 0 : i32
      %dma_wait3A_1305 = arith.constant 0 : i32
      %dma_wait3A_1306 = tpu.memref_slice %arg2[%dma_wait3A_1304, %dma_wait3A_1305] : memref<10000x128xf32, #tpu.memory_space<hbm>> -> memref<10000x128xf32, #tpu.memory_space<hbm>>
      %dma_wait3A_1307 = tpu.memref_slice %arg10[%dma_wait3A_1296] : memref<3x!tpu.dma_semaphore, #tpu.memory_space<semaphore_mem>> -> memref<1x!tpu.dma_semaphore, #tpu.memory_space<semaphore_mem>>
      %dma_wait3A_1308 = tpu.memref_squeeze %dma_wait3A_1307 : memref<1x!tpu.dma_semaphore, #tpu.memory_space<semaphore_mem>> -> memref<!tpu.dma_semaphore, #tpu.memory_space<semaphore_mem>>
      tpu.wait_indirect_dma semaphore(%dma_wait3A_1308 : memref<!tpu.dma_semaphore, #tpu.memory_space<semaphore_mem>>) src(%dma_wait3A_1306 : memref<10000x128xf32, #tpu.memory_space<hbm>>) dst(%dma_wait3A_1300 : memref<80x128xf32, #tpu.memory_space<vmem>>)
      %dma_wait3A_1309 = arith.constant 2 : i32
      %dma_wait3A_1310 = arith.constant 2 : i32
      %dma_wait3A_1311 = arith.constant 2 : i32
      %dma_wait3A_1312 = arith.constant 0 : i32
      %dma_wait3A_1313 = arith.constant 0 : i32
      %dma_wait3A_1314 = tpu.memref_slice %arg8[%dma_wait3A_1309, %dma_wait3A_1312, %dma_wait3A_1313] : memref<3x80x128xf32, #tpu.memory_space<vmem>> -> memref<1x80x128xf32, #tpu.memory_space<vmem>>
      %dma_wait3A_1315 = tpu.memref_squeeze %dma_wait3A_1314 : memref<1x80x128xf32, #tpu.memory_space<vmem>> -> memref<80x128xf32, #tpu.memory_space<vmem>>
      %dma_wait3A_1316 = arith.constant 0 : i32
      %dma_wait3A_1317 = tpu.memref_slice %arg7[%dma_wait3A_1310, %dma_wait3A_1316] : memref<3x80xi32, #tpu.memory_space<vmem>> -> memref<1x80xi32, #tpu.memory_space<vmem>>
      %dma_wait3A_1318 = tpu.memref_squeeze %dma_wait3A_1317 : memref<1x80xi32, #tpu.memory_space<vmem>> -> memref<80xi32, #tpu.memory_space<vmem>>
      %dma_wait3A_1319 = arith.constant 0 : i32
      %dma_wait3A_1320 = arith.constant 0 : i32
      %dma_wait3A_1321 = tpu.memref_slice %arg9[%dma_wait3A_1319, %dma_wait3A_1320] : memref<10240x128xf32, #tpu.memory_space<vmem_shared>> -> memref<10240x128xf32, #tpu.memory_space<vmem_shared>>
      %dma_wait3A_1322 = tpu.memref_slice %arg11[%dma_wait3A_1311] : memref<3x!tpu.dma_semaphore, #tpu.memory_space<semaphore_mem>> -> memref<1x!tpu.dma_semaphore, #tpu.memory_space<semaphore_mem>>
      %dma_wait3A_1323 = tpu.memref_squeeze %dma_wait3A_1322 : memref<1x!tpu.dma_semaphore, #tpu.memory_space<semaphore_mem>> -> memref<!tpu.dma_semaphore, #tpu.memory_space<semaphore_mem>>
      tpu.wait_indirect_dma semaphore(%dma_wait3A_1323 : memref<!tpu.dma_semaphore, #tpu.memory_space<semaphore_mem>>) src(%dma_wait3A_1315 : memref<80x128xf32, #tpu.memory_space<vmem>>) dst(%dma_wait3A_1321 : memref<10240x128xf32, #tpu.memory_space<vmem_shared>>)
      %dma_start3A_1324 = arith.constant 0 : i32
      %dma_start3A_1325 = arith.constant 0 : i32
      %dma_start3A_1326 = arith.constant 0 : i32
      %dma_start3A_1327 = arith.constant 0 : i32
      %dma_start3A_1328 = arith.constant 0 : i32
      %dma_start3A_1329 = tpu.memref_slice %arg8[%dma_start3A_1324, %dma_start3A_1327, %dma_start3A_1328] : memref<3x80x128xf32, #tpu.memory_space<vmem>> -> memref<1x80x128xf32, #tpu.memory_space<vmem>>
      %dma_start3A_1330 = tpu.memref_squeeze %dma_start3A_1329 : memref<1x80x128xf32, #tpu.memory_space<vmem>> -> memref<80x128xf32, #tpu.memory_space<vmem>>
      %dma_start3A_1331 = arith.constant 0 : i32
      %dma_start3A_1332 = tpu.memref_slice %arg7[%dma_start3A_1325, %dma_start3A_1331] : memref<3x80xi32, #tpu.memory_space<vmem>> -> memref<1x80xi32, #tpu.memory_space<vmem>>
      %dma_start3A_1333 = tpu.memref_squeeze %dma_start3A_1332 : memref<1x80xi32, #tpu.memory_space<vmem>> -> memref<80xi32, #tpu.memory_space<vmem>>
      %dma_start3A_1334 = arith.constant 0 : i32
      %dma_start3A_1335 = arith.constant 0 : i32
      %dma_start3A_1336 = tpu.memref_slice %arg9[%dma_start3A_1334, %dma_start3A_1335] : memref<10240x128xf32, #tpu.memory_space<vmem_shared>> -> memref<10240x128xf32, #tpu.memory_space<vmem_shared>>
      %dma_start3A_1337 = tpu.memref_slice %arg11[%dma_start3A_1326] : memref<3x!tpu.dma_semaphore, #tpu.memory_space<semaphore_mem>> -> memref<1x!tpu.dma_semaphore, #tpu.memory_space<semaphore_mem>>
      %dma_start3A_1338 = tpu.memref_squeeze %dma_start3A_1337 : memref<1x!tpu.dma_semaphore, #tpu.memory_space<semaphore_mem>> -> memref<!tpu.dma_semaphore, #tpu.memory_space<semaphore_mem>>
      tpu.enqueue_indirect_dma source(%dma_start3A_1330 : memref<80x128xf32, #tpu.memory_space<vmem>>) target(%dma_start3A_1336 : memref<10240x128xf32, #tpu.memory_space<vmem_shared>>) offsets(%dma_start3A_1333 : memref<80xi32, #tpu.memory_space<vmem>>) semaphore(%dma_start3A_1338 : memref<!tpu.dma_semaphore, #tpu.memory_space<semaphore_mem>>) {add = true}
      %add3A_1339 = arith.constant 2 : i32
      %add3A_1340 = arith.addi %add3A_1293, %add3A_1339 : i32
      %get3A_1341 = arith.index_cast %add3A_1340 : i32 to index
      %get3A_1342 = arith.constant 0 : index
      %get3A_1343 = tpu.vector_load %arg5[%get3A_1341, %get3A_1342] {strides = array<i32>} : memref<125x80xi32, #tpu.memory_space<vmem>>, vector<1x16xi32>,
      %get3A_1344 = vector.shape_cast %get3A_1343 : vector<1x16xi32> to vector<16xi32>
      %and3A_1345 = arith.constant 65535 : i32
      %and3A_1346 = vector.broadcast %and3A_1345 : i32 to vector<16xi32>
      %and3A_1347 = arith.andi %get3A_1344, %and3A_1346 : vector<16xi32>
      %swap3A_1348 = arith.constant 2 : i32
      %swap3A_1349 = arith.index_cast %swap3A_1348 : i32 to index
      %swap3A_1350 = arith.constant 0 : index
      %swap3A_1351 = tpu.vector_load %arg6[%swap3A_1349, %swap3A_1350] {strides = array<i32>} : memref<3x80xi32, #tpu.memory_space<vmem>>, vector<1x16xi32>,
      %swap3A_1352 = vector.shape_cast %swap3A_1351 : vector<1x16xi32> to vector<16xi32>
      %swap3A_1353 = vector.shape_cast %and3A_1347 : vector<16xi32> to vector<1x16xi32>
      tpu.vector_store %arg6[%swap3A_1349, %swap3A_1350], %swap3A_1353 {strides = array<i32>} : memref<3x80xi32, #tpu.memory_space<vmem>>, vector<1x16xi32>,
      %shift_right_logical3A_1354 = arith.constant 16 : i32
      %shift_right_logical3A_1355 = vector.broadcast %shift_right_logical3A_1354 : i32 to vector<16xi32>
      %shift_right_logical3A_1356 = arith.shrui %get3A_1344, %shift_right_logical3A_1355 : vector<16xi32>
      %swap3A_1357 = arith.constant 2 : i32
      %swap3A_1358 = arith.index_cast %swap3A_1357 : i32 to index
      %swap3A_1359 = arith.constant 0 : index
      %swap3A_1360 = tpu.vector_load %arg7[%swap3A_1358, %swap3A_1359] {strides = array<i32>} : memref<3x80xi32, #tpu.memory_space<vmem>>, vector<1x16xi32>,
      %swap3A_1361 = vector.shape_cast %swap3A_1360 : vector<1x16xi32> to vector<16xi32>
      %swap3A_1362 = vector.shape_cast %shift_right_logical3A_1356 : vector<16xi32> to vector<1x16xi32>
      tpu.vector_store %arg7[%swap3A_1358, %swap3A_1359], %swap3A_1362 {strides = array<i32>} : memref<3x80xi32, #tpu.memory_space<vmem>>, vector<1x16xi32>,
      %get3A_1363 = arith.index_cast %add3A_1340 : i32 to index
      %get3A_1364 = arith.constant 16 : index
      %get3A_1365 = tpu.vector_load %arg5[%get3A_1363, %get3A_1364] {strides = array<i32>} : memref<125x80xi32, #tpu.memory_space<vmem>>, vector<1x16xi32>,
      %get3A_1366 = vector.shape_cast %get3A_1365 : vector<1x16xi32> to vector<16xi32>
      %and3A_1367 = arith.constant 65535 : i32
      %and3A_1368 = vector.broadcast %and3A_1367 : i32 to vector<16xi32>
      %and3A_1369 = arith.andi %get3A_1366, %and3A_1368 : vector<16xi32>
      %swap3A_1370 = arith.constant 2 : i32
      %swap3A_1371 = arith.index_cast %swap3A_1370 : i32 to index
      %swap3A_1372 = arith.constant 16 : index
      %swap3A_1373 = tpu.vector_load %arg6[%swap3A_1371, %swap3A_1372] {strides = array<i32>} : memref<3x80xi32, #tpu.memory_space<vmem>>, vector<1x16xi32>,
      %swap3A_1374 = vector.shape_cast %swap3A_1373 : vector<1x16xi32> to vector<16xi32>
      %swap3A_1375 = vector.shape_cast %and3A_1369 : vector<16xi32> to vector<1x16xi32>
      tpu.vector_store %arg6[%swap3A_1371, %swap3A_1372], %swap3A_1375 {strides = array<i32>} : memref<3x80xi32, #tpu.memory_space<vmem>>, vector<1x16xi32>,
      %shift_right_logical3A_1376 = arith.constant 16 : i32
      %shift_right_logical3A_1377 = vector.broadcast %shift_right_logical3A_1376 : i32 to vector<16xi32>
      %shift_right_logical3A_1378 = arith.shrui %get3A_1366, %shift_right_logical3A_1377 : vector<16xi32>
      %swap3A_1379 = arith.constant 2 : i32
      %swap3A_1380 = arith.index_cast %swap3A_1379 : i32 to index
      %swap3A_1381 = arith.constant 16 : index
      %swap3A_1382 = tpu.vector_load %arg7[%swap3A_1380, %swap3A_1381] {strides = array<i32>} : memref<3x80xi32, #tpu.memory_space<vmem>>, vector<1x16xi32>,
      %swap3A_1383 = vector.shape_cast %swap3A_1382 : vector<1x16xi32> to vector<16xi32>
      %swap3A_1384 = vector.shape_cast %shift_right_logical3A_1378 : vector<16xi32> to vector<1x16xi32>
      tpu.vector_store %arg7[%swap3A_1380, %swap3A_1381], %swap3A_1384 {strides = array<i32>} : memref<3x80xi32, #tpu.memory_space<vmem>>, vector<1x16xi32>,
      %get3A_1385 = arith.index_cast %add3A_1340 : i32 to index
      %get3A_1386 = arith.constant 32 : index
      %get3A_1387 = tpu.vector_load %arg5[%get3A_1385, %get3A_1386] {strides = array<i32>} : memref<125x80xi32, #tpu.memory_space<vmem>>, vector<1x16xi32>,
      %get3A_1388 = vector.shape_cast %get3A_1387 : vector<1x16xi32> to vector<16xi32>
      %and3A_1389 = arith.constant 65535 : i32
      %and3A_1390 = vector.broadcast %and3A_1389 : i32 to vector<16xi32>
      %and3A_1391 = arith.andi %get3A_1388, %and3A_1390 : vector<16xi32>
      %swap3A_1392 = arith.constant 2 : i32
      %swap3A_1393 = arith.index_cast %swap3A_1392 : i32 to index
      %swap3A_1394 = arith.constant 32 : index
      %swap3A_1395 = tpu.vector_load %arg6[%swap3A_1393, %swap3A_1394] {strides = array<i32>} : memref<3x80xi32, #tpu.memory_space<vmem>>, vector<1x16xi32>,
      %swap3A_1396 = vector.shape_cast %swap3A_1395 : vector<1x16xi32> to vector<16xi32>
      %swap3A_1397 = vector.shape_cast %and3A_1391 : vector<16xi32> to vector<1x16xi32>
      tpu.vector_store %arg6[%swap3A_1393, %swap3A_1394], %swap3A_1397 {strides = array<i32>} : memref<3x80xi32, #tpu.memory_space<vmem>>, vector<1x16xi32>,
      %shift_right_logical3A_1398 = arith.constant 16 : i32
      %shift_right_logical3A_1399 = vector.broadcast %shift_right_logical3A_1398 : i32 to vector<16xi32>
      %shift_right_logical3A_1400 = arith.shrui %get3A_1388, %shift_right_logical3A_1399 : vector<16xi32>
      %swap3A_1401 = arith.constant 2 : i32
      %swap3A_1402 = arith.index_cast %swap3A_1401 : i32 to index
      %swap3A_1403 = arith.constant 32 : index
      %swap3A_1404 = tpu.vector_load %arg7[%swap3A_1402, %swap3A_1403] {strides = array<i32>} : memref<3x80xi32, #tpu.memory_space<vmem>>, vector<1x16xi32>,
      %swap3A_1405 = vector.shape_cast %swap3A_1404 : vector<1x16xi32> to vector<16xi32>
      %swap3A_1406 = vector.shape_cast %shift_right_logical3A_1400 : vector<16xi32> to vector<1x16xi32>
      tpu.vector_store %arg7[%swap3A_1402, %swap3A_1403], %swap3A_1406 {strides = array<i32>} : memref<3x80xi32, #tpu.memory_space<vmem>>, vector<1x16xi32>,
      %get3A_1407 = arith.index_cast %add3A_1340 : i32 to index
      %get3A_1408 = arith.constant 48 : index
      %get3A_1409 = tpu.vector_load %arg5[%get3A_1407, %get3A_1408] {strides = array<i32>} : memref<125x80xi32, #tpu.memory_space<vmem>>, vector<1x16xi32>,
      %get3A_1410 = vector.shape_cast %get3A_1409 : vector<1x16xi32> to vector<16xi32>
      %and3A_1411 = arith.constant 65535 : i32
      %and3A_1412 = vector.broadcast %and3A_1411 : i32 to vector<16xi32>
      %and3A_1413 = arith.andi %get3A_1410, %and3A_1412 : vector<16xi32>
      %swap3A_1414 = arith.constant 2 : i32
      %swap3A_1415 = arith.index_cast %swap3A_1414 : i32 to index
      %swap3A_1416 = arith.constant 48 : index
      %swap3A_1417 = tpu.vector_load %arg6[%swap3A_1415, %swap3A_1416] {strides = array<i32>} : memref<3x80xi32, #tpu.memory_space<vmem>>, vector<1x16xi32>,
      %swap3A_1418 = vector.shape_cast %swap3A_1417 : vector<1x16xi32> to vector<16xi32>
      %swap3A_1419 = vector.shape_cast %and3A_1413 : vector<16xi32> to vector<1x16xi32>
      tpu.vector_store %arg6[%swap3A_1415, %swap3A_1416], %swap3A_1419 {strides = array<i32>} : memref<3x80xi32, #tpu.memory_space<vmem>>, vector<1x16xi32>,
      %shift_right_logical3A_1420 = arith.constant 16 : i32
      %shift_right_logical3A_1421 = vector.broadcast %shift_right_logical3A_1420 : i32 to vector<16xi32>
      %shift_right_logical3A_1422 = arith.shrui %get3A_1410, %shift_right_logical3A_1421 : vector<16xi32>
      %swap3A_1423 = arith.constant 2 : i32
      %swap3A_1424 = arith.index_cast %swap3A_1423 : i32 to index
      %swap3A_1425 = arith.constant 48 : index
      %swap3A_1426 = tpu.vector_load %arg7[%swap3A_1424, %swap3A_1425] {strides = array<i32>} : memref<3x80xi32, #tpu.memory_space<vmem>>, vector<1x16xi32>,
      %swap3A_1427 = vector.shape_cast %swap3A_1426 : vector<1x16xi32> to vector<16xi32>
      %swap3A_1428 = vector.shape_cast %shift_right_logical3A_1422 : vector<16xi32> to vector<1x16xi32>
      tpu.vector_store %arg7[%swap3A_1424, %swap3A_1425], %swap3A_1428 {strides = array<i32>} : memref<3x80xi32, #tpu.memory_space<vmem>>, vector<1x16xi32>,
      %get3A_1429 = arith.index_cast %add3A_1340 : i32 to index
      %get3A_1430 = arith.constant 64 : index
      %get3A_1431 = tpu.vector_load %arg5[%get3A_1429, %get3A_1430] {strides = array<i32>} : memref<125x80xi32, #tpu.memory_space<vmem>>, vector<1x16xi32>,
      %get3A_1432 = vector.shape_cast %get3A_1431 : vector<1x16xi32> to vector<16xi32>
      %and3A_1433 = arith.constant 65535 : i32
      %and3A_1434 = vector.broadcast %and3A_1433 : i32 to vector<16xi32>
      %and3A_1435 = arith.andi %get3A_1432, %and3A_1434 : vector<16xi32>
      %swap3A_1436 = arith.constant 2 : i32
      %swap3A_1437 = arith.index_cast %swap3A_1436 : i32 to index
      %swap3A_1438 = arith.constant 64 : index
      %swap3A_1439 = tpu.vector_load %arg6[%swap3A_1437, %swap3A_1438] {strides = array<i32>} : memref<3x80xi32, #tpu.memory_space<vmem>>, vector<1x16xi32>,
      %swap3A_1440 = vector.shape_cast %swap3A_1439 : vector<1x16xi32> to vector<16xi32>
      %swap3A_1441 = vector.shape_cast %and3A_1435 : vector<16xi32> to vector<1x16xi32>
      tpu.vector_store %arg6[%swap3A_1437, %swap3A_1438], %swap3A_1441 {strides = array<i32>} : memref<3x80xi32, #tpu.memory_space<vmem>>, vector<1x16xi32>,
      %shift_right_logical3A_1442 = arith.constant 16 : i32
      %shift_right_logical3A_1443 = vector.broadcast %shift_right_logical3A_1442 : i32 to vector<16xi32>
      %shift_right_logical3A_1444 = arith.shrui %get3A_1432, %shift_right_logical3A_1443 : vector<16xi32>
      %swap3A_1445 = arith.constant 2 : i32
      %swap3A_1446 = arith.index_cast %swap3A_1445 : i32 to index
      %swap3A_1447 = arith.constant 64 : index
      %swap3A_1448 = tpu.vector_load %arg7[%swap3A_1446, %swap3A_1447] {strides = array<i32>} : memref<3x80xi32, #tpu.memory_space<vmem>>, vector<1x16xi32>,
      %swap3A_1449 = vector.shape_cast %swap3A_1448 : vector<1x16xi32> to vector<16xi32>
      %swap3A_1450 = vector.shape_cast %shift_right_logical3A_1444 : vector<16xi32> to vector<1x16xi32>
      tpu.vector_store %arg7[%swap3A_1446, %swap3A_1447], %swap3A_1450 {strides = array<i32>} : memref<3x80xi32, #tpu.memory_space<vmem>>, vector<1x16xi32>,
      %dma_start3A_1451 = arith.constant 2 : i32
      %dma_start3A_1452 = arith.constant 2 : i32
      %dma_start3A_1453 = arith.constant 2 : i32
      %dma_start3A_1454 = arith.constant 0 : i32
      %dma_start3A_1455 = arith.constant 0 : i32
      %dma_start3A_1456 = tpu.memref_slice %arg8[%dma_start3A_1452, %dma_start3A_1454, %dma_start3A_1455] : memref<3x80x128xf32, #tpu.memory_space<vmem>> -> memref<1x80x128xf32, #tpu.memory_space<vmem>>
      %dma_start3A_1457 = tpu.memref_squeeze %dma_start3A_1456 : memref<1x80x128xf32, #tpu.memory_space<vmem>> -> memref<80x128xf32, #tpu.memory_space<vmem>>
      %dma_start3A_1458 = arith.constant 0 : i32
      %dma_start3A_1459 = tpu.memref_slice %arg6[%dma_start3A_1451, %dma_start3A_1458] : memref<3x80xi32, #tpu.memory_space<vmem>> -> memref<1x80xi32, #tpu.memory_space<vmem>>
      %dma_start3A_1460 = tpu.memref_squeeze %dma_start3A_1459 : memref<1x80xi32, #tpu.memory_space<vmem>> -> memref<80xi32, #tpu.memory_space<vmem>>
      %dma_start3A_1461 = arith.constant 0 : i32
      %dma_start3A_1462 = arith.constant 0 : i32
      %dma_start3A_1463 = tpu.memref_slice %arg2[%dma_start3A_1461, %dma_start3A_1462] : memref<10000x128xf32, #tpu.memory_space<hbm>> -> memref<10000x128xf32, #tpu.memory_space<hbm>>
      %dma_start3A_1464 = tpu.memref_slice %arg10[%dma_start3A_1453] : memref<3x!tpu.dma_semaphore, #tpu.memory_space<semaphore_mem>> -> memref<1x!tpu.dma_semaphore, #tpu.memory_space<semaphore_mem>>
      %dma_start3A_1465 = tpu.memref_squeeze %dma_start3A_1464 : memref<1x!tpu.dma_semaphore, #tpu.memory_space<semaphore_mem>> -> memref<!tpu.dma_semaphore, #tpu.memory_space<semaphore_mem>>
      tpu.enqueue_indirect_dma source(%dma_start3A_1463 : memref<10000x128xf32, #tpu.memory_space<hbm>>) target(%dma_start3A_1457 : memref<80x128xf32, #tpu.memory_space<vmem>>) offsets(%dma_start3A_1460 : memref<80xi32, #tpu.memory_space<vmem>>) semaphore(%dma_start3A_1465 : memref<!tpu.dma_semaphore, #tpu.memory_space<semaphore_mem>>)
    }
    %scan3A_464 = arith.constant 40 : i32
    %dma_wait3A_465 = arith.constant 1 : i32
    %dma_wait3A_466 = arith.constant 1 : i32
    %dma_wait3A_467 = arith.constant 1 : i32
    %dma_wait3A_468 = arith.constant 0 : i32
    %dma_wait3A_469 = arith.constant 0 : i32
    %dma_wait3A_470 = tpu.memref_slice %arg8[%dma_wait3A_466, %dma_wait3A_468, %dma_wait3A_469] : memref<3x80x128xf32, #tpu.memory_space<vmem>> -> memref<1x80x128xf32, #tpu.memory_space<vmem>>
    %dma_wait3A_471 = tpu.memref_squeeze %dma_wait3A_470 : memref<1x80x128xf32, #tpu.memory_space<vmem>> -> memref<80x128xf32, #tpu.memory_space<vmem>>
    %dma_wait3A_472 = arith.constant 0 : i32
    %dma_wait3A_473 = tpu.memref_slice %arg6[%dma_wait3A_465, %dma_wait3A_472] : memref<3x80xi32, #tpu.memory_space<vmem>> -> memref<1x80xi32, #tpu.memory_space<vmem>>
    %dma_wait3A_474 = tpu.memref_squeeze %dma_wait3A_473 : memref<1x80xi32, #tpu.memory_space<vmem>> -> memref<80xi32, #tpu.memory_space<vmem>>
    %dma_wait3A_475 = arith.constant 0 : i32
    %dma_wait3A_476 = arith.constant 0 : i32
    %dma_wait3A_477 = tpu.memref_slice %arg2[%dma_wait3A_475, %dma_wait3A_476] : memref<10000x128xf32, #tpu.memory_space<hbm>> -> memref<10000x128xf32, #tpu.memory_space<hbm>>
    %dma_wait3A_478 = tpu.memref_slice %arg10[%dma_wait3A_467] : memref<3x!tpu.dma_semaphore, #tpu.memory_space<semaphore_mem>> -> memref<1x!tpu.dma_semaphore, #tpu.memory_space<semaphore_mem>>
    %dma_wait3A_479 = tpu.memref_squeeze %dma_wait3A_478 : memref<1x!tpu.dma_semaphore, #tpu.memory_space<semaphore_mem>> -> memref<!tpu.dma_semaphore, #tpu.memory_space<semaphore_mem>>
    tpu.wait_indirect_dma semaphore(%dma_wait3A_479 : memref<!tpu.dma_semaphore, #tpu.memory_space<semaphore_mem>>) src(%dma_wait3A_477 : memref<10000x128xf32, #tpu.memory_space<hbm>>) dst(%dma_wait3A_471 : memref<80x128xf32, #tpu.memory_space<vmem>>)
    %dma_wait3A_480 = arith.constant 0 : i32
    %dma_wait3A_481 = arith.constant 0 : i32
    %dma_wait3A_482 = arith.constant 0 : i32
    %dma_wait3A_483 = arith.constant 0 : i32
    %dma_wait3A_484 = arith.constant 0 : i32
    %dma_wait3A_485 = tpu.memref_slice %arg8[%dma_wait3A_480, %dma_wait3A_483, %dma_wait3A_484] : memref<3x80x128xf32, #tpu.memory_space<vmem>> -> memref<1x80x128xf32, #tpu.memory_space<vmem>>
    %dma_wait3A_486 = tpu.memref_squeeze %dma_wait3A_485 : memref<1x80x128xf32, #tpu.memory_space<vmem>> -> memref<80x128xf32, #tpu.memory_space<vmem>>
    %dma_wait3A_487 = arith.constant 0 : i32
    %dma_wait3A_488 = tpu.memref_slice %arg7[%dma_wait3A_481, %dma_wait3A_487] : memref<3x80xi32, #tpu.memory_space<vmem>> -> memref<1x80xi32, #tpu.memory_space<vmem>>
    %dma_wait3A_489 = tpu.memref_squeeze %dma_wait3A_488 : memref<1x80xi32, #tpu.memory_space<vmem>> -> memref<80xi32, #tpu.memory_space<vmem>>
    %dma_wait3A_490 = arith.constant 0 : i32
    %dma_wait3A_491 = arith.constant 0 : i32
    %dma_wait3A_492 = tpu.memref_slice %arg9[%dma_wait3A_490, %dma_wait3A_491] : memref<10240x128xf32, #tpu.memory_space<vmem_shared>> -> memref<10240x128xf32, #tpu.memory_space<vmem_shared>>
    %dma_wait3A_493 = tpu.memref_slice %arg11[%dma_wait3A_482] : memref<3x!tpu.dma_semaphore, #tpu.memory_space<semaphore_mem>> -> memref<1x!tpu.dma_semaphore, #tpu.memory_space<semaphore_mem>>
    %dma_wait3A_494 = tpu.memref_squeeze %dma_wait3A_493 : memref<1x!tpu.dma_semaphore, #tpu.memory_space<semaphore_mem>> -> memref<!tpu.dma_semaphore, #tpu.memory_space<semaphore_mem>>
    tpu.wait_indirect_dma semaphore(%dma_wait3A_494 : memref<!tpu.dma_semaphore, #tpu.memory_space<semaphore_mem>>) src(%dma_wait3A_486 : memref<80x128xf32, #tpu.memory_space<vmem>>) dst(%dma_wait3A_492 : memref<10240x128xf32, #tpu.memory_space<vmem_shared>>)
    %dma_start3A_495 = arith.constant 1 : i32
    %dma_start3A_496 = arith.constant 1 : i32
    %dma_start3A_497 = arith.constant 1 : i32
    %dma_start3A_498 = arith.constant 0 : i32
    %dma_start3A_499 = arith.constant 0 : i32
    %dma_start3A_500 = tpu.memref_slice %arg8[%dma_start3A_495, %dma_start3A_498, %dma_start3A_499] : memref<3x80x128xf32, #tpu.memory_space<vmem>> -> memref<1x80x128xf32, #tpu.memory_space<vmem>>
    %dma_start3A_501 = tpu.memref_squeeze %dma_start3A_500 : memref<1x80x128xf32, #tpu.memory_space<vmem>> -> memref<80x128xf32, #tpu.memory_space<vmem>>
    %dma_start3A_502 = arith.constant 0 : i32
    %dma_start3A_503 = tpu.memref_slice %arg7[%dma_start3A_496, %dma_start3A_502] : memref<3x80xi32, #tpu.memory_space<vmem>> -> memref<1x80xi32, #tpu.memory_space<vmem>>
    %dma_start3A_504 = tpu.memref_squeeze %dma_start3A_503 : memref<1x80xi32, #tpu.memory_space<vmem>> -> memref<80xi32, #tpu.memory_space<vmem>>
    %dma_start3A_505 = arith.constant 0 : i32
    %dma_start3A_506 = arith.constant 0 : i32
    %dma_start3A_507 = tpu.memref_slice %arg9[%dma_start3A_505, %dma_start3A_506] : memref<10240x128xf32, #tpu.memory_space<vmem_shared>> -> memref<10240x128xf32, #tpu.memory_space<vmem_shared>>
    %dma_start3A_508 = tpu.memref_slice %arg11[%dma_start3A_497] : memref<3x!tpu.dma_semaphore, #tpu.memory_space<semaphore_mem>> -> memref<1x!tpu.dma_semaphore, #tpu.memory_space<semaphore_mem>>
    %dma_start3A_509 = tpu.memref_squeeze %dma_start3A_508 : memref<1x!tpu.dma_semaphore, #tpu.memory_space<semaphore_mem>> -> memref<!tpu.dma_semaphore, #tpu.memory_space<semaphore_mem>>
    tpu.enqueue_indirect_dma source(%dma_start3A_501 : memref<80x128xf32, #tpu.memory_space<vmem>>) target(%dma_start3A_507 : memref<10240x128xf32, #tpu.memory_space<vmem_shared>>) offsets(%dma_start3A_504 : memref<80xi32, #tpu.memory_space<vmem>>) semaphore(%dma_start3A_509 : memref<!tpu.dma_semaphore, #tpu.memory_space<semaphore_mem>>) {add = true}
    %get3A_510 = arith.constant 123 : i32
    %get3A_511 = arith.index_cast %get3A_510 : i32 to index
    %get3A_512 = arith.constant 0 : index
    %get3A_513 = tpu.vector_load %arg5[%get3A_511, %get3A_512] {strides = array<i32>} : memref<125x80xi32, #tpu.memory_space<vmem>>, vector<1x16xi32>,
    %get3A_514 = vector.shape_cast %get3A_513 : vector<1x16xi32> to vector<16xi32>
    %and3A_515 = arith.constant 65535 : i32
    %and3A_516 = vector.broadcast %and3A_515 : i32 to vector<16xi32>
    %and3A_517 = arith.andi %get3A_514, %and3A_516 : vector<16xi32>
    %swap3A_518 = arith.constant 0 : i32
    %swap3A_519 = arith.index_cast %swap3A_518 : i32 to index
    %swap3A_520 = arith.constant 0 : index
    %swap3A_521 = tpu.vector_load %arg6[%swap3A_519, %swap3A_520] {strides = array<i32>} : memref<3x80xi32, #tpu.memory_space<vmem>>, vector<1x16xi32>,
    %swap3A_522 = vector.shape_cast %swap3A_521 : vector<1x16xi32> to vector<16xi32>
    %swap3A_523 = vector.shape_cast %and3A_517 : vector<16xi32> to vector<1x16xi32>
    tpu.vector_store %arg6[%swap3A_519, %swap3A_520], %swap3A_523 {strides = array<i32>} : memref<3x80xi32, #tpu.memory_space<vmem>>, vector<1x16xi32>,
    %shift_right_logical3A_524 = arith.constant 16 : i32
    %shift_right_logical3A_525 = vector.broadcast %shift_right_logical3A_524 : i32 to vector<16xi32>
    %shift_right_logical3A_526 = arith.shrui %get3A_514, %shift_right_logical3A_525 : vector<16xi32>
    %swap3A_527 = arith.constant 0 : i32
    %swap3A_528 = arith.index_cast %swap3A_527 : i32 to index
    %swap3A_529 = arith.constant 0 : index
    %swap3A_530 = tpu.vector_load %arg7[%swap3A_528, %swap3A_529] {strides = array<i32>} : memref<3x80xi32, #tpu.memory_space<vmem>>, vector<1x16xi32>,
    %swap3A_531 = vector.shape_cast %swap3A_530 : vector<1x16xi32> to vector<16xi32>
    %swap3A_532 = vector.shape_cast %shift_right_logical3A_526 : vector<16xi32> to vector<1x16xi32>
    tpu.vector_store %arg7[%swap3A_528, %swap3A_529], %swap3A_532 {strides = array<i32>} : memref<3x80xi32, #tpu.memory_space<vmem>>, vector<1x16xi32>,
    %get3A_533 = arith.constant 123 : i32
    %get3A_534 = arith.index_cast %get3A_533 : i32 to index
    %get3A_535 = arith.constant 16 : index
    %get3A_536 = tpu.vector_load %arg5[%get3A_534, %get3A_535] {strides = array<i32>} : memref<125x80xi32, #tpu.memory_space<vmem>>, vector<1x16xi32>,
    %get3A_537 = vector.shape_cast %get3A_536 : vector<1x16xi32> to vector<16xi32>
    %and3A_538 = arith.constant 65535 : i32
    %and3A_539 = vector.broadcast %and3A_538 : i32 to vector<16xi32>
    %and3A_540 = arith.andi %get3A_537, %and3A_539 : vector<16xi32>
    %swap3A_541 = arith.constant 0 : i32
    %swap3A_542 = arith.index_cast %swap3A_541 : i32 to index
    %swap3A_543 = arith.constant 16 : index
    %swap3A_544 = tpu.vector_load %arg6[%swap3A_542, %swap3A_543] {strides = array<i32>} : memref<3x80xi32, #tpu.memory_space<vmem>>, vector<1x16xi32>,
    %swap3A_545 = vector.shape_cast %swap3A_544 : vector<1x16xi32> to vector<16xi32>
    %swap3A_546 = vector.shape_cast %and3A_540 : vector<16xi32> to vector<1x16xi32>
    tpu.vector_store %arg6[%swap3A_542, %swap3A_543], %swap3A_546 {strides = array<i32>} : memref<3x80xi32, #tpu.memory_space<vmem>>, vector<1x16xi32>,
    %shift_right_logical3A_547 = arith.constant 16 : i32
    %shift_right_logical3A_548 = vector.broadcast %shift_right_logical3A_547 : i32 to vector<16xi32>
    %shift_right_logical3A_549 = arith.shrui %get3A_537, %shift_right_logical3A_548 : vector<16xi32>
    %swap3A_550 = arith.constant 0 : i32
    %swap3A_551 = arith.index_cast %swap3A_550 : i32 to index
    %swap3A_552 = arith.constant 16 : index
    %swap3A_553 = tpu.vector_load %arg7[%swap3A_551, %swap3A_552] {strides = array<i32>} : memref<3x80xi32, #tpu.memory_space<vmem>>, vector<1x16xi32>,
    %swap3A_554 = vector.shape_cast %swap3A_553 : vector<1x16xi32> to vector<16xi32>
    %swap3A_555 = vector.shape_cast %shift_right_logical3A_549 : vector<16xi32> to vector<1x16xi32>
    tpu.vector_store %arg7[%swap3A_551, %swap3A_552], %swap3A_555 {strides = array<i32>} : memref<3x80xi32, #tpu.memory_space<vmem>>, vector<1x16xi32>,
    %get3A_556 = arith.constant 123 : i32
    %get3A_557 = arith.index_cast %get3A_556 : i32 to index
    %get3A_558 = arith.constant 32 : index
    %get3A_559 = tpu.vector_load %arg5[%get3A_557, %get3A_558] {strides = array<i32>} : memref<125x80xi32, #tpu.memory_space<vmem>>, vector<1x16xi32>,
    %get3A_560 = vector.shape_cast %get3A_559 : vector<1x16xi32> to vector<16xi32>
    %and3A_561 = arith.constant 65535 : i32
    %and3A_562 = vector.broadcast %and3A_561 : i32 to vector<16xi32>
    %and3A_563 = arith.andi %get3A_560, %and3A_562 : vector<16xi32>
    %swap3A_564 = arith.constant 0 : i32
    %swap3A_565 = arith.index_cast %swap3A_564 : i32 to index
    %swap3A_566 = arith.constant 32 : index
    %swap3A_567 = tpu.vector_load %arg6[%swap3A_565, %swap3A_566] {strides = array<i32>} : memref<3x80xi32, #tpu.memory_space<vmem>>, vector<1x16xi32>,
    %swap3A_568 = vector.shape_cast %swap3A_567 : vector<1x16xi32> to vector<16xi32>
    %swap3A_569 = vector.shape_cast %and3A_563 : vector<16xi32> to vector<1x16xi32>
    tpu.vector_store %arg6[%swap3A_565, %swap3A_566], %swap3A_569 {strides = array<i32>} : memref<3x80xi32, #tpu.memory_space<vmem>>, vector<1x16xi32>,
    %shift_right_logical3A_570 = arith.constant 16 : i32
    %shift_right_logical3A_571 = vector.broadcast %shift_right_logical3A_570 : i32 to vector<16xi32>
    %shift_right_logical3A_572 = arith.shrui %get3A_560, %shift_right_logical3A_571 : vector<16xi32>
    %swap3A_573 = arith.constant 0 : i32
    %swap3A_574 = arith.index_cast %swap3A_573 : i32 to index
    %swap3A_575 = arith.constant 32 : index
    %swap3A_576 = tpu.vector_load %arg7[%swap3A_574, %swap3A_575] {strides = array<i32>} : memref<3x80xi32, #tpu.memory_space<vmem>>, vector<1x16xi32>,
    %swap3A_577 = vector.shape_cast %swap3A_576 : vector<1x16xi32> to vector<16xi32>
    %swap3A_578 = vector.shape_cast %shift_right_logical3A_572 : vector<16xi32> to vector<1x16xi32>
    tpu.vector_store %arg7[%swap3A_574, %swap3A_575], %swap3A_578 {strides = array<i32>} : memref<3x80xi32, #tpu.memory_space<vmem>>, vector<1x16xi32>,
    %get3A_579 = arith.constant 123 : i32
    %get3A_580 = arith.index_cast %get3A_579 : i32 to index
    %get3A_581 = arith.constant 48 : index
    %get3A_582 = tpu.vector_load %arg5[%get3A_580, %get3A_581] {strides = array<i32>} : memref<125x80xi32, #tpu.memory_space<vmem>>, vector<1x16xi32>,
    %get3A_583 = vector.shape_cast %get3A_582 : vector<1x16xi32> to vector<16xi32>
    %and3A_584 = arith.constant 65535 : i32
    %and3A_585 = vector.broadcast %and3A_584 : i32 to vector<16xi32>
    %and3A_586 = arith.andi %get3A_583, %and3A_585 : vector<16xi32>
    %swap3A_587 = arith.constant 0 : i32
    %swap3A_588 = arith.index_cast %swap3A_587 : i32 to index
    %swap3A_589 = arith.constant 48 : index
    %swap3A_590 = tpu.vector_load %arg6[%swap3A_588, %swap3A_589] {strides = array<i32>} : memref<3x80xi32, #tpu.memory_space<vmem>>, vector<1x16xi32>,
    %swap3A_591 = vector.shape_cast %swap3A_590 : vector<1x16xi32> to vector<16xi32>
    %swap3A_592 = vector.shape_cast %and3A_586 : vector<16xi32> to vector<1x16xi32>
    tpu.vector_store %arg6[%swap3A_588, %swap3A_589], %swap3A_592 {strides = array<i32>} : memref<3x80xi32, #tpu.memory_space<vmem>>, vector<1x16xi32>,
    %shift_right_logical3A_593 = arith.constant 16 : i32
    %shift_right_logical3A_594 = vector.broadcast %shift_right_logical3A_593 : i32 to vector<16xi32>
    %shift_right_logical3A_595 = arith.shrui %get3A_583, %shift_right_logical3A_594 : vector<16xi32>
    %swap3A_596 = arith.constant 0 : i32
    %swap3A_597 = arith.index_cast %swap3A_596 : i32 to index
    %swap3A_598 = arith.constant 48 : index
    %swap3A_599 = tpu.vector_load %arg7[%swap3A_597, %swap3A_598] {strides = array<i32>} : memref<3x80xi32, #tpu.memory_space<vmem>>, vector<1x16xi32>,
    %swap3A_600 = vector.shape_cast %swap3A_599 : vector<1x16xi32> to vector<16xi32>
    %swap3A_601 = vector.shape_cast %shift_right_logical3A_595 : vector<16xi32> to vector<1x16xi32>
    tpu.vector_store %arg7[%swap3A_597, %swap3A_598], %swap3A_601 {strides = array<i32>} : memref<3x80xi32, #tpu.memory_space<vmem>>, vector<1x16xi32>,
    %get3A_602 = arith.constant 123 : i32
    %get3A_603 = arith.index_cast %get3A_602 : i32 to index
    %get3A_604 = arith.constant 64 : index
    %get3A_605 = tpu.vector_load %arg5[%get3A_603, %get3A_604] {strides = array<i32>} : memref<125x80xi32, #tpu.memory_space<vmem>>, vector<1x16xi32>,
    %get3A_606 = vector.shape_cast %get3A_605 : vector<1x16xi32> to vector<16xi32>
    %and3A_607 = arith.constant 65535 : i32
    %and3A_608 = vector.broadcast %and3A_607 : i32 to vector<16xi32>
    %and3A_609 = arith.andi %get3A_606, %and3A_608 : vector<16xi32>
    %swap3A_610 = arith.constant 0 : i32
    %swap3A_611 = arith.index_cast %swap3A_610 : i32 to index
    %swap3A_612 = arith.constant 64 : index
    %swap3A_613 = tpu.vector_load %arg6[%swap3A_611, %swap3A_612] {strides = array<i32>} : memref<3x80xi32, #tpu.memory_space<vmem>>, vector<1x16xi32>,
    %swap3A_614 = vector.shape_cast %swap3A_613 : vector<1x16xi32> to vector<16xi32>
    %swap3A_615 = vector.shape_cast %and3A_609 : vector<16xi32> to vector<1x16xi32>
    tpu.vector_store %arg6[%swap3A_611, %swap3A_612], %swap3A_615 {strides = array<i32>} : memref<3x80xi32, #tpu.memory_space<vmem>>, vector<1x16xi32>,
    %shift_right_logical3A_616 = arith.constant 16 : i32
    %shift_right_logical3A_617 = vector.broadcast %shift_right_logical3A_616 : i32 to vector<16xi32>
    %shift_right_logical3A_618 = arith.shrui %get3A_606, %shift_right_logical3A_617 : vector<16xi32>
    %swap3A_619 = arith.constant 0 : i32
    %swap3A_620 = arith.index_cast %swap3A_619 : i32 to index
    %swap3A_621 = arith.constant 64 : index
    %swap3A_622 = tpu.vector_load %arg7[%swap3A_620, %swap3A_621] {strides = array<i32>} : memref<3x80xi32, #tpu.memory_space<vmem>>, vector<1x16xi32>,
    %swap3A_623 = vector.shape_cast %swap3A_622 : vector<1x16xi32> to vector<16xi32>
    %swap3A_624 = vector.shape_cast %shift_right_logical3A_618 : vector<16xi32> to vector<1x16xi32>
    tpu.vector_store %arg7[%swap3A_620, %swap3A_621], %swap3A_624 {strides = array<i32>} : memref<3x80xi32, #tpu.memory_space<vmem>>, vector<1x16xi32>,
    %dma_start3A_625 = arith.constant 0 : i32
    %dma_start3A_626 = arith.constant 0 : i32
    %dma_start3A_627 = arith.constant 0 : i32
    %dma_start3A_628 = arith.constant 0 : i32
    %dma_start3A_629 = arith.constant 0 : i32
    %dma_start3A_630 = tpu.memref_slice %arg8[%dma_start3A_626, %dma_start3A_628, %dma_start3A_629] : memref<3x80x128xf32, #tpu.memory_space<vmem>> -> memref<1x80x128xf32, #tpu.memory_space<vmem>>
    %dma_start3A_631 = tpu.memref_squeeze %dma_start3A_630 : memref<1x80x128xf32, #tpu.memory_space<vmem>> -> memref<80x128xf32, #tpu.memory_space<vmem>>
    %dma_start3A_632 = arith.constant 0 : i32
    %dma_start3A_633 = tpu.memref_slice %arg6[%dma_start3A_625, %dma_start3A_632] : memref<3x80xi32, #tpu.memory_space<vmem>> -> memref<1x80xi32, #tpu.memory_space<vmem>>
    %dma_start3A_634 = tpu.memref_squeeze %dma_start3A_633 : memref<1x80xi32, #tpu.memory_space<vmem>> -> memref<80xi32, #tpu.memory_space<vmem>>
    %dma_start3A_635 = arith.constant 0 : i32
    %dma_start3A_636 = arith.constant 0 : i32
    %dma_start3A_637 = tpu.memref_slice %arg2[%dma_start3A_635, %dma_start3A_636] : memref<10000x128xf32, #tpu.memory_space<hbm>> -> memref<10000x128xf32, #tpu.memory_space<hbm>>
    %dma_start3A_638 = tpu.memref_slice %arg10[%dma_start3A_627] : memref<3x!tpu.dma_semaphore, #tpu.memory_space<semaphore_mem>> -> memref<1x!tpu.dma_semaphore, #tpu.memory_space<semaphore_mem>>
    %dma_start3A_639 = tpu.memref_squeeze %dma_start3A_638 : memref<1x!tpu.dma_semaphore, #tpu.memory_space<semaphore_mem>> -> memref<!tpu.dma_semaphore, #tpu.memory_space<semaphore_mem>>
    tpu.enqueue_indirect_dma source(%dma_start3A_637 : memref<10000x128xf32, #tpu.memory_space<hbm>>) target(%dma_start3A_631 : memref<80x128xf32, #tpu.memory_space<vmem>>) offsets(%dma_start3A_634 : memref<80xi32, #tpu.memory_space<vmem>>) semaphore(%dma_start3A_639 : memref<!tpu.dma_semaphore, #tpu.memory_space<semaphore_mem>>)
    %dma_wait3A_640 = arith.constant 2 : i32
    %dma_wait3A_641 = arith.constant 2 : i32
    %dma_wait3A_642 = arith.constant 2 : i32
    %dma_wait3A_643 = arith.constant 0 : i32
    %dma_wait3A_644 = arith.constant 0 : i32
    %dma_wait3A_645 = tpu.memref_slice %arg8[%dma_wait3A_641, %dma_wait3A_643, %dma_wait3A_644] : memref<3x80x128xf32, #tpu.memory_space<vmem>> -> memref<1x80x128xf32, #tpu.memory_space<vmem>>
    %dma_wait3A_646 = tpu.memref_squeeze %dma_wait3A_645 : memref<1x80x128xf32, #tpu.memory_space<vmem>> -> memref<80x128xf32, #tpu.memory_space<vmem>>
    %dma_wait3A_647 = arith.constant 0 : i32
    %dma_wait3A_648 = tpu.memref_slice %arg6[%dma_wait3A_640, %dma_wait3A_647] : memref<3x80xi32, #tpu.memory_space<vmem>> -> memref<1x80xi32, #tpu.memory_space<vmem>>
    %dma_wait3A_649 = tpu.memref_squeeze %dma_wait3A_648 : memref<1x80xi32, #tpu.memory_space<vmem>> -> memref<80xi32, #tpu.memory_space<vmem>>
    %dma_wait3A_650 = arith.constant 0 : i32
    %dma_wait3A_651 = arith.constant 0 : i32
    %dma_wait3A_652 = tpu.memref_slice %arg2[%dma_wait3A_650, %dma_wait3A_651] : memref<10000x128xf32, #tpu.memory_space<hbm>> -> memref<10000x128xf32, #tpu.memory_space<hbm>>
    %dma_wait3A_653 = tpu.memref_slice %arg10[%dma_wait3A_642] : memref<3x!tpu.dma_semaphore, #tpu.memory_space<semaphore_mem>> -> memref<1x!tpu.dma_semaphore, #tpu.memory_space<semaphore_mem>>
    %dma_wait3A_654 = tpu.memref_squeeze %dma_wait3A_653 : memref<1x!tpu.dma_semaphore, #tpu.memory_space<semaphore_mem>> -> memref<!tpu.dma_semaphore, #tpu.memory_space<semaphore_mem>>
    tpu.wait_indirect_dma semaphore(%dma_wait3A_654 : memref<!tpu.dma_semaphore, #tpu.memory_space<semaphore_mem>>) src(%dma_wait3A_652 : memref<10000x128xf32, #tpu.memory_space<hbm>>) dst(%dma_wait3A_646 : memref<80x128xf32, #tpu.memory_space<vmem>>)
    %dma_wait3A_655 = arith.constant 1 : i32
    %dma_wait3A_656 = arith.constant 1 : i32
    %dma_wait3A_657 = arith.constant 1 : i32
    %dma_wait3A_658 = arith.constant 0 : i32
    %dma_wait3A_659 = arith.constant 0 : i32
    %dma_wait3A_660 = tpu.memref_slice %arg8[%dma_wait3A_655, %dma_wait3A_658, %dma_wait3A_659] : memref<3x80x128xf32, #tpu.memory_space<vmem>> -> memref<1x80x128xf32, #tpu.memory_space<vmem>>
    %dma_wait3A_661 = tpu.memref_squeeze %dma_wait3A_660 : memref<1x80x128xf32, #tpu.memory_space<vmem>> -> memref<80x128xf32, #tpu.memory_space<vmem>>
    %dma_wait3A_662 = arith.constant 0 : i32
    %dma_wait3A_663 = tpu.memref_slice %arg7[%dma_wait3A_656, %dma_wait3A_662] : memref<3x80xi32, #tpu.memory_space<vmem>> -> memref<1x80xi32, #tpu.memory_space<vmem>>
    %dma_wait3A_664 = tpu.memref_squeeze %dma_wait3A_663 : memref<1x80xi32, #tpu.memory_space<vmem>> -> memref<80xi32, #tpu.memory_space<vmem>>
    %dma_wait3A_665 = arith.constant 0 : i32
    %dma_wait3A_666 = arith.constant 0 : i32
    %dma_wait3A_667 = tpu.memref_slice %arg9[%dma_wait3A_665, %dma_wait3A_666] : memref<10240x128xf32, #tpu.memory_space<vmem_shared>> -> memref<10240x128xf32, #tpu.memory_space<vmem_shared>>
    %dma_wait3A_668 = tpu.memref_slice %arg11[%dma_wait3A_657] : memref<3x!tpu.dma_semaphore, #tpu.memory_space<semaphore_mem>> -> memref<1x!tpu.dma_semaphore, #tpu.memory_space<semaphore_mem>>
    %dma_wait3A_669 = tpu.memref_squeeze %dma_wait3A_668 : memref<1x!tpu.dma_semaphore, #tpu.memory_space<semaphore_mem>> -> memref<!tpu.dma_semaphore, #tpu.memory_space<semaphore_mem>>
    tpu.wait_indirect_dma semaphore(%dma_wait3A_669 : memref<!tpu.dma_semaphore, #tpu.memory_space<semaphore_mem>>) src(%dma_wait3A_661 : memref<80x128xf32, #tpu.memory_space<vmem>>) dst(%dma_wait3A_667 : memref<10240x128xf32, #tpu.memory_space<vmem_shared>>)
    %dma_start3A_670 = arith.constant 2 : i32
    %dma_start3A_671 = arith.constant 2 : i32
    %dma_start3A_672 = arith.constant 2 : i32
    %dma_start3A_673 = arith.constant 0 : i32
    %dma_start3A_674 = arith.constant 0 : i32
    %dma_start3A_675 = tpu.memref_slice %arg8[%dma_start3A_670, %dma_start3A_673, %dma_start3A_674] : memref<3x80x128xf32, #tpu.memory_space<vmem>> -> memref<1x80x128xf32, #tpu.memory_space<vmem>>
    %dma_start3A_676 = tpu.memref_squeeze %dma_start3A_675 : memref<1x80x128xf32, #tpu.memory_space<vmem>> -> memref<80x128xf32, #tpu.memory_space<vmem>>
    %dma_start3A_677 = arith.constant 0 : i32
    %dma_start3A_678 = tpu.memref_slice %arg7[%dma_start3A_671, %dma_start3A_677] : memref<3x80xi32, #tpu.memory_space<vmem>> -> memref<1x80xi32, #tpu.memory_space<vmem>>
    %dma_start3A_679 = tpu.memref_squeeze %dma_start3A_678 : memref<1x80xi32, #tpu.memory_space<vmem>> -> memref<80xi32, #tpu.memory_space<vmem>>
    %dma_start3A_680 = arith.constant 0 : i32
    %dma_start3A_681 = arith.constant 0 : i32
    %dma_start3A_682 = tpu.memref_slice %arg9[%dma_start3A_680, %dma_start3A_681] : memref<10240x128xf32, #tpu.memory_space<vmem_shared>> -> memref<10240x128xf32, #tpu.memory_space<vmem_shared>>
    %dma_start3A_683 = tpu.memref_slice %arg11[%dma_start3A_672] : memref<3x!tpu.dma_semaphore, #tpu.memory_space<semaphore_mem>> -> memref<1x!tpu.dma_semaphore, #tpu.memory_space<semaphore_mem>>
    %dma_start3A_684 = tpu.memref_squeeze %dma_start3A_683 : memref<1x!tpu.dma_semaphore, #tpu.memory_space<semaphore_mem>> -> memref<!tpu.dma_semaphore, #tpu.memory_space<semaphore_mem>>
    tpu.enqueue_indirect_dma source(%dma_start3A_676 : memref<80x128xf32, #tpu.memory_space<vmem>>) target(%dma_start3A_682 : memref<10240x128xf32, #tpu.memory_space<vmem_shared>>) offsets(%dma_start3A_679 : memref<80xi32, #tpu.memory_space<vmem>>) semaphore(%dma_start3A_684 : memref<!tpu.dma_semaphore, #tpu.memory_space<semaphore_mem>>) {add = true}
    %get3A_685 = arith.constant 124 : i32
    %get3A_686 = arith.index_cast %get3A_685 : i32 to index
    %get3A_687 = arith.constant 0 : index
    %get3A_688 = tpu.vector_load %arg5[%get3A_686, %get3A_687] {strides = array<i32>} : memref<125x80xi32, #tpu.memory_space<vmem>>, vector<1x16xi32>,
    %get3A_689 = vector.shape_cast %get3A_688 : vector<1x16xi32> to vector<16xi32>
    %and3A_690 = arith.constant 65535 : i32
    %and3A_691 = vector.broadcast %and3A_690 : i32 to vector<16xi32>
    %and3A_692 = arith.andi %get3A_689, %and3A_691 : vector<16xi32>
    %swap3A_693 = arith.constant 1 : i32
    %swap3A_694 = arith.index_cast %swap3A_693 : i32 to index
    %swap3A_695 = arith.constant 0 : index
    %swap3A_696 = tpu.vector_load %arg6[%swap3A_694, %swap3A_695] {strides = array<i32>} : memref<3x80xi32, #tpu.memory_space<vmem>>, vector<1x16xi32>,
    %swap3A_697 = vector.shape_cast %swap3A_696 : vector<1x16xi32> to vector<16xi32>
    %swap3A_698 = vector.shape_cast %and3A_692 : vector<16xi32> to vector<1x16xi32>
    tpu.vector_store %arg6[%swap3A_694, %swap3A_695], %swap3A_698 {strides = array<i32>} : memref<3x80xi32, #tpu.memory_space<vmem>>, vector<1x16xi32>,
    %shift_right_logical3A_699 = arith.constant 16 : i32
    %shift_right_logical3A_700 = vector.broadcast %shift_right_logical3A_699 : i32 to vector<16xi32>
    %shift_right_logical3A_701 = arith.shrui %get3A_689, %shift_right_logical3A_700 : vector<16xi32>
    %swap3A_702 = arith.constant 1 : i32
    %swap3A_703 = arith.index_cast %swap3A_702 : i32 to index
    %swap3A_704 = arith.constant 0 : index
    %swap3A_705 = tpu.vector_load %arg7[%swap3A_703, %swap3A_704] {strides = array<i32>} : memref<3x80xi32, #tpu.memory_space<vmem>>, vector<1x16xi32>,
    %swap3A_706 = vector.shape_cast %swap3A_705 : vector<1x16xi32> to vector<16xi32>
    %swap3A_707 = vector.shape_cast %shift_right_logical3A_701 : vector<16xi32> to vector<1x16xi32>
    tpu.vector_store %arg7[%swap3A_703, %swap3A_704], %swap3A_707 {strides = array<i32>} : memref<3x80xi32, #tpu.memory_space<vmem>>, vector<1x16xi32>,
    %get3A_708 = arith.constant 124 : i32
    %get3A_709 = arith.index_cast %get3A_708 : i32 to index
    %get3A_710 = arith.constant 16 : index
    %get3A_711 = tpu.vector_load %arg5[%get3A_709, %get3A_710] {strides = array<i32>} : memref<125x80xi32, #tpu.memory_space<vmem>>, vector<1x16xi32>,
    %get3A_712 = vector.shape_cast %get3A_711 : vector<1x16xi32> to vector<16xi32>
    %and3A_713 = arith.constant 65535 : i32
    %and3A_714 = vector.broadcast %and3A_713 : i32 to vector<16xi32>
    %and3A_715 = arith.andi %get3A_712, %and3A_714 : vector<16xi32>
    %swap3A_716 = arith.constant 1 : i32
    %swap3A_717 = arith.index_cast %swap3A_716 : i32 to index
    %swap3A_718 = arith.constant 16 : index
    %swap3A_719 = tpu.vector_load %arg6[%swap3A_717, %swap3A_718] {strides = array<i32>} : memref<3x80xi32, #tpu.memory_space<vmem>>, vector<1x16xi32>,
    %swap3A_720 = vector.shape_cast %swap3A_719 : vector<1x16xi32> to vector<16xi32>
    %swap3A_721 = vector.shape_cast %and3A_715 : vector<16xi32> to vector<1x16xi32>
    tpu.vector_store %arg6[%swap3A_717, %swap3A_718], %swap3A_721 {strides = array<i32>} : memref<3x80xi32, #tpu.memory_space<vmem>>, vector<1x16xi32>,
    %shift_right_logical3A_722 = arith.constant 16 : i32
    %shift_right_logical3A_723 = vector.broadcast %shift_right_logical3A_722 : i32 to vector<16xi32>
    %shift_right_logical3A_724 = arith.shrui %get3A_712, %shift_right_logical3A_723 : vector<16xi32>
    %swap3A_725 = arith.constant 1 : i32
    %swap3A_726 = arith.index_cast %swap3A_725 : i32 to index
    %swap3A_727 = arith.constant 16 : index
    %swap3A_728 = tpu.vector_load %arg7[%swap3A_726, %swap3A_727] {strides = array<i32>} : memref<3x80xi32, #tpu.memory_space<vmem>>, vector<1x16xi32>,
    %swap3A_729 = vector.shape_cast %swap3A_728 : vector<1x16xi32> to vector<16xi32>
    %swap3A_730 = vector.shape_cast %shift_right_logical3A_724 : vector<16xi32> to vector<1x16xi32>
    tpu.vector_store %arg7[%swap3A_726, %swap3A_727], %swap3A_730 {strides = array<i32>} : memref<3x80xi32, #tpu.memory_space<vmem>>, vector<1x16xi32>,
    %get3A_731 = arith.constant 124 : i32
    %get3A_732 = arith.index_cast %get3A_731 : i32 to index
    %get3A_733 = arith.constant 32 : index
    %get3A_734 = tpu.vector_load %arg5[%get3A_732, %get3A_733] {strides = array<i32>} : memref<125x80xi32, #tpu.memory_space<vmem>>, vector<1x16xi32>,
    %get3A_735 = vector.shape_cast %get3A_734 : vector<1x16xi32> to vector<16xi32>
    %and3A_736 = arith.constant 65535 : i32
    %and3A_737 = vector.broadcast %and3A_736 : i32 to vector<16xi32>
    %and3A_738 = arith.andi %get3A_735, %and3A_737 : vector<16xi32>
    %swap3A_739 = arith.constant 1 : i32
    %swap3A_740 = arith.index_cast %swap3A_739 : i32 to index
    %swap3A_741 = arith.constant 32 : index
    %swap3A_742 = tpu.vector_load %arg6[%swap3A_740, %swap3A_741] {strides = array<i32>} : memref<3x80xi32, #tpu.memory_space<vmem>>, vector<1x16xi32>,
    %swap3A_743 = vector.shape_cast %swap3A_742 : vector<1x16xi32> to vector<16xi32>
    %swap3A_744 = vector.shape_cast %and3A_738 : vector<16xi32> to vector<1x16xi32>
    tpu.vector_store %arg6[%swap3A_740, %swap3A_741], %swap3A_744 {strides = array<i32>} : memref<3x80xi32, #tpu.memory_space<vmem>>, vector<1x16xi32>,
    %shift_right_logical3A_745 = arith.constant 16 : i32
    %shift_right_logical3A_746 = vector.broadcast %shift_right_logical3A_745 : i32 to vector<16xi32>
    %shift_right_logical3A_747 = arith.shrui %get3A_735, %shift_right_logical3A_746 : vector<16xi32>
    %swap3A_748 = arith.constant 1 : i32
    %swap3A_749 = arith.index_cast %swap3A_748 : i32 to index
    %swap3A_750 = arith.constant 32 : index
    %swap3A_751 = tpu.vector_load %arg7[%swap3A_749, %swap3A_750] {strides = array<i32>} : memref<3x80xi32, #tpu.memory_space<vmem>>, vector<1x16xi32>,
    %swap3A_752 = vector.shape_cast %swap3A_751 : vector<1x16xi32> to vector<16xi32>
    %swap3A_753 = vector.shape_cast %shift_right_logical3A_747 : vector<16xi32> to vector<1x16xi32>
    tpu.vector_store %arg7[%swap3A_749, %swap3A_750], %swap3A_753 {strides = array<i32>} : memref<3x80xi32, #tpu.memory_space<vmem>>, vector<1x16xi32>,
    %get3A_754 = arith.constant 124 : i32
    %get3A_755 = arith.index_cast %get3A_754 : i32 to index
    %get3A_756 = arith.constant 48 : index
    %get3A_757 = tpu.vector_load %arg5[%get3A_755, %get3A_756] {strides = array<i32>} : memref<125x80xi32, #tpu.memory_space<vmem>>, vector<1x16xi32>,
    %get3A_758 = vector.shape_cast %get3A_757 : vector<1x16xi32> to vector<16xi32>
    %and3A_759 = arith.constant 65535 : i32
    %and3A_760 = vector.broadcast %and3A_759 : i32 to vector<16xi32>
    %and3A_761 = arith.andi %get3A_758, %and3A_760 : vector<16xi32>
    %swap3A_762 = arith.constant 1 : i32
    %swap3A_763 = arith.index_cast %swap3A_762 : i32 to index
    %swap3A_764 = arith.constant 48 : index
    %swap3A_765 = tpu.vector_load %arg6[%swap3A_763, %swap3A_764] {strides = array<i32>} : memref<3x80xi32, #tpu.memory_space<vmem>>, vector<1x16xi32>,
    %swap3A_766 = vector.shape_cast %swap3A_765 : vector<1x16xi32> to vector<16xi32>
    %swap3A_767 = vector.shape_cast %and3A_761 : vector<16xi32> to vector<1x16xi32>
    tpu.vector_store %arg6[%swap3A_763, %swap3A_764], %swap3A_767 {strides = array<i32>} : memref<3x80xi32, #tpu.memory_space<vmem>>, vector<1x16xi32>,
    %shift_right_logical3A_768 = arith.constant 16 : i32
    %shift_right_logical3A_769 = vector.broadcast %shift_right_logical3A_768 : i32 to vector<16xi32>
    %shift_right_logical3A_770 = arith.shrui %get3A_758, %shift_right_logical3A_769 : vector<16xi32>
    %swap3A_771 = arith.constant 1 : i32
    %swap3A_772 = arith.index_cast %swap3A_771 : i32 to index
    %swap3A_773 = arith.constant 48 : index
    %swap3A_774 = tpu.vector_load %arg7[%swap3A_772, %swap3A_773] {strides = array<i32>} : memref<3x80xi32, #tpu.memory_space<vmem>>, vector<1x16xi32>,
    %swap3A_775 = vector.shape_cast %swap3A_774 : vector<1x16xi32> to vector<16xi32>
    %swap3A_776 = vector.shape_cast %shift_right_logical3A_770 : vector<16xi32> to vector<1x16xi32>
    tpu.vector_store %arg7[%swap3A_772, %swap3A_773], %swap3A_776 {strides = array<i32>} : memref<3x80xi32, #tpu.memory_space<vmem>>, vector<1x16xi32>,
    %get3A_777 = arith.constant 124 : i32
    %get3A_778 = arith.index_cast %get3A_777 : i32 to index
    %get3A_779 = arith.constant 64 : index
    %get3A_780 = tpu.vector_load %arg5[%get3A_778, %get3A_779] {strides = array<i32>} : memref<125x80xi32, #tpu.memory_space<vmem>>, vector<1x16xi32>,
    %get3A_781 = vector.shape_cast %get3A_780 : vector<1x16xi32> to vector<16xi32>
    %and3A_782 = arith.constant 65535 : i32
    %and3A_783 = vector.broadcast %and3A_782 : i32 to vector<16xi32>
    %and3A_784 = arith.andi %get3A_781, %and3A_783 : vector<16xi32>
    %swap3A_785 = arith.constant 1 : i32
    %swap3A_786 = arith.index_cast %swap3A_785 : i32 to index
    %swap3A_787 = arith.constant 64 : index
    %swap3A_788 = tpu.vector_load %arg6[%swap3A_786, %swap3A_787] {strides = array<i32>} : memref<3x80xi32, #tpu.memory_space<vmem>>, vector<1x16xi32>,
    %swap3A_789 = vector.shape_cast %swap3A_788 : vector<1x16xi32> to vector<16xi32>
    %swap3A_790 = vector.shape_cast %and3A_784 : vector<16xi32> to vector<1x16xi32>
    tpu.vector_store %arg6[%swap3A_786, %swap3A_787], %swap3A_790 {strides = array<i32>} : memref<3x80xi32, #tpu.memory_space<vmem>>, vector<1x16xi32>,
    %shift_right_logical3A_791 = arith.constant 16 : i32
    %shift_right_logical3A_792 = vector.broadcast %shift_right_logical3A_791 : i32 to vector<16xi32>
    %shift_right_logical3A_793 = arith.shrui %get3A_781, %shift_right_logical3A_792 : vector<16xi32>
    %swap3A_794 = arith.constant 1 : i32
    %swap3A_795 = arith.index_cast %swap3A_794 : i32 to index
    %swap3A_796 = arith.constant 64 : index
    %swap3A_797 = tpu.vector_load %arg7[%swap3A_795, %swap3A_796] {strides = array<i32>} : memref<3x80xi32, #tpu.memory_space<vmem>>, vector<1x16xi32>,
    %swap3A_798 = vector.shape_cast %swap3A_797 : vector<1x16xi32> to vector<16xi32>
    %swap3A_799 = vector.shape_cast %shift_right_logical3A_793 : vector<16xi32> to vector<1x16xi32>
    tpu.vector_store %arg7[%swap3A_795, %swap3A_796], %swap3A_799 {strides = array<i32>} : memref<3x80xi32, #tpu.memory_space<vmem>>, vector<1x16xi32>,
    %dma_start3A_800 = arith.constant 1 : i32
    %dma_start3A_801 = arith.constant 1 : i32
    %dma_start3A_802 = arith.constant 1 : i32
    %dma_start3A_803 = arith.constant 0 : i32
    %dma_start3A_804 = arith.constant 0 : i32
    %dma_start3A_805 = tpu.memref_slice %arg8[%dma_start3A_801, %dma_start3A_803, %dma_start3A_804] : memref<3x80x128xf32, #tpu.memory_space<vmem>> -> memref<1x80x128xf32, #tpu.memory_space<vmem>>
    %dma_start3A_806 = tpu.memref_squeeze %dma_start3A_805 : memref<1x80x128xf32, #tpu.memory_space<vmem>> -> memref<80x128xf32, #tpu.memory_space<vmem>>
    %dma_start3A_807 = arith.constant 0 : i32
    %dma_start3A_808 = tpu.memref_slice %arg6[%dma_start3A_800, %dma_start3A_807] : memref<3x80xi32, #tpu.memory_space<vmem>> -> memref<1x80xi32, #tpu.memory_space<vmem>>
    %dma_start3A_809 = tpu.memref_squeeze %dma_start3A_808 : memref<1x80xi32, #tpu.memory_space<vmem>> -> memref<80xi32, #tpu.memory_space<vmem>>
    %dma_start3A_810 = arith.constant 0 : i32
    %dma_start3A_811 = arith.constant 0 : i32
    %dma_start3A_812 = tpu.memref_slice %arg2[%dma_start3A_810, %dma_start3A_811] : memref<10000x128xf32, #tpu.memory_space<hbm>> -> memref<10000x128xf32, #tpu.memory_space<hbm>>
    %dma_start3A_813 = tpu.memref_slice %arg10[%dma_start3A_802] : memref<3x!tpu.dma_semaphore, #tpu.memory_space<semaphore_mem>> -> memref<1x!tpu.dma_semaphore, #tpu.memory_space<semaphore_mem>>
    %dma_start3A_814 = tpu.memref_squeeze %dma_start3A_813 : memref<1x!tpu.dma_semaphore, #tpu.memory_space<semaphore_mem>> -> memref<!tpu.dma_semaphore, #tpu.memory_space<semaphore_mem>>
    tpu.enqueue_indirect_dma source(%dma_start3A_812 : memref<10000x128xf32, #tpu.memory_space<hbm>>) target(%dma_start3A_806 : memref<80x128xf32, #tpu.memory_space<vmem>>) offsets(%dma_start3A_809 : memref<80xi32, #tpu.memory_space<vmem>>) semaphore(%dma_start3A_814 : memref<!tpu.dma_semaphore, #tpu.memory_space<semaphore_mem>>)
    %dma_wait3A_815 = arith.constant 0 : i32
    %dma_wait3A_816 = arith.constant 0 : i32
    %dma_wait3A_817 = arith.constant 0 : i32
    %dma_wait3A_818 = arith.constant 0 : i32
    %dma_wait3A_819 = arith.constant 0 : i32
    %dma_wait3A_820 = tpu.memref_slice %arg8[%dma_wait3A_816, %dma_wait3A_818, %dma_wait3A_819] : memref<3x80x128xf32, #tpu.memory_space<vmem>> -> memref<1x80x128xf32, #tpu.memory_space<vmem>>
    %dma_wait3A_821 = tpu.memref_squeeze %dma_wait3A_820 : memref<1x80x128xf32, #tpu.memory_space<vmem>> -> memref<80x128xf32, #tpu.memory_space<vmem>>
    %dma_wait3A_822 = arith.constant 0 : i32
    %dma_wait3A_823 = tpu.memref_slice %arg6[%dma_wait3A_815, %dma_wait3A_822] : memref<3x80xi32, #tpu.memory_space<vmem>> -> memref<1x80xi32, #tpu.memory_space<vmem>>
    %dma_wait3A_824 = tpu.memref_squeeze %dma_wait3A_823 : memref<1x80xi32, #tpu.memory_space<vmem>> -> memref<80xi32, #tpu.memory_space<vmem>>
    %dma_wait3A_825 = arith.constant 0 : i32
    %dma_wait3A_826 = arith.constant 0 : i32
    %dma_wait3A_827 = tpu.memref_slice %arg2[%dma_wait3A_825, %dma_wait3A_826] : memref<10000x128xf32, #tpu.memory_space<hbm>> -> memref<10000x128xf32, #tpu.memory_space<hbm>>
    %dma_wait3A_828 = tpu.memref_slice %arg10[%dma_wait3A_817] : memref<3x!tpu.dma_semaphore, #tpu.memory_space<semaphore_mem>> -> memref<1x!tpu.dma_semaphore, #tpu.memory_space<semaphore_mem>>
    %dma_wait3A_829 = tpu.memref_squeeze %dma_wait3A_828 : memref<1x!tpu.dma_semaphore, #tpu.memory_space<semaphore_mem>> -> memref<!tpu.dma_semaphore, #tpu.memory_space<semaphore_mem>>
    tpu.wait_indirect_dma semaphore(%dma_wait3A_829 : memref<!tpu.dma_semaphore, #tpu.memory_space<semaphore_mem>>) src(%dma_wait3A_827 : memref<10000x128xf32, #tpu.memory_space<hbm>>) dst(%dma_wait3A_821 : memref<80x128xf32, #tpu.memory_space<vmem>>)
    %dma_wait3A_830 = arith.constant 2 : i32
    %dma_wait3A_831 = arith.constant 2 : i32
    %dma_wait3A_832 = arith.constant 2 : i32
    %dma_wait3A_833 = arith.constant 0 : i32
    %dma_wait3A_834 = arith.constant 0 : i32
    %dma_wait3A_835 = tpu.memref_slice %arg8[%dma_wait3A_830, %dma_wait3A_833, %dma_wait3A_834] : memref<3x80x128xf32, #tpu.memory_space<vmem>> -> memref<1x80x128xf32, #tpu.memory_space<vmem>>
    %dma_wait3A_836 = tpu.memref_squeeze %dma_wait3A_835 : memref<1x80x128xf32, #tpu.memory_space<vmem>> -> memref<80x128xf32, #tpu.memory_space<vmem>>
    %dma_wait3A_837 = arith.constant 0 : i32
    %dma_wait3A_838 = tpu.memref_slice %arg7[%dma_wait3A_831, %dma_wait3A_837] : memref<3x80xi32, #tpu.memory_space<vmem>> -> memref<1x80xi32, #tpu.memory_space<vmem>>
    %dma_wait3A_839 = tpu.memref_squeeze %dma_wait3A_838 : memref<1x80xi32, #tpu.memory_space<vmem>> -> memref<80xi32, #tpu.memory_space<vmem>>
    %dma_wait3A_840 = arith.constant 0 : i32
    %dma_wait3A_841 = arith.constant 0 : i32
    %dma_wait3A_842 = tpu.memref_slice %arg9[%dma_wait3A_840, %dma_wait3A_841] : memref<10240x128xf32, #tpu.memory_space<vmem_shared>> -> memref<10240x128xf32, #tpu.memory_space<vmem_shared>>
    %dma_wait3A_843 = tpu.memref_slice %arg11[%dma_wait3A_832] : memref<3x!tpu.dma_semaphore, #tpu.memory_space<semaphore_mem>> -> memref<1x!tpu.dma_semaphore, #tpu.memory_space<semaphore_mem>>
    %dma_wait3A_844 = tpu.memref_squeeze %dma_wait3A_843 : memref<1x!tpu.dma_semaphore, #tpu.memory_space<semaphore_mem>> -> memref<!tpu.dma_semaphore, #tpu.memory_space<semaphore_mem>>
    tpu.wait_indirect_dma semaphore(%dma_wait3A_844 : memref<!tpu.dma_semaphore, #tpu.memory_space<semaphore_mem>>) src(%dma_wait3A_836 : memref<80x128xf32, #tpu.memory_space<vmem>>) dst(%dma_wait3A_842 : memref<10240x128xf32, #tpu.memory_space<vmem_shared>>)
    %dma_start3A_845 = arith.constant 0 : i32
    %dma_start3A_846 = arith.constant 0 : i32
    %dma_start3A_847 = arith.constant 0 : i32
    %dma_start3A_848 = arith.constant 0 : i32
    %dma_start3A_849 = arith.constant 0 : i32
    %dma_start3A_850 = tpu.memref_slice %arg8[%dma_start3A_845, %dma_start3A_848, %dma_start3A_849] : memref<3x80x128xf32, #tpu.memory_space<vmem>> -> memref<1x80x128xf32, #tpu.memory_space<vmem>>
    %dma_start3A_851 = tpu.memref_squeeze %dma_start3A_850 : memref<1x80x128xf32, #tpu.memory_space<vmem>> -> memref<80x128xf32, #tpu.memory_space<vmem>>
    %dma_start3A_852 = arith.constant 0 : i32
    %dma_start3A_853 = tpu.memref_slice %arg7[%dma_start3A_846, %dma_start3A_852] : memref<3x80xi32, #tpu.memory_space<vmem>> -> memref<1x80xi32, #tpu.memory_space<vmem>>
    %dma_start3A_854 = tpu.memref_squeeze %dma_start3A_853 : memref<1x80xi32, #tpu.memory_space<vmem>> -> memref<80xi32, #tpu.memory_space<vmem>>
    %dma_start3A_855 = arith.constant 0 : i32
    %dma_start3A_856 = arith.constant 0 : i32
    %dma_start3A_857 = tpu.memref_slice %arg9[%dma_start3A_855, %dma_start3A_856] : memref<10240x128xf32, #tpu.memory_space<vmem_shared>> -> memref<10240x128xf32, #tpu.memory_space<vmem_shared>>
    %dma_start3A_858 = tpu.memref_slice %arg11[%dma_start3A_847] : memref<3x!tpu.dma_semaphore, #tpu.memory_space<semaphore_mem>> -> memref<1x!tpu.dma_semaphore, #tpu.memory_space<semaphore_mem>>
    %dma_start3A_859 = tpu.memref_squeeze %dma_start3A_858 : memref<1x!tpu.dma_semaphore, #tpu.memory_space<semaphore_mem>> -> memref<!tpu.dma_semaphore, #tpu.memory_space<semaphore_mem>>
    tpu.enqueue_indirect_dma source(%dma_start3A_851 : memref<80x128xf32, #tpu.memory_space<vmem>>) target(%dma_start3A_857 : memref<10240x128xf32, #tpu.memory_space<vmem_shared>>) offsets(%dma_start3A_854 : memref<80xi32, #tpu.memory_space<vmem>>) semaphore(%dma_start3A_859 : memref<!tpu.dma_semaphore, #tpu.memory_space<semaphore_mem>>) {add = true}
    %dma_wait3A_860 = arith.constant 1 : i32
    %dma_wait3A_861 = arith.constant 1 : i32
    %dma_wait3A_862 = arith.constant 1 : i32
    %dma_wait3A_863 = arith.constant 0 : i32
    %dma_wait3A_864 = arith.constant 0 : i32
    %dma_wait3A_865 = tpu.memref_slice %arg8[%dma_wait3A_861, %dma_wait3A_863, %dma_wait3A_864] : memref<3x80x128xf32, #tpu.memory_space<vmem>> -> memref<1x80x128xf32, #tpu.memory_space<vmem>>
    %dma_wait3A_866 = tpu.memref_squeeze %dma_wait3A_865 : memref<1x80x128xf32, #tpu.memory_space<vmem>> -> memref<80x128xf32, #tpu.memory_space<vmem>>
    %dma_wait3A_867 = arith.constant 0 : i32
    %dma_wait3A_868 = tpu.memref_slice %arg6[%dma_wait3A_860, %dma_wait3A_867] : memref<3x80xi32, #tpu.memory_space<vmem>> -> memref<1x80xi32, #tpu.memory_space<vmem>>
    %dma_wait3A_869 = tpu.memref_squeeze %dma_wait3A_868 : memref<1x80xi32, #tpu.memory_space<vmem>> -> memref<80xi32, #tpu.memory_space<vmem>>
    %dma_wait3A_870 = arith.constant 0 : i32
    %dma_wait3A_871 = arith.constant 0 : i32
    %dma_wait3A_872 = tpu.memref_slice %arg2[%dma_wait3A_870, %dma_wait3A_871] : memref<10000x128xf32, #tpu.memory_space<hbm>> -> memref<10000x128xf32, #tpu.memory_space<hbm>>
    %dma_wait3A_873 = tpu.memref_slice %arg10[%dma_wait3A_862] : memref<3x!tpu.dma_semaphore, #tpu.memory_space<semaphore_mem>> -> memref<1x!tpu.dma_semaphore, #tpu.memory_space<semaphore_mem>>
    %dma_wait3A_874 = tpu.memref_squeeze %dma_wait3A_873 : memref<1x!tpu.dma_semaphore, #tpu.memory_space<semaphore_mem>> -> memref<!tpu.dma_semaphore, #tpu.memory_space<semaphore_mem>>
    tpu.wait_indirect_dma semaphore(%dma_wait3A_874 : memref<!tpu.dma_semaphore, #tpu.memory_space<semaphore_mem>>) src(%dma_wait3A_872 : memref<10000x128xf32, #tpu.memory_space<hbm>>) dst(%dma_wait3A_866 : memref<80x128xf32, #tpu.memory_space<vmem>>)
    %dma_wait3A_875 = arith.constant 0 : i32
    %dma_wait3A_876 = arith.constant 0 : i32
    %dma_wait3A_877 = arith.constant 0 : i32
    %dma_wait3A_878 = arith.constant 0 : i32
    %dma_wait3A_879 = arith.constant 0 : i32
    %dma_wait3A_880 = tpu.memref_slice %arg8[%dma_wait3A_875, %dma_wait3A_878, %dma_wait3A_879] : memref<3x80x128xf32, #tpu.memory_space<vmem>> -> memref<1x80x128xf32, #tpu.memory_space<vmem>>
    %dma_wait3A_881 = tpu.memref_squeeze %dma_wait3A_880 : memref<1x80x128xf32, #tpu.memory_space<vmem>> -> memref<80x128xf32, #tpu.memory_space<vmem>>
    %dma_wait3A_882 = arith.constant 0 : i32
    %dma_wait3A_883 = tpu.memref_slice %arg7[%dma_wait3A_876, %dma_wait3A_882] : memref<3x80xi32, #tpu.memory_space<vmem>> -> memref<1x80xi32, #tpu.memory_space<vmem>>
    %dma_wait3A_884 = tpu.memref_squeeze %dma_wait3A_883 : memref<1x80xi32, #tpu.memory_space<vmem>> -> memref<80xi32, #tpu.memory_space<vmem>>
    %dma_wait3A_885 = arith.constant 0 : i32
    %dma_wait3A_886 = arith.constant 0 : i32
    %dma_wait3A_887 = tpu.memref_slice %arg9[%dma_wait3A_885, %dma_wait3A_886] : memref<10240x128xf32, #tpu.memory_space<vmem_shared>> -> memref<10240x128xf32, #tpu.memory_space<vmem_shared>>
    %dma_wait3A_888 = tpu.memref_slice %arg11[%dma_wait3A_877] : memref<3x!tpu.dma_semaphore, #tpu.memory_space<semaphore_mem>> -> memref<1x!tpu.dma_semaphore, #tpu.memory_space<semaphore_mem>>
    %dma_wait3A_889 = tpu.memref_squeeze %dma_wait3A_888 : memref<1x!tpu.dma_semaphore, #tpu.memory_space<semaphore_mem>> -> memref<!tpu.dma_semaphore, #tpu.memory_space<semaphore_mem>>
    tpu.wait_indirect_dma semaphore(%dma_wait3A_889 : memref<!tpu.dma_semaphore, #tpu.memory_space<semaphore_mem>>) src(%dma_wait3A_881 : memref<80x128xf32, #tpu.memory_space<vmem>>) dst(%dma_wait3A_887 : memref<10240x128xf32, #tpu.memory_space<vmem_shared>>)
    %dma_start3A_890 = arith.constant 1 : i32
    %dma_start3A_891 = arith.constant 1 : i32
    %dma_start3A_892 = arith.constant 1 : i32
    %dma_start3A_893 = arith.constant 0 : i32
    %dma_start3A_894 = arith.constant 0 : i32
    %dma_start3A_895 = tpu.memref_slice %arg8[%dma_start3A_890, %dma_start3A_893, %dma_start3A_894] : memref<3x80x128xf32, #tpu.memory_space<vmem>> -> memref<1x80x128xf32, #tpu.memory_space<vmem>>
    %dma_start3A_896 = tpu.memref_squeeze %dma_start3A_895 : memref<1x80x128xf32, #tpu.memory_space<vmem>> -> memref<80x128xf32, #tpu.memory_space<vmem>>
    %dma_start3A_897 = arith.constant 0 : i32
    %dma_start3A_898 = tpu.memref_slice %arg7[%dma_start3A_891, %dma_start3A_897] : memref<3x80xi32, #tpu.memory_space<vmem>> -> memref<1x80xi32, #tpu.memory_space<vmem>>
    %dma_start3A_899 = tpu.memref_squeeze %dma_start3A_898 : memref<1x80xi32, #tpu.memory_space<vmem>> -> memref<80xi32, #tpu.memory_space<vmem>>
    %dma_start3A_900 = arith.constant 0 : i32
    %dma_start3A_901 = arith.constant 0 : i32
    %dma_start3A_902 = tpu.memref_slice %arg9[%dma_start3A_900, %dma_start3A_901] : memref<10240x128xf32, #tpu.memory_space<vmem_shared>> -> memref<10240x128xf32, #tpu.memory_space<vmem_shared>>
    %dma_start3A_903 = tpu.memref_slice %arg11[%dma_start3A_892] : memref<3x!tpu.dma_semaphore, #tpu.memory_space<semaphore_mem>> -> memref<1x!tpu.dma_semaphore, #tpu.memory_space<semaphore_mem>>
    %dma_start3A_904 = tpu.memref_squeeze %dma_start3A_903 : memref<1x!tpu.dma_semaphore, #tpu.memory_space<semaphore_mem>> -> memref<!tpu.dma_semaphore, #tpu.memory_space<semaphore_mem>>
    tpu.enqueue_indirect_dma source(%dma_start3A_896 : memref<80x128xf32, #tpu.memory_space<vmem>>) target(%dma_start3A_902 : memref<10240x128xf32, #tpu.memory_space<vmem_shared>>) offsets(%dma_start3A_899 : memref<80xi32, #tpu.memory_space<vmem>>) semaphore(%dma_start3A_904 : memref<!tpu.dma_semaphore, #tpu.memory_space<semaphore_mem>>) {add = true}
    %dma_wait3A_905 = arith.constant 1 : i32
    %dma_wait3A_906 = arith.constant 1 : i32
    %dma_wait3A_907 = arith.constant 1 : i32
    %dma_wait3A_908 = arith.constant 0 : i32
    %dma_wait3A_909 = arith.constant 0 : i32
    %dma_wait3A_910 = tpu.memref_slice %arg8[%dma_wait3A_905, %dma_wait3A_908, %dma_wait3A_909] : memref<3x80x128xf32, #tpu.memory_space<vmem>> -> memref<1x80x128xf32, #tpu.memory_space<vmem>>
    %dma_wait3A_911 = tpu.memref_squeeze %dma_wait3A_910 : memref<1x80x128xf32, #tpu.memory_space<vmem>> -> memref<80x128xf32, #tpu.memory_space<vmem>>
    %dma_wait3A_912 = arith.constant 0 : i32
    %dma_wait3A_913 = tpu.memref_slice %arg7[%dma_wait3A_906, %dma_wait3A_912] : memref<3x80xi32, #tpu.memory_space<vmem>> -> memref<1x80xi32, #tpu.memory_space<vmem>>
    %dma_wait3A_914 = tpu.memref_squeeze %dma_wait3A_913 : memref<1x80xi32, #tpu.memory_space<vmem>> -> memref<80xi32, #tpu.memory_space<vmem>>
    %dma_wait3A_915 = arith.constant 0 : i32
    %dma_wait3A_916 = arith.constant 0 : i32
    %dma_wait3A_917 = tpu.memref_slice %arg9[%dma_wait3A_915, %dma_wait3A_916] : memref<10240x128xf32, #tpu.memory_space<vmem_shared>> -> memref<10240x128xf32, #tpu.memory_space<vmem_shared>>
    %dma_wait3A_918 = tpu.memref_slice %arg11[%dma_wait3A_907] : memref<3x!tpu.dma_semaphore, #tpu.memory_space<semaphore_mem>> -> memref<1x!tpu.dma_semaphore, #tpu.memory_space<semaphore_mem>>
    %dma_wait3A_919 = tpu.memref_squeeze %dma_wait3A_918 : memref<1x!tpu.dma_semaphore, #tpu.memory_space<semaphore_mem>> -> memref<!tpu.dma_semaphore, #tpu.memory_space<semaphore_mem>>
    tpu.wait_indirect_dma semaphore(%dma_wait3A_919 : memref<!tpu.dma_semaphore, #tpu.memory_space<semaphore_mem>>) src(%dma_wait3A_911 : memref<80x128xf32, #tpu.memory_space<vmem>>) dst(%dma_wait3A_917 : memref<10240x128xf32, #tpu.memory_space<vmem_shared>>)
    %barrier3A_920 = arith.constant 0 : index
    tpu.barrier barrier_id(%barrier3A_920)
    %mul3A_921 = arith.constant 640 : i32
    %mul3A_922 = arith.muli %arg1, %mul3A_921 : i32
    %add3A_923 = arith.constant 0 : i32
    %add3A_924 = arith.addi %mul3A_922, %add3A_923 : i32
    "tpu.region"() ({
      %run_scoped3A_941 = tpu.sem_alloc : memref<!tpu.dma_semaphore, #tpu.memory_space<semaphore_mem>>
      %dma_start3A_942 = arith.constant 0 : i32
      %dma_start3A_943 = tpu.memref_slice %arg4[%arg0, %add3A_924, %dma_start3A_942] : memref<2x10240x128xf32, #tpu.memory_space<hbm>> -> memref<1x128x128xf32, #tpu.memory_space<hbm>>
      %dma_start3A_944 = tpu.memref_squeeze %dma_start3A_943 : memref<1x128x128xf32, #tpu.memory_space<hbm>> -> memref<128x128xf32, #tpu.memory_space<hbm>>
      %dma_start3A_945 = arith.constant 0 : i32
      %dma_start3A_946 = tpu.memref_slice %arg9[%add3A_924, %dma_start3A_945] : memref<10240x128xf32, #tpu.memory_space<vmem_shared>> -> memref<128x128xf32, #tpu.memory_space<vmem_shared>>
      tpu.enqueue_dma source(%dma_start3A_946 : memref<128x128xf32, #tpu.memory_space<vmem_shared>>) target(%dma_start3A_944 : memref<128x128xf32, #tpu.memory_space<hbm>>) target_semaphore(%run_scoped3A_941 : memref<!tpu.dma_semaphore, #tpu.memory_space<semaphore_mem>>)
      %dma_wait3A_947 = arith.constant 0 : i32
      %dma_wait3A_948 = tpu.memref_slice %arg4[%arg0, %add3A_924, %dma_wait3A_947] : memref<2x10240x128xf32, #tpu.memory_space<hbm>> -> memref<1x128x128xf32, #tpu.memory_space<hbm>>
      %dma_wait3A_949 = tpu.memref_squeeze %dma_wait3A_948 : memref<1x128x128xf32, #tpu.memory_space<hbm>> -> memref<128x128xf32, #tpu.memory_space<hbm>>
      %dma_wait3A_950 = arith.constant 0 : i32
      %dma_wait3A_951 = tpu.memref_slice %arg9[%add3A_924, %dma_wait3A_950] : memref<10240x128xf32, #tpu.memory_space<vmem_shared>> -> memref<128x128xf32, #tpu.memory_space<vmem_shared>>
      tpu.wait_dma2 semaphore(%run_scoped3A_941 : memref<!tpu.dma_semaphore, #tpu.memory_space<semaphore_mem>>) src(%dma_wait3A_951 : memref<128x128xf32, #tpu.memory_space<vmem_shared>>) dst(%dma_wait3A_949 : memref<128x128xf32, #tpu.memory_space<hbm>>)
      tpu.yield
    }) : () -> ()
    %mul3A_925 = arith.constant 640 : i32
    %mul3A_926 = arith.muli %arg1, %mul3A_925 : i32
    %add3A_927 = arith.constant 128 : i32
    %add3A_928 = arith.addi %mul3A_926, %add3A_927 : i32
    "tpu.region"() ({
      %run_scoped3A_941 = tpu.sem_alloc : memref<!tpu.dma_semaphore, #tpu.memory_space<semaphore_mem>>
      %dma_start3A_942 = arith.constant 0 : i32
      %dma_start3A_943 = tpu.memref_slice %arg4[%arg0, %add3A_928, %dma_start3A_942] : memref<2x10240x128xf32, #tpu.memory_space<hbm>> -> memref<1x128x128xf32, #tpu.memory_space<hbm>>
      %dma_start3A_944 = tpu.memref_squeeze %dma_start3A_943 : memref<1x128x128xf32, #tpu.memory_space<hbm>> -> memref<128x128xf32, #tpu.memory_space<hbm>>
      %dma_start3A_945 = arith.constant 0 : i32
      %dma_start3A_946 = tpu.memref_slice %arg9[%add3A_928, %dma_start3A_945] : memref<10240x128xf32, #tpu.memory_space<vmem_shared>> -> memref<128x128xf32, #tpu.memory_space<vmem_shared>>
      tpu.enqueue_dma source(%dma_start3A_946 : memref<128x128xf32, #tpu.memory_space<vmem_shared>>) target(%dma_start3A_944 : memref<128x128xf32, #tpu.memory_space<hbm>>) target_semaphore(%run_scoped3A_941 : memref<!tpu.dma_semaphore, #tpu.memory_space<semaphore_mem>>)
      %dma_wait3A_947 = arith.constant 0 : i32
      %dma_wait3A_948 = tpu.memref_slice %arg4[%arg0, %add3A_928, %dma_wait3A_947] : memref<2x10240x128xf32, #tpu.memory_space<hbm>> -> memref<1x128x128xf32, #tpu.memory_space<hbm>>
      %dma_wait3A_949 = tpu.memref_squeeze %dma_wait3A_948 : memref<1x128x128xf32, #tpu.memory_space<hbm>> -> memref<128x128xf32, #tpu.memory_space<hbm>>
      %dma_wait3A_950 = arith.constant 0 : i32
      %dma_wait3A_951 = tpu.memref_slice %arg9[%add3A_928, %dma_wait3A_950] : memref<10240x128xf32, #tpu.memory_space<vmem_shared>> -> memref<128x128xf32, #tpu.memory_space<vmem_shared>>
      tpu.wait_dma2 semaphore(%run_scoped3A_941 : memref<!tpu.dma_semaphore, #tpu.memory_space<semaphore_mem>>) src(%dma_wait3A_951 : memref<128x128xf32, #tpu.memory_space<vmem_shared>>) dst(%dma_wait3A_949 : memref<128x128xf32, #tpu.memory_space<hbm>>)
      tpu.yield
    }) : () -> ()
    %mul3A_929 = arith.constant 640 : i32
    %mul3A_930 = arith.muli %arg1, %mul3A_929 : i32
    %add3A_931 = arith.constant 256 : i32
    %add3A_932 = arith.addi %mul3A_930, %add3A_931 : i32
    "tpu.region"() ({
      %run_scoped3A_941 = tpu.sem_alloc : memref<!tpu.dma_semaphore, #tpu.memory_space<semaphore_mem>>
      %dma_start3A_942 = arith.constant 0 : i32
      %dma_start3A_943 = tpu.memref_slice %arg4[%arg0, %add3A_932, %dma_start3A_942] : memref<2x10240x128xf32, #tpu.memory_space<hbm>> -> memref<1x128x128xf32, #tpu.memory_space<hbm>>
      %dma_start3A_944 = tpu.memref_squeeze %dma_start3A_943 : memref<1x128x128xf32, #tpu.memory_space<hbm>> -> memref<128x128xf32, #tpu.memory_space<hbm>>
      %dma_start3A_945 = arith.constant 0 : i32
      %dma_start3A_946 = tpu.memref_slice %arg9[%add3A_932, %dma_start3A_945] : memref<10240x128xf32, #tpu.memory_space<vmem_shared>> -> memref<128x128xf32, #tpu.memory_space<vmem_shared>>
      tpu.enqueue_dma source(%dma_start3A_946 : memref<128x128xf32, #tpu.memory_space<vmem_shared>>) target(%dma_start3A_944 : memref<128x128xf32, #tpu.memory_space<hbm>>) target_semaphore(%run_scoped3A_941 : memref<!tpu.dma_semaphore, #tpu.memory_space<semaphore_mem>>)
      %dma_wait3A_947 = arith.constant 0 : i32
      %dma_wait3A_948 = tpu.memref_slice %arg4[%arg0, %add3A_932, %dma_wait3A_947] : memref<2x10240x128xf32, #tpu.memory_space<hbm>> -> memref<1x128x128xf32, #tpu.memory_space<hbm>>
      %dma_wait3A_949 = tpu.memref_squeeze %dma_wait3A_948 : memref<1x128x128xf32, #tpu.memory_space<hbm>> -> memref<128x128xf32, #tpu.memory_space<hbm>>
      %dma_wait3A_950 = arith.constant 0 : i32
      %dma_wait3A_951 = tpu.memref_slice %arg9[%add3A_932, %dma_wait3A_950] : memref<10240x128xf32, #tpu.memory_space<vmem_shared>> -> memref<128x128xf32, #tpu.memory_space<vmem_shared>>
      tpu.wait_dma2 semaphore(%run_scoped3A_941 : memref<!tpu.dma_semaphore, #tpu.memory_space<semaphore_mem>>) src(%dma_wait3A_951 : memref<128x128xf32, #tpu.memory_space<vmem_shared>>) dst(%dma_wait3A_949 : memref<128x128xf32, #tpu.memory_space<hbm>>)
      tpu.yield
    }) : () -> ()
    %mul3A_933 = arith.constant 640 : i32
    %mul3A_934 = arith.muli %arg1, %mul3A_933 : i32
    %add3A_935 = arith.constant 384 : i32
    %add3A_936 = arith.addi %mul3A_934, %add3A_935 : i32
    "tpu.region"() ({
      %run_scoped3A_941 = tpu.sem_alloc : memref<!tpu.dma_semaphore, #tpu.memory_space<semaphore_mem>>
      %dma_start3A_942 = arith.constant 0 : i32
      %dma_start3A_943 = tpu.memref_slice %arg4[%arg0, %add3A_936, %dma_start3A_942] : memref<2x10240x128xf32, #tpu.memory_space<hbm>> -> memref<1x128x128xf32, #tpu.memory_space<hbm>>
      %dma_start3A_944 = tpu.memref_squeeze %dma_start3A_943 : memref<1x128x128xf32, #tpu.memory_space<hbm>> -> memref<128x128xf32, #tpu.memory_space<hbm>>
      %dma_start3A_945 = arith.constant 0 : i32
      %dma_start3A_946 = tpu.memref_slice %arg9[%add3A_936, %dma_start3A_945] : memref<10240x128xf32, #tpu.memory_space<vmem_shared>> -> memref<128x128xf32, #tpu.memory_space<vmem_shared>>
      tpu.enqueue_dma source(%dma_start3A_946 : memref<128x128xf32, #tpu.memory_space<vmem_shared>>) target(%dma_start3A_944 : memref<128x128xf32, #tpu.memory_space<hbm>>) target_semaphore(%run_scoped3A_941 : memref<!tpu.dma_semaphore, #tpu.memory_space<semaphore_mem>>)
      %dma_wait3A_947 = arith.constant 0 : i32
      %dma_wait3A_948 = tpu.memref_slice %arg4[%arg0, %add3A_936, %dma_wait3A_947] : memref<2x10240x128xf32, #tpu.memory_space<hbm>> -> memref<1x128x128xf32, #tpu.memory_space<hbm>>
      %dma_wait3A_949 = tpu.memref_squeeze %dma_wait3A_948 : memref<1x128x128xf32, #tpu.memory_space<hbm>> -> memref<128x128xf32, #tpu.memory_space<hbm>>
      %dma_wait3A_950 = arith.constant 0 : i32
      %dma_wait3A_951 = tpu.memref_slice %arg9[%add3A_936, %dma_wait3A_950] : memref<10240x128xf32, #tpu.memory_space<vmem_shared>> -> memref<128x128xf32, #tpu.memory_space<vmem_shared>>
      tpu.wait_dma2 semaphore(%run_scoped3A_941 : memref<!tpu.dma_semaphore, #tpu.memory_space<semaphore_mem>>) src(%dma_wait3A_951 : memref<128x128xf32, #tpu.memory_space<vmem_shared>>) dst(%dma_wait3A_949 : memref<128x128xf32, #tpu.memory_space<hbm>>)
      tpu.yield
    }) : () -> ()
    %mul3A_937 = arith.constant 640 : i32
    %mul3A_938 = arith.muli %arg1, %mul3A_937 : i32
    %add3A_939 = arith.constant 512 : i32
    %add3A_940 = arith.addi %mul3A_938, %add3A_939 : i32
    "tpu.region"() ({
      %run_scoped3A_941 = tpu.sem_alloc : memref<!tpu.dma_semaphore, #tpu.memory_space<semaphore_mem>>
      %dma_start3A_942 = arith.constant 0 : i32
      %dma_start3A_943 = tpu.memref_slice %arg4[%arg0, %add3A_940, %dma_start3A_942] : memref<2x10240x128xf32, #tpu.memory_space<hbm>> -> memref<1x128x128xf32, #tpu.memory_space<hbm>>
      %dma_start3A_944 = tpu.memref_squeeze %dma_start3A_943 : memref<1x128x128xf32, #tpu.memory_space<hbm>> -> memref<128x128xf32, #tpu.memory_space<hbm>>
      %dma_start3A_945 = arith.constant 0 : i32
      %dma_start3A_946 = tpu.memref_slice %arg9[%add3A_940, %dma_start3A_945] : memref<10240x128xf32, #tpu.memory_space<vmem_shared>> -> memref<128x128xf32, #tpu.memory_space<vmem_shared>>
      tpu.enqueue_dma source(%dma_start3A_946 : memref<128x128xf32, #tpu.memory_space<vmem_shared>>) target(%dma_start3A_944 : memref<128x128xf32, #tpu.memory_space<hbm>>) target_semaphore(%run_scoped3A_941 : memref<!tpu.dma_semaphore, #tpu.memory_space<semaphore_mem>>)
      %dma_wait3A_947 = arith.constant 0 : i32
      %dma_wait3A_948 = tpu.memref_slice %arg4[%arg0, %add3A_940, %dma_wait3A_947] : memref<2x10240x128xf32, #tpu.memory_space<hbm>> -> memref<1x128x128xf32, #tpu.memory_space<hbm>>
      %dma_wait3A_949 = tpu.memref_squeeze %dma_wait3A_948 : memref<1x128x128xf32, #tpu.memory_space<hbm>> -> memref<128x128xf32, #tpu.memory_space<hbm>>
      %dma_wait3A_950 = arith.constant 0 : i32
      %dma_wait3A_951 = tpu.memref_slice %arg9[%add3A_940, %dma_wait3A_950] : memref<10240x128xf32, #tpu.memory_space<vmem_shared>> -> memref<128x128xf32, #tpu.memory_space<vmem_shared>>
      tpu.wait_dma2 semaphore(%run_scoped3A_941 : memref<!tpu.dma_semaphore, #tpu.memory_space<semaphore_mem>>) src(%dma_wait3A_951 : memref<128x128xf32, #tpu.memory_space<vmem_shared>>) dst(%dma_wait3A_949 : memref<128x128xf32, #tpu.memory_space<hbm>>)
      tpu.yield
    }) : () -> ()
    return
  }
}

#map = affine_map<(d0, d1) -> (0, 0)>
#map1 = affine_map<(d0, d1) -> (0, 0, 0)>
module attributes {stable_mosaic.version = 14 : i64} {
  func.func @_sc_agg_body(%arg0: i32, %arg1: i32, %arg2: memref<10000x128xf32, #tpu.memory_space<hbm>>, %arg3: memref<32x125x80xi32, #tpu.memory_space<hbm>>, %arg4: memref<2x10240x128xf32, #tpu.memory_space<hbm>>, %arg5: memref<125x80xi32, #tpu.memory_space<vmem>>, %arg6: memref<3x80xi32, #tpu.memory_space<vmem>>, %arg7: memref<3x80xi32, #tpu.memory_space<vmem>>, %arg8: memref<3x80x128xf32, #tpu.memory_space<vmem>>, %arg9: memref<10240x128xf32, #tpu.memory_space<vmem_shared>>, %arg10: memref<3x!tpu.dma_semaphore, #tpu.memory_space<semaphore_mem>>, %arg11: memref<3x!tpu.dma_semaphore, #tpu.memory_space<semaphore_mem>>) attributes {dimension_semantics = [#tpu.dimension_semantics<core_parallel>, #tpu.dimension_semantics<subcore_parallel>], iteration_bounds = array<i64: 2, 16>, scalar_prefetch = 0 : i64, scratch_operands = 7 : i64, tpu.core_type = #tpu.core_type<sc_vector_subcore>, window_params = [{transform_indices = #map}, {transform_indices = #map1}, {transform_indices = #map1}]} {
    %mul3A = arith.constant 16 : i32
    %mul3A_0 = arith.muli %arg0, %mul3A : i32
    %add3A = arith.addi %mul3A_0, %arg1 : i32
    %scan3A = arith.constant 0 : i32
    %scan3A_1 = arith.constant 0 : i32
    %scan3A_2 = arith.constant 640 : i32
    %scan3A_3 = arith.addi %scan3A_1, %scan3A_2 : i32
    %scan3A_4 = arith.constant 1 : i32
    scf.for %scan3A_941 = %scan3A_1 to %scan3A_3 step %scan3A_4  : i32 {
      %broadcast_in_dim3A = arith.constant 0.000000e+00 : f32
      %broadcast_in_dim3A_942 = vector.broadcast %broadcast_in_dim3A : f32 to vector<16xf32>
      %jit3A = arith.constant 8 : i32
      %div3A = arith.divsi %scan3A_941, %jit3A : i32
      %sign3A = arith.constant 0 : i32
      %sign3A_943 = arith.cmpi sgt, %scan3A_941, %sign3A : i32
      %sign3A_944 = arith.extui %sign3A_943 : i1 to i32
      %sign3A_945 = arith.constant 0 : i32
      %sign3A_946 = arith.cmpi slt, %scan3A_941, %sign3A_945 : i32
      %sign3A_947 = arith.extui %sign3A_946 : i1 to i32
      %sign3A_948 = arith.subi %sign3A_944, %sign3A_947 : i32
      %sign3A_949 = arith.constant 0 : i32
      %sign3A_950 = arith.cmpi sgt, %jit3A, %sign3A_949 : i32
      %sign3A_951 = arith.extui %sign3A_950 : i1 to i32
      %sign3A_952 = arith.constant 0 : i32
      %sign3A_953 = arith.cmpi slt, %jit3A, %sign3A_952 : i32
      %sign3A_954 = arith.extui %sign3A_953 : i1 to i32
      %sign3A_955 = arith.subi %sign3A_951, %sign3A_954 : i32
      %ne3A = arith.cmpi ne, %sign3A_948, %sign3A_955 : i32
      %rem3A = arith.remsi %scan3A_941, %jit3A : i32
      %ne3A_956 = arith.constant 0 : i32
      %ne3A_957 = arith.cmpi ne, %rem3A, %ne3A_956 : i32
      %and3A_958 = arith.andi %ne3A, %ne3A_957 : i1
      %sub3A = arith.constant 1 : i32
      %sub3A_959 = arith.subi %div3A, %sub3A : i32
      %select_n3A = arith.select %and3A_958, %sub3A_959, %div3A : i32
      %jit3A_960 = arith.constant 8 : i32
      %eq3A = arith.constant 0 : i32
      %eq3A_961 = arith.cmpi eq, %jit3A_960, %eq3A : i32
      %jit3A_962 = arith.constant 1 : i32
      %select_n3A_963 = arith.select %eq3A_961, %jit3A_962, %jit3A_960 : i32
      %rem3A_964 = arith.remsi %scan3A_941, %select_n3A_963 : i32
      %ne3A_965 = arith.constant 0 : i32
      %ne3A_966 = arith.cmpi ne, %rem3A_964, %ne3A_965 : i32
      %lt3A = arith.constant 0 : i32
      %lt3A_967 = arith.cmpi slt, %rem3A_964, %lt3A : i32
      %lt3A_968 = arith.constant 0 : i32
      %lt3A_969 = arith.cmpi slt, %select_n3A_963, %lt3A_968 : i32
      %ne3A_970 = arith.xori %lt3A_967, %lt3A_969 : i1
      %and3A_971 = arith.andi %ne3A_970, %ne3A_966 : i1
      %add3A_972 = arith.addi %rem3A_964, %select_n3A_963 : i32
      %select_n3A_973 = arith.select %and3A_971, %add3A_972, %rem3A_964 : i32
      %mul3A_974 = arith.constant 16 : i32
      %mul3A_975 = arith.muli %select_n3A_973, %mul3A_974 : i32
      %swap3A_976 = arith.constant 0 : i32
      %swap3A_977 = arith.index_cast %swap3A_976 : i32 to index
      %swap3A_978 = arith.index_cast %select_n3A : i32 to index
      %swap3A_979 = arith.index_cast %mul3A_975 : i32 to index
      %swap3A_980 = tpu.vector_load %arg8[%swap3A_977, %swap3A_978, %swap3A_979] {strides = array<i32>} : memref<3x80x128xf32, #tpu.memory_space<vmem>>, vector<1x1x16xf32>,
      %swap3A_981 = vector.shape_cast %swap3A_980 : vector<1x1x16xf32> to vector<16xf32>
      %swap3A_982 = vector.shape_cast %broadcast_in_dim3A_942 : vector<16xf32> to vector<1x1x16xf32>
      tpu.vector_store %arg8[%swap3A_977, %swap3A_978, %swap3A_979], %swap3A_982 {strides = array<i32>} : memref<3x80x128xf32, #tpu.memory_space<vmem>>, vector<1x1x16xf32>,
    }
    %scan3A_5 = arith.constant 640 : i32
    %mul3A_6 = arith.constant 640 : i32
    %mul3A_7 = arith.muli %arg1, %mul3A_6 : i32
    %add3A_8 = arith.constant 0 : i32
    %add3A_9 = arith.addi %mul3A_7, %add3A_8 : i32
    %run_scoped3A = arith.constant 0 : i32
    "tpu.region"() ({
      %run_scoped3A_941 = tpu.sem_alloc : memref<!tpu.dma_semaphore, #tpu.memory_space<semaphore_mem>>
      %dma_start3A_942 = arith.constant 0 : i32
      %dma_start3A_943 = arith.constant 0 : i32
      %dma_start3A_944 = tpu.memref_slice %arg8[%run_scoped3A, %dma_start3A_942, %dma_start3A_943] : memref<3x80x128xf32, #tpu.memory_space<vmem>> -> memref<1x80x128xf32, #tpu.memory_space<vmem>>
      %dma_start3A_945 = tpu.memref_squeeze %dma_start3A_944 : memref<1x80x128xf32, #tpu.memory_space<vmem>> -> memref<80x128xf32, #tpu.memory_space<vmem>>
      %dma_start3A_946 = arith.constant 0 : i32
      %dma_start3A_947 = tpu.memref_slice %arg9[%add3A_9, %dma_start3A_946] : memref<10240x128xf32, #tpu.memory_space<vmem_shared>> -> memref<80x128xf32, #tpu.memory_space<vmem_shared>>
      %dma_start3A_948 = arith.constant 0 : i32
      %dma_start3A_949 = tpu.memref_slice %arg9[%add3A_9, %dma_start3A_948] : memref<10240x128xf32, #tpu.memory_space<vmem_shared>> -> memref<80x128xf32, #tpu.memory_space<vmem_shared>>
      %dma_start3A_950 = arith.constant 0 : i32
      %dma_start3A_951 = arith.constant 0 : i32
      %dma_start3A_952 = tpu.memref_slice %arg8[%run_scoped3A, %dma_start3A_950, %dma_start3A_951] : memref<3x80x128xf32, #tpu.memory_space<vmem>> -> memref<1x80x128xf32, #tpu.memory_space<vmem>>
      %dma_start3A_953 = tpu.memref_squeeze %dma_start3A_952 : memref<1x80x128xf32, #tpu.memory_space<vmem>> -> memref<80x128xf32, #tpu.memory_space<vmem>>
      tpu.enqueue_dma source(%dma_start3A_953 : memref<80x128xf32, #tpu.memory_space<vmem>>) target(%dma_start3A_949 : memref<80x128xf32, #tpu.memory_space<vmem_shared>>) target_semaphore(%run_scoped3A_941 : memref<!tpu.dma_semaphore, #tpu.memory_space<semaphore_mem>>)
      %dma_wait3A_954 = arith.constant 0 : i32
      %dma_wait3A_955 = arith.constant 0 : i32
      %dma_wait3A_956 = tpu.memref_slice %arg8[%run_scoped3A, %dma_wait3A_954, %dma_wait3A_955] : memref<3x80x128xf32, #tpu.memory_space<vmem>> -> memref<1x80x128xf32, #tpu.memory_space<vmem>>
      %dma_wait3A_957 = tpu.memref_squeeze %dma_wait3A_956 : memref<1x80x128xf32, #tpu.memory_space<vmem>> -> memref<80x128xf32, #tpu.memory_space<vmem>>
      %dma_wait3A_958 = arith.constant 0 : i32
      %dma_wait3A_959 = tpu.memref_slice %arg9[%add3A_9, %dma_wait3A_958] : memref<10240x128xf32, #tpu.memory_space<vmem_shared>> -> memref<80x128xf32, #tpu.memory_space<vmem_shared>>
      %dma_wait3A_960 = arith.constant 0 : i32
      %dma_wait3A_961 = tpu.memref_slice %arg9[%add3A_9, %dma_wait3A_960] : memref<10240x128xf32, #tpu.memory_space<vmem_shared>> -> memref<80x128xf32, #tpu.memory_space<vmem_shared>>
      %dma_wait3A_962 = arith.constant 0 : i32
      %dma_wait3A_963 = arith.constant 0 : i32
      %dma_wait3A_964 = tpu.memref_slice %arg8[%run_scoped3A, %dma_wait3A_962, %dma_wait3A_963] : memref<3x80x128xf32, #tpu.memory_space<vmem>> -> memref<1x80x128xf32, #tpu.memory_space<vmem>>
      %dma_wait3A_965 = tpu.memref_squeeze %dma_wait3A_964 : memref<1x80x128xf32, #tpu.memory_space<vmem>> -> memref<80x128xf32, #tpu.memory_space<vmem>>
      tpu.wait_dma2 semaphore(%run_scoped3A_941 : memref<!tpu.dma_semaphore, #tpu.memory_space<semaphore_mem>>) src(%dma_wait3A_965 : memref<80x128xf32, #tpu.memory_space<vmem>>) dst(%dma_wait3A_961 : memref<80x128xf32, #tpu.memory_space<vmem_shared>>)
      tpu.yield
    }) : () -> ()
    %mul3A_10 = arith.constant 640 : i32
    %mul3A_11 = arith.muli %arg1, %mul3A_10 : i32
    %add3A_12 = arith.constant 80 : i32
    %add3A_13 = arith.addi %mul3A_11, %add3A_12 : i32
    %run_scoped3A_14 = arith.constant 0 : i32
    "tpu.region"() ({
      %run_scoped3A_941 = tpu.sem_alloc : memref<!tpu.dma_semaphore, #tpu.memory_space<semaphore_mem>>
      %dma_start3A_942 = arith.constant 0 : i32
      %dma_start3A_943 = arith.constant 0 : i32
      %dma_start3A_944 = tpu.memref_slice %arg8[%run_scoped3A_14, %dma_start3A_942, %dma_start3A_943] : memref<3x80x128xf32, #tpu.memory_space<vmem>> -> memref<1x80x128xf32, #tpu.memory_space<vmem>>
      %dma_start3A_945 = tpu.memref_squeeze %dma_start3A_944 : memref<1x80x128xf32, #tpu.memory_space<vmem>> -> memref<80x128xf32, #tpu.memory_space<vmem>>
      %dma_start3A_946 = arith.constant 0 : i32
      %dma_start3A_947 = tpu.memref_slice %arg9[%add3A_13, %dma_start3A_946] : memref<10240x128xf32, #tpu.memory_space<vmem_shared>> -> memref<80x128xf32, #tpu.memory_space<vmem_shared>>
      %dma_start3A_948 = arith.constant 0 : i32
      %dma_start3A_949 = tpu.memref_slice %arg9[%add3A_13, %dma_start3A_948] : memref<10240x128xf32, #tpu.memory_space<vmem_shared>> -> memref<80x128xf32, #tpu.memory_space<vmem_shared>>
      %dma_start3A_950 = arith.constant 0 : i32
      %dma_start3A_951 = arith.constant 0 : i32
      %dma_start3A_952 = tpu.memref_slice %arg8[%run_scoped3A_14, %dma_start3A_950, %dma_start3A_951] : memref<3x80x128xf32, #tpu.memory_space<vmem>> -> memref<1x80x128xf32, #tpu.memory_space<vmem>>
      %dma_start3A_953 = tpu.memref_squeeze %dma_start3A_952 : memref<1x80x128xf32, #tpu.memory_space<vmem>> -> memref<80x128xf32, #tpu.memory_space<vmem>>
      tpu.enqueue_dma source(%dma_start3A_953 : memref<80x128xf32, #tpu.memory_space<vmem>>) target(%dma_start3A_949 : memref<80x128xf32, #tpu.memory_space<vmem_shared>>) target_semaphore(%run_scoped3A_941 : memref<!tpu.dma_semaphore, #tpu.memory_space<semaphore_mem>>)
      %dma_wait3A_954 = arith.constant 0 : i32
      %dma_wait3A_955 = arith.constant 0 : i32
      %dma_wait3A_956 = tpu.memref_slice %arg8[%run_scoped3A_14, %dma_wait3A_954, %dma_wait3A_955] : memref<3x80x128xf32, #tpu.memory_space<vmem>> -> memref<1x80x128xf32, #tpu.memory_space<vmem>>
      %dma_wait3A_957 = tpu.memref_squeeze %dma_wait3A_956 : memref<1x80x128xf32, #tpu.memory_space<vmem>> -> memref<80x128xf32, #tpu.memory_space<vmem>>
      %dma_wait3A_958 = arith.constant 0 : i32
      %dma_wait3A_959 = tpu.memref_slice %arg9[%add3A_13, %dma_wait3A_958] : memref<10240x128xf32, #tpu.memory_space<vmem_shared>> -> memref<80x128xf32, #tpu.memory_space<vmem_shared>>
      %dma_wait3A_960 = arith.constant 0 : i32
      %dma_wait3A_961 = tpu.memref_slice %arg9[%add3A_13, %dma_wait3A_960] : memref<10240x128xf32, #tpu.memory_space<vmem_shared>> -> memref<80x128xf32, #tpu.memory_space<vmem_shared>>
      %dma_wait3A_962 = arith.constant 0 : i32
      %dma_wait3A_963 = arith.constant 0 : i32
      %dma_wait3A_964 = tpu.memref_slice %arg8[%run_scoped3A_14, %dma_wait3A_962, %dma_wait3A_963] : memref<3x80x128xf32, #tpu.memory_space<vmem>> -> memref<1x80x128xf32, #tpu.memory_space<vmem>>
      %dma_wait3A_965 = tpu.memref_squeeze %dma_wait3A_964 : memref<1x80x128xf32, #tpu.memory_space<vmem>> -> memref<80x128xf32, #tpu.memory_space<vmem>>
      tpu.wait_dma2 semaphore(%run_scoped3A_941 : memref<!tpu.dma_semaphore, #tpu.memory_space<semaphore_mem>>) src(%dma_wait3A_965 : memref<80x128xf32, #tpu.memory_space<vmem>>) dst(%dma_wait3A_961 : memref<80x128xf32, #tpu.memory_space<vmem_shared>>)
      tpu.yield
    }) : () -> ()
    %mul3A_15 = arith.constant 640 : i32
    %mul3A_16 = arith.muli %arg1, %mul3A_15 : i32
    %add3A_17 = arith.constant 160 : i32
    %add3A_18 = arith.addi %mul3A_16, %add3A_17 : i32
    %run_scoped3A_19 = arith.constant 0 : i32
    "tpu.region"() ({
      %run_scoped3A_941 = tpu.sem_alloc : memref<!tpu.dma_semaphore, #tpu.memory_space<semaphore_mem>>
      %dma_start3A_942 = arith.constant 0 : i32
      %dma_start3A_943 = arith.constant 0 : i32
      %dma_start3A_944 = tpu.memref_slice %arg8[%run_scoped3A_19, %dma_start3A_942, %dma_start3A_943] : memref<3x80x128xf32, #tpu.memory_space<vmem>> -> memref<1x80x128xf32, #tpu.memory_space<vmem>>
      %dma_start3A_945 = tpu.memref_squeeze %dma_start3A_944 : memref<1x80x128xf32, #tpu.memory_space<vmem>> -> memref<80x128xf32, #tpu.memory_space<vmem>>
      %dma_start3A_946 = arith.constant 0 : i32
      %dma_start3A_947 = tpu.memref_slice %arg9[%add3A_18, %dma_start3A_946] : memref<10240x128xf32, #tpu.memory_space<vmem_shared>> -> memref<80x128xf32, #tpu.memory_space<vmem_shared>>
      %dma_start3A_948 = arith.constant 0 : i32
      %dma_start3A_949 = tpu.memref_slice %arg9[%add3A_18, %dma_start3A_948] : memref<10240x128xf32, #tpu.memory_space<vmem_shared>> -> memref<80x128xf32, #tpu.memory_space<vmem_shared>>
      %dma_start3A_950 = arith.constant 0 : i32
      %dma_start3A_951 = arith.constant 0 : i32
      %dma_start3A_952 = tpu.memref_slice %arg8[%run_scoped3A_19, %dma_start3A_950, %dma_start3A_951] : memref<3x80x128xf32, #tpu.memory_space<vmem>> -> memref<1x80x128xf32, #tpu.memory_space<vmem>>
      %dma_start3A_953 = tpu.memref_squeeze %dma_start3A_952 : memref<1x80x128xf32, #tpu.memory_space<vmem>> -> memref<80x128xf32, #tpu.memory_space<vmem>>
      tpu.enqueue_dma source(%dma_start3A_953 : memref<80x128xf32, #tpu.memory_space<vmem>>) target(%dma_start3A_949 : memref<80x128xf32, #tpu.memory_space<vmem_shared>>) target_semaphore(%run_scoped3A_941 : memref<!tpu.dma_semaphore, #tpu.memory_space<semaphore_mem>>)
      %dma_wait3A_954 = arith.constant 0 : i32
      %dma_wait3A_955 = arith.constant 0 : i32
      %dma_wait3A_956 = tpu.memref_slice %arg8[%run_scoped3A_19, %dma_wait3A_954, %dma_wait3A_955] : memref<3x80x128xf32, #tpu.memory_space<vmem>> -> memref<1x80x128xf32, #tpu.memory_space<vmem>>
      %dma_wait3A_957 = tpu.memref_squeeze %dma_wait3A_956 : memref<1x80x128xf32, #tpu.memory_space<vmem>> -> memref<80x128xf32, #tpu.memory_space<vmem>>
      %dma_wait3A_958 = arith.constant 0 : i32
      %dma_wait3A_959 = tpu.memref_slice %arg9[%add3A_18, %dma_wait3A_958] : memref<10240x128xf32, #tpu.memory_space<vmem_shared>> -> memref<80x128xf32, #tpu.memory_space<vmem_shared>>
      %dma_wait3A_960 = arith.constant 0 : i32
      %dma_wait3A_961 = tpu.memref_slice %arg9[%add3A_18, %dma_wait3A_960] : memref<10240x128xf32, #tpu.memory_space<vmem_shared>> -> memref<80x128xf32, #tpu.memory_space<vmem_shared>>
      %dma_wait3A_962 = arith.constant 0 : i32
      %dma_wait3A_963 = arith.constant 0 : i32
      %dma_wait3A_964 = tpu.memref_slice %arg8[%run_scoped3A_19, %dma_wait3A_962, %dma_wait3A_963] : memref<3x80x128xf32, #tpu.memory_space<vmem>> -> memref<1x80x128xf32, #tpu.memory_space<vmem>>
      %dma_wait3A_965 = tpu.memref_squeeze %dma_wait3A_964 : memref<1x80x128xf32, #tpu.memory_space<vmem>> -> memref<80x128xf32, #tpu.memory_space<vmem>>
      tpu.wait_dma2 semaphore(%run_scoped3A_941 : memref<!tpu.dma_semaphore, #tpu.memory_space<semaphore_mem>>) src(%dma_wait3A_965 : memref<80x128xf32, #tpu.memory_space<vmem>>) dst(%dma_wait3A_961 : memref<80x128xf32, #tpu.memory_space<vmem_shared>>)
      tpu.yield
    }) : () -> ()
    %mul3A_20 = arith.constant 640 : i32
    %mul3A_21 = arith.muli %arg1, %mul3A_20 : i32
    %add3A_22 = arith.constant 240 : i32
    %add3A_23 = arith.addi %mul3A_21, %add3A_22 : i32
    %run_scoped3A_24 = arith.constant 0 : i32
    "tpu.region"() ({
      %run_scoped3A_941 = tpu.sem_alloc : memref<!tpu.dma_semaphore, #tpu.memory_space<semaphore_mem>>
      %dma_start3A_942 = arith.constant 0 : i32
      %dma_start3A_943 = arith.constant 0 : i32
      %dma_start3A_944 = tpu.memref_slice %arg8[%run_scoped3A_24, %dma_start3A_942, %dma_start3A_943] : memref<3x80x128xf32, #tpu.memory_space<vmem>> -> memref<1x80x128xf32, #tpu.memory_space<vmem>>
      %dma_start3A_945 = tpu.memref_squeeze %dma_start3A_944 : memref<1x80x128xf32, #tpu.memory_space<vmem>> -> memref<80x128xf32, #tpu.memory_space<vmem>>
      %dma_start3A_946 = arith.constant 0 : i32
      %dma_start3A_947 = tpu.memref_slice %arg9[%add3A_23, %dma_start3A_946] : memref<10240x128xf32, #tpu.memory_space<vmem_shared>> -> memref<80x128xf32, #tpu.memory_space<vmem_shared>>
      %dma_start3A_948 = arith.constant 0 : i32
      %dma_start3A_949 = tpu.memref_slice %arg9[%add3A_23, %dma_start3A_948] : memref<10240x128xf32, #tpu.memory_space<vmem_shared>> -> memref<80x128xf32, #tpu.memory_space<vmem_shared>>
      %dma_start3A_950 = arith.constant 0 : i32
      %dma_start3A_951 = arith.constant 0 : i32
      %dma_start3A_952 = tpu.memref_slice %arg8[%run_scoped3A_24, %dma_start3A_950, %dma_start3A_951] : memref<3x80x128xf32, #tpu.memory_space<vmem>> -> memref<1x80x128xf32, #tpu.memory_space<vmem>>
      %dma_start3A_953 = tpu.memref_squeeze %dma_start3A_952 : memref<1x80x128xf32, #tpu.memory_space<vmem>> -> memref<80x128xf32, #tpu.memory_space<vmem>>
      tpu.enqueue_dma source(%dma_start3A_953 : memref<80x128xf32, #tpu.memory_space<vmem>>) target(%dma_start3A_949 : memref<80x128xf32, #tpu.memory_space<vmem_shared>>) target_semaphore(%run_scoped3A_941 : memref<!tpu.dma_semaphore, #tpu.memory_space<semaphore_mem>>)
      %dma_wait3A_954 = arith.constant 0 : i32
      %dma_wait3A_955 = arith.constant 0 : i32
      %dma_wait3A_956 = tpu.memref_slice %arg8[%run_scoped3A_24, %dma_wait3A_954, %dma_wait3A_955] : memref<3x80x128xf32, #tpu.memory_space<vmem>> -> memref<1x80x128xf32, #tpu.memory_space<vmem>>
      %dma_wait3A_957 = tpu.memref_squeeze %dma_wait3A_956 : memref<1x80x128xf32, #tpu.memory_space<vmem>> -> memref<80x128xf32, #tpu.memory_space<vmem>>
      %dma_wait3A_958 = arith.constant 0 : i32
      %dma_wait3A_959 = tpu.memref_slice %arg9[%add3A_23, %dma_wait3A_958] : memref<10240x128xf32, #tpu.memory_space<vmem_shared>> -> memref<80x128xf32, #tpu.memory_space<vmem_shared>>
      %dma_wait3A_960 = arith.constant 0 : i32
      %dma_wait3A_961 = tpu.memref_slice %arg9[%add3A_23, %dma_wait3A_960] : memref<10240x128xf32, #tpu.memory_space<vmem_shared>> -> memref<80x128xf32, #tpu.memory_space<vmem_shared>>
      %dma_wait3A_962 = arith.constant 0 : i32
      %dma_wait3A_963 = arith.constant 0 : i32
      %dma_wait3A_964 = tpu.memref_slice %arg8[%run_scoped3A_24, %dma_wait3A_962, %dma_wait3A_963] : memref<3x80x128xf32, #tpu.memory_space<vmem>> -> memref<1x80x128xf32, #tpu.memory_space<vmem>>
      %dma_wait3A_965 = tpu.memref_squeeze %dma_wait3A_964 : memref<1x80x128xf32, #tpu.memory_space<vmem>> -> memref<80x128xf32, #tpu.memory_space<vmem>>
      tpu.wait_dma2 semaphore(%run_scoped3A_941 : memref<!tpu.dma_semaphore, #tpu.memory_space<semaphore_mem>>) src(%dma_wait3A_965 : memref<80x128xf32, #tpu.memory_space<vmem>>) dst(%dma_wait3A_961 : memref<80x128xf32, #tpu.memory_space<vmem_shared>>)
      tpu.yield
    }) : () -> ()
    %mul3A_25 = arith.constant 640 : i32
    %mul3A_26 = arith.muli %arg1, %mul3A_25 : i32
    %add3A_27 = arith.constant 320 : i32
    %add3A_28 = arith.addi %mul3A_26, %add3A_27 : i32
    %run_scoped3A_29 = arith.constant 0 : i32
    "tpu.region"() ({
      %run_scoped3A_941 = tpu.sem_alloc : memref<!tpu.dma_semaphore, #tpu.memory_space<semaphore_mem>>
      %dma_start3A_942 = arith.constant 0 : i32
      %dma_start3A_943 = arith.constant 0 : i32
      %dma_start3A_944 = tpu.memref_slice %arg8[%run_scoped3A_29, %dma_start3A_942, %dma_start3A_943] : memref<3x80x128xf32, #tpu.memory_space<vmem>> -> memref<1x80x128xf32, #tpu.memory_space<vmem>>
      %dma_start3A_945 = tpu.memref_squeeze %dma_start3A_944 : memref<1x80x128xf32, #tpu.memory_space<vmem>> -> memref<80x128xf32, #tpu.memory_space<vmem>>
      %dma_start3A_946 = arith.constant 0 : i32
      %dma_start3A_947 = tpu.memref_slice %arg9[%add3A_28, %dma_start3A_946] : memref<10240x128xf32, #tpu.memory_space<vmem_shared>> -> memref<80x128xf32, #tpu.memory_space<vmem_shared>>
      %dma_start3A_948 = arith.constant 0 : i32
      %dma_start3A_949 = tpu.memref_slice %arg9[%add3A_28, %dma_start3A_948] : memref<10240x128xf32, #tpu.memory_space<vmem_shared>> -> memref<80x128xf32, #tpu.memory_space<vmem_shared>>
      %dma_start3A_950 = arith.constant 0 : i32
      %dma_start3A_951 = arith.constant 0 : i32
      %dma_start3A_952 = tpu.memref_slice %arg8[%run_scoped3A_29, %dma_start3A_950, %dma_start3A_951] : memref<3x80x128xf32, #tpu.memory_space<vmem>> -> memref<1x80x128xf32, #tpu.memory_space<vmem>>
      %dma_start3A_953 = tpu.memref_squeeze %dma_start3A_952 : memref<1x80x128xf32, #tpu.memory_space<vmem>> -> memref<80x128xf32, #tpu.memory_space<vmem>>
      tpu.enqueue_dma source(%dma_start3A_953 : memref<80x128xf32, #tpu.memory_space<vmem>>) target(%dma_start3A_949 : memref<80x128xf32, #tpu.memory_space<vmem_shared>>) target_semaphore(%run_scoped3A_941 : memref<!tpu.dma_semaphore, #tpu.memory_space<semaphore_mem>>)
      %dma_wait3A_954 = arith.constant 0 : i32
      %dma_wait3A_955 = arith.constant 0 : i32
      %dma_wait3A_956 = tpu.memref_slice %arg8[%run_scoped3A_29, %dma_wait3A_954, %dma_wait3A_955] : memref<3x80x128xf32, #tpu.memory_space<vmem>> -> memref<1x80x128xf32, #tpu.memory_space<vmem>>
      %dma_wait3A_957 = tpu.memref_squeeze %dma_wait3A_956 : memref<1x80x128xf32, #tpu.memory_space<vmem>> -> memref<80x128xf32, #tpu.memory_space<vmem>>
      %dma_wait3A_958 = arith.constant 0 : i32
      %dma_wait3A_959 = tpu.memref_slice %arg9[%add3A_28, %dma_wait3A_958] : memref<10240x128xf32, #tpu.memory_space<vmem_shared>> -> memref<80x128xf32, #tpu.memory_space<vmem_shared>>
      %dma_wait3A_960 = arith.constant 0 : i32
      %dma_wait3A_961 = tpu.memref_slice %arg9[%add3A_28, %dma_wait3A_960] : memref<10240x128xf32, #tpu.memory_space<vmem_shared>> -> memref<80x128xf32, #tpu.memory_space<vmem_shared>>
      %dma_wait3A_962 = arith.constant 0 : i32
      %dma_wait3A_963 = arith.constant 0 : i32
      %dma_wait3A_964 = tpu.memref_slice %arg8[%run_scoped3A_29, %dma_wait3A_962, %dma_wait3A_963] : memref<3x80x128xf32, #tpu.memory_space<vmem>> -> memref<1x80x128xf32, #tpu.memory_space<vmem>>
      %dma_wait3A_965 = tpu.memref_squeeze %dma_wait3A_964 : memref<1x80x128xf32, #tpu.memory_space<vmem>> -> memref<80x128xf32, #tpu.memory_space<vmem>>
      tpu.wait_dma2 semaphore(%run_scoped3A_941 : memref<!tpu.dma_semaphore, #tpu.memory_space<semaphore_mem>>) src(%dma_wait3A_965 : memref<80x128xf32, #tpu.memory_space<vmem>>) dst(%dma_wait3A_961 : memref<80x128xf32, #tpu.memory_space<vmem_shared>>)
      tpu.yield
    }) : () -> ()
    %mul3A_30 = arith.constant 640 : i32
    %mul3A_31 = arith.muli %arg1, %mul3A_30 : i32
    %add3A_32 = arith.constant 400 : i32
    %add3A_33 = arith.addi %mul3A_31, %add3A_32 : i32
    %run_scoped3A_34 = arith.constant 0 : i32
    "tpu.region"() ({
      %run_scoped3A_941 = tpu.sem_alloc : memref<!tpu.dma_semaphore, #tpu.memory_space<semaphore_mem>>
      %dma_start3A_942 = arith.constant 0 : i32
      %dma_start3A_943 = arith.constant 0 : i32
      %dma_start3A_944 = tpu.memref_slice %arg8[%run_scoped3A_34, %dma_start3A_942, %dma_start3A_943] : memref<3x80x128xf32, #tpu.memory_space<vmem>> -> memref<1x80x128xf32, #tpu.memory_space<vmem>>
      %dma_start3A_945 = tpu.memref_squeeze %dma_start3A_944 : memref<1x80x128xf32, #tpu.memory_space<vmem>> -> memref<80x128xf32, #tpu.memory_space<vmem>>
      %dma_start3A_946 = arith.constant 0 : i32
      %dma_start3A_947 = tpu.memref_slice %arg9[%add3A_33, %dma_start3A_946] : memref<10240x128xf32, #tpu.memory_space<vmem_shared>> -> memref<80x128xf32, #tpu.memory_space<vmem_shared>>
      %dma_start3A_948 = arith.constant 0 : i32
      %dma_start3A_949 = tpu.memref_slice %arg9[%add3A_33, %dma_start3A_948] : memref<10240x128xf32, #tpu.memory_space<vmem_shared>> -> memref<80x128xf32, #tpu.memory_space<vmem_shared>>
      %dma_start3A_950 = arith.constant 0 : i32
      %dma_start3A_951 = arith.constant 0 : i32
      %dma_start3A_952 = tpu.memref_slice %arg8[%run_scoped3A_34, %dma_start3A_950, %dma_start3A_951] : memref<3x80x128xf32, #tpu.memory_space<vmem>> -> memref<1x80x128xf32, #tpu.memory_space<vmem>>
      %dma_start3A_953 = tpu.memref_squeeze %dma_start3A_952 : memref<1x80x128xf32, #tpu.memory_space<vmem>> -> memref<80x128xf32, #tpu.memory_space<vmem>>
      tpu.enqueue_dma source(%dma_start3A_953 : memref<80x128xf32, #tpu.memory_space<vmem>>) target(%dma_start3A_949 : memref<80x128xf32, #tpu.memory_space<vmem_shared>>) target_semaphore(%run_scoped3A_941 : memref<!tpu.dma_semaphore, #tpu.memory_space<semaphore_mem>>)
      %dma_wait3A_954 = arith.constant 0 : i32
      %dma_wait3A_955 = arith.constant 0 : i32
      %dma_wait3A_956 = tpu.memref_slice %arg8[%run_scoped3A_34, %dma_wait3A_954, %dma_wait3A_955] : memref<3x80x128xf32, #tpu.memory_space<vmem>> -> memref<1x80x128xf32, #tpu.memory_space<vmem>>
      %dma_wait3A_957 = tpu.memref_squeeze %dma_wait3A_956 : memref<1x80x128xf32, #tpu.memory_space<vmem>> -> memref<80x128xf32, #tpu.memory_space<vmem>>
      %dma_wait3A_958 = arith.constant 0 : i32
      %dma_wait3A_959 = tpu.memref_slice %arg9[%add3A_33, %dma_wait3A_958] : memref<10240x128xf32, #tpu.memory_space<vmem_shared>> -> memref<80x128xf32, #tpu.memory_space<vmem_shared>>
      %dma_wait3A_960 = arith.constant 0 : i32
      %dma_wait3A_961 = tpu.memref_slice %arg9[%add3A_33, %dma_wait3A_960] : memref<10240x128xf32, #tpu.memory_space<vmem_shared>> -> memref<80x128xf32, #tpu.memory_space<vmem_shared>>
      %dma_wait3A_962 = arith.constant 0 : i32
      %dma_wait3A_963 = arith.constant 0 : i32
      %dma_wait3A_964 = tpu.memref_slice %arg8[%run_scoped3A_34, %dma_wait3A_962, %dma_wait3A_963] : memref<3x80x128xf32, #tpu.memory_space<vmem>> -> memref<1x80x128xf32, #tpu.memory_space<vmem>>
      %dma_wait3A_965 = tpu.memref_squeeze %dma_wait3A_964 : memref<1x80x128xf32, #tpu.memory_space<vmem>> -> memref<80x128xf32, #tpu.memory_space<vmem>>
      tpu.wait_dma2 semaphore(%run_scoped3A_941 : memref<!tpu.dma_semaphore, #tpu.memory_space<semaphore_mem>>) src(%dma_wait3A_965 : memref<80x128xf32, #tpu.memory_space<vmem>>) dst(%dma_wait3A_961 : memref<80x128xf32, #tpu.memory_space<vmem_shared>>)
      tpu.yield
    }) : () -> ()
    %mul3A_35 = arith.constant 640 : i32
    %mul3A_36 = arith.muli %arg1, %mul3A_35 : i32
    %add3A_37 = arith.constant 480 : i32
    %add3A_38 = arith.addi %mul3A_36, %add3A_37 : i32
    %run_scoped3A_39 = arith.constant 0 : i32
    "tpu.region"() ({
      %run_scoped3A_941 = tpu.sem_alloc : memref<!tpu.dma_semaphore, #tpu.memory_space<semaphore_mem>>
      %dma_start3A_942 = arith.constant 0 : i32
      %dma_start3A_943 = arith.constant 0 : i32
      %dma_start3A_944 = tpu.memref_slice %arg8[%run_scoped3A_39, %dma_start3A_942, %dma_start3A_943] : memref<3x80x128xf32, #tpu.memory_space<vmem>> -> memref<1x80x128xf32, #tpu.memory_space<vmem>>
      %dma_start3A_945 = tpu.memref_squeeze %dma_start3A_944 : memref<1x80x128xf32, #tpu.memory_space<vmem>> -> memref<80x128xf32, #tpu.memory_space<vmem>>
      %dma_start3A_946 = arith.constant 0 : i32
      %dma_start3A_947 = tpu.memref_slice %arg9[%add3A_38, %dma_start3A_946] : memref<10240x128xf32, #tpu.memory_space<vmem_shared>> -> memref<80x128xf32, #tpu.memory_space<vmem_shared>>
      %dma_start3A_948 = arith.constant 0 : i32
      %dma_start3A_949 = tpu.memref_slice %arg9[%add3A_38, %dma_start3A_948] : memref<10240x128xf32, #tpu.memory_space<vmem_shared>> -> memref<80x128xf32, #tpu.memory_space<vmem_shared>>
      %dma_start3A_950 = arith.constant 0 : i32
      %dma_start3A_951 = arith.constant 0 : i32
      %dma_start3A_952 = tpu.memref_slice %arg8[%run_scoped3A_39, %dma_start3A_950, %dma_start3A_951] : memref<3x80x128xf32, #tpu.memory_space<vmem>> -> memref<1x80x128xf32, #tpu.memory_space<vmem>>
      %dma_start3A_953 = tpu.memref_squeeze %dma_start3A_952 : memref<1x80x128xf32, #tpu.memory_space<vmem>> -> memref<80x128xf32, #tpu.memory_space<vmem>>
      tpu.enqueue_dma source(%dma_start3A_953 : memref<80x128xf32, #tpu.memory_space<vmem>>) target(%dma_start3A_949 : memref<80x128xf32, #tpu.memory_space<vmem_shared>>) target_semaphore(%run_scoped3A_941 : memref<!tpu.dma_semaphore, #tpu.memory_space<semaphore_mem>>)
      %dma_wait3A_954 = arith.constant 0 : i32
      %dma_wait3A_955 = arith.constant 0 : i32
      %dma_wait3A_956 = tpu.memref_slice %arg8[%run_scoped3A_39, %dma_wait3A_954, %dma_wait3A_955] : memref<3x80x128xf32, #tpu.memory_space<vmem>> -> memref<1x80x128xf32, #tpu.memory_space<vmem>>
      %dma_wait3A_957 = tpu.memref_squeeze %dma_wait3A_956 : memref<1x80x128xf32, #tpu.memory_space<vmem>> -> memref<80x128xf32, #tpu.memory_space<vmem>>
      %dma_wait3A_958 = arith.constant 0 : i32
      %dma_wait3A_959 = tpu.memref_slice %arg9[%add3A_38, %dma_wait3A_958] : memref<10240x128xf32, #tpu.memory_space<vmem_shared>> -> memref<80x128xf32, #tpu.memory_space<vmem_shared>>
      %dma_wait3A_960 = arith.constant 0 : i32
      %dma_wait3A_961 = tpu.memref_slice %arg9[%add3A_38, %dma_wait3A_960] : memref<10240x128xf32, #tpu.memory_space<vmem_shared>> -> memref<80x128xf32, #tpu.memory_space<vmem_shared>>
      %dma_wait3A_962 = arith.constant 0 : i32
      %dma_wait3A_963 = arith.constant 0 : i32
      %dma_wait3A_964 = tpu.memref_slice %arg8[%run_scoped3A_39, %dma_wait3A_962, %dma_wait3A_963] : memref<3x80x128xf32, #tpu.memory_space<vmem>> -> memref<1x80x128xf32, #tpu.memory_space<vmem>>
      %dma_wait3A_965 = tpu.memref_squeeze %dma_wait3A_964 : memref<1x80x128xf32, #tpu.memory_space<vmem>> -> memref<80x128xf32, #tpu.memory_space<vmem>>
      tpu.wait_dma2 semaphore(%run_scoped3A_941 : memref<!tpu.dma_semaphore, #tpu.memory_space<semaphore_mem>>) src(%dma_wait3A_965 : memref<80x128xf32, #tpu.memory_space<vmem>>) dst(%dma_wait3A_961 : memref<80x128xf32, #tpu.memory_space<vmem_shared>>)
      tpu.yield
    }) : () -> ()
    %mul3A_40 = arith.constant 640 : i32
    %mul3A_41 = arith.muli %arg1, %mul3A_40 : i32
    %add3A_42 = arith.constant 560 : i32
    %add3A_43 = arith.addi %mul3A_41, %add3A_42 : i32
    %run_scoped3A_44 = arith.constant 0 : i32
    "tpu.region"() ({
      %run_scoped3A_941 = tpu.sem_alloc : memref<!tpu.dma_semaphore, #tpu.memory_space<semaphore_mem>>
      %dma_start3A_942 = arith.constant 0 : i32
      %dma_start3A_943 = arith.constant 0 : i32
      %dma_start3A_944 = tpu.memref_slice %arg8[%run_scoped3A_44, %dma_start3A_942, %dma_start3A_943] : memref<3x80x128xf32, #tpu.memory_space<vmem>> -> memref<1x80x128xf32, #tpu.memory_space<vmem>>
      %dma_start3A_945 = tpu.memref_squeeze %dma_start3A_944 : memref<1x80x128xf32, #tpu.memory_space<vmem>> -> memref<80x128xf32, #tpu.memory_space<vmem>>
      %dma_start3A_946 = arith.constant 0 : i32
      %dma_start3A_947 = tpu.memref_slice %arg9[%add3A_43, %dma_start3A_946] : memref<10240x128xf32, #tpu.memory_space<vmem_shared>> -> memref<80x128xf32, #tpu.memory_space<vmem_shared>>
      %dma_start3A_948 = arith.constant 0 : i32
      %dma_start3A_949 = tpu.memref_slice %arg9[%add3A_43, %dma_start3A_948] : memref<10240x128xf32, #tpu.memory_space<vmem_shared>> -> memref<80x128xf32, #tpu.memory_space<vmem_shared>>
      %dma_start3A_950 = arith.constant 0 : i32
      %dma_start3A_951 = arith.constant 0 : i32
      %dma_start3A_952 = tpu.memref_slice %arg8[%run_scoped3A_44, %dma_start3A_950, %dma_start3A_951] : memref<3x80x128xf32, #tpu.memory_space<vmem>> -> memref<1x80x128xf32, #tpu.memory_space<vmem>>
      %dma_start3A_953 = tpu.memref_squeeze %dma_start3A_952 : memref<1x80x128xf32, #tpu.memory_space<vmem>> -> memref<80x128xf32, #tpu.memory_space<vmem>>
      tpu.enqueue_dma source(%dma_start3A_953 : memref<80x128xf32, #tpu.memory_space<vmem>>) target(%dma_start3A_949 : memref<80x128xf32, #tpu.memory_space<vmem_shared>>) target_semaphore(%run_scoped3A_941 : memref<!tpu.dma_semaphore, #tpu.memory_space<semaphore_mem>>)
      %dma_wait3A_954 = arith.constant 0 : i32
      %dma_wait3A_955 = arith.constant 0 : i32
      %dma_wait3A_956 = tpu.memref_slice %arg8[%run_scoped3A_44, %dma_wait3A_954, %dma_wait3A_955] : memref<3x80x128xf32, #tpu.memory_space<vmem>> -> memref<1x80x128xf32, #tpu.memory_space<vmem>>
      %dma_wait3A_957 = tpu.memref_squeeze %dma_wait3A_956 : memref<1x80x128xf32, #tpu.memory_space<vmem>> -> memref<80x128xf32, #tpu.memory_space<vmem>>
      %dma_wait3A_958 = arith.constant 0 : i32
      %dma_wait3A_959 = tpu.memref_slice %arg9[%add3A_43, %dma_wait3A_958] : memref<10240x128xf32, #tpu.memory_space<vmem_shared>> -> memref<80x128xf32, #tpu.memory_space<vmem_shared>>
      %dma_wait3A_960 = arith.constant 0 : i32
      %dma_wait3A_961 = tpu.memref_slice %arg9[%add3A_43, %dma_wait3A_960] : memref<10240x128xf32, #tpu.memory_space<vmem_shared>> -> memref<80x128xf32, #tpu.memory_space<vmem_shared>>
      %dma_wait3A_962 = arith.constant 0 : i32
      %dma_wait3A_963 = arith.constant 0 : i32
      %dma_wait3A_964 = tpu.memref_slice %arg8[%run_scoped3A_44, %dma_wait3A_962, %dma_wait3A_963] : memref<3x80x128xf32, #tpu.memory_space<vmem>> -> memref<1x80x128xf32, #tpu.memory_space<vmem>>
      %dma_wait3A_965 = tpu.memref_squeeze %dma_wait3A_964 : memref<1x80x128xf32, #tpu.memory_space<vmem>> -> memref<80x128xf32, #tpu.memory_space<vmem>>
      tpu.wait_dma2 semaphore(%run_scoped3A_941 : memref<!tpu.dma_semaphore, #tpu.memory_space<semaphore_mem>>) src(%dma_wait3A_965 : memref<80x128xf32, #tpu.memory_space<vmem>>) dst(%dma_wait3A_961 : memref<80x128xf32, #tpu.memory_space<vmem_shared>>)
      tpu.yield
    }) : () -> ()
    "tpu.region"() ({
      %run_scoped3A_941 = tpu.sem_alloc : memref<!tpu.dma_semaphore, #tpu.memory_space<semaphore_mem>>
      %dma_start3A_942 = arith.constant 0 : i32
      %dma_start3A_943 = arith.constant 0 : i32
      %dma_start3A_944 = tpu.memref_slice %arg3[%add3A, %dma_start3A_942, %dma_start3A_943] : memref<32x125x80xi32, #tpu.memory_space<hbm>> -> memref<1x125x80xi32, #tpu.memory_space<hbm>>
      %dma_start3A_945 = tpu.memref_squeeze %dma_start3A_944 : memref<1x125x80xi32, #tpu.memory_space<hbm>> -> memref<125x80xi32, #tpu.memory_space<hbm>>
      %dma_start3A_946 = arith.constant 0 : i32
      %dma_start3A_947 = arith.constant 0 : i32
      %dma_start3A_948 = tpu.memref_slice %arg3[%add3A, %dma_start3A_946, %dma_start3A_947] : memref<32x125x80xi32, #tpu.memory_space<hbm>> -> memref<1x125x80xi32, #tpu.memory_space<hbm>>
      %dma_start3A_949 = tpu.memref_squeeze %dma_start3A_948 : memref<1x125x80xi32, #tpu.memory_space<hbm>> -> memref<125x80xi32, #tpu.memory_space<hbm>>
      tpu.enqueue_dma source(%dma_start3A_949 : memref<125x80xi32, #tpu.memory_space<hbm>>) target(%arg5 : memref<125x80xi32, #tpu.memory_space<vmem>>) target_semaphore(%run_scoped3A_941 : memref<!tpu.dma_semaphore, #tpu.memory_space<semaphore_mem>>)
      %dma_wait3A_950 = arith.constant 0 : i32
      %dma_wait3A_951 = arith.constant 0 : i32
      %dma_wait3A_952 = tpu.memref_slice %arg3[%add3A, %dma_wait3A_950, %dma_wait3A_951] : memref<32x125x80xi32, #tpu.memory_space<hbm>> -> memref<1x125x80xi32, #tpu.memory_space<hbm>>
      %dma_wait3A_953 = tpu.memref_squeeze %dma_wait3A_952 : memref<1x125x80xi32, #tpu.memory_space<hbm>> -> memref<125x80xi32, #tpu.memory_space<hbm>>
      %dma_wait3A_954 = arith.constant 0 : i32
      %dma_wait3A_955 = arith.constant 0 : i32
      %dma_wait3A_956 = tpu.memref_slice %arg3[%add3A, %dma_wait3A_954, %dma_wait3A_955] : memref<32x125x80xi32, #tpu.memory_space<hbm>> -> memref<1x125x80xi32, #tpu.memory_space<hbm>>
      %dma_wait3A_957 = tpu.memref_squeeze %dma_wait3A_956 : memref<1x125x80xi32, #tpu.memory_space<hbm>> -> memref<125x80xi32, #tpu.memory_space<hbm>>
      tpu.wait_dma2 semaphore(%run_scoped3A_941 : memref<!tpu.dma_semaphore, #tpu.memory_space<semaphore_mem>>) src(%dma_wait3A_957 : memref<125x80xi32, #tpu.memory_space<hbm>>) dst(%arg5 : memref<125x80xi32, #tpu.memory_space<vmem>>)
      tpu.yield
    }) : () -> ()
    %barrier3A = arith.constant 0 : index
    tpu.barrier barrier_id(%barrier3A)
    %get3A = arith.constant 0 : i32
    %get3A_45 = arith.index_cast %get3A : i32 to index
    %get3A_46 = arith.constant 0 : index
    %get3A_47 = tpu.vector_load %arg5[%get3A_45, %get3A_46] {strides = array<i32>} : memref<125x80xi32, #tpu.memory_space<vmem>>, vector<1x16xi32>,
    %get3A_48 = vector.shape_cast %get3A_47 : vector<1x16xi32> to vector<16xi32>
    %and3A = arith.constant 65535 : i32
    %and3A_49 = vector.broadcast %and3A : i32 to vector<16xi32>
    %and3A_50 = arith.andi %get3A_48, %and3A_49 : vector<16xi32>
    %swap3A = arith.constant 0 : i32
    %swap3A_51 = arith.index_cast %swap3A : i32 to index
    %swap3A_52 = arith.constant 0 : index
    %swap3A_53 = tpu.vector_load %arg6[%swap3A_51, %swap3A_52] {strides = array<i32>} : memref<3x80xi32, #tpu.memory_space<vmem>>, vector<1x16xi32>,
    %swap3A_54 = vector.shape_cast %swap3A_53 : vector<1x16xi32> to vector<16xi32>
    %swap3A_55 = vector.shape_cast %and3A_50 : vector<16xi32> to vector<1x16xi32>
    tpu.vector_store %arg6[%swap3A_51, %swap3A_52], %swap3A_55 {strides = array<i32>} : memref<3x80xi32, #tpu.memory_space<vmem>>, vector<1x16xi32>,
    %shift_right_logical3A = arith.constant 16 : i32
    %shift_right_logical3A_56 = vector.broadcast %shift_right_logical3A : i32 to vector<16xi32>
    %shift_right_logical3A_57 = arith.shrui %get3A_48, %shift_right_logical3A_56 : vector<16xi32>
    %swap3A_58 = arith.constant 0 : i32
    %swap3A_59 = arith.index_cast %swap3A_58 : i32 to index
    %swap3A_60 = arith.constant 0 : index
    %swap3A_61 = tpu.vector_load %arg7[%swap3A_59, %swap3A_60] {strides = array<i32>} : memref<3x80xi32, #tpu.memory_space<vmem>>, vector<1x16xi32>,
    %swap3A_62 = vector.shape_cast %swap3A_61 : vector<1x16xi32> to vector<16xi32>
    %swap3A_63 = vector.shape_cast %shift_right_logical3A_57 : vector<16xi32> to vector<1x16xi32>
    tpu.vector_store %arg7[%swap3A_59, %swap3A_60], %swap3A_63 {strides = array<i32>} : memref<3x80xi32, #tpu.memory_space<vmem>>, vector<1x16xi32>,
    %get3A_64 = arith.constant 0 : i32
    %get3A_65 = arith.index_cast %get3A_64 : i32 to index
    %get3A_66 = arith.constant 16 : index
    %get3A_67 = tpu.vector_load %arg5[%get3A_65, %get3A_66] {strides = array<i32>} : memref<125x80xi32, #tpu.memory_space<vmem>>, vector<1x16xi32>,
    %get3A_68 = vector.shape_cast %get3A_67 : vector<1x16xi32> to vector<16xi32>
    %and3A_69 = arith.constant 65535 : i32
    %and3A_70 = vector.broadcast %and3A_69 : i32 to vector<16xi32>
    %and3A_71 = arith.andi %get3A_68, %and3A_70 : vector<16xi32>
    %swap3A_72 = arith.constant 0 : i32
    %swap3A_73 = arith.index_cast %swap3A_72 : i32 to index
    %swap3A_74 = arith.constant 16 : index
    %swap3A_75 = tpu.vector_load %arg6[%swap3A_73, %swap3A_74] {strides = array<i32>} : memref<3x80xi32, #tpu.memory_space<vmem>>, vector<1x16xi32>,
    %swap3A_76 = vector.shape_cast %swap3A_75 : vector<1x16xi32> to vector<16xi32>
    %swap3A_77 = vector.shape_cast %and3A_71 : vector<16xi32> to vector<1x16xi32>
    tpu.vector_store %arg6[%swap3A_73, %swap3A_74], %swap3A_77 {strides = array<i32>} : memref<3x80xi32, #tpu.memory_space<vmem>>, vector<1x16xi32>,
    %shift_right_logical3A_78 = arith.constant 16 : i32
    %shift_right_logical3A_79 = vector.broadcast %shift_right_logical3A_78 : i32 to vector<16xi32>
    %shift_right_logical3A_80 = arith.shrui %get3A_68, %shift_right_logical3A_79 : vector<16xi32>
    %swap3A_81 = arith.constant 0 : i32
    %swap3A_82 = arith.index_cast %swap3A_81 : i32 to index
    %swap3A_83 = arith.constant 16 : index
    %swap3A_84 = tpu.vector_load %arg7[%swap3A_82, %swap3A_83] {strides = array<i32>} : memref<3x80xi32, #tpu.memory_space<vmem>>, vector<1x16xi32>,
    %swap3A_85 = vector.shape_cast %swap3A_84 : vector<1x16xi32> to vector<16xi32>
    %swap3A_86 = vector.shape_cast %shift_right_logical3A_80 : vector<16xi32> to vector<1x16xi32>
    tpu.vector_store %arg7[%swap3A_82, %swap3A_83], %swap3A_86 {strides = array<i32>} : memref<3x80xi32, #tpu.memory_space<vmem>>, vector<1x16xi32>,
    %get3A_87 = arith.constant 0 : i32
    %get3A_88 = arith.index_cast %get3A_87 : i32 to index
    %get3A_89 = arith.constant 32 : index
    %get3A_90 = tpu.vector_load %arg5[%get3A_88, %get3A_89] {strides = array<i32>} : memref<125x80xi32, #tpu.memory_space<vmem>>, vector<1x16xi32>,
    %get3A_91 = vector.shape_cast %get3A_90 : vector<1x16xi32> to vector<16xi32>
    %and3A_92 = arith.constant 65535 : i32
    %and3A_93 = vector.broadcast %and3A_92 : i32 to vector<16xi32>
    %and3A_94 = arith.andi %get3A_91, %and3A_93 : vector<16xi32>
    %swap3A_95 = arith.constant 0 : i32
    %swap3A_96 = arith.index_cast %swap3A_95 : i32 to index
    %swap3A_97 = arith.constant 32 : index
    %swap3A_98 = tpu.vector_load %arg6[%swap3A_96, %swap3A_97] {strides = array<i32>} : memref<3x80xi32, #tpu.memory_space<vmem>>, vector<1x16xi32>,
    %swap3A_99 = vector.shape_cast %swap3A_98 : vector<1x16xi32> to vector<16xi32>
    %swap3A_100 = vector.shape_cast %and3A_94 : vector<16xi32> to vector<1x16xi32>
    tpu.vector_store %arg6[%swap3A_96, %swap3A_97], %swap3A_100 {strides = array<i32>} : memref<3x80xi32, #tpu.memory_space<vmem>>, vector<1x16xi32>,
    %shift_right_logical3A_101 = arith.constant 16 : i32
    %shift_right_logical3A_102 = vector.broadcast %shift_right_logical3A_101 : i32 to vector<16xi32>
    %shift_right_logical3A_103 = arith.shrui %get3A_91, %shift_right_logical3A_102 : vector<16xi32>
    %swap3A_104 = arith.constant 0 : i32
    %swap3A_105 = arith.index_cast %swap3A_104 : i32 to index
    %swap3A_106 = arith.constant 32 : index
    %swap3A_107 = tpu.vector_load %arg7[%swap3A_105, %swap3A_106] {strides = array<i32>} : memref<3x80xi32, #tpu.memory_space<vmem>>, vector<1x16xi32>,
    %swap3A_108 = vector.shape_cast %swap3A_107 : vector<1x16xi32> to vector<16xi32>
    %swap3A_109 = vector.shape_cast %shift_right_logical3A_103 : vector<16xi32> to vector<1x16xi32>
    tpu.vector_store %arg7[%swap3A_105, %swap3A_106], %swap3A_109 {strides = array<i32>} : memref<3x80xi32, #tpu.memory_space<vmem>>, vector<1x16xi32>,
    %get3A_110 = arith.constant 0 : i32
    %get3A_111 = arith.index_cast %get3A_110 : i32 to index
    %get3A_112 = arith.constant 48 : index
    %get3A_113 = tpu.vector_load %arg5[%get3A_111, %get3A_112] {strides = array<i32>} : memref<125x80xi32, #tpu.memory_space<vmem>>, vector<1x16xi32>,
    %get3A_114 = vector.shape_cast %get3A_113 : vector<1x16xi32> to vector<16xi32>
    %and3A_115 = arith.constant 65535 : i32
    %and3A_116 = vector.broadcast %and3A_115 : i32 to vector<16xi32>
    %and3A_117 = arith.andi %get3A_114, %and3A_116 : vector<16xi32>
    %swap3A_118 = arith.constant 0 : i32
    %swap3A_119 = arith.index_cast %swap3A_118 : i32 to index
    %swap3A_120 = arith.constant 48 : index
    %swap3A_121 = tpu.vector_load %arg6[%swap3A_119, %swap3A_120] {strides = array<i32>} : memref<3x80xi32, #tpu.memory_space<vmem>>, vector<1x16xi32>,
    %swap3A_122 = vector.shape_cast %swap3A_121 : vector<1x16xi32> to vector<16xi32>
    %swap3A_123 = vector.shape_cast %and3A_117 : vector<16xi32> to vector<1x16xi32>
    tpu.vector_store %arg6[%swap3A_119, %swap3A_120], %swap3A_123 {strides = array<i32>} : memref<3x80xi32, #tpu.memory_space<vmem>>, vector<1x16xi32>,
    %shift_right_logical3A_124 = arith.constant 16 : i32
    %shift_right_logical3A_125 = vector.broadcast %shift_right_logical3A_124 : i32 to vector<16xi32>
    %shift_right_logical3A_126 = arith.shrui %get3A_114, %shift_right_logical3A_125 : vector<16xi32>
    %swap3A_127 = arith.constant 0 : i32
    %swap3A_128 = arith.index_cast %swap3A_127 : i32 to index
    %swap3A_129 = arith.constant 48 : index
    %swap3A_130 = tpu.vector_load %arg7[%swap3A_128, %swap3A_129] {strides = array<i32>} : memref<3x80xi32, #tpu.memory_space<vmem>>, vector<1x16xi32>,
    %swap3A_131 = vector.shape_cast %swap3A_130 : vector<1x16xi32> to vector<16xi32>
    %swap3A_132 = vector.shape_cast %shift_right_logical3A_126 : vector<16xi32> to vector<1x16xi32>
    tpu.vector_store %arg7[%swap3A_128, %swap3A_129], %swap3A_132 {strides = array<i32>} : memref<3x80xi32, #tpu.memory_space<vmem>>, vector<1x16xi32>,
    %get3A_133 = arith.constant 0 : i32
    %get3A_134 = arith.index_cast %get3A_133 : i32 to index
    %get3A_135 = arith.constant 64 : index
    %get3A_136 = tpu.vector_load %arg5[%get3A_134, %get3A_135] {strides = array<i32>} : memref<125x80xi32, #tpu.memory_space<vmem>>, vector<1x16xi32>,
    %get3A_137 = vector.shape_cast %get3A_136 : vector<1x16xi32> to vector<16xi32>
    %and3A_138 = arith.constant 65535 : i32
    %and3A_139 = vector.broadcast %and3A_138 : i32 to vector<16xi32>
    %and3A_140 = arith.andi %get3A_137, %and3A_139 : vector<16xi32>
    %swap3A_141 = arith.constant 0 : i32
    %swap3A_142 = arith.index_cast %swap3A_141 : i32 to index
    %swap3A_143 = arith.constant 64 : index
    %swap3A_144 = tpu.vector_load %arg6[%swap3A_142, %swap3A_143] {strides = array<i32>} : memref<3x80xi32, #tpu.memory_space<vmem>>, vector<1x16xi32>,
    %swap3A_145 = vector.shape_cast %swap3A_144 : vector<1x16xi32> to vector<16xi32>
    %swap3A_146 = vector.shape_cast %and3A_140 : vector<16xi32> to vector<1x16xi32>
    tpu.vector_store %arg6[%swap3A_142, %swap3A_143], %swap3A_146 {strides = array<i32>} : memref<3x80xi32, #tpu.memory_space<vmem>>, vector<1x16xi32>,
    %shift_right_logical3A_147 = arith.constant 16 : i32
    %shift_right_logical3A_148 = vector.broadcast %shift_right_logical3A_147 : i32 to vector<16xi32>
    %shift_right_logical3A_149 = arith.shrui %get3A_137, %shift_right_logical3A_148 : vector<16xi32>
    %swap3A_150 = arith.constant 0 : i32
    %swap3A_151 = arith.index_cast %swap3A_150 : i32 to index
    %swap3A_152 = arith.constant 64 : index
    %swap3A_153 = tpu.vector_load %arg7[%swap3A_151, %swap3A_152] {strides = array<i32>} : memref<3x80xi32, #tpu.memory_space<vmem>>, vector<1x16xi32>,
    %swap3A_154 = vector.shape_cast %swap3A_153 : vector<1x16xi32> to vector<16xi32>
    %swap3A_155 = vector.shape_cast %shift_right_logical3A_149 : vector<16xi32> to vector<1x16xi32>
    tpu.vector_store %arg7[%swap3A_151, %swap3A_152], %swap3A_155 {strides = array<i32>} : memref<3x80xi32, #tpu.memory_space<vmem>>, vector<1x16xi32>,
    %dma_start3A = arith.constant 0 : i32
    %dma_start3A_156 = arith.constant 0 : i32
    %dma_start3A_157 = arith.constant 0 : i32
    %dma_start3A_158 = arith.constant 0 : i32
    %dma_start3A_159 = arith.constant 0 : i32
    %dma_start3A_160 = tpu.memref_slice %arg8[%dma_start3A_156, %dma_start3A_158, %dma_start3A_159] : memref<3x80x128xf32, #tpu.memory_space<vmem>> -> memref<1x80x128xf32, #tpu.memory_space<vmem>>
    %dma_start3A_161 = tpu.memref_squeeze %dma_start3A_160 : memref<1x80x128xf32, #tpu.memory_space<vmem>> -> memref<80x128xf32, #tpu.memory_space<vmem>>
    %dma_start3A_162 = arith.constant 0 : i32
    %dma_start3A_163 = tpu.memref_slice %arg6[%dma_start3A, %dma_start3A_162] : memref<3x80xi32, #tpu.memory_space<vmem>> -> memref<1x80xi32, #tpu.memory_space<vmem>>
    %dma_start3A_164 = tpu.memref_squeeze %dma_start3A_163 : memref<1x80xi32, #tpu.memory_space<vmem>> -> memref<80xi32, #tpu.memory_space<vmem>>
    %dma_start3A_165 = arith.constant 0 : i32
    %dma_start3A_166 = arith.constant 0 : i32
    %dma_start3A_167 = tpu.memref_slice %arg2[%dma_start3A_165, %dma_start3A_166] : memref<10000x128xf32, #tpu.memory_space<hbm>> -> memref<10000x128xf32, #tpu.memory_space<hbm>>
    %dma_start3A_168 = tpu.memref_slice %arg10[%dma_start3A_157] : memref<3x!tpu.dma_semaphore, #tpu.memory_space<semaphore_mem>> -> memref<1x!tpu.dma_semaphore, #tpu.memory_space<semaphore_mem>>
    %dma_start3A_169 = tpu.memref_squeeze %dma_start3A_168 : memref<1x!tpu.dma_semaphore, #tpu.memory_space<semaphore_mem>> -> memref<!tpu.dma_semaphore, #tpu.memory_space<semaphore_mem>>
    tpu.enqueue_indirect_dma source(%dma_start3A_167 : memref<10000x128xf32, #tpu.memory_space<hbm>>) target(%dma_start3A_161 : memref<80x128xf32, #tpu.memory_space<vmem>>) offsets(%dma_start3A_164 : memref<80xi32, #tpu.memory_space<vmem>>) semaphore(%dma_start3A_169 : memref<!tpu.dma_semaphore, #tpu.memory_space<semaphore_mem>>)
    %get3A_170 = arith.constant 1 : i32
    %get3A_171 = arith.index_cast %get3A_170 : i32 to index
    %get3A_172 = arith.constant 0 : index
    %get3A_173 = tpu.vector_load %arg5[%get3A_171, %get3A_172] {strides = array<i32>} : memref<125x80xi32, #tpu.memory_space<vmem>>, vector<1x16xi32>,
    %get3A_174 = vector.shape_cast %get3A_173 : vector<1x16xi32> to vector<16xi32>
    %and3A_175 = arith.constant 65535 : i32
    %and3A_176 = vector.broadcast %and3A_175 : i32 to vector<16xi32>
    %and3A_177 = arith.andi %get3A_174, %and3A_176 : vector<16xi32>
    %swap3A_178 = arith.constant 1 : i32
    %swap3A_179 = arith.index_cast %swap3A_178 : i32 to index
    %swap3A_180 = arith.constant 0 : index
    %swap3A_181 = tpu.vector_load %arg6[%swap3A_179, %swap3A_180] {strides = array<i32>} : memref<3x80xi32, #tpu.memory_space<vmem>>, vector<1x16xi32>,
    %swap3A_182 = vector.shape_cast %swap3A_181 : vector<1x16xi32> to vector<16xi32>
    %swap3A_183 = vector.shape_cast %and3A_177 : vector<16xi32> to vector<1x16xi32>
    tpu.vector_store %arg6[%swap3A_179, %swap3A_180], %swap3A_183 {strides = array<i32>} : memref<3x80xi32, #tpu.memory_space<vmem>>, vector<1x16xi32>,
    %shift_right_logical3A_184 = arith.constant 16 : i32
    %shift_right_logical3A_185 = vector.broadcast %shift_right_logical3A_184 : i32 to vector<16xi32>
    %shift_right_logical3A_186 = arith.shrui %get3A_174, %shift_right_logical3A_185 : vector<16xi32>
    %swap3A_187 = arith.constant 1 : i32
    %swap3A_188 = arith.index_cast %swap3A_187 : i32 to index
    %swap3A_189 = arith.constant 0 : index
    %swap3A_190 = tpu.vector_load %arg7[%swap3A_188, %swap3A_189] {strides = array<i32>} : memref<3x80xi32, #tpu.memory_space<vmem>>, vector<1x16xi32>,
    %swap3A_191 = vector.shape_cast %swap3A_190 : vector<1x16xi32> to vector<16xi32>
    %swap3A_192 = vector.shape_cast %shift_right_logical3A_186 : vector<16xi32> to vector<1x16xi32>
    tpu.vector_store %arg7[%swap3A_188, %swap3A_189], %swap3A_192 {strides = array<i32>} : memref<3x80xi32, #tpu.memory_space<vmem>>, vector<1x16xi32>,
    %get3A_193 = arith.constant 1 : i32
    %get3A_194 = arith.index_cast %get3A_193 : i32 to index
    %get3A_195 = arith.constant 16 : index
    %get3A_196 = tpu.vector_load %arg5[%get3A_194, %get3A_195] {strides = array<i32>} : memref<125x80xi32, #tpu.memory_space<vmem>>, vector<1x16xi32>,
    %get3A_197 = vector.shape_cast %get3A_196 : vector<1x16xi32> to vector<16xi32>
    %and3A_198 = arith.constant 65535 : i32
    %and3A_199 = vector.broadcast %and3A_198 : i32 to vector<16xi32>
    %and3A_200 = arith.andi %get3A_197, %and3A_199 : vector<16xi32>
    %swap3A_201 = arith.constant 1 : i32
    %swap3A_202 = arith.index_cast %swap3A_201 : i32 to index
    %swap3A_203 = arith.constant 16 : index
    %swap3A_204 = tpu.vector_load %arg6[%swap3A_202, %swap3A_203] {strides = array<i32>} : memref<3x80xi32, #tpu.memory_space<vmem>>, vector<1x16xi32>,
    %swap3A_205 = vector.shape_cast %swap3A_204 : vector<1x16xi32> to vector<16xi32>
    %swap3A_206 = vector.shape_cast %and3A_200 : vector<16xi32> to vector<1x16xi32>
    tpu.vector_store %arg6[%swap3A_202, %swap3A_203], %swap3A_206 {strides = array<i32>} : memref<3x80xi32, #tpu.memory_space<vmem>>, vector<1x16xi32>,
    %shift_right_logical3A_207 = arith.constant 16 : i32
    %shift_right_logical3A_208 = vector.broadcast %shift_right_logical3A_207 : i32 to vector<16xi32>
    %shift_right_logical3A_209 = arith.shrui %get3A_197, %shift_right_logical3A_208 : vector<16xi32>
    %swap3A_210 = arith.constant 1 : i32
    %swap3A_211 = arith.index_cast %swap3A_210 : i32 to index
    %swap3A_212 = arith.constant 16 : index
    %swap3A_213 = tpu.vector_load %arg7[%swap3A_211, %swap3A_212] {strides = array<i32>} : memref<3x80xi32, #tpu.memory_space<vmem>>, vector<1x16xi32>,
    %swap3A_214 = vector.shape_cast %swap3A_213 : vector<1x16xi32> to vector<16xi32>
    %swap3A_215 = vector.shape_cast %shift_right_logical3A_209 : vector<16xi32> to vector<1x16xi32>
    tpu.vector_store %arg7[%swap3A_211, %swap3A_212], %swap3A_215 {strides = array<i32>} : memref<3x80xi32, #tpu.memory_space<vmem>>, vector<1x16xi32>,
    %get3A_216 = arith.constant 1 : i32
    %get3A_217 = arith.index_cast %get3A_216 : i32 to index
    %get3A_218 = arith.constant 32 : index
    %get3A_219 = tpu.vector_load %arg5[%get3A_217, %get3A_218] {strides = array<i32>} : memref<125x80xi32, #tpu.memory_space<vmem>>, vector<1x16xi32>,
    %get3A_220 = vector.shape_cast %get3A_219 : vector<1x16xi32> to vector<16xi32>
    %and3A_221 = arith.constant 65535 : i32
    %and3A_222 = vector.broadcast %and3A_221 : i32 to vector<16xi32>
    %and3A_223 = arith.andi %get3A_220, %and3A_222 : vector<16xi32>
    %swap3A_224 = arith.constant 1 : i32
    %swap3A_225 = arith.index_cast %swap3A_224 : i32 to index
    %swap3A_226 = arith.constant 32 : index
    %swap3A_227 = tpu.vector_load %arg6[%swap3A_225, %swap3A_226] {strides = array<i32>} : memref<3x80xi32, #tpu.memory_space<vmem>>, vector<1x16xi32>,
    %swap3A_228 = vector.shape_cast %swap3A_227 : vector<1x16xi32> to vector<16xi32>
    %swap3A_229 = vector.shape_cast %and3A_223 : vector<16xi32> to vector<1x16xi32>
    tpu.vector_store %arg6[%swap3A_225, %swap3A_226], %swap3A_229 {strides = array<i32>} : memref<3x80xi32, #tpu.memory_space<vmem>>, vector<1x16xi32>,
    %shift_right_logical3A_230 = arith.constant 16 : i32
    %shift_right_logical3A_231 = vector.broadcast %shift_right_logical3A_230 : i32 to vector<16xi32>
    %shift_right_logical3A_232 = arith.shrui %get3A_220, %shift_right_logical3A_231 : vector<16xi32>
    %swap3A_233 = arith.constant 1 : i32
    %swap3A_234 = arith.index_cast %swap3A_233 : i32 to index
    %swap3A_235 = arith.constant 32 : index
    %swap3A_236 = tpu.vector_load %arg7[%swap3A_234, %swap3A_235] {strides = array<i32>} : memref<3x80xi32, #tpu.memory_space<vmem>>, vector<1x16xi32>,
    %swap3A_237 = vector.shape_cast %swap3A_236 : vector<1x16xi32> to vector<16xi32>
    %swap3A_238 = vector.shape_cast %shift_right_logical3A_232 : vector<16xi32> to vector<1x16xi32>
    tpu.vector_store %arg7[%swap3A_234, %swap3A_235], %swap3A_238 {strides = array<i32>} : memref<3x80xi32, #tpu.memory_space<vmem>>, vector<1x16xi32>,
    %get3A_239 = arith.constant 1 : i32
    %get3A_240 = arith.index_cast %get3A_239 : i32 to index
    %get3A_241 = arith.constant 48 : index
    %get3A_242 = tpu.vector_load %arg5[%get3A_240, %get3A_241] {strides = array<i32>} : memref<125x80xi32, #tpu.memory_space<vmem>>, vector<1x16xi32>,
    %get3A_243 = vector.shape_cast %get3A_242 : vector<1x16xi32> to vector<16xi32>
    %and3A_244 = arith.constant 65535 : i32
    %and3A_245 = vector.broadcast %and3A_244 : i32 to vector<16xi32>
    %and3A_246 = arith.andi %get3A_243, %and3A_245 : vector<16xi32>
    %swap3A_247 = arith.constant 1 : i32
    %swap3A_248 = arith.index_cast %swap3A_247 : i32 to index
    %swap3A_249 = arith.constant 48 : index
    %swap3A_250 = tpu.vector_load %arg6[%swap3A_248, %swap3A_249] {strides = array<i32>} : memref<3x80xi32, #tpu.memory_space<vmem>>, vector<1x16xi32>,
    %swap3A_251 = vector.shape_cast %swap3A_250 : vector<1x16xi32> to vector<16xi32>
    %swap3A_252 = vector.shape_cast %and3A_246 : vector<16xi32> to vector<1x16xi32>
    tpu.vector_store %arg6[%swap3A_248, %swap3A_249], %swap3A_252 {strides = array<i32>} : memref<3x80xi32, #tpu.memory_space<vmem>>, vector<1x16xi32>,
    %shift_right_logical3A_253 = arith.constant 16 : i32
    %shift_right_logical3A_254 = vector.broadcast %shift_right_logical3A_253 : i32 to vector<16xi32>
    %shift_right_logical3A_255 = arith.shrui %get3A_243, %shift_right_logical3A_254 : vector<16xi32>
    %swap3A_256 = arith.constant 1 : i32
    %swap3A_257 = arith.index_cast %swap3A_256 : i32 to index
    %swap3A_258 = arith.constant 48 : index
    %swap3A_259 = tpu.vector_load %arg7[%swap3A_257, %swap3A_258] {strides = array<i32>} : memref<3x80xi32, #tpu.memory_space<vmem>>, vector<1x16xi32>,
    %swap3A_260 = vector.shape_cast %swap3A_259 : vector<1x16xi32> to vector<16xi32>
    %swap3A_261 = vector.shape_cast %shift_right_logical3A_255 : vector<16xi32> to vector<1x16xi32>
    tpu.vector_store %arg7[%swap3A_257, %swap3A_258], %swap3A_261 {strides = array<i32>} : memref<3x80xi32, #tpu.memory_space<vmem>>, vector<1x16xi32>,
    %get3A_262 = arith.constant 1 : i32
    %get3A_263 = arith.index_cast %get3A_262 : i32 to index
    %get3A_264 = arith.constant 64 : index
    %get3A_265 = tpu.vector_load %arg5[%get3A_263, %get3A_264] {strides = array<i32>} : memref<125x80xi32, #tpu.memory_space<vmem>>, vector<1x16xi32>,
    %get3A_266 = vector.shape_cast %get3A_265 : vector<1x16xi32> to vector<16xi32>
    %and3A_267 = arith.constant 65535 : i32
    %and3A_268 = vector.broadcast %and3A_267 : i32 to vector<16xi32>
    %and3A_269 = arith.andi %get3A_266, %and3A_268 : vector<16xi32>
    %swap3A_270 = arith.constant 1 : i32
    %swap3A_271 = arith.index_cast %swap3A_270 : i32 to index
    %swap3A_272 = arith.constant 64 : index
    %swap3A_273 = tpu.vector_load %arg6[%swap3A_271, %swap3A_272] {strides = array<i32>} : memref<3x80xi32, #tpu.memory_space<vmem>>, vector<1x16xi32>,
    %swap3A_274 = vector.shape_cast %swap3A_273 : vector<1x16xi32> to vector<16xi32>
    %swap3A_275 = vector.shape_cast %and3A_269 : vector<16xi32> to vector<1x16xi32>
    tpu.vector_store %arg6[%swap3A_271, %swap3A_272], %swap3A_275 {strides = array<i32>} : memref<3x80xi32, #tpu.memory_space<vmem>>, vector<1x16xi32>,
    %shift_right_logical3A_276 = arith.constant 16 : i32
    %shift_right_logical3A_277 = vector.broadcast %shift_right_logical3A_276 : i32 to vector<16xi32>
    %shift_right_logical3A_278 = arith.shrui %get3A_266, %shift_right_logical3A_277 : vector<16xi32>
    %swap3A_279 = arith.constant 1 : i32
    %swap3A_280 = arith.index_cast %swap3A_279 : i32 to index
    %swap3A_281 = arith.constant 64 : index
    %swap3A_282 = tpu.vector_load %arg7[%swap3A_280, %swap3A_281] {strides = array<i32>} : memref<3x80xi32, #tpu.memory_space<vmem>>, vector<1x16xi32>,
    %swap3A_283 = vector.shape_cast %swap3A_282 : vector<1x16xi32> to vector<16xi32>
    %swap3A_284 = vector.shape_cast %shift_right_logical3A_278 : vector<16xi32> to vector<1x16xi32>
    tpu.vector_store %arg7[%swap3A_280, %swap3A_281], %swap3A_284 {strides = array<i32>} : memref<3x80xi32, #tpu.memory_space<vmem>>, vector<1x16xi32>,
    %dma_start3A_285 = arith.constant 1 : i32
    %dma_start3A_286 = arith.constant 1 : i32
    %dma_start3A_287 = arith.constant 1 : i32
    %dma_start3A_288 = arith.constant 0 : i32
    %dma_start3A_289 = arith.constant 0 : i32
    %dma_start3A_290 = tpu.memref_slice %arg8[%dma_start3A_286, %dma_start3A_288, %dma_start3A_289] : memref<3x80x128xf32, #tpu.memory_space<vmem>> -> memref<1x80x128xf32, #tpu.memory_space<vmem>>
    %dma_start3A_291 = tpu.memref_squeeze %dma_start3A_290 : memref<1x80x128xf32, #tpu.memory_space<vmem>> -> memref<80x128xf32, #tpu.memory_space<vmem>>
    %dma_start3A_292 = arith.constant 0 : i32
    %dma_start3A_293 = tpu.memref_slice %arg6[%dma_start3A_285, %dma_start3A_292] : memref<3x80xi32, #tpu.memory_space<vmem>> -> memref<1x80xi32, #tpu.memory_space<vmem>>
    %dma_start3A_294 = tpu.memref_squeeze %dma_start3A_293 : memref<1x80xi32, #tpu.memory_space<vmem>> -> memref<80xi32, #tpu.memory_space<vmem>>
    %dma_start3A_295 = arith.constant 0 : i32
    %dma_start3A_296 = arith.constant 0 : i32
    %dma_start3A_297 = tpu.memref_slice %arg2[%dma_start3A_295, %dma_start3A_296] : memref<10000x128xf32, #tpu.memory_space<hbm>> -> memref<10000x128xf32, #tpu.memory_space<hbm>>
    %dma_start3A_298 = tpu.memref_slice %arg10[%dma_start3A_287] : memref<3x!tpu.dma_semaphore, #tpu.memory_space<semaphore_mem>> -> memref<1x!tpu.dma_semaphore, #tpu.memory_space<semaphore_mem>>
    %dma_start3A_299 = tpu.memref_squeeze %dma_start3A_298 : memref<1x!tpu.dma_semaphore, #tpu.memory_space<semaphore_mem>> -> memref<!tpu.dma_semaphore, #tpu.memory_space<semaphore_mem>>
    tpu.enqueue_indirect_dma source(%dma_start3A_297 : memref<10000x128xf32, #tpu.memory_space<hbm>>) target(%dma_start3A_291 : memref<80x128xf32, #tpu.memory_space<vmem>>) offsets(%dma_start3A_294 : memref<80xi32, #tpu.memory_space<vmem>>) semaphore(%dma_start3A_299 : memref<!tpu.dma_semaphore, #tpu.memory_space<semaphore_mem>>)
    %dma_wait3A = arith.constant 0 : i32
    %dma_wait3A_300 = arith.constant 0 : i32
    %dma_wait3A_301 = arith.constant 0 : i32
    %dma_wait3A_302 = arith.constant 0 : i32
    %dma_wait3A_303 = arith.constant 0 : i32
    %dma_wait3A_304 = tpu.memref_slice %arg8[%dma_wait3A_300, %dma_wait3A_302, %dma_wait3A_303] : memref<3x80x128xf32, #tpu.memory_space<vmem>> -> memref<1x80x128xf32, #tpu.memory_space<vmem>>
    %dma_wait3A_305 = tpu.memref_squeeze %dma_wait3A_304 : memref<1x80x128xf32, #tpu.memory_space<vmem>> -> memref<80x128xf32, #tpu.memory_space<vmem>>
    %dma_wait3A_306 = arith.constant 0 : i32
    %dma_wait3A_307 = tpu.memref_slice %arg6[%dma_wait3A, %dma_wait3A_306] : memref<3x80xi32, #tpu.memory_space<vmem>> -> memref<1x80xi32, #tpu.memory_space<vmem>>
    %dma_wait3A_308 = tpu.memref_squeeze %dma_wait3A_307 : memref<1x80xi32, #tpu.memory_space<vmem>> -> memref<80xi32, #tpu.memory_space<vmem>>
    %dma_wait3A_309 = arith.constant 0 : i32
    %dma_wait3A_310 = arith.constant 0 : i32
    %dma_wait3A_311 = tpu.memref_slice %arg2[%dma_wait3A_309, %dma_wait3A_310] : memref<10000x128xf32, #tpu.memory_space<hbm>> -> memref<10000x128xf32, #tpu.memory_space<hbm>>
    %dma_wait3A_312 = tpu.memref_slice %arg10[%dma_wait3A_301] : memref<3x!tpu.dma_semaphore, #tpu.memory_space<semaphore_mem>> -> memref<1x!tpu.dma_semaphore, #tpu.memory_space<semaphore_mem>>
    %dma_wait3A_313 = tpu.memref_squeeze %dma_wait3A_312 : memref<1x!tpu.dma_semaphore, #tpu.memory_space<semaphore_mem>> -> memref<!tpu.dma_semaphore, #tpu.memory_space<semaphore_mem>>
    tpu.wait_indirect_dma semaphore(%dma_wait3A_313 : memref<!tpu.dma_semaphore, #tpu.memory_space<semaphore_mem>>) src(%dma_wait3A_311 : memref<10000x128xf32, #tpu.memory_space<hbm>>) dst(%dma_wait3A_305 : memref<80x128xf32, #tpu.memory_space<vmem>>)
    %dma_start3A_314 = arith.constant 0 : i32
    %dma_start3A_315 = arith.constant 0 : i32
    %dma_start3A_316 = arith.constant 0 : i32
    %dma_start3A_317 = arith.constant 0 : i32
    %dma_start3A_318 = arith.constant 0 : i32
    %dma_start3A_319 = tpu.memref_slice %arg8[%dma_start3A_314, %dma_start3A_317, %dma_start3A_318] : memref<3x80x128xf32, #tpu.memory_space<vmem>> -> memref<1x80x128xf32, #tpu.memory_space<vmem>>
    %dma_start3A_320 = tpu.memref_squeeze %dma_start3A_319 : memref<1x80x128xf32, #tpu.memory_space<vmem>> -> memref<80x128xf32, #tpu.memory_space<vmem>>
    %dma_start3A_321 = arith.constant 0 : i32
    %dma_start3A_322 = tpu.memref_slice %arg7[%dma_start3A_315, %dma_start3A_321] : memref<3x80xi32, #tpu.memory_space<vmem>> -> memref<1x80xi32, #tpu.memory_space<vmem>>
    %dma_start3A_323 = tpu.memref_squeeze %dma_start3A_322 : memref<1x80xi32, #tpu.memory_space<vmem>> -> memref<80xi32, #tpu.memory_space<vmem>>
    %dma_start3A_324 = arith.constant 0 : i32
    %dma_start3A_325 = arith.constant 0 : i32
    %dma_start3A_326 = tpu.memref_slice %arg9[%dma_start3A_324, %dma_start3A_325] : memref<10240x128xf32, #tpu.memory_space<vmem_shared>> -> memref<10240x128xf32, #tpu.memory_space<vmem_shared>>
    %dma_start3A_327 = tpu.memref_slice %arg11[%dma_start3A_316] : memref<3x!tpu.dma_semaphore, #tpu.memory_space<semaphore_mem>> -> memref<1x!tpu.dma_semaphore, #tpu.memory_space<semaphore_mem>>
    %dma_start3A_328 = tpu.memref_squeeze %dma_start3A_327 : memref<1x!tpu.dma_semaphore, #tpu.memory_space<semaphore_mem>> -> memref<!tpu.dma_semaphore, #tpu.memory_space<semaphore_mem>>
    tpu.enqueue_indirect_dma source(%dma_start3A_320 : memref<80x128xf32, #tpu.memory_space<vmem>>) target(%dma_start3A_326 : memref<10240x128xf32, #tpu.memory_space<vmem_shared>>) offsets(%dma_start3A_323 : memref<80xi32, #tpu.memory_space<vmem>>) semaphore(%dma_start3A_328 : memref<!tpu.dma_semaphore, #tpu.memory_space<semaphore_mem>>) {add = true}
    %get3A_329 = arith.constant 2 : i32
    %get3A_330 = arith.index_cast %get3A_329 : i32 to index
    %get3A_331 = arith.constant 0 : index
    %get3A_332 = tpu.vector_load %arg5[%get3A_330, %get3A_331] {strides = array<i32>} : memref<125x80xi32, #tpu.memory_space<vmem>>, vector<1x16xi32>,
    %get3A_333 = vector.shape_cast %get3A_332 : vector<1x16xi32> to vector<16xi32>
    %and3A_334 = arith.constant 65535 : i32
    %and3A_335 = vector.broadcast %and3A_334 : i32 to vector<16xi32>
    %and3A_336 = arith.andi %get3A_333, %and3A_335 : vector<16xi32>
    %swap3A_337 = arith.constant 2 : i32
    %swap3A_338 = arith.index_cast %swap3A_337 : i32 to index
    %swap3A_339 = arith.constant 0 : index
    %swap3A_340 = tpu.vector_load %arg6[%swap3A_338, %swap3A_339] {strides = array<i32>} : memref<3x80xi32, #tpu.memory_space<vmem>>, vector<1x16xi32>,
    %swap3A_341 = vector.shape_cast %swap3A_340 : vector<1x16xi32> to vector<16xi32>
    %swap3A_342 = vector.shape_cast %and3A_336 : vector<16xi32> to vector<1x16xi32>
    tpu.vector_store %arg6[%swap3A_338, %swap3A_339], %swap3A_342 {strides = array<i32>} : memref<3x80xi32, #tpu.memory_space<vmem>>, vector<1x16xi32>,
    %shift_right_logical3A_343 = arith.constant 16 : i32
    %shift_right_logical3A_344 = vector.broadcast %shift_right_logical3A_343 : i32 to vector<16xi32>
    %shift_right_logical3A_345 = arith.shrui %get3A_333, %shift_right_logical3A_344 : vector<16xi32>
    %swap3A_346 = arith.constant 2 : i32
    %swap3A_347 = arith.index_cast %swap3A_346 : i32 to index
    %swap3A_348 = arith.constant 0 : index
    %swap3A_349 = tpu.vector_load %arg7[%swap3A_347, %swap3A_348] {strides = array<i32>} : memref<3x80xi32, #tpu.memory_space<vmem>>, vector<1x16xi32>,
    %swap3A_350 = vector.shape_cast %swap3A_349 : vector<1x16xi32> to vector<16xi32>
    %swap3A_351 = vector.shape_cast %shift_right_logical3A_345 : vector<16xi32> to vector<1x16xi32>
    tpu.vector_store %arg7[%swap3A_347, %swap3A_348], %swap3A_351 {strides = array<i32>} : memref<3x80xi32, #tpu.memory_space<vmem>>, vector<1x16xi32>,
    %get3A_352 = arith.constant 2 : i32
    %get3A_353 = arith.index_cast %get3A_352 : i32 to index
    %get3A_354 = arith.constant 16 : index
    %get3A_355 = tpu.vector_load %arg5[%get3A_353, %get3A_354] {strides = array<i32>} : memref<125x80xi32, #tpu.memory_space<vmem>>, vector<1x16xi32>,
    %get3A_356 = vector.shape_cast %get3A_355 : vector<1x16xi32> to vector<16xi32>
    %and3A_357 = arith.constant 65535 : i32
    %and3A_358 = vector.broadcast %and3A_357 : i32 to vector<16xi32>
    %and3A_359 = arith.andi %get3A_356, %and3A_358 : vector<16xi32>
    %swap3A_360 = arith.constant 2 : i32
    %swap3A_361 = arith.index_cast %swap3A_360 : i32 to index
    %swap3A_362 = arith.constant 16 : index
    %swap3A_363 = tpu.vector_load %arg6[%swap3A_361, %swap3A_362] {strides = array<i32>} : memref<3x80xi32, #tpu.memory_space<vmem>>, vector<1x16xi32>,
    %swap3A_364 = vector.shape_cast %swap3A_363 : vector<1x16xi32> to vector<16xi32>
    %swap3A_365 = vector.shape_cast %and3A_359 : vector<16xi32> to vector<1x16xi32>
    tpu.vector_store %arg6[%swap3A_361, %swap3A_362], %swap3A_365 {strides = array<i32>} : memref<3x80xi32, #tpu.memory_space<vmem>>, vector<1x16xi32>,
    %shift_right_logical3A_366 = arith.constant 16 : i32
    %shift_right_logical3A_367 = vector.broadcast %shift_right_logical3A_366 : i32 to vector<16xi32>
    %shift_right_logical3A_368 = arith.shrui %get3A_356, %shift_right_logical3A_367 : vector<16xi32>
    %swap3A_369 = arith.constant 2 : i32
    %swap3A_370 = arith.index_cast %swap3A_369 : i32 to index
    %swap3A_371 = arith.constant 16 : index
    %swap3A_372 = tpu.vector_load %arg7[%swap3A_370, %swap3A_371] {strides = array<i32>} : memref<3x80xi32, #tpu.memory_space<vmem>>, vector<1x16xi32>,
    %swap3A_373 = vector.shape_cast %swap3A_372 : vector<1x16xi32> to vector<16xi32>
    %swap3A_374 = vector.shape_cast %shift_right_logical3A_368 : vector<16xi32> to vector<1x16xi32>
    tpu.vector_store %arg7[%swap3A_370, %swap3A_371], %swap3A_374 {strides = array<i32>} : memref<3x80xi32, #tpu.memory_space<vmem>>, vector<1x16xi32>,
    %get3A_375 = arith.constant 2 : i32
    %get3A_376 = arith.index_cast %get3A_375 : i32 to index
    %get3A_377 = arith.constant 32 : index
    %get3A_378 = tpu.vector_load %arg5[%get3A_376, %get3A_377] {strides = array<i32>} : memref<125x80xi32, #tpu.memory_space<vmem>>, vector<1x16xi32>,
    %get3A_379 = vector.shape_cast %get3A_378 : vector<1x16xi32> to vector<16xi32>
    %and3A_380 = arith.constant 65535 : i32
    %and3A_381 = vector.broadcast %and3A_380 : i32 to vector<16xi32>
    %and3A_382 = arith.andi %get3A_379, %and3A_381 : vector<16xi32>
    %swap3A_383 = arith.constant 2 : i32
    %swap3A_384 = arith.index_cast %swap3A_383 : i32 to index
    %swap3A_385 = arith.constant 32 : index
    %swap3A_386 = tpu.vector_load %arg6[%swap3A_384, %swap3A_385] {strides = array<i32>} : memref<3x80xi32, #tpu.memory_space<vmem>>, vector<1x16xi32>,
    %swap3A_387 = vector.shape_cast %swap3A_386 : vector<1x16xi32> to vector<16xi32>
    %swap3A_388 = vector.shape_cast %and3A_382 : vector<16xi32> to vector<1x16xi32>
    tpu.vector_store %arg6[%swap3A_384, %swap3A_385], %swap3A_388 {strides = array<i32>} : memref<3x80xi32, #tpu.memory_space<vmem>>, vector<1x16xi32>,
    %shift_right_logical3A_389 = arith.constant 16 : i32
    %shift_right_logical3A_390 = vector.broadcast %shift_right_logical3A_389 : i32 to vector<16xi32>
    %shift_right_logical3A_391 = arith.shrui %get3A_379, %shift_right_logical3A_390 : vector<16xi32>
    %swap3A_392 = arith.constant 2 : i32
    %swap3A_393 = arith.index_cast %swap3A_392 : i32 to index
    %swap3A_394 = arith.constant 32 : index
    %swap3A_395 = tpu.vector_load %arg7[%swap3A_393, %swap3A_394] {strides = array<i32>} : memref<3x80xi32, #tpu.memory_space<vmem>>, vector<1x16xi32>,
    %swap3A_396 = vector.shape_cast %swap3A_395 : vector<1x16xi32> to vector<16xi32>
    %swap3A_397 = vector.shape_cast %shift_right_logical3A_391 : vector<16xi32> to vector<1x16xi32>
    tpu.vector_store %arg7[%swap3A_393, %swap3A_394], %swap3A_397 {strides = array<i32>} : memref<3x80xi32, #tpu.memory_space<vmem>>, vector<1x16xi32>,
    %get3A_398 = arith.constant 2 : i32
    %get3A_399 = arith.index_cast %get3A_398 : i32 to index
    %get3A_400 = arith.constant 48 : index
    %get3A_401 = tpu.vector_load %arg5[%get3A_399, %get3A_400] {strides = array<i32>} : memref<125x80xi32, #tpu.memory_space<vmem>>, vector<1x16xi32>,
    %get3A_402 = vector.shape_cast %get3A_401 : vector<1x16xi32> to vector<16xi32>
    %and3A_403 = arith.constant 65535 : i32
    %and3A_404 = vector.broadcast %and3A_403 : i32 to vector<16xi32>
    %and3A_405 = arith.andi %get3A_402, %and3A_404 : vector<16xi32>
    %swap3A_406 = arith.constant 2 : i32
    %swap3A_407 = arith.index_cast %swap3A_406 : i32 to index
    %swap3A_408 = arith.constant 48 : index
    %swap3A_409 = tpu.vector_load %arg6[%swap3A_407, %swap3A_408] {strides = array<i32>} : memref<3x80xi32, #tpu.memory_space<vmem>>, vector<1x16xi32>,
    %swap3A_410 = vector.shape_cast %swap3A_409 : vector<1x16xi32> to vector<16xi32>
    %swap3A_411 = vector.shape_cast %and3A_405 : vector<16xi32> to vector<1x16xi32>
    tpu.vector_store %arg6[%swap3A_407, %swap3A_408], %swap3A_411 {strides = array<i32>} : memref<3x80xi32, #tpu.memory_space<vmem>>, vector<1x16xi32>,
    %shift_right_logical3A_412 = arith.constant 16 : i32
    %shift_right_logical3A_413 = vector.broadcast %shift_right_logical3A_412 : i32 to vector<16xi32>
    %shift_right_logical3A_414 = arith.shrui %get3A_402, %shift_right_logical3A_413 : vector<16xi32>
    %swap3A_415 = arith.constant 2 : i32
    %swap3A_416 = arith.index_cast %swap3A_415 : i32 to index
    %swap3A_417 = arith.constant 48 : index
    %swap3A_418 = tpu.vector_load %arg7[%swap3A_416, %swap3A_417] {strides = array<i32>} : memref<3x80xi32, #tpu.memory_space<vmem>>, vector<1x16xi32>,
    %swap3A_419 = vector.shape_cast %swap3A_418 : vector<1x16xi32> to vector<16xi32>
    %swap3A_420 = vector.shape_cast %shift_right_logical3A_414 : vector<16xi32> to vector<1x16xi32>
    tpu.vector_store %arg7[%swap3A_416, %swap3A_417], %swap3A_420 {strides = array<i32>} : memref<3x80xi32, #tpu.memory_space<vmem>>, vector<1x16xi32>,
    %get3A_421 = arith.constant 2 : i32
    %get3A_422 = arith.index_cast %get3A_421 : i32 to index
    %get3A_423 = arith.constant 64 : index
    %get3A_424 = tpu.vector_load %arg5[%get3A_422, %get3A_423] {strides = array<i32>} : memref<125x80xi32, #tpu.memory_space<vmem>>, vector<1x16xi32>,
    %get3A_425 = vector.shape_cast %get3A_424 : vector<1x16xi32> to vector<16xi32>
    %and3A_426 = arith.constant 65535 : i32
    %and3A_427 = vector.broadcast %and3A_426 : i32 to vector<16xi32>
    %and3A_428 = arith.andi %get3A_425, %and3A_427 : vector<16xi32>
    %swap3A_429 = arith.constant 2 : i32
    %swap3A_430 = arith.index_cast %swap3A_429 : i32 to index
    %swap3A_431 = arith.constant 64 : index
    %swap3A_432 = tpu.vector_load %arg6[%swap3A_430, %swap3A_431] {strides = array<i32>} : memref<3x80xi32, #tpu.memory_space<vmem>>, vector<1x16xi32>,
    %swap3A_433 = vector.shape_cast %swap3A_432 : vector<1x16xi32> to vector<16xi32>
    %swap3A_434 = vector.shape_cast %and3A_428 : vector<16xi32> to vector<1x16xi32>
    tpu.vector_store %arg6[%swap3A_430, %swap3A_431], %swap3A_434 {strides = array<i32>} : memref<3x80xi32, #tpu.memory_space<vmem>>, vector<1x16xi32>,
    %shift_right_logical3A_435 = arith.constant 16 : i32
    %shift_right_logical3A_436 = vector.broadcast %shift_right_logical3A_435 : i32 to vector<16xi32>
    %shift_right_logical3A_437 = arith.shrui %get3A_425, %shift_right_logical3A_436 : vector<16xi32>
    %swap3A_438 = arith.constant 2 : i32
    %swap3A_439 = arith.index_cast %swap3A_438 : i32 to index
    %swap3A_440 = arith.constant 64 : index
    %swap3A_441 = tpu.vector_load %arg7[%swap3A_439, %swap3A_440] {strides = array<i32>} : memref<3x80xi32, #tpu.memory_space<vmem>>, vector<1x16xi32>,
    %swap3A_442 = vector.shape_cast %swap3A_441 : vector<1x16xi32> to vector<16xi32>
    %swap3A_443 = vector.shape_cast %shift_right_logical3A_437 : vector<16xi32> to vector<1x16xi32>
    tpu.vector_store %arg7[%swap3A_439, %swap3A_440], %swap3A_443 {strides = array<i32>} : memref<3x80xi32, #tpu.memory_space<vmem>>, vector<1x16xi32>,
    %dma_start3A_444 = arith.constant 2 : i32
    %dma_start3A_445 = arith.constant 2 : i32
    %dma_start3A_446 = arith.constant 2 : i32
    %dma_start3A_447 = arith.constant 0 : i32
    %dma_start3A_448 = arith.constant 0 : i32
    %dma_start3A_449 = tpu.memref_slice %arg8[%dma_start3A_445, %dma_start3A_447, %dma_start3A_448] : memref<3x80x128xf32, #tpu.memory_space<vmem>> -> memref<1x80x128xf32, #tpu.memory_space<vmem>>
    %dma_start3A_450 = tpu.memref_squeeze %dma_start3A_449 : memref<1x80x128xf32, #tpu.memory_space<vmem>> -> memref<80x128xf32, #tpu.memory_space<vmem>>
    %dma_start3A_451 = arith.constant 0 : i32
    %dma_start3A_452 = tpu.memref_slice %arg6[%dma_start3A_444, %dma_start3A_451] : memref<3x80xi32, #tpu.memory_space<vmem>> -> memref<1x80xi32, #tpu.memory_space<vmem>>
    %dma_start3A_453 = tpu.memref_squeeze %dma_start3A_452 : memref<1x80xi32, #tpu.memory_space<vmem>> -> memref<80xi32, #tpu.memory_space<vmem>>
    %dma_start3A_454 = arith.constant 0 : i32
    %dma_start3A_455 = arith.constant 0 : i32
    %dma_start3A_456 = tpu.memref_slice %arg2[%dma_start3A_454, %dma_start3A_455] : memref<10000x128xf32, #tpu.memory_space<hbm>> -> memref<10000x128xf32, #tpu.memory_space<hbm>>
    %dma_start3A_457 = tpu.memref_slice %arg10[%dma_start3A_446] : memref<3x!tpu.dma_semaphore, #tpu.memory_space<semaphore_mem>> -> memref<1x!tpu.dma_semaphore, #tpu.memory_space<semaphore_mem>>
    %dma_start3A_458 = tpu.memref_squeeze %dma_start3A_457 : memref<1x!tpu.dma_semaphore, #tpu.memory_space<semaphore_mem>> -> memref<!tpu.dma_semaphore, #tpu.memory_space<semaphore_mem>>
    tpu.enqueue_indirect_dma source(%dma_start3A_456 : memref<10000x128xf32, #tpu.memory_space<hbm>>) target(%dma_start3A_450 : memref<80x128xf32, #tpu.memory_space<vmem>>) offsets(%dma_start3A_453 : memref<80xi32, #tpu.memory_space<vmem>>) semaphore(%dma_start3A_458 : memref<!tpu.dma_semaphore, #tpu.memory_space<semaphore_mem>>)
    %scan3A_459 = arith.constant 0 : i32
    %scan3A_460 = arith.constant 0 : i32
    %scan3A_461 = arith.constant 40 : i32
    %scan3A_462 = arith.addi %scan3A_460, %scan3A_461 : i32
    %scan3A_463 = arith.constant 1 : i32
    scf.for %scan3A_941 = %scan3A_460 to %scan3A_462 step %scan3A_463  : i32 {
      %mul3A_942 = arith.constant 3 : i32
      %mul3A_943 = arith.muli %mul3A_942, %scan3A_941 : i32
      %add3A_944 = arith.constant 1 : i32
      %add3A_945 = arith.addi %add3A_944, %mul3A_943 : i32
      %dma_wait3A_946 = arith.constant 1 : i32
      %dma_wait3A_947 = arith.constant 1 : i32
      %dma_wait3A_948 = arith.constant 1 : i32
      %dma_wait3A_949 = arith.constant 0 : i32
      %dma_wait3A_950 = arith.constant 0 : i32
      %dma_wait3A_951 = tpu.memref_slice %arg8[%dma_wait3A_947, %dma_wait3A_949, %dma_wait3A_950] : memref<3x80x128xf32, #tpu.memory_space<vmem>> -> memref<1x80x128xf32, #tpu.memory_space<vmem>>
      %dma_wait3A_952 = tpu.memref_squeeze %dma_wait3A_951 : memref<1x80x128xf32, #tpu.memory_space<vmem>> -> memref<80x128xf32, #tpu.memory_space<vmem>>
      %dma_wait3A_953 = arith.constant 0 : i32
      %dma_wait3A_954 = tpu.memref_slice %arg6[%dma_wait3A_946, %dma_wait3A_953] : memref<3x80xi32, #tpu.memory_space<vmem>> -> memref<1x80xi32, #tpu.memory_space<vmem>>
      %dma_wait3A_955 = tpu.memref_squeeze %dma_wait3A_954 : memref<1x80xi32, #tpu.memory_space<vmem>> -> memref<80xi32, #tpu.memory_space<vmem>>
      %dma_wait3A_956 = arith.constant 0 : i32
      %dma_wait3A_957 = arith.constant 0 : i32
      %dma_wait3A_958 = tpu.memref_slice %arg2[%dma_wait3A_956, %dma_wait3A_957] : memref<10000x128xf32, #tpu.memory_space<hbm>> -> memref<10000x128xf32, #tpu.memory_space<hbm>>
      %dma_wait3A_959 = tpu.memref_slice %arg10[%dma_wait3A_948] : memref<3x!tpu.dma_semaphore, #tpu.memory_space<semaphore_mem>> -> memref<1x!tpu.dma_semaphore, #tpu.memory_space<semaphore_mem>>
      %dma_wait3A_960 = tpu.memref_squeeze %dma_wait3A_959 : memref<1x!tpu.dma_semaphore, #tpu.memory_space<semaphore_mem>> -> memref<!tpu.dma_semaphore, #tpu.memory_space<semaphore_mem>>
      tpu.wait_indirect_dma semaphore(%dma_wait3A_960 : memref<!tpu.dma_semaphore, #tpu.memory_space<semaphore_mem>>) src(%dma_wait3A_958 : memref<10000x128xf32, #tpu.memory_space<hbm>>) dst(%dma_wait3A_952 : memref<80x128xf32, #tpu.memory_space<vmem>>)
      %dma_wait3A_961 = arith.constant 0 : i32
      %dma_wait3A_962 = arith.constant 0 : i32
      %dma_wait3A_963 = arith.constant 0 : i32
      %dma_wait3A_964 = arith.constant 0 : i32
      %dma_wait3A_965 = arith.constant 0 : i32
      %dma_wait3A_966 = tpu.memref_slice %arg8[%dma_wait3A_961, %dma_wait3A_964, %dma_wait3A_965] : memref<3x80x128xf32, #tpu.memory_space<vmem>> -> memref<1x80x128xf32, #tpu.memory_space<vmem>>
      %dma_wait3A_967 = tpu.memref_squeeze %dma_wait3A_966 : memref<1x80x128xf32, #tpu.memory_space<vmem>> -> memref<80x128xf32, #tpu.memory_space<vmem>>
      %dma_wait3A_968 = arith.constant 0 : i32
      %dma_wait3A_969 = tpu.memref_slice %arg7[%dma_wait3A_962, %dma_wait3A_968] : memref<3x80xi32, #tpu.memory_space<vmem>> -> memref<1x80xi32, #tpu.memory_space<vmem>>
      %dma_wait3A_970 = tpu.memref_squeeze %dma_wait3A_969 : memref<1x80xi32, #tpu.memory_space<vmem>> -> memref<80xi32, #tpu.memory_space<vmem>>
      %dma_wait3A_971 = arith.constant 0 : i32
      %dma_wait3A_972 = arith.constant 0 : i32
      %dma_wait3A_973 = tpu.memref_slice %arg9[%dma_wait3A_971, %dma_wait3A_972] : memref<10240x128xf32, #tpu.memory_space<vmem_shared>> -> memref<10240x128xf32, #tpu.memory_space<vmem_shared>>
      %dma_wait3A_974 = tpu.memref_slice %arg11[%dma_wait3A_963] : memref<3x!tpu.dma_semaphore, #tpu.memory_space<semaphore_mem>> -> memref<1x!tpu.dma_semaphore, #tpu.memory_space<semaphore_mem>>
      %dma_wait3A_975 = tpu.memref_squeeze %dma_wait3A_974 : memref<1x!tpu.dma_semaphore, #tpu.memory_space<semaphore_mem>> -> memref<!tpu.dma_semaphore, #tpu.memory_space<semaphore_mem>>
      tpu.wait_indirect_dma semaphore(%dma_wait3A_975 : memref<!tpu.dma_semaphore, #tpu.memory_space<semaphore_mem>>) src(%dma_wait3A_967 : memref<80x128xf32, #tpu.memory_space<vmem>>) dst(%dma_wait3A_973 : memref<10240x128xf32, #tpu.memory_space<vmem_shared>>)
      %dma_start3A_976 = arith.constant 1 : i32
      %dma_start3A_977 = arith.constant 1 : i32
      %dma_start3A_978 = arith.constant 1 : i32
      %dma_start3A_979 = arith.constant 0 : i32
      %dma_start3A_980 = arith.constant 0 : i32
      %dma_start3A_981 = tpu.memref_slice %arg8[%dma_start3A_976, %dma_start3A_979, %dma_start3A_980] : memref<3x80x128xf32, #tpu.memory_space<vmem>> -> memref<1x80x128xf32, #tpu.memory_space<vmem>>
      %dma_start3A_982 = tpu.memref_squeeze %dma_start3A_981 : memref<1x80x128xf32, #tpu.memory_space<vmem>> -> memref<80x128xf32, #tpu.memory_space<vmem>>
      %dma_start3A_983 = arith.constant 0 : i32
      %dma_start3A_984 = tpu.memref_slice %arg7[%dma_start3A_977, %dma_start3A_983] : memref<3x80xi32, #tpu.memory_space<vmem>> -> memref<1x80xi32, #tpu.memory_space<vmem>>
      %dma_start3A_985 = tpu.memref_squeeze %dma_start3A_984 : memref<1x80xi32, #tpu.memory_space<vmem>> -> memref<80xi32, #tpu.memory_space<vmem>>
      %dma_start3A_986 = arith.constant 0 : i32
      %dma_start3A_987 = arith.constant 0 : i32
      %dma_start3A_988 = tpu.memref_slice %arg9[%dma_start3A_986, %dma_start3A_987] : memref<10240x128xf32, #tpu.memory_space<vmem_shared>> -> memref<10240x128xf32, #tpu.memory_space<vmem_shared>>
      %dma_start3A_989 = tpu.memref_slice %arg11[%dma_start3A_978] : memref<3x!tpu.dma_semaphore, #tpu.memory_space<semaphore_mem>> -> memref<1x!tpu.dma_semaphore, #tpu.memory_space<semaphore_mem>>
      %dma_start3A_990 = tpu.memref_squeeze %dma_start3A_989 : memref<1x!tpu.dma_semaphore, #tpu.memory_space<semaphore_mem>> -> memref<!tpu.dma_semaphore, #tpu.memory_space<semaphore_mem>>
      tpu.enqueue_indirect_dma source(%dma_start3A_982 : memref<80x128xf32, #tpu.memory_space<vmem>>) target(%dma_start3A_988 : memref<10240x128xf32, #tpu.memory_space<vmem_shared>>) offsets(%dma_start3A_985 : memref<80xi32, #tpu.memory_space<vmem>>) semaphore(%dma_start3A_990 : memref<!tpu.dma_semaphore, #tpu.memory_space<semaphore_mem>>) {add = true}
      %add3A_991 = arith.constant 2 : i32
      %add3A_992 = arith.addi %add3A_945, %add3A_991 : i32
      %get3A_993 = arith.index_cast %add3A_992 : i32 to index
      %get3A_994 = arith.constant 0 : index
      %get3A_995 = tpu.vector_load %arg5[%get3A_993, %get3A_994] {strides = array<i32>} : memref<125x80xi32, #tpu.memory_space<vmem>>, vector<1x16xi32>,
      %get3A_996 = vector.shape_cast %get3A_995 : vector<1x16xi32> to vector<16xi32>
      %and3A_997 = arith.constant 65535 : i32
      %and3A_998 = vector.broadcast %and3A_997 : i32 to vector<16xi32>
      %and3A_999 = arith.andi %get3A_996, %and3A_998 : vector<16xi32>
      %swap3A_1000 = arith.constant 0 : i32
      %swap3A_1001 = arith.index_cast %swap3A_1000 : i32 to index
      %swap3A_1002 = arith.constant 0 : index
      %swap3A_1003 = tpu.vector_load %arg6[%swap3A_1001, %swap3A_1002] {strides = array<i32>} : memref<3x80xi32, #tpu.memory_space<vmem>>, vector<1x16xi32>,
      %swap3A_1004 = vector.shape_cast %swap3A_1003 : vector<1x16xi32> to vector<16xi32>
      %swap3A_1005 = vector.shape_cast %and3A_999 : vector<16xi32> to vector<1x16xi32>
      tpu.vector_store %arg6[%swap3A_1001, %swap3A_1002], %swap3A_1005 {strides = array<i32>} : memref<3x80xi32, #tpu.memory_space<vmem>>, vector<1x16xi32>,
      %shift_right_logical3A_1006 = arith.constant 16 : i32
      %shift_right_logical3A_1007 = vector.broadcast %shift_right_logical3A_1006 : i32 to vector<16xi32>
      %shift_right_logical3A_1008 = arith.shrui %get3A_996, %shift_right_logical3A_1007 : vector<16xi32>
      %swap3A_1009 = arith.constant 0 : i32
      %swap3A_1010 = arith.index_cast %swap3A_1009 : i32 to index
      %swap3A_1011 = arith.constant 0 : index
      %swap3A_1012 = tpu.vector_load %arg7[%swap3A_1010, %swap3A_1011] {strides = array<i32>} : memref<3x80xi32, #tpu.memory_space<vmem>>, vector<1x16xi32>,
      %swap3A_1013 = vector.shape_cast %swap3A_1012 : vector<1x16xi32> to vector<16xi32>
      %swap3A_1014 = vector.shape_cast %shift_right_logical3A_1008 : vector<16xi32> to vector<1x16xi32>
      tpu.vector_store %arg7[%swap3A_1010, %swap3A_1011], %swap3A_1014 {strides = array<i32>} : memref<3x80xi32, #tpu.memory_space<vmem>>, vector<1x16xi32>,
      %get3A_1015 = arith.index_cast %add3A_992 : i32 to index
      %get3A_1016 = arith.constant 16 : index
      %get3A_1017 = tpu.vector_load %arg5[%get3A_1015, %get3A_1016] {strides = array<i32>} : memref<125x80xi32, #tpu.memory_space<vmem>>, vector<1x16xi32>,
      %get3A_1018 = vector.shape_cast %get3A_1017 : vector<1x16xi32> to vector<16xi32>
      %and3A_1019 = arith.constant 65535 : i32
      %and3A_1020 = vector.broadcast %and3A_1019 : i32 to vector<16xi32>
      %and3A_1021 = arith.andi %get3A_1018, %and3A_1020 : vector<16xi32>
      %swap3A_1022 = arith.constant 0 : i32
      %swap3A_1023 = arith.index_cast %swap3A_1022 : i32 to index
      %swap3A_1024 = arith.constant 16 : index
      %swap3A_1025 = tpu.vector_load %arg6[%swap3A_1023, %swap3A_1024] {strides = array<i32>} : memref<3x80xi32, #tpu.memory_space<vmem>>, vector<1x16xi32>,
      %swap3A_1026 = vector.shape_cast %swap3A_1025 : vector<1x16xi32> to vector<16xi32>
      %swap3A_1027 = vector.shape_cast %and3A_1021 : vector<16xi32> to vector<1x16xi32>
      tpu.vector_store %arg6[%swap3A_1023, %swap3A_1024], %swap3A_1027 {strides = array<i32>} : memref<3x80xi32, #tpu.memory_space<vmem>>, vector<1x16xi32>,
      %shift_right_logical3A_1028 = arith.constant 16 : i32
      %shift_right_logical3A_1029 = vector.broadcast %shift_right_logical3A_1028 : i32 to vector<16xi32>
      %shift_right_logical3A_1030 = arith.shrui %get3A_1018, %shift_right_logical3A_1029 : vector<16xi32>
      %swap3A_1031 = arith.constant 0 : i32
      %swap3A_1032 = arith.index_cast %swap3A_1031 : i32 to index
      %swap3A_1033 = arith.constant 16 : index
      %swap3A_1034 = tpu.vector_load %arg7[%swap3A_1032, %swap3A_1033] {strides = array<i32>} : memref<3x80xi32, #tpu.memory_space<vmem>>, vector<1x16xi32>,
      %swap3A_1035 = vector.shape_cast %swap3A_1034 : vector<1x16xi32> to vector<16xi32>
      %swap3A_1036 = vector.shape_cast %shift_right_logical3A_1030 : vector<16xi32> to vector<1x16xi32>
      tpu.vector_store %arg7[%swap3A_1032, %swap3A_1033], %swap3A_1036 {strides = array<i32>} : memref<3x80xi32, #tpu.memory_space<vmem>>, vector<1x16xi32>,
      %get3A_1037 = arith.index_cast %add3A_992 : i32 to index
      %get3A_1038 = arith.constant 32 : index
      %get3A_1039 = tpu.vector_load %arg5[%get3A_1037, %get3A_1038] {strides = array<i32>} : memref<125x80xi32, #tpu.memory_space<vmem>>, vector<1x16xi32>,
      %get3A_1040 = vector.shape_cast %get3A_1039 : vector<1x16xi32> to vector<16xi32>
      %and3A_1041 = arith.constant 65535 : i32
      %and3A_1042 = vector.broadcast %and3A_1041 : i32 to vector<16xi32>
      %and3A_1043 = arith.andi %get3A_1040, %and3A_1042 : vector<16xi32>
      %swap3A_1044 = arith.constant 0 : i32
      %swap3A_1045 = arith.index_cast %swap3A_1044 : i32 to index
      %swap3A_1046 = arith.constant 32 : index
      %swap3A_1047 = tpu.vector_load %arg6[%swap3A_1045, %swap3A_1046] {strides = array<i32>} : memref<3x80xi32, #tpu.memory_space<vmem>>, vector<1x16xi32>,
      %swap3A_1048 = vector.shape_cast %swap3A_1047 : vector<1x16xi32> to vector<16xi32>
      %swap3A_1049 = vector.shape_cast %and3A_1043 : vector<16xi32> to vector<1x16xi32>
      tpu.vector_store %arg6[%swap3A_1045, %swap3A_1046], %swap3A_1049 {strides = array<i32>} : memref<3x80xi32, #tpu.memory_space<vmem>>, vector<1x16xi32>,
      %shift_right_logical3A_1050 = arith.constant 16 : i32
      %shift_right_logical3A_1051 = vector.broadcast %shift_right_logical3A_1050 : i32 to vector<16xi32>
      %shift_right_logical3A_1052 = arith.shrui %get3A_1040, %shift_right_logical3A_1051 : vector<16xi32>
      %swap3A_1053 = arith.constant 0 : i32
      %swap3A_1054 = arith.index_cast %swap3A_1053 : i32 to index
      %swap3A_1055 = arith.constant 32 : index
      %swap3A_1056 = tpu.vector_load %arg7[%swap3A_1054, %swap3A_1055] {strides = array<i32>} : memref<3x80xi32, #tpu.memory_space<vmem>>, vector<1x16xi32>,
      %swap3A_1057 = vector.shape_cast %swap3A_1056 : vector<1x16xi32> to vector<16xi32>
      %swap3A_1058 = vector.shape_cast %shift_right_logical3A_1052 : vector<16xi32> to vector<1x16xi32>
      tpu.vector_store %arg7[%swap3A_1054, %swap3A_1055], %swap3A_1058 {strides = array<i32>} : memref<3x80xi32, #tpu.memory_space<vmem>>, vector<1x16xi32>,
      %get3A_1059 = arith.index_cast %add3A_992 : i32 to index
      %get3A_1060 = arith.constant 48 : index
      %get3A_1061 = tpu.vector_load %arg5[%get3A_1059, %get3A_1060] {strides = array<i32>} : memref<125x80xi32, #tpu.memory_space<vmem>>, vector<1x16xi32>,
      %get3A_1062 = vector.shape_cast %get3A_1061 : vector<1x16xi32> to vector<16xi32>
      %and3A_1063 = arith.constant 65535 : i32
      %and3A_1064 = vector.broadcast %and3A_1063 : i32 to vector<16xi32>
      %and3A_1065 = arith.andi %get3A_1062, %and3A_1064 : vector<16xi32>
      %swap3A_1066 = arith.constant 0 : i32
      %swap3A_1067 = arith.index_cast %swap3A_1066 : i32 to index
      %swap3A_1068 = arith.constant 48 : index
      %swap3A_1069 = tpu.vector_load %arg6[%swap3A_1067, %swap3A_1068] {strides = array<i32>} : memref<3x80xi32, #tpu.memory_space<vmem>>, vector<1x16xi32>,
      %swap3A_1070 = vector.shape_cast %swap3A_1069 : vector<1x16xi32> to vector<16xi32>
      %swap3A_1071 = vector.shape_cast %and3A_1065 : vector<16xi32> to vector<1x16xi32>
      tpu.vector_store %arg6[%swap3A_1067, %swap3A_1068], %swap3A_1071 {strides = array<i32>} : memref<3x80xi32, #tpu.memory_space<vmem>>, vector<1x16xi32>,
      %shift_right_logical3A_1072 = arith.constant 16 : i32
      %shift_right_logical3A_1073 = vector.broadcast %shift_right_logical3A_1072 : i32 to vector<16xi32>
      %shift_right_logical3A_1074 = arith.shrui %get3A_1062, %shift_right_logical3A_1073 : vector<16xi32>
      %swap3A_1075 = arith.constant 0 : i32
      %swap3A_1076 = arith.index_cast %swap3A_1075 : i32 to index
      %swap3A_1077 = arith.constant 48 : index
      %swap3A_1078 = tpu.vector_load %arg7[%swap3A_1076, %swap3A_1077] {strides = array<i32>} : memref<3x80xi32, #tpu.memory_space<vmem>>, vector<1x16xi32>,
      %swap3A_1079 = vector.shape_cast %swap3A_1078 : vector<1x16xi32> to vector<16xi32>
      %swap3A_1080 = vector.shape_cast %shift_right_logical3A_1074 : vector<16xi32> to vector<1x16xi32>
      tpu.vector_store %arg7[%swap3A_1076, %swap3A_1077], %swap3A_1080 {strides = array<i32>} : memref<3x80xi32, #tpu.memory_space<vmem>>, vector<1x16xi32>,
      %get3A_1081 = arith.index_cast %add3A_992 : i32 to index
      %get3A_1082 = arith.constant 64 : index
      %get3A_1083 = tpu.vector_load %arg5[%get3A_1081, %get3A_1082] {strides = array<i32>} : memref<125x80xi32, #tpu.memory_space<vmem>>, vector<1x16xi32>,
      %get3A_1084 = vector.shape_cast %get3A_1083 : vector<1x16xi32> to vector<16xi32>
      %and3A_1085 = arith.constant 65535 : i32
      %and3A_1086 = vector.broadcast %and3A_1085 : i32 to vector<16xi32>
      %and3A_1087 = arith.andi %get3A_1084, %and3A_1086 : vector<16xi32>
      %swap3A_1088 = arith.constant 0 : i32
      %swap3A_1089 = arith.index_cast %swap3A_1088 : i32 to index
      %swap3A_1090 = arith.constant 64 : index
      %swap3A_1091 = tpu.vector_load %arg6[%swap3A_1089, %swap3A_1090] {strides = array<i32>} : memref<3x80xi32, #tpu.memory_space<vmem>>, vector<1x16xi32>,
      %swap3A_1092 = vector.shape_cast %swap3A_1091 : vector<1x16xi32> to vector<16xi32>
      %swap3A_1093 = vector.shape_cast %and3A_1087 : vector<16xi32> to vector<1x16xi32>
      tpu.vector_store %arg6[%swap3A_1089, %swap3A_1090], %swap3A_1093 {strides = array<i32>} : memref<3x80xi32, #tpu.memory_space<vmem>>, vector<1x16xi32>,
      %shift_right_logical3A_1094 = arith.constant 16 : i32
      %shift_right_logical3A_1095 = vector.broadcast %shift_right_logical3A_1094 : i32 to vector<16xi32>
      %shift_right_logical3A_1096 = arith.shrui %get3A_1084, %shift_right_logical3A_1095 : vector<16xi32>
      %swap3A_1097 = arith.constant 0 : i32
      %swap3A_1098 = arith.index_cast %swap3A_1097 : i32 to index
      %swap3A_1099 = arith.constant 64 : index
      %swap3A_1100 = tpu.vector_load %arg7[%swap3A_1098, %swap3A_1099] {strides = array<i32>} : memref<3x80xi32, #tpu.memory_space<vmem>>, vector<1x16xi32>,
      %swap3A_1101 = vector.shape_cast %swap3A_1100 : vector<1x16xi32> to vector<16xi32>
      %swap3A_1102 = vector.shape_cast %shift_right_logical3A_1096 : vector<16xi32> to vector<1x16xi32>
      tpu.vector_store %arg7[%swap3A_1098, %swap3A_1099], %swap3A_1102 {strides = array<i32>} : memref<3x80xi32, #tpu.memory_space<vmem>>, vector<1x16xi32>,
      %dma_start3A_1103 = arith.constant 0 : i32
      %dma_start3A_1104 = arith.constant 0 : i32
      %dma_start3A_1105 = arith.constant 0 : i32
      %dma_start3A_1106 = arith.constant 0 : i32
      %dma_start3A_1107 = arith.constant 0 : i32
      %dma_start3A_1108 = tpu.memref_slice %arg8[%dma_start3A_1104, %dma_start3A_1106, %dma_start3A_1107] : memref<3x80x128xf32, #tpu.memory_space<vmem>> -> memref<1x80x128xf32, #tpu.memory_space<vmem>>
      %dma_start3A_1109 = tpu.memref_squeeze %dma_start3A_1108 : memref<1x80x128xf32, #tpu.memory_space<vmem>> -> memref<80x128xf32, #tpu.memory_space<vmem>>
      %dma_start3A_1110 = arith.constant 0 : i32
      %dma_start3A_1111 = tpu.memref_slice %arg6[%dma_start3A_1103, %dma_start3A_1110] : memref<3x80xi32, #tpu.memory_space<vmem>> -> memref<1x80xi32, #tpu.memory_space<vmem>>
      %dma_start3A_1112 = tpu.memref_squeeze %dma_start3A_1111 : memref<1x80xi32, #tpu.memory_space<vmem>> -> memref<80xi32, #tpu.memory_space<vmem>>
      %dma_start3A_1113 = arith.constant 0 : i32
      %dma_start3A_1114 = arith.constant 0 : i32
      %dma_start3A_1115 = tpu.memref_slice %arg2[%dma_start3A_1113, %dma_start3A_1114] : memref<10000x128xf32, #tpu.memory_space<hbm>> -> memref<10000x128xf32, #tpu.memory_space<hbm>>
      %dma_start3A_1116 = tpu.memref_slice %arg10[%dma_start3A_1105] : memref<3x!tpu.dma_semaphore, #tpu.memory_space<semaphore_mem>> -> memref<1x!tpu.dma_semaphore, #tpu.memory_space<semaphore_mem>>
      %dma_start3A_1117 = tpu.memref_squeeze %dma_start3A_1116 : memref<1x!tpu.dma_semaphore, #tpu.memory_space<semaphore_mem>> -> memref<!tpu.dma_semaphore, #tpu.memory_space<semaphore_mem>>
      tpu.enqueue_indirect_dma source(%dma_start3A_1115 : memref<10000x128xf32, #tpu.memory_space<hbm>>) target(%dma_start3A_1109 : memref<80x128xf32, #tpu.memory_space<vmem>>) offsets(%dma_start3A_1112 : memref<80xi32, #tpu.memory_space<vmem>>) semaphore(%dma_start3A_1117 : memref<!tpu.dma_semaphore, #tpu.memory_space<semaphore_mem>>)
      %add3A_1118 = arith.constant 1 : i32
      %add3A_1119 = arith.addi %add3A_945, %add3A_1118 : i32
      %dma_wait3A_1120 = arith.constant 2 : i32
      %dma_wait3A_1121 = arith.constant 2 : i32
      %dma_wait3A_1122 = arith.constant 2 : i32
      %dma_wait3A_1123 = arith.constant 0 : i32
      %dma_wait3A_1124 = arith.constant 0 : i32
      %dma_wait3A_1125 = tpu.memref_slice %arg8[%dma_wait3A_1121, %dma_wait3A_1123, %dma_wait3A_1124] : memref<3x80x128xf32, #tpu.memory_space<vmem>> -> memref<1x80x128xf32, #tpu.memory_space<vmem>>
      %dma_wait3A_1126 = tpu.memref_squeeze %dma_wait3A_1125 : memref<1x80x128xf32, #tpu.memory_space<vmem>> -> memref<80x128xf32, #tpu.memory_space<vmem>>
      %dma_wait3A_1127 = arith.constant 0 : i32
      %dma_wait3A_1128 = tpu.memref_slice %arg6[%dma_wait3A_1120, %dma_wait3A_1127] : memref<3x80xi32, #tpu.memory_space<vmem>> -> memref<1x80xi32, #tpu.memory_space<vmem>>
      %dma_wait3A_1129 = tpu.memref_squeeze %dma_wait3A_1128 : memref<1x80xi32, #tpu.memory_space<vmem>> -> memref<80xi32, #tpu.memory_space<vmem>>
      %dma_wait3A_1130 = arith.constant 0 : i32
      %dma_wait3A_1131 = arith.constant 0 : i32
      %dma_wait3A_1132 = tpu.memref_slice %arg2[%dma_wait3A_1130, %dma_wait3A_1131] : memref<10000x128xf32, #tpu.memory_space<hbm>> -> memref<10000x128xf32, #tpu.memory_space<hbm>>
      %dma_wait3A_1133 = tpu.memref_slice %arg10[%dma_wait3A_1122] : memref<3x!tpu.dma_semaphore, #tpu.memory_space<semaphore_mem>> -> memref<1x!tpu.dma_semaphore, #tpu.memory_space<semaphore_mem>>
      %dma_wait3A_1134 = tpu.memref_squeeze %dma_wait3A_1133 : memref<1x!tpu.dma_semaphore, #tpu.memory_space<semaphore_mem>> -> memref<!tpu.dma_semaphore, #tpu.memory_space<semaphore_mem>>
      tpu.wait_indirect_dma semaphore(%dma_wait3A_1134 : memref<!tpu.dma_semaphore, #tpu.memory_space<semaphore_mem>>) src(%dma_wait3A_1132 : memref<10000x128xf32, #tpu.memory_space<hbm>>) dst(%dma_wait3A_1126 : memref<80x128xf32, #tpu.memory_space<vmem>>)
      %dma_wait3A_1135 = arith.constant 1 : i32
      %dma_wait3A_1136 = arith.constant 1 : i32
      %dma_wait3A_1137 = arith.constant 1 : i32
      %dma_wait3A_1138 = arith.constant 0 : i32
      %dma_wait3A_1139 = arith.constant 0 : i32
      %dma_wait3A_1140 = tpu.memref_slice %arg8[%dma_wait3A_1135, %dma_wait3A_1138, %dma_wait3A_1139] : memref<3x80x128xf32, #tpu.memory_space<vmem>> -> memref<1x80x128xf32, #tpu.memory_space<vmem>>
      %dma_wait3A_1141 = tpu.memref_squeeze %dma_wait3A_1140 : memref<1x80x128xf32, #tpu.memory_space<vmem>> -> memref<80x128xf32, #tpu.memory_space<vmem>>
      %dma_wait3A_1142 = arith.constant 0 : i32
      %dma_wait3A_1143 = tpu.memref_slice %arg7[%dma_wait3A_1136, %dma_wait3A_1142] : memref<3x80xi32, #tpu.memory_space<vmem>> -> memref<1x80xi32, #tpu.memory_space<vmem>>
      %dma_wait3A_1144 = tpu.memref_squeeze %dma_wait3A_1143 : memref<1x80xi32, #tpu.memory_space<vmem>> -> memref<80xi32, #tpu.memory_space<vmem>>
      %dma_wait3A_1145 = arith.constant 0 : i32
      %dma_wait3A_1146 = arith.constant 0 : i32
      %dma_wait3A_1147 = tpu.memref_slice %arg9[%dma_wait3A_1145, %dma_wait3A_1146] : memref<10240x128xf32, #tpu.memory_space<vmem_shared>> -> memref<10240x128xf32, #tpu.memory_space<vmem_shared>>
      %dma_wait3A_1148 = tpu.memref_slice %arg11[%dma_wait3A_1137] : memref<3x!tpu.dma_semaphore, #tpu.memory_space<semaphore_mem>> -> memref<1x!tpu.dma_semaphore, #tpu.memory_space<semaphore_mem>>
      %dma_wait3A_1149 = tpu.memref_squeeze %dma_wait3A_1148 : memref<1x!tpu.dma_semaphore, #tpu.memory_space<semaphore_mem>> -> memref<!tpu.dma_semaphore, #tpu.memory_space<semaphore_mem>>
      tpu.wait_indirect_dma semaphore(%dma_wait3A_1149 : memref<!tpu.dma_semaphore, #tpu.memory_space<semaphore_mem>>) src(%dma_wait3A_1141 : memref<80x128xf32, #tpu.memory_space<vmem>>) dst(%dma_wait3A_1147 : memref<10240x128xf32, #tpu.memory_space<vmem_shared>>)
      %dma_start3A_1150 = arith.constant 2 : i32
      %dma_start3A_1151 = arith.constant 2 : i32
      %dma_start3A_1152 = arith.constant 2 : i32
      %dma_start3A_1153 = arith.constant 0 : i32
      %dma_start3A_1154 = arith.constant 0 : i32
      %dma_start3A_1155 = tpu.memref_slice %arg8[%dma_start3A_1150, %dma_start3A_1153, %dma_start3A_1154] : memref<3x80x128xf32, #tpu.memory_space<vmem>> -> memref<1x80x128xf32, #tpu.memory_space<vmem>>
      %dma_start3A_1156 = tpu.memref_squeeze %dma_start3A_1155 : memref<1x80x128xf32, #tpu.memory_space<vmem>> -> memref<80x128xf32, #tpu.memory_space<vmem>>
      %dma_start3A_1157 = arith.constant 0 : i32
      %dma_start3A_1158 = tpu.memref_slice %arg7[%dma_start3A_1151, %dma_start3A_1157] : memref<3x80xi32, #tpu.memory_space<vmem>> -> memref<1x80xi32, #tpu.memory_space<vmem>>
      %dma_start3A_1159 = tpu.memref_squeeze %dma_start3A_1158 : memref<1x80xi32, #tpu.memory_space<vmem>> -> memref<80xi32, #tpu.memory_space<vmem>>
      %dma_start3A_1160 = arith.constant 0 : i32
      %dma_start3A_1161 = arith.constant 0 : i32
      %dma_start3A_1162 = tpu.memref_slice %arg9[%dma_start3A_1160, %dma_start3A_1161] : memref<10240x128xf32, #tpu.memory_space<vmem_shared>> -> memref<10240x128xf32, #tpu.memory_space<vmem_shared>>
      %dma_start3A_1163 = tpu.memref_slice %arg11[%dma_start3A_1152] : memref<3x!tpu.dma_semaphore, #tpu.memory_space<semaphore_mem>> -> memref<1x!tpu.dma_semaphore, #tpu.memory_space<semaphore_mem>>
      %dma_start3A_1164 = tpu.memref_squeeze %dma_start3A_1163 : memref<1x!tpu.dma_semaphore, #tpu.memory_space<semaphore_mem>> -> memref<!tpu.dma_semaphore, #tpu.memory_space<semaphore_mem>>
      tpu.enqueue_indirect_dma source(%dma_start3A_1156 : memref<80x128xf32, #tpu.memory_space<vmem>>) target(%dma_start3A_1162 : memref<10240x128xf32, #tpu.memory_space<vmem_shared>>) offsets(%dma_start3A_1159 : memref<80xi32, #tpu.memory_space<vmem>>) semaphore(%dma_start3A_1164 : memref<!tpu.dma_semaphore, #tpu.memory_space<semaphore_mem>>) {add = true}
      %add3A_1165 = arith.constant 2 : i32
      %add3A_1166 = arith.addi %add3A_1119, %add3A_1165 : i32
      %get3A_1167 = arith.index_cast %add3A_1166 : i32 to index
      %get3A_1168 = arith.constant 0 : index
      %get3A_1169 = tpu.vector_load %arg5[%get3A_1167, %get3A_1168] {strides = array<i32>} : memref<125x80xi32, #tpu.memory_space<vmem>>, vector<1x16xi32>,
      %get3A_1170 = vector.shape_cast %get3A_1169 : vector<1x16xi32> to vector<16xi32>
      %and3A_1171 = arith.constant 65535 : i32
      %and3A_1172 = vector.broadcast %and3A_1171 : i32 to vector<16xi32>
      %and3A_1173 = arith.andi %get3A_1170, %and3A_1172 : vector<16xi32>
      %swap3A_1174 = arith.constant 1 : i32
      %swap3A_1175 = arith.index_cast %swap3A_1174 : i32 to index
      %swap3A_1176 = arith.constant 0 : index
      %swap3A_1177 = tpu.vector_load %arg6[%swap3A_1175, %swap3A_1176] {strides = array<i32>} : memref<3x80xi32, #tpu.memory_space<vmem>>, vector<1x16xi32>,
      %swap3A_1178 = vector.shape_cast %swap3A_1177 : vector<1x16xi32> to vector<16xi32>
      %swap3A_1179 = vector.shape_cast %and3A_1173 : vector<16xi32> to vector<1x16xi32>
      tpu.vector_store %arg6[%swap3A_1175, %swap3A_1176], %swap3A_1179 {strides = array<i32>} : memref<3x80xi32, #tpu.memory_space<vmem>>, vector<1x16xi32>,
      %shift_right_logical3A_1180 = arith.constant 16 : i32
      %shift_right_logical3A_1181 = vector.broadcast %shift_right_logical3A_1180 : i32 to vector<16xi32>
      %shift_right_logical3A_1182 = arith.shrui %get3A_1170, %shift_right_logical3A_1181 : vector<16xi32>
      %swap3A_1183 = arith.constant 1 : i32
      %swap3A_1184 = arith.index_cast %swap3A_1183 : i32 to index
      %swap3A_1185 = arith.constant 0 : index
      %swap3A_1186 = tpu.vector_load %arg7[%swap3A_1184, %swap3A_1185] {strides = array<i32>} : memref<3x80xi32, #tpu.memory_space<vmem>>, vector<1x16xi32>,
      %swap3A_1187 = vector.shape_cast %swap3A_1186 : vector<1x16xi32> to vector<16xi32>
      %swap3A_1188 = vector.shape_cast %shift_right_logical3A_1182 : vector<16xi32> to vector<1x16xi32>
      tpu.vector_store %arg7[%swap3A_1184, %swap3A_1185], %swap3A_1188 {strides = array<i32>} : memref<3x80xi32, #tpu.memory_space<vmem>>, vector<1x16xi32>,
      %get3A_1189 = arith.index_cast %add3A_1166 : i32 to index
      %get3A_1190 = arith.constant 16 : index
      %get3A_1191 = tpu.vector_load %arg5[%get3A_1189, %get3A_1190] {strides = array<i32>} : memref<125x80xi32, #tpu.memory_space<vmem>>, vector<1x16xi32>,
      %get3A_1192 = vector.shape_cast %get3A_1191 : vector<1x16xi32> to vector<16xi32>
      %and3A_1193 = arith.constant 65535 : i32
      %and3A_1194 = vector.broadcast %and3A_1193 : i32 to vector<16xi32>
      %and3A_1195 = arith.andi %get3A_1192, %and3A_1194 : vector<16xi32>
      %swap3A_1196 = arith.constant 1 : i32
      %swap3A_1197 = arith.index_cast %swap3A_1196 : i32 to index
      %swap3A_1198 = arith.constant 16 : index
      %swap3A_1199 = tpu.vector_load %arg6[%swap3A_1197, %swap3A_1198] {strides = array<i32>} : memref<3x80xi32, #tpu.memory_space<vmem>>, vector<1x16xi32>,
      %swap3A_1200 = vector.shape_cast %swap3A_1199 : vector<1x16xi32> to vector<16xi32>
      %swap3A_1201 = vector.shape_cast %and3A_1195 : vector<16xi32> to vector<1x16xi32>
      tpu.vector_store %arg6[%swap3A_1197, %swap3A_1198], %swap3A_1201 {strides = array<i32>} : memref<3x80xi32, #tpu.memory_space<vmem>>, vector<1x16xi32>,
      %shift_right_logical3A_1202 = arith.constant 16 : i32
      %shift_right_logical3A_1203 = vector.broadcast %shift_right_logical3A_1202 : i32 to vector<16xi32>
      %shift_right_logical3A_1204 = arith.shrui %get3A_1192, %shift_right_logical3A_1203 : vector<16xi32>
      %swap3A_1205 = arith.constant 1 : i32
      %swap3A_1206 = arith.index_cast %swap3A_1205 : i32 to index
      %swap3A_1207 = arith.constant 16 : index
      %swap3A_1208 = tpu.vector_load %arg7[%swap3A_1206, %swap3A_1207] {strides = array<i32>} : memref<3x80xi32, #tpu.memory_space<vmem>>, vector<1x16xi32>,
      %swap3A_1209 = vector.shape_cast %swap3A_1208 : vector<1x16xi32> to vector<16xi32>
      %swap3A_1210 = vector.shape_cast %shift_right_logical3A_1204 : vector<16xi32> to vector<1x16xi32>
      tpu.vector_store %arg7[%swap3A_1206, %swap3A_1207], %swap3A_1210 {strides = array<i32>} : memref<3x80xi32, #tpu.memory_space<vmem>>, vector<1x16xi32>,
      %get3A_1211 = arith.index_cast %add3A_1166 : i32 to index
      %get3A_1212 = arith.constant 32 : index
      %get3A_1213 = tpu.vector_load %arg5[%get3A_1211, %get3A_1212] {strides = array<i32>} : memref<125x80xi32, #tpu.memory_space<vmem>>, vector<1x16xi32>,
      %get3A_1214 = vector.shape_cast %get3A_1213 : vector<1x16xi32> to vector<16xi32>
      %and3A_1215 = arith.constant 65535 : i32
      %and3A_1216 = vector.broadcast %and3A_1215 : i32 to vector<16xi32>
      %and3A_1217 = arith.andi %get3A_1214, %and3A_1216 : vector<16xi32>
      %swap3A_1218 = arith.constant 1 : i32
      %swap3A_1219 = arith.index_cast %swap3A_1218 : i32 to index
      %swap3A_1220 = arith.constant 32 : index
      %swap3A_1221 = tpu.vector_load %arg6[%swap3A_1219, %swap3A_1220] {strides = array<i32>} : memref<3x80xi32, #tpu.memory_space<vmem>>, vector<1x16xi32>,
      %swap3A_1222 = vector.shape_cast %swap3A_1221 : vector<1x16xi32> to vector<16xi32>
      %swap3A_1223 = vector.shape_cast %and3A_1217 : vector<16xi32> to vector<1x16xi32>
      tpu.vector_store %arg6[%swap3A_1219, %swap3A_1220], %swap3A_1223 {strides = array<i32>} : memref<3x80xi32, #tpu.memory_space<vmem>>, vector<1x16xi32>,
      %shift_right_logical3A_1224 = arith.constant 16 : i32
      %shift_right_logical3A_1225 = vector.broadcast %shift_right_logical3A_1224 : i32 to vector<16xi32>
      %shift_right_logical3A_1226 = arith.shrui %get3A_1214, %shift_right_logical3A_1225 : vector<16xi32>
      %swap3A_1227 = arith.constant 1 : i32
      %swap3A_1228 = arith.index_cast %swap3A_1227 : i32 to index
      %swap3A_1229 = arith.constant 32 : index
      %swap3A_1230 = tpu.vector_load %arg7[%swap3A_1228, %swap3A_1229] {strides = array<i32>} : memref<3x80xi32, #tpu.memory_space<vmem>>, vector<1x16xi32>,
      %swap3A_1231 = vector.shape_cast %swap3A_1230 : vector<1x16xi32> to vector<16xi32>
      %swap3A_1232 = vector.shape_cast %shift_right_logical3A_1226 : vector<16xi32> to vector<1x16xi32>
      tpu.vector_store %arg7[%swap3A_1228, %swap3A_1229], %swap3A_1232 {strides = array<i32>} : memref<3x80xi32, #tpu.memory_space<vmem>>, vector<1x16xi32>,
      %get3A_1233 = arith.index_cast %add3A_1166 : i32 to index
      %get3A_1234 = arith.constant 48 : index
      %get3A_1235 = tpu.vector_load %arg5[%get3A_1233, %get3A_1234] {strides = array<i32>} : memref<125x80xi32, #tpu.memory_space<vmem>>, vector<1x16xi32>,
      %get3A_1236 = vector.shape_cast %get3A_1235 : vector<1x16xi32> to vector<16xi32>
      %and3A_1237 = arith.constant 65535 : i32
      %and3A_1238 = vector.broadcast %and3A_1237 : i32 to vector<16xi32>
      %and3A_1239 = arith.andi %get3A_1236, %and3A_1238 : vector<16xi32>
      %swap3A_1240 = arith.constant 1 : i32
      %swap3A_1241 = arith.index_cast %swap3A_1240 : i32 to index
      %swap3A_1242 = arith.constant 48 : index
      %swap3A_1243 = tpu.vector_load %arg6[%swap3A_1241, %swap3A_1242] {strides = array<i32>} : memref<3x80xi32, #tpu.memory_space<vmem>>, vector<1x16xi32>,
      %swap3A_1244 = vector.shape_cast %swap3A_1243 : vector<1x16xi32> to vector<16xi32>
      %swap3A_1245 = vector.shape_cast %and3A_1239 : vector<16xi32> to vector<1x16xi32>
      tpu.vector_store %arg6[%swap3A_1241, %swap3A_1242], %swap3A_1245 {strides = array<i32>} : memref<3x80xi32, #tpu.memory_space<vmem>>, vector<1x16xi32>,
      %shift_right_logical3A_1246 = arith.constant 16 : i32
      %shift_right_logical3A_1247 = vector.broadcast %shift_right_logical3A_1246 : i32 to vector<16xi32>
      %shift_right_logical3A_1248 = arith.shrui %get3A_1236, %shift_right_logical3A_1247 : vector<16xi32>
      %swap3A_1249 = arith.constant 1 : i32
      %swap3A_1250 = arith.index_cast %swap3A_1249 : i32 to index
      %swap3A_1251 = arith.constant 48 : index
      %swap3A_1252 = tpu.vector_load %arg7[%swap3A_1250, %swap3A_1251] {strides = array<i32>} : memref<3x80xi32, #tpu.memory_space<vmem>>, vector<1x16xi32>,
      %swap3A_1253 = vector.shape_cast %swap3A_1252 : vector<1x16xi32> to vector<16xi32>
      %swap3A_1254 = vector.shape_cast %shift_right_logical3A_1248 : vector<16xi32> to vector<1x16xi32>
      tpu.vector_store %arg7[%swap3A_1250, %swap3A_1251], %swap3A_1254 {strides = array<i32>} : memref<3x80xi32, #tpu.memory_space<vmem>>, vector<1x16xi32>,
      %get3A_1255 = arith.index_cast %add3A_1166 : i32 to index
      %get3A_1256 = arith.constant 64 : index
      %get3A_1257 = tpu.vector_load %arg5[%get3A_1255, %get3A_1256] {strides = array<i32>} : memref<125x80xi32, #tpu.memory_space<vmem>>, vector<1x16xi32>,
      %get3A_1258 = vector.shape_cast %get3A_1257 : vector<1x16xi32> to vector<16xi32>
      %and3A_1259 = arith.constant 65535 : i32
      %and3A_1260 = vector.broadcast %and3A_1259 : i32 to vector<16xi32>
      %and3A_1261 = arith.andi %get3A_1258, %and3A_1260 : vector<16xi32>
      %swap3A_1262 = arith.constant 1 : i32
      %swap3A_1263 = arith.index_cast %swap3A_1262 : i32 to index
      %swap3A_1264 = arith.constant 64 : index
      %swap3A_1265 = tpu.vector_load %arg6[%swap3A_1263, %swap3A_1264] {strides = array<i32>} : memref<3x80xi32, #tpu.memory_space<vmem>>, vector<1x16xi32>,
      %swap3A_1266 = vector.shape_cast %swap3A_1265 : vector<1x16xi32> to vector<16xi32>
      %swap3A_1267 = vector.shape_cast %and3A_1261 : vector<16xi32> to vector<1x16xi32>
      tpu.vector_store %arg6[%swap3A_1263, %swap3A_1264], %swap3A_1267 {strides = array<i32>} : memref<3x80xi32, #tpu.memory_space<vmem>>, vector<1x16xi32>,
      %shift_right_logical3A_1268 = arith.constant 16 : i32
      %shift_right_logical3A_1269 = vector.broadcast %shift_right_logical3A_1268 : i32 to vector<16xi32>
      %shift_right_logical3A_1270 = arith.shrui %get3A_1258, %shift_right_logical3A_1269 : vector<16xi32>
      %swap3A_1271 = arith.constant 1 : i32
      %swap3A_1272 = arith.index_cast %swap3A_1271 : i32 to index
      %swap3A_1273 = arith.constant 64 : index
      %swap3A_1274 = tpu.vector_load %arg7[%swap3A_1272, %swap3A_1273] {strides = array<i32>} : memref<3x80xi32, #tpu.memory_space<vmem>>, vector<1x16xi32>,
      %swap3A_1275 = vector.shape_cast %swap3A_1274 : vector<1x16xi32> to vector<16xi32>
      %swap3A_1276 = vector.shape_cast %shift_right_logical3A_1270 : vector<16xi32> to vector<1x16xi32>
      tpu.vector_store %arg7[%swap3A_1272, %swap3A_1273], %swap3A_1276 {strides = array<i32>} : memref<3x80xi32, #tpu.memory_space<vmem>>, vector<1x16xi32>,
      %dma_start3A_1277 = arith.constant 1 : i32
      %dma_start3A_1278 = arith.constant 1 : i32
      %dma_start3A_1279 = arith.constant 1 : i32
      %dma_start3A_1280 = arith.constant 0 : i32
      %dma_start3A_1281 = arith.constant 0 : i32
      %dma_start3A_1282 = tpu.memref_slice %arg8[%dma_start3A_1278, %dma_start3A_1280, %dma_start3A_1281] : memref<3x80x128xf32, #tpu.memory_space<vmem>> -> memref<1x80x128xf32, #tpu.memory_space<vmem>>
      %dma_start3A_1283 = tpu.memref_squeeze %dma_start3A_1282 : memref<1x80x128xf32, #tpu.memory_space<vmem>> -> memref<80x128xf32, #tpu.memory_space<vmem>>
      %dma_start3A_1284 = arith.constant 0 : i32
      %dma_start3A_1285 = tpu.memref_slice %arg6[%dma_start3A_1277, %dma_start3A_1284] : memref<3x80xi32, #tpu.memory_space<vmem>> -> memref<1x80xi32, #tpu.memory_space<vmem>>
      %dma_start3A_1286 = tpu.memref_squeeze %dma_start3A_1285 : memref<1x80xi32, #tpu.memory_space<vmem>> -> memref<80xi32, #tpu.memory_space<vmem>>
      %dma_start3A_1287 = arith.constant 0 : i32
      %dma_start3A_1288 = arith.constant 0 : i32
      %dma_start3A_1289 = tpu.memref_slice %arg2[%dma_start3A_1287, %dma_start3A_1288] : memref<10000x128xf32, #tpu.memory_space<hbm>> -> memref<10000x128xf32, #tpu.memory_space<hbm>>
      %dma_start3A_1290 = tpu.memref_slice %arg10[%dma_start3A_1279] : memref<3x!tpu.dma_semaphore, #tpu.memory_space<semaphore_mem>> -> memref<1x!tpu.dma_semaphore, #tpu.memory_space<semaphore_mem>>
      %dma_start3A_1291 = tpu.memref_squeeze %dma_start3A_1290 : memref<1x!tpu.dma_semaphore, #tpu.memory_space<semaphore_mem>> -> memref<!tpu.dma_semaphore, #tpu.memory_space<semaphore_mem>>
      tpu.enqueue_indirect_dma source(%dma_start3A_1289 : memref<10000x128xf32, #tpu.memory_space<hbm>>) target(%dma_start3A_1283 : memref<80x128xf32, #tpu.memory_space<vmem>>) offsets(%dma_start3A_1286 : memref<80xi32, #tpu.memory_space<vmem>>) semaphore(%dma_start3A_1291 : memref<!tpu.dma_semaphore, #tpu.memory_space<semaphore_mem>>)
      %add3A_1292 = arith.constant 2 : i32
      %add3A_1293 = arith.addi %add3A_945, %add3A_1292 : i32
      %dma_wait3A_1294 = arith.constant 0 : i32
      %dma_wait3A_1295 = arith.constant 0 : i32
      %dma_wait3A_1296 = arith.constant 0 : i32
      %dma_wait3A_1297 = arith.constant 0 : i32
      %dma_wait3A_1298 = arith.constant 0 : i32
      %dma_wait3A_1299 = tpu.memref_slice %arg8[%dma_wait3A_1295, %dma_wait3A_1297, %dma_wait3A_1298] : memref<3x80x128xf32, #tpu.memory_space<vmem>> -> memref<1x80x128xf32, #tpu.memory_space<vmem>>
      %dma_wait3A_1300 = tpu.memref_squeeze %dma_wait3A_1299 : memref<1x80x128xf32, #tpu.memory_space<vmem>> -> memref<80x128xf32, #tpu.memory_space<vmem>>
      %dma_wait3A_1301 = arith.constant 0 : i32
      %dma_wait3A_1302 = tpu.memref_slice %arg6[%dma_wait3A_1294, %dma_wait3A_1301] : memref<3x80xi32, #tpu.memory_space<vmem>> -> memref<1x80xi32, #tpu.memory_space<vmem>>
      %dma_wait3A_1303 = tpu.memref_squeeze %dma_wait3A_1302 : memref<1x80xi32, #tpu.memory_space<vmem>> -> memref<80xi32, #tpu.memory_space<vmem>>
      %dma_wait3A_1304 = arith.constant 0 : i32
      %dma_wait3A_1305 = arith.constant 0 : i32
      %dma_wait3A_1306 = tpu.memref_slice %arg2[%dma_wait3A_1304, %dma_wait3A_1305] : memref<10000x128xf32, #tpu.memory_space<hbm>> -> memref<10000x128xf32, #tpu.memory_space<hbm>>
      %dma_wait3A_1307 = tpu.memref_slice %arg10[%dma_wait3A_1296] : memref<3x!tpu.dma_semaphore, #tpu.memory_space<semaphore_mem>> -> memref<1x!tpu.dma_semaphore, #tpu.memory_space<semaphore_mem>>
      %dma_wait3A_1308 = tpu.memref_squeeze %dma_wait3A_1307 : memref<1x!tpu.dma_semaphore, #tpu.memory_space<semaphore_mem>> -> memref<!tpu.dma_semaphore, #tpu.memory_space<semaphore_mem>>
      tpu.wait_indirect_dma semaphore(%dma_wait3A_1308 : memref<!tpu.dma_semaphore, #tpu.memory_space<semaphore_mem>>) src(%dma_wait3A_1306 : memref<10000x128xf32, #tpu.memory_space<hbm>>) dst(%dma_wait3A_1300 : memref<80x128xf32, #tpu.memory_space<vmem>>)
      %dma_wait3A_1309 = arith.constant 2 : i32
      %dma_wait3A_1310 = arith.constant 2 : i32
      %dma_wait3A_1311 = arith.constant 2 : i32
      %dma_wait3A_1312 = arith.constant 0 : i32
      %dma_wait3A_1313 = arith.constant 0 : i32
      %dma_wait3A_1314 = tpu.memref_slice %arg8[%dma_wait3A_1309, %dma_wait3A_1312, %dma_wait3A_1313] : memref<3x80x128xf32, #tpu.memory_space<vmem>> -> memref<1x80x128xf32, #tpu.memory_space<vmem>>
      %dma_wait3A_1315 = tpu.memref_squeeze %dma_wait3A_1314 : memref<1x80x128xf32, #tpu.memory_space<vmem>> -> memref<80x128xf32, #tpu.memory_space<vmem>>
      %dma_wait3A_1316 = arith.constant 0 : i32
      %dma_wait3A_1317 = tpu.memref_slice %arg7[%dma_wait3A_1310, %dma_wait3A_1316] : memref<3x80xi32, #tpu.memory_space<vmem>> -> memref<1x80xi32, #tpu.memory_space<vmem>>
      %dma_wait3A_1318 = tpu.memref_squeeze %dma_wait3A_1317 : memref<1x80xi32, #tpu.memory_space<vmem>> -> memref<80xi32, #tpu.memory_space<vmem>>
      %dma_wait3A_1319 = arith.constant 0 : i32
      %dma_wait3A_1320 = arith.constant 0 : i32
      %dma_wait3A_1321 = tpu.memref_slice %arg9[%dma_wait3A_1319, %dma_wait3A_1320] : memref<10240x128xf32, #tpu.memory_space<vmem_shared>> -> memref<10240x128xf32, #tpu.memory_space<vmem_shared>>
      %dma_wait3A_1322 = tpu.memref_slice %arg11[%dma_wait3A_1311] : memref<3x!tpu.dma_semaphore, #tpu.memory_space<semaphore_mem>> -> memref<1x!tpu.dma_semaphore, #tpu.memory_space<semaphore_mem>>
      %dma_wait3A_1323 = tpu.memref_squeeze %dma_wait3A_1322 : memref<1x!tpu.dma_semaphore, #tpu.memory_space<semaphore_mem>> -> memref<!tpu.dma_semaphore, #tpu.memory_space<semaphore_mem>>
      tpu.wait_indirect_dma semaphore(%dma_wait3A_1323 : memref<!tpu.dma_semaphore, #tpu.memory_space<semaphore_mem>>) src(%dma_wait3A_1315 : memref<80x128xf32, #tpu.memory_space<vmem>>) dst(%dma_wait3A_1321 : memref<10240x128xf32, #tpu.memory_space<vmem_shared>>)
      %dma_start3A_1324 = arith.constant 0 : i32
      %dma_start3A_1325 = arith.constant 0 : i32
      %dma_start3A_1326 = arith.constant 0 : i32
      %dma_start3A_1327 = arith.constant 0 : i32
      %dma_start3A_1328 = arith.constant 0 : i32
      %dma_start3A_1329 = tpu.memref_slice %arg8[%dma_start3A_1324, %dma_start3A_1327, %dma_start3A_1328] : memref<3x80x128xf32, #tpu.memory_space<vmem>> -> memref<1x80x128xf32, #tpu.memory_space<vmem>>
      %dma_start3A_1330 = tpu.memref_squeeze %dma_start3A_1329 : memref<1x80x128xf32, #tpu.memory_space<vmem>> -> memref<80x128xf32, #tpu.memory_space<vmem>>
      %dma_start3A_1331 = arith.constant 0 : i32
      %dma_start3A_1332 = tpu.memref_slice %arg7[%dma_start3A_1325, %dma_start3A_1331] : memref<3x80xi32, #tpu.memory_space<vmem>> -> memref<1x80xi32, #tpu.memory_space<vmem>>
      %dma_start3A_1333 = tpu.memref_squeeze %dma_start3A_1332 : memref<1x80xi32, #tpu.memory_space<vmem>> -> memref<80xi32, #tpu.memory_space<vmem>>
      %dma_start3A_1334 = arith.constant 0 : i32
      %dma_start3A_1335 = arith.constant 0 : i32
      %dma_start3A_1336 = tpu.memref_slice %arg9[%dma_start3A_1334, %dma_start3A_1335] : memref<10240x128xf32, #tpu.memory_space<vmem_shared>> -> memref<10240x128xf32, #tpu.memory_space<vmem_shared>>
      %dma_start3A_1337 = tpu.memref_slice %arg11[%dma_start3A_1326] : memref<3x!tpu.dma_semaphore, #tpu.memory_space<semaphore_mem>> -> memref<1x!tpu.dma_semaphore, #tpu.memory_space<semaphore_mem>>
      %dma_start3A_1338 = tpu.memref_squeeze %dma_start3A_1337 : memref<1x!tpu.dma_semaphore, #tpu.memory_space<semaphore_mem>> -> memref<!tpu.dma_semaphore, #tpu.memory_space<semaphore_mem>>
      tpu.enqueue_indirect_dma source(%dma_start3A_1330 : memref<80x128xf32, #tpu.memory_space<vmem>>) target(%dma_start3A_1336 : memref<10240x128xf32, #tpu.memory_space<vmem_shared>>) offsets(%dma_start3A_1333 : memref<80xi32, #tpu.memory_space<vmem>>) semaphore(%dma_start3A_1338 : memref<!tpu.dma_semaphore, #tpu.memory_space<semaphore_mem>>) {add = true}
      %add3A_1339 = arith.constant 2 : i32
      %add3A_1340 = arith.addi %add3A_1293, %add3A_1339 : i32
      %get3A_1341 = arith.index_cast %add3A_1340 : i32 to index
      %get3A_1342 = arith.constant 0 : index
      %get3A_1343 = tpu.vector_load %arg5[%get3A_1341, %get3A_1342] {strides = array<i32>} : memref<125x80xi32, #tpu.memory_space<vmem>>, vector<1x16xi32>,
      %get3A_1344 = vector.shape_cast %get3A_1343 : vector<1x16xi32> to vector<16xi32>
      %and3A_1345 = arith.constant 65535 : i32
      %and3A_1346 = vector.broadcast %and3A_1345 : i32 to vector<16xi32>
      %and3A_1347 = arith.andi %get3A_1344, %and3A_1346 : vector<16xi32>
      %swap3A_1348 = arith.constant 2 : i32
      %swap3A_1349 = arith.index_cast %swap3A_1348 : i32 to index
      %swap3A_1350 = arith.constant 0 : index
      %swap3A_1351 = tpu.vector_load %arg6[%swap3A_1349, %swap3A_1350] {strides = array<i32>} : memref<3x80xi32, #tpu.memory_space<vmem>>, vector<1x16xi32>,
      %swap3A_1352 = vector.shape_cast %swap3A_1351 : vector<1x16xi32> to vector<16xi32>
      %swap3A_1353 = vector.shape_cast %and3A_1347 : vector<16xi32> to vector<1x16xi32>
      tpu.vector_store %arg6[%swap3A_1349, %swap3A_1350], %swap3A_1353 {strides = array<i32>} : memref<3x80xi32, #tpu.memory_space<vmem>>, vector<1x16xi32>,
      %shift_right_logical3A_1354 = arith.constant 16 : i32
      %shift_right_logical3A_1355 = vector.broadcast %shift_right_logical3A_1354 : i32 to vector<16xi32>
      %shift_right_logical3A_1356 = arith.shrui %get3A_1344, %shift_right_logical3A_1355 : vector<16xi32>
      %swap3A_1357 = arith.constant 2 : i32
      %swap3A_1358 = arith.index_cast %swap3A_1357 : i32 to index
      %swap3A_1359 = arith.constant 0 : index
      %swap3A_1360 = tpu.vector_load %arg7[%swap3A_1358, %swap3A_1359] {strides = array<i32>} : memref<3x80xi32, #tpu.memory_space<vmem>>, vector<1x16xi32>,
      %swap3A_1361 = vector.shape_cast %swap3A_1360 : vector<1x16xi32> to vector<16xi32>
      %swap3A_1362 = vector.shape_cast %shift_right_logical3A_1356 : vector<16xi32> to vector<1x16xi32>
      tpu.vector_store %arg7[%swap3A_1358, %swap3A_1359], %swap3A_1362 {strides = array<i32>} : memref<3x80xi32, #tpu.memory_space<vmem>>, vector<1x16xi32>,
      %get3A_1363 = arith.index_cast %add3A_1340 : i32 to index
      %get3A_1364 = arith.constant 16 : index
      %get3A_1365 = tpu.vector_load %arg5[%get3A_1363, %get3A_1364] {strides = array<i32>} : memref<125x80xi32, #tpu.memory_space<vmem>>, vector<1x16xi32>,
      %get3A_1366 = vector.shape_cast %get3A_1365 : vector<1x16xi32> to vector<16xi32>
      %and3A_1367 = arith.constant 65535 : i32
      %and3A_1368 = vector.broadcast %and3A_1367 : i32 to vector<16xi32>
      %and3A_1369 = arith.andi %get3A_1366, %and3A_1368 : vector<16xi32>
      %swap3A_1370 = arith.constant 2 : i32
      %swap3A_1371 = arith.index_cast %swap3A_1370 : i32 to index
      %swap3A_1372 = arith.constant 16 : index
      %swap3A_1373 = tpu.vector_load %arg6[%swap3A_1371, %swap3A_1372] {strides = array<i32>} : memref<3x80xi32, #tpu.memory_space<vmem>>, vector<1x16xi32>,
      %swap3A_1374 = vector.shape_cast %swap3A_1373 : vector<1x16xi32> to vector<16xi32>
      %swap3A_1375 = vector.shape_cast %and3A_1369 : vector<16xi32> to vector<1x16xi32>
      tpu.vector_store %arg6[%swap3A_1371, %swap3A_1372], %swap3A_1375 {strides = array<i32>} : memref<3x80xi32, #tpu.memory_space<vmem>>, vector<1x16xi32>,
      %shift_right_logical3A_1376 = arith.constant 16 : i32
      %shift_right_logical3A_1377 = vector.broadcast %shift_right_logical3A_1376 : i32 to vector<16xi32>
      %shift_right_logical3A_1378 = arith.shrui %get3A_1366, %shift_right_logical3A_1377 : vector<16xi32>
      %swap3A_1379 = arith.constant 2 : i32
      %swap3A_1380 = arith.index_cast %swap3A_1379 : i32 to index
      %swap3A_1381 = arith.constant 16 : index
      %swap3A_1382 = tpu.vector_load %arg7[%swap3A_1380, %swap3A_1381] {strides = array<i32>} : memref<3x80xi32, #tpu.memory_space<vmem>>, vector<1x16xi32>,
      %swap3A_1383 = vector.shape_cast %swap3A_1382 : vector<1x16xi32> to vector<16xi32>
      %swap3A_1384 = vector.shape_cast %shift_right_logical3A_1378 : vector<16xi32> to vector<1x16xi32>
      tpu.vector_store %arg7[%swap3A_1380, %swap3A_1381], %swap3A_1384 {strides = array<i32>} : memref<3x80xi32, #tpu.memory_space<vmem>>, vector<1x16xi32>,
      %get3A_1385 = arith.index_cast %add3A_1340 : i32 to index
      %get3A_1386 = arith.constant 32 : index
      %get3A_1387 = tpu.vector_load %arg5[%get3A_1385, %get3A_1386] {strides = array<i32>} : memref<125x80xi32, #tpu.memory_space<vmem>>, vector<1x16xi32>,
      %get3A_1388 = vector.shape_cast %get3A_1387 : vector<1x16xi32> to vector<16xi32>
      %and3A_1389 = arith.constant 65535 : i32
      %and3A_1390 = vector.broadcast %and3A_1389 : i32 to vector<16xi32>
      %and3A_1391 = arith.andi %get3A_1388, %and3A_1390 : vector<16xi32>
      %swap3A_1392 = arith.constant 2 : i32
      %swap3A_1393 = arith.index_cast %swap3A_1392 : i32 to index
      %swap3A_1394 = arith.constant 32 : index
      %swap3A_1395 = tpu.vector_load %arg6[%swap3A_1393, %swap3A_1394] {strides = array<i32>} : memref<3x80xi32, #tpu.memory_space<vmem>>, vector<1x16xi32>,
      %swap3A_1396 = vector.shape_cast %swap3A_1395 : vector<1x16xi32> to vector<16xi32>
      %swap3A_1397 = vector.shape_cast %and3A_1391 : vector<16xi32> to vector<1x16xi32>
      tpu.vector_store %arg6[%swap3A_1393, %swap3A_1394], %swap3A_1397 {strides = array<i32>} : memref<3x80xi32, #tpu.memory_space<vmem>>, vector<1x16xi32>,
      %shift_right_logical3A_1398 = arith.constant 16 : i32
      %shift_right_logical3A_1399 = vector.broadcast %shift_right_logical3A_1398 : i32 to vector<16xi32>
      %shift_right_logical3A_1400 = arith.shrui %get3A_1388, %shift_right_logical3A_1399 : vector<16xi32>
      %swap3A_1401 = arith.constant 2 : i32
      %swap3A_1402 = arith.index_cast %swap3A_1401 : i32 to index
      %swap3A_1403 = arith.constant 32 : index
      %swap3A_1404 = tpu.vector_load %arg7[%swap3A_1402, %swap3A_1403] {strides = array<i32>} : memref<3x80xi32, #tpu.memory_space<vmem>>, vector<1x16xi32>,
      %swap3A_1405 = vector.shape_cast %swap3A_1404 : vector<1x16xi32> to vector<16xi32>
      %swap3A_1406 = vector.shape_cast %shift_right_logical3A_1400 : vector<16xi32> to vector<1x16xi32>
      tpu.vector_store %arg7[%swap3A_1402, %swap3A_1403], %swap3A_1406 {strides = array<i32>} : memref<3x80xi32, #tpu.memory_space<vmem>>, vector<1x16xi32>,
      %get3A_1407 = arith.index_cast %add3A_1340 : i32 to index
      %get3A_1408 = arith.constant 48 : index
      %get3A_1409 = tpu.vector_load %arg5[%get3A_1407, %get3A_1408] {strides = array<i32>} : memref<125x80xi32, #tpu.memory_space<vmem>>, vector<1x16xi32>,
      %get3A_1410 = vector.shape_cast %get3A_1409 : vector<1x16xi32> to vector<16xi32>
      %and3A_1411 = arith.constant 65535 : i32
      %and3A_1412 = vector.broadcast %and3A_1411 : i32 to vector<16xi32>
      %and3A_1413 = arith.andi %get3A_1410, %and3A_1412 : vector<16xi32>
      %swap3A_1414 = arith.constant 2 : i32
      %swap3A_1415 = arith.index_cast %swap3A_1414 : i32 to index
      %swap3A_1416 = arith.constant 48 : index
      %swap3A_1417 = tpu.vector_load %arg6[%swap3A_1415, %swap3A_1416] {strides = array<i32>} : memref<3x80xi32, #tpu.memory_space<vmem>>, vector<1x16xi32>,
      %swap3A_1418 = vector.shape_cast %swap3A_1417 : vector<1x16xi32> to vector<16xi32>
      %swap3A_1419 = vector.shape_cast %and3A_1413 : vector<16xi32> to vector<1x16xi32>
      tpu.vector_store %arg6[%swap3A_1415, %swap3A_1416], %swap3A_1419 {strides = array<i32>} : memref<3x80xi32, #tpu.memory_space<vmem>>, vector<1x16xi32>,
      %shift_right_logical3A_1420 = arith.constant 16 : i32
      %shift_right_logical3A_1421 = vector.broadcast %shift_right_logical3A_1420 : i32 to vector<16xi32>
      %shift_right_logical3A_1422 = arith.shrui %get3A_1410, %shift_right_logical3A_1421 : vector<16xi32>
      %swap3A_1423 = arith.constant 2 : i32
      %swap3A_1424 = arith.index_cast %swap3A_1423 : i32 to index
      %swap3A_1425 = arith.constant 48 : index
      %swap3A_1426 = tpu.vector_load %arg7[%swap3A_1424, %swap3A_1425] {strides = array<i32>} : memref<3x80xi32, #tpu.memory_space<vmem>>, vector<1x16xi32>,
      %swap3A_1427 = vector.shape_cast %swap3A_1426 : vector<1x16xi32> to vector<16xi32>
      %swap3A_1428 = vector.shape_cast %shift_right_logical3A_1422 : vector<16xi32> to vector<1x16xi32>
      tpu.vector_store %arg7[%swap3A_1424, %swap3A_1425], %swap3A_1428 {strides = array<i32>} : memref<3x80xi32, #tpu.memory_space<vmem>>, vector<1x16xi32>,
      %get3A_1429 = arith.index_cast %add3A_1340 : i32 to index
      %get3A_1430 = arith.constant 64 : index
      %get3A_1431 = tpu.vector_load %arg5[%get3A_1429, %get3A_1430] {strides = array<i32>} : memref<125x80xi32, #tpu.memory_space<vmem>>, vector<1x16xi32>,
      %get3A_1432 = vector.shape_cast %get3A_1431 : vector<1x16xi32> to vector<16xi32>
      %and3A_1433 = arith.constant 65535 : i32
      %and3A_1434 = vector.broadcast %and3A_1433 : i32 to vector<16xi32>
      %and3A_1435 = arith.andi %get3A_1432, %and3A_1434 : vector<16xi32>
      %swap3A_1436 = arith.constant 2 : i32
      %swap3A_1437 = arith.index_cast %swap3A_1436 : i32 to index
      %swap3A_1438 = arith.constant 64 : index
      %swap3A_1439 = tpu.vector_load %arg6[%swap3A_1437, %swap3A_1438] {strides = array<i32>} : memref<3x80xi32, #tpu.memory_space<vmem>>, vector<1x16xi32>,
      %swap3A_1440 = vector.shape_cast %swap3A_1439 : vector<1x16xi32> to vector<16xi32>
      %swap3A_1441 = vector.shape_cast %and3A_1435 : vector<16xi32> to vector<1x16xi32>
      tpu.vector_store %arg6[%swap3A_1437, %swap3A_1438], %swap3A_1441 {strides = array<i32>} : memref<3x80xi32, #tpu.memory_space<vmem>>, vector<1x16xi32>,
      %shift_right_logical3A_1442 = arith.constant 16 : i32
      %shift_right_logical3A_1443 = vector.broadcast %shift_right_logical3A_1442 : i32 to vector<16xi32>
      %shift_right_logical3A_1444 = arith.shrui %get3A_1432, %shift_right_logical3A_1443 : vector<16xi32>
      %swap3A_1445 = arith.constant 2 : i32
      %swap3A_1446 = arith.index_cast %swap3A_1445 : i32 to index
      %swap3A_1447 = arith.constant 64 : index
      %swap3A_1448 = tpu.vector_load %arg7[%swap3A_1446, %swap3A_1447] {strides = array<i32>} : memref<3x80xi32, #tpu.memory_space<vmem>>, vector<1x16xi32>,
      %swap3A_1449 = vector.shape_cast %swap3A_1448 : vector<1x16xi32> to vector<16xi32>
      %swap3A_1450 = vector.shape_cast %shift_right_logical3A_1444 : vector<16xi32> to vector<1x16xi32>
      tpu.vector_store %arg7[%swap3A_1446, %swap3A_1447], %swap3A_1450 {strides = array<i32>} : memref<3x80xi32, #tpu.memory_space<vmem>>, vector<1x16xi32>,
      %dma_start3A_1451 = arith.constant 2 : i32
      %dma_start3A_1452 = arith.constant 2 : i32
      %dma_start3A_1453 = arith.constant 2 : i32
      %dma_start3A_1454 = arith.constant 0 : i32
      %dma_start3A_1455 = arith.constant 0 : i32
      %dma_start3A_1456 = tpu.memref_slice %arg8[%dma_start3A_1452, %dma_start3A_1454, %dma_start3A_1455] : memref<3x80x128xf32, #tpu.memory_space<vmem>> -> memref<1x80x128xf32, #tpu.memory_space<vmem>>
      %dma_start3A_1457 = tpu.memref_squeeze %dma_start3A_1456 : memref<1x80x128xf32, #tpu.memory_space<vmem>> -> memref<80x128xf32, #tpu.memory_space<vmem>>
      %dma_start3A_1458 = arith.constant 0 : i32
      %dma_start3A_1459 = tpu.memref_slice %arg6[%dma_start3A_1451, %dma_start3A_1458] : memref<3x80xi32, #tpu.memory_space<vmem>> -> memref<1x80xi32, #tpu.memory_space<vmem>>
      %dma_start3A_1460 = tpu.memref_squeeze %dma_start3A_1459 : memref<1x80xi32, #tpu.memory_space<vmem>> -> memref<80xi32, #tpu.memory_space<vmem>>
      %dma_start3A_1461 = arith.constant 0 : i32
      %dma_start3A_1462 = arith.constant 0 : i32
      %dma_start3A_1463 = tpu.memref_slice %arg2[%dma_start3A_1461, %dma_start3A_1462] : memref<10000x128xf32, #tpu.memory_space<hbm>> -> memref<10000x128xf32, #tpu.memory_space<hbm>>
      %dma_start3A_1464 = tpu.memref_slice %arg10[%dma_start3A_1453] : memref<3x!tpu.dma_semaphore, #tpu.memory_space<semaphore_mem>> -> memref<1x!tpu.dma_semaphore, #tpu.memory_space<semaphore_mem>>
      %dma_start3A_1465 = tpu.memref_squeeze %dma_start3A_1464 : memref<1x!tpu.dma_semaphore, #tpu.memory_space<semaphore_mem>> -> memref<!tpu.dma_semaphore, #tpu.memory_space<semaphore_mem>>
      tpu.enqueue_indirect_dma source(%dma_start3A_1463 : memref<10000x128xf32, #tpu.memory_space<hbm>>) target(%dma_start3A_1457 : memref<80x128xf32, #tpu.memory_space<vmem>>) offsets(%dma_start3A_1460 : memref<80xi32, #tpu.memory_space<vmem>>) semaphore(%dma_start3A_1465 : memref<!tpu.dma_semaphore, #tpu.memory_space<semaphore_mem>>)
    }
    %scan3A_464 = arith.constant 40 : i32
    %dma_wait3A_465 = arith.constant 1 : i32
    %dma_wait3A_466 = arith.constant 1 : i32
    %dma_wait3A_467 = arith.constant 1 : i32
    %dma_wait3A_468 = arith.constant 0 : i32
    %dma_wait3A_469 = arith.constant 0 : i32
    %dma_wait3A_470 = tpu.memref_slice %arg8[%dma_wait3A_466, %dma_wait3A_468, %dma_wait3A_469] : memref<3x80x128xf32, #tpu.memory_space<vmem>> -> memref<1x80x128xf32, #tpu.memory_space<vmem>>
    %dma_wait3A_471 = tpu.memref_squeeze %dma_wait3A_470 : memref<1x80x128xf32, #tpu.memory_space<vmem>> -> memref<80x128xf32, #tpu.memory_space<vmem>>
    %dma_wait3A_472 = arith.constant 0 : i32
    %dma_wait3A_473 = tpu.memref_slice %arg6[%dma_wait3A_465, %dma_wait3A_472] : memref<3x80xi32, #tpu.memory_space<vmem>> -> memref<1x80xi32, #tpu.memory_space<vmem>>
    %dma_wait3A_474 = tpu.memref_squeeze %dma_wait3A_473 : memref<1x80xi32, #tpu.memory_space<vmem>> -> memref<80xi32, #tpu.memory_space<vmem>>
    %dma_wait3A_475 = arith.constant 0 : i32
    %dma_wait3A_476 = arith.constant 0 : i32
    %dma_wait3A_477 = tpu.memref_slice %arg2[%dma_wait3A_475, %dma_wait3A_476] : memref<10000x128xf32, #tpu.memory_space<hbm>> -> memref<10000x128xf32, #tpu.memory_space<hbm>>
    %dma_wait3A_478 = tpu.memref_slice %arg10[%dma_wait3A_467] : memref<3x!tpu.dma_semaphore, #tpu.memory_space<semaphore_mem>> -> memref<1x!tpu.dma_semaphore, #tpu.memory_space<semaphore_mem>>
    %dma_wait3A_479 = tpu.memref_squeeze %dma_wait3A_478 : memref<1x!tpu.dma_semaphore, #tpu.memory_space<semaphore_mem>> -> memref<!tpu.dma_semaphore, #tpu.memory_space<semaphore_mem>>
    tpu.wait_indirect_dma semaphore(%dma_wait3A_479 : memref<!tpu.dma_semaphore, #tpu.memory_space<semaphore_mem>>) src(%dma_wait3A_477 : memref<10000x128xf32, #tpu.memory_space<hbm>>) dst(%dma_wait3A_471 : memref<80x128xf32, #tpu.memory_space<vmem>>)
    %dma_wait3A_480 = arith.constant 0 : i32
    %dma_wait3A_481 = arith.constant 0 : i32
    %dma_wait3A_482 = arith.constant 0 : i32
    %dma_wait3A_483 = arith.constant 0 : i32
    %dma_wait3A_484 = arith.constant 0 : i32
    %dma_wait3A_485 = tpu.memref_slice %arg8[%dma_wait3A_480, %dma_wait3A_483, %dma_wait3A_484] : memref<3x80x128xf32, #tpu.memory_space<vmem>> -> memref<1x80x128xf32, #tpu.memory_space<vmem>>
    %dma_wait3A_486 = tpu.memref_squeeze %dma_wait3A_485 : memref<1x80x128xf32, #tpu.memory_space<vmem>> -> memref<80x128xf32, #tpu.memory_space<vmem>>
    %dma_wait3A_487 = arith.constant 0 : i32
    %dma_wait3A_488 = tpu.memref_slice %arg7[%dma_wait3A_481, %dma_wait3A_487] : memref<3x80xi32, #tpu.memory_space<vmem>> -> memref<1x80xi32, #tpu.memory_space<vmem>>
    %dma_wait3A_489 = tpu.memref_squeeze %dma_wait3A_488 : memref<1x80xi32, #tpu.memory_space<vmem>> -> memref<80xi32, #tpu.memory_space<vmem>>
    %dma_wait3A_490 = arith.constant 0 : i32
    %dma_wait3A_491 = arith.constant 0 : i32
    %dma_wait3A_492 = tpu.memref_slice %arg9[%dma_wait3A_490, %dma_wait3A_491] : memref<10240x128xf32, #tpu.memory_space<vmem_shared>> -> memref<10240x128xf32, #tpu.memory_space<vmem_shared>>
    %dma_wait3A_493 = tpu.memref_slice %arg11[%dma_wait3A_482] : memref<3x!tpu.dma_semaphore, #tpu.memory_space<semaphore_mem>> -> memref<1x!tpu.dma_semaphore, #tpu.memory_space<semaphore_mem>>
    %dma_wait3A_494 = tpu.memref_squeeze %dma_wait3A_493 : memref<1x!tpu.dma_semaphore, #tpu.memory_space<semaphore_mem>> -> memref<!tpu.dma_semaphore, #tpu.memory_space<semaphore_mem>>
    tpu.wait_indirect_dma semaphore(%dma_wait3A_494 : memref<!tpu.dma_semaphore, #tpu.memory_space<semaphore_mem>>) src(%dma_wait3A_486 : memref<80x128xf32, #tpu.memory_space<vmem>>) dst(%dma_wait3A_492 : memref<10240x128xf32, #tpu.memory_space<vmem_shared>>)
    %dma_start3A_495 = arith.constant 1 : i32
    %dma_start3A_496 = arith.constant 1 : i32
    %dma_start3A_497 = arith.constant 1 : i32
    %dma_start3A_498 = arith.constant 0 : i32
    %dma_start3A_499 = arith.constant 0 : i32
    %dma_start3A_500 = tpu.memref_slice %arg8[%dma_start3A_495, %dma_start3A_498, %dma_start3A_499] : memref<3x80x128xf32, #tpu.memory_space<vmem>> -> memref<1x80x128xf32, #tpu.memory_space<vmem>>
    %dma_start3A_501 = tpu.memref_squeeze %dma_start3A_500 : memref<1x80x128xf32, #tpu.memory_space<vmem>> -> memref<80x128xf32, #tpu.memory_space<vmem>>
    %dma_start3A_502 = arith.constant 0 : i32
    %dma_start3A_503 = tpu.memref_slice %arg7[%dma_start3A_496, %dma_start3A_502] : memref<3x80xi32, #tpu.memory_space<vmem>> -> memref<1x80xi32, #tpu.memory_space<vmem>>
    %dma_start3A_504 = tpu.memref_squeeze %dma_start3A_503 : memref<1x80xi32, #tpu.memory_space<vmem>> -> memref<80xi32, #tpu.memory_space<vmem>>
    %dma_start3A_505 = arith.constant 0 : i32
    %dma_start3A_506 = arith.constant 0 : i32
    %dma_start3A_507 = tpu.memref_slice %arg9[%dma_start3A_505, %dma_start3A_506] : memref<10240x128xf32, #tpu.memory_space<vmem_shared>> -> memref<10240x128xf32, #tpu.memory_space<vmem_shared>>
    %dma_start3A_508 = tpu.memref_slice %arg11[%dma_start3A_497] : memref<3x!tpu.dma_semaphore, #tpu.memory_space<semaphore_mem>> -> memref<1x!tpu.dma_semaphore, #tpu.memory_space<semaphore_mem>>
    %dma_start3A_509 = tpu.memref_squeeze %dma_start3A_508 : memref<1x!tpu.dma_semaphore, #tpu.memory_space<semaphore_mem>> -> memref<!tpu.dma_semaphore, #tpu.memory_space<semaphore_mem>>
    tpu.enqueue_indirect_dma source(%dma_start3A_501 : memref<80x128xf32, #tpu.memory_space<vmem>>) target(%dma_start3A_507 : memref<10240x128xf32, #tpu.memory_space<vmem_shared>>) offsets(%dma_start3A_504 : memref<80xi32, #tpu.memory_space<vmem>>) semaphore(%dma_start3A_509 : memref<!tpu.dma_semaphore, #tpu.memory_space<semaphore_mem>>) {add = true}
    %get3A_510 = arith.constant 123 : i32
    %get3A_511 = arith.index_cast %get3A_510 : i32 to index
    %get3A_512 = arith.constant 0 : index
    %get3A_513 = tpu.vector_load %arg5[%get3A_511, %get3A_512] {strides = array<i32>} : memref<125x80xi32, #tpu.memory_space<vmem>>, vector<1x16xi32>,
    %get3A_514 = vector.shape_cast %get3A_513 : vector<1x16xi32> to vector<16xi32>
    %and3A_515 = arith.constant 65535 : i32
    %and3A_516 = vector.broadcast %and3A_515 : i32 to vector<16xi32>
    %and3A_517 = arith.andi %get3A_514, %and3A_516 : vector<16xi32>
    %swap3A_518 = arith.constant 0 : i32
    %swap3A_519 = arith.index_cast %swap3A_518 : i32 to index
    %swap3A_520 = arith.constant 0 : index
    %swap3A_521 = tpu.vector_load %arg6[%swap3A_519, %swap3A_520] {strides = array<i32>} : memref<3x80xi32, #tpu.memory_space<vmem>>, vector<1x16xi32>,
    %swap3A_522 = vector.shape_cast %swap3A_521 : vector<1x16xi32> to vector<16xi32>
    %swap3A_523 = vector.shape_cast %and3A_517 : vector<16xi32> to vector<1x16xi32>
    tpu.vector_store %arg6[%swap3A_519, %swap3A_520], %swap3A_523 {strides = array<i32>} : memref<3x80xi32, #tpu.memory_space<vmem>>, vector<1x16xi32>,
    %shift_right_logical3A_524 = arith.constant 16 : i32
    %shift_right_logical3A_525 = vector.broadcast %shift_right_logical3A_524 : i32 to vector<16xi32>
    %shift_right_logical3A_526 = arith.shrui %get3A_514, %shift_right_logical3A_525 : vector<16xi32>
    %swap3A_527 = arith.constant 0 : i32
    %swap3A_528 = arith.index_cast %swap3A_527 : i32 to index
    %swap3A_529 = arith.constant 0 : index
    %swap3A_530 = tpu.vector_load %arg7[%swap3A_528, %swap3A_529] {strides = array<i32>} : memref<3x80xi32, #tpu.memory_space<vmem>>, vector<1x16xi32>,
    %swap3A_531 = vector.shape_cast %swap3A_530 : vector<1x16xi32> to vector<16xi32>
    %swap3A_532 = vector.shape_cast %shift_right_logical3A_526 : vector<16xi32> to vector<1x16xi32>
    tpu.vector_store %arg7[%swap3A_528, %swap3A_529], %swap3A_532 {strides = array<i32>} : memref<3x80xi32, #tpu.memory_space<vmem>>, vector<1x16xi32>,
    %get3A_533 = arith.constant 123 : i32
    %get3A_534 = arith.index_cast %get3A_533 : i32 to index
    %get3A_535 = arith.constant 16 : index
    %get3A_536 = tpu.vector_load %arg5[%get3A_534, %get3A_535] {strides = array<i32>} : memref<125x80xi32, #tpu.memory_space<vmem>>, vector<1x16xi32>,
    %get3A_537 = vector.shape_cast %get3A_536 : vector<1x16xi32> to vector<16xi32>
    %and3A_538 = arith.constant 65535 : i32
    %and3A_539 = vector.broadcast %and3A_538 : i32 to vector<16xi32>
    %and3A_540 = arith.andi %get3A_537, %and3A_539 : vector<16xi32>
    %swap3A_541 = arith.constant 0 : i32
    %swap3A_542 = arith.index_cast %swap3A_541 : i32 to index
    %swap3A_543 = arith.constant 16 : index
    %swap3A_544 = tpu.vector_load %arg6[%swap3A_542, %swap3A_543] {strides = array<i32>} : memref<3x80xi32, #tpu.memory_space<vmem>>, vector<1x16xi32>,
    %swap3A_545 = vector.shape_cast %swap3A_544 : vector<1x16xi32> to vector<16xi32>
    %swap3A_546 = vector.shape_cast %and3A_540 : vector<16xi32> to vector<1x16xi32>
    tpu.vector_store %arg6[%swap3A_542, %swap3A_543], %swap3A_546 {strides = array<i32>} : memref<3x80xi32, #tpu.memory_space<vmem>>, vector<1x16xi32>,
    %shift_right_logical3A_547 = arith.constant 16 : i32
    %shift_right_logical3A_548 = vector.broadcast %shift_right_logical3A_547 : i32 to vector<16xi32>
    %shift_right_logical3A_549 = arith.shrui %get3A_537, %shift_right_logical3A_548 : vector<16xi32>
    %swap3A_550 = arith.constant 0 : i32
    %swap3A_551 = arith.index_cast %swap3A_550 : i32 to index
    %swap3A_552 = arith.constant 16 : index
    %swap3A_553 = tpu.vector_load %arg7[%swap3A_551, %swap3A_552] {strides = array<i32>} : memref<3x80xi32, #tpu.memory_space<vmem>>, vector<1x16xi32>,
    %swap3A_554 = vector.shape_cast %swap3A_553 : vector<1x16xi32> to vector<16xi32>
    %swap3A_555 = vector.shape_cast %shift_right_logical3A_549 : vector<16xi32> to vector<1x16xi32>
    tpu.vector_store %arg7[%swap3A_551, %swap3A_552], %swap3A_555 {strides = array<i32>} : memref<3x80xi32, #tpu.memory_space<vmem>>, vector<1x16xi32>,
    %get3A_556 = arith.constant 123 : i32
    %get3A_557 = arith.index_cast %get3A_556 : i32 to index
    %get3A_558 = arith.constant 32 : index
    %get3A_559 = tpu.vector_load %arg5[%get3A_557, %get3A_558] {strides = array<i32>} : memref<125x80xi32, #tpu.memory_space<vmem>>, vector<1x16xi32>,
    %get3A_560 = vector.shape_cast %get3A_559 : vector<1x16xi32> to vector<16xi32>
    %and3A_561 = arith.constant 65535 : i32
    %and3A_562 = vector.broadcast %and3A_561 : i32 to vector<16xi32>
    %and3A_563 = arith.andi %get3A_560, %and3A_562 : vector<16xi32>
    %swap3A_564 = arith.constant 0 : i32
    %swap3A_565 = arith.index_cast %swap3A_564 : i32 to index
    %swap3A_566 = arith.constant 32 : index
    %swap3A_567 = tpu.vector_load %arg6[%swap3A_565, %swap3A_566] {strides = array<i32>} : memref<3x80xi32, #tpu.memory_space<vmem>>, vector<1x16xi32>,
    %swap3A_568 = vector.shape_cast %swap3A_567 : vector<1x16xi32> to vector<16xi32>
    %swap3A_569 = vector.shape_cast %and3A_563 : vector<16xi32> to vector<1x16xi32>
    tpu.vector_store %arg6[%swap3A_565, %swap3A_566], %swap3A_569 {strides = array<i32>} : memref<3x80xi32, #tpu.memory_space<vmem>>, vector<1x16xi32>,
    %shift_right_logical3A_570 = arith.constant 16 : i32
    %shift_right_logical3A_571 = vector.broadcast %shift_right_logical3A_570 : i32 to vector<16xi32>
    %shift_right_logical3A_572 = arith.shrui %get3A_560, %shift_right_logical3A_571 : vector<16xi32>
    %swap3A_573 = arith.constant 0 : i32
    %swap3A_574 = arith.index_cast %swap3A_573 : i32 to index
    %swap3A_575 = arith.constant 32 : index
    %swap3A_576 = tpu.vector_load %arg7[%swap3A_574, %swap3A_575] {strides = array<i32>} : memref<3x80xi32, #tpu.memory_space<vmem>>, vector<1x16xi32>,
    %swap3A_577 = vector.shape_cast %swap3A_576 : vector<1x16xi32> to vector<16xi32>
    %swap3A_578 = vector.shape_cast %shift_right_logical3A_572 : vector<16xi32> to vector<1x16xi32>
    tpu.vector_store %arg7[%swap3A_574, %swap3A_575], %swap3A_578 {strides = array<i32>} : memref<3x80xi32, #tpu.memory_space<vmem>>, vector<1x16xi32>,
    %get3A_579 = arith.constant 123 : i32
    %get3A_580 = arith.index_cast %get3A_579 : i32 to index
    %get3A_581 = arith.constant 48 : index
    %get3A_582 = tpu.vector_load %arg5[%get3A_580, %get3A_581] {strides = array<i32>} : memref<125x80xi32, #tpu.memory_space<vmem>>, vector<1x16xi32>,
    %get3A_583 = vector.shape_cast %get3A_582 : vector<1x16xi32> to vector<16xi32>
    %and3A_584 = arith.constant 65535 : i32
    %and3A_585 = vector.broadcast %and3A_584 : i32 to vector<16xi32>
    %and3A_586 = arith.andi %get3A_583, %and3A_585 : vector<16xi32>
    %swap3A_587 = arith.constant 0 : i32
    %swap3A_588 = arith.index_cast %swap3A_587 : i32 to index
    %swap3A_589 = arith.constant 48 : index
    %swap3A_590 = tpu.vector_load %arg6[%swap3A_588, %swap3A_589] {strides = array<i32>} : memref<3x80xi32, #tpu.memory_space<vmem>>, vector<1x16xi32>,
    %swap3A_591 = vector.shape_cast %swap3A_590 : vector<1x16xi32> to vector<16xi32>
    %swap3A_592 = vector.shape_cast %and3A_586 : vector<16xi32> to vector<1x16xi32>
    tpu.vector_store %arg6[%swap3A_588, %swap3A_589], %swap3A_592 {strides = array<i32>} : memref<3x80xi32, #tpu.memory_space<vmem>>, vector<1x16xi32>,
    %shift_right_logical3A_593 = arith.constant 16 : i32
    %shift_right_logical3A_594 = vector.broadcast %shift_right_logical3A_593 : i32 to vector<16xi32>
    %shift_right_logical3A_595 = arith.shrui %get3A_583, %shift_right_logical3A_594 : vector<16xi32>
    %swap3A_596 = arith.constant 0 : i32
    %swap3A_597 = arith.index_cast %swap3A_596 : i32 to index
    %swap3A_598 = arith.constant 48 : index
    %swap3A_599 = tpu.vector_load %arg7[%swap3A_597, %swap3A_598] {strides = array<i32>} : memref<3x80xi32, #tpu.memory_space<vmem>>, vector<1x16xi32>,
    %swap3A_600 = vector.shape_cast %swap3A_599 : vector<1x16xi32> to vector<16xi32>
    %swap3A_601 = vector.shape_cast %shift_right_logical3A_595 : vector<16xi32> to vector<1x16xi32>
    tpu.vector_store %arg7[%swap3A_597, %swap3A_598], %swap3A_601 {strides = array<i32>} : memref<3x80xi32, #tpu.memory_space<vmem>>, vector<1x16xi32>,
    %get3A_602 = arith.constant 123 : i32
    %get3A_603 = arith.index_cast %get3A_602 : i32 to index
    %get3A_604 = arith.constant 64 : index
    %get3A_605 = tpu.vector_load %arg5[%get3A_603, %get3A_604] {strides = array<i32>} : memref<125x80xi32, #tpu.memory_space<vmem>>, vector<1x16xi32>,
    %get3A_606 = vector.shape_cast %get3A_605 : vector<1x16xi32> to vector<16xi32>
    %and3A_607 = arith.constant 65535 : i32
    %and3A_608 = vector.broadcast %and3A_607 : i32 to vector<16xi32>
    %and3A_609 = arith.andi %get3A_606, %and3A_608 : vector<16xi32>
    %swap3A_610 = arith.constant 0 : i32
    %swap3A_611 = arith.index_cast %swap3A_610 : i32 to index
    %swap3A_612 = arith.constant 64 : index
    %swap3A_613 = tpu.vector_load %arg6[%swap3A_611, %swap3A_612] {strides = array<i32>} : memref<3x80xi32, #tpu.memory_space<vmem>>, vector<1x16xi32>,
    %swap3A_614 = vector.shape_cast %swap3A_613 : vector<1x16xi32> to vector<16xi32>
    %swap3A_615 = vector.shape_cast %and3A_609 : vector<16xi32> to vector<1x16xi32>
    tpu.vector_store %arg6[%swap3A_611, %swap3A_612], %swap3A_615 {strides = array<i32>} : memref<3x80xi32, #tpu.memory_space<vmem>>, vector<1x16xi32>,
    %shift_right_logical3A_616 = arith.constant 16 : i32
    %shift_right_logical3A_617 = vector.broadcast %shift_right_logical3A_616 : i32 to vector<16xi32>
    %shift_right_logical3A_618 = arith.shrui %get3A_606, %shift_right_logical3A_617 : vector<16xi32>
    %swap3A_619 = arith.constant 0 : i32
    %swap3A_620 = arith.index_cast %swap3A_619 : i32 to index
    %swap3A_621 = arith.constant 64 : index
    %swap3A_622 = tpu.vector_load %arg7[%swap3A_620, %swap3A_621] {strides = array<i32>} : memref<3x80xi32, #tpu.memory_space<vmem>>, vector<1x16xi32>,
    %swap3A_623 = vector.shape_cast %swap3A_622 : vector<1x16xi32> to vector<16xi32>
    %swap3A_624 = vector.shape_cast %shift_right_logical3A_618 : vector<16xi32> to vector<1x16xi32>
    tpu.vector_store %arg7[%swap3A_620, %swap3A_621], %swap3A_624 {strides = array<i32>} : memref<3x80xi32, #tpu.memory_space<vmem>>, vector<1x16xi32>,
    %dma_start3A_625 = arith.constant 0 : i32
    %dma_start3A_626 = arith.constant 0 : i32
    %dma_start3A_627 = arith.constant 0 : i32
    %dma_start3A_628 = arith.constant 0 : i32
    %dma_start3A_629 = arith.constant 0 : i32
    %dma_start3A_630 = tpu.memref_slice %arg8[%dma_start3A_626, %dma_start3A_628, %dma_start3A_629] : memref<3x80x128xf32, #tpu.memory_space<vmem>> -> memref<1x80x128xf32, #tpu.memory_space<vmem>>
    %dma_start3A_631 = tpu.memref_squeeze %dma_start3A_630 : memref<1x80x128xf32, #tpu.memory_space<vmem>> -> memref<80x128xf32, #tpu.memory_space<vmem>>
    %dma_start3A_632 = arith.constant 0 : i32
    %dma_start3A_633 = tpu.memref_slice %arg6[%dma_start3A_625, %dma_start3A_632] : memref<3x80xi32, #tpu.memory_space<vmem>> -> memref<1x80xi32, #tpu.memory_space<vmem>>
    %dma_start3A_634 = tpu.memref_squeeze %dma_start3A_633 : memref<1x80xi32, #tpu.memory_space<vmem>> -> memref<80xi32, #tpu.memory_space<vmem>>
    %dma_start3A_635 = arith.constant 0 : i32
    %dma_start3A_636 = arith.constant 0 : i32
    %dma_start3A_637 = tpu.memref_slice %arg2[%dma_start3A_635, %dma_start3A_636] : memref<10000x128xf32, #tpu.memory_space<hbm>> -> memref<10000x128xf32, #tpu.memory_space<hbm>>
    %dma_start3A_638 = tpu.memref_slice %arg10[%dma_start3A_627] : memref<3x!tpu.dma_semaphore, #tpu.memory_space<semaphore_mem>> -> memref<1x!tpu.dma_semaphore, #tpu.memory_space<semaphore_mem>>
    %dma_start3A_639 = tpu.memref_squeeze %dma_start3A_638 : memref<1x!tpu.dma_semaphore, #tpu.memory_space<semaphore_mem>> -> memref<!tpu.dma_semaphore, #tpu.memory_space<semaphore_mem>>
    tpu.enqueue_indirect_dma source(%dma_start3A_637 : memref<10000x128xf32, #tpu.memory_space<hbm>>) target(%dma_start3A_631 : memref<80x128xf32, #tpu.memory_space<vmem>>) offsets(%dma_start3A_634 : memref<80xi32, #tpu.memory_space<vmem>>) semaphore(%dma_start3A_639 : memref<!tpu.dma_semaphore, #tpu.memory_space<semaphore_mem>>)
    %dma_wait3A_640 = arith.constant 2 : i32
    %dma_wait3A_641 = arith.constant 2 : i32
    %dma_wait3A_642 = arith.constant 2 : i32
    %dma_wait3A_643 = arith.constant 0 : i32
    %dma_wait3A_644 = arith.constant 0 : i32
    %dma_wait3A_645 = tpu.memref_slice %arg8[%dma_wait3A_641, %dma_wait3A_643, %dma_wait3A_644] : memref<3x80x128xf32, #tpu.memory_space<vmem>> -> memref<1x80x128xf32, #tpu.memory_space<vmem>>
    %dma_wait3A_646 = tpu.memref_squeeze %dma_wait3A_645 : memref<1x80x128xf32, #tpu.memory_space<vmem>> -> memref<80x128xf32, #tpu.memory_space<vmem>>
    %dma_wait3A_647 = arith.constant 0 : i32
    %dma_wait3A_648 = tpu.memref_slice %arg6[%dma_wait3A_640, %dma_wait3A_647] : memref<3x80xi32, #tpu.memory_space<vmem>> -> memref<1x80xi32, #tpu.memory_space<vmem>>
    %dma_wait3A_649 = tpu.memref_squeeze %dma_wait3A_648 : memref<1x80xi32, #tpu.memory_space<vmem>> -> memref<80xi32, #tpu.memory_space<vmem>>
    %dma_wait3A_650 = arith.constant 0 : i32
    %dma_wait3A_651 = arith.constant 0 : i32
    %dma_wait3A_652 = tpu.memref_slice %arg2[%dma_wait3A_650, %dma_wait3A_651] : memref<10000x128xf32, #tpu.memory_space<hbm>> -> memref<10000x128xf32, #tpu.memory_space<hbm>>
    %dma_wait3A_653 = tpu.memref_slice %arg10[%dma_wait3A_642] : memref<3x!tpu.dma_semaphore, #tpu.memory_space<semaphore_mem>> -> memref<1x!tpu.dma_semaphore, #tpu.memory_space<semaphore_mem>>
    %dma_wait3A_654 = tpu.memref_squeeze %dma_wait3A_653 : memref<1x!tpu.dma_semaphore, #tpu.memory_space<semaphore_mem>> -> memref<!tpu.dma_semaphore, #tpu.memory_space<semaphore_mem>>
    tpu.wait_indirect_dma semaphore(%dma_wait3A_654 : memref<!tpu.dma_semaphore, #tpu.memory_space<semaphore_mem>>) src(%dma_wait3A_652 : memref<10000x128xf32, #tpu.memory_space<hbm>>) dst(%dma_wait3A_646 : memref<80x128xf32, #tpu.memory_space<vmem>>)
    %dma_wait3A_655 = arith.constant 1 : i32
    %dma_wait3A_656 = arith.constant 1 : i32
    %dma_wait3A_657 = arith.constant 1 : i32
    %dma_wait3A_658 = arith.constant 0 : i32
    %dma_wait3A_659 = arith.constant 0 : i32
    %dma_wait3A_660 = tpu.memref_slice %arg8[%dma_wait3A_655, %dma_wait3A_658, %dma_wait3A_659] : memref<3x80x128xf32, #tpu.memory_space<vmem>> -> memref<1x80x128xf32, #tpu.memory_space<vmem>>
    %dma_wait3A_661 = tpu.memref_squeeze %dma_wait3A_660 : memref<1x80x128xf32, #tpu.memory_space<vmem>> -> memref<80x128xf32, #tpu.memory_space<vmem>>
    %dma_wait3A_662 = arith.constant 0 : i32
    %dma_wait3A_663 = tpu.memref_slice %arg7[%dma_wait3A_656, %dma_wait3A_662] : memref<3x80xi32, #tpu.memory_space<vmem>> -> memref<1x80xi32, #tpu.memory_space<vmem>>
    %dma_wait3A_664 = tpu.memref_squeeze %dma_wait3A_663 : memref<1x80xi32, #tpu.memory_space<vmem>> -> memref<80xi32, #tpu.memory_space<vmem>>
    %dma_wait3A_665 = arith.constant 0 : i32
    %dma_wait3A_666 = arith.constant 0 : i32
    %dma_wait3A_667 = tpu.memref_slice %arg9[%dma_wait3A_665, %dma_wait3A_666] : memref<10240x128xf32, #tpu.memory_space<vmem_shared>> -> memref<10240x128xf32, #tpu.memory_space<vmem_shared>>
    %dma_wait3A_668 = tpu.memref_slice %arg11[%dma_wait3A_657] : memref<3x!tpu.dma_semaphore, #tpu.memory_space<semaphore_mem>> -> memref<1x!tpu.dma_semaphore, #tpu.memory_space<semaphore_mem>>
    %dma_wait3A_669 = tpu.memref_squeeze %dma_wait3A_668 : memref<1x!tpu.dma_semaphore, #tpu.memory_space<semaphore_mem>> -> memref<!tpu.dma_semaphore, #tpu.memory_space<semaphore_mem>>
    tpu.wait_indirect_dma semaphore(%dma_wait3A_669 : memref<!tpu.dma_semaphore, #tpu.memory_space<semaphore_mem>>) src(%dma_wait3A_661 : memref<80x128xf32, #tpu.memory_space<vmem>>) dst(%dma_wait3A_667 : memref<10240x128xf32, #tpu.memory_space<vmem_shared>>)
    %dma_start3A_670 = arith.constant 2 : i32
    %dma_start3A_671 = arith.constant 2 : i32
    %dma_start3A_672 = arith.constant 2 : i32
    %dma_start3A_673 = arith.constant 0 : i32
    %dma_start3A_674 = arith.constant 0 : i32
    %dma_start3A_675 = tpu.memref_slice %arg8[%dma_start3A_670, %dma_start3A_673, %dma_start3A_674] : memref<3x80x128xf32, #tpu.memory_space<vmem>> -> memref<1x80x128xf32, #tpu.memory_space<vmem>>
    %dma_start3A_676 = tpu.memref_squeeze %dma_start3A_675 : memref<1x80x128xf32, #tpu.memory_space<vmem>> -> memref<80x128xf32, #tpu.memory_space<vmem>>
    %dma_start3A_677 = arith.constant 0 : i32
    %dma_start3A_678 = tpu.memref_slice %arg7[%dma_start3A_671, %dma_start3A_677] : memref<3x80xi32, #tpu.memory_space<vmem>> -> memref<1x80xi32, #tpu.memory_space<vmem>>
    %dma_start3A_679 = tpu.memref_squeeze %dma_start3A_678 : memref<1x80xi32, #tpu.memory_space<vmem>> -> memref<80xi32, #tpu.memory_space<vmem>>
    %dma_start3A_680 = arith.constant 0 : i32
    %dma_start3A_681 = arith.constant 0 : i32
    %dma_start3A_682 = tpu.memref_slice %arg9[%dma_start3A_680, %dma_start3A_681] : memref<10240x128xf32, #tpu.memory_space<vmem_shared>> -> memref<10240x128xf32, #tpu.memory_space<vmem_shared>>
    %dma_start3A_683 = tpu.memref_slice %arg11[%dma_start3A_672] : memref<3x!tpu.dma_semaphore, #tpu.memory_space<semaphore_mem>> -> memref<1x!tpu.dma_semaphore, #tpu.memory_space<semaphore_mem>>
    %dma_start3A_684 = tpu.memref_squeeze %dma_start3A_683 : memref<1x!tpu.dma_semaphore, #tpu.memory_space<semaphore_mem>> -> memref<!tpu.dma_semaphore, #tpu.memory_space<semaphore_mem>>
    tpu.enqueue_indirect_dma source(%dma_start3A_676 : memref<80x128xf32, #tpu.memory_space<vmem>>) target(%dma_start3A_682 : memref<10240x128xf32, #tpu.memory_space<vmem_shared>>) offsets(%dma_start3A_679 : memref<80xi32, #tpu.memory_space<vmem>>) semaphore(%dma_start3A_684 : memref<!tpu.dma_semaphore, #tpu.memory_space<semaphore_mem>>) {add = true}
    %get3A_685 = arith.constant 124 : i32
    %get3A_686 = arith.index_cast %get3A_685 : i32 to index
    %get3A_687 = arith.constant 0 : index
    %get3A_688 = tpu.vector_load %arg5[%get3A_686, %get3A_687] {strides = array<i32>} : memref<125x80xi32, #tpu.memory_space<vmem>>, vector<1x16xi32>,
    %get3A_689 = vector.shape_cast %get3A_688 : vector<1x16xi32> to vector<16xi32>
    %and3A_690 = arith.constant 65535 : i32
    %and3A_691 = vector.broadcast %and3A_690 : i32 to vector<16xi32>
    %and3A_692 = arith.andi %get3A_689, %and3A_691 : vector<16xi32>
    %swap3A_693 = arith.constant 1 : i32
    %swap3A_694 = arith.index_cast %swap3A_693 : i32 to index
    %swap3A_695 = arith.constant 0 : index
    %swap3A_696 = tpu.vector_load %arg6[%swap3A_694, %swap3A_695] {strides = array<i32>} : memref<3x80xi32, #tpu.memory_space<vmem>>, vector<1x16xi32>,
    %swap3A_697 = vector.shape_cast %swap3A_696 : vector<1x16xi32> to vector<16xi32>
    %swap3A_698 = vector.shape_cast %and3A_692 : vector<16xi32> to vector<1x16xi32>
    tpu.vector_store %arg6[%swap3A_694, %swap3A_695], %swap3A_698 {strides = array<i32>} : memref<3x80xi32, #tpu.memory_space<vmem>>, vector<1x16xi32>,
    %shift_right_logical3A_699 = arith.constant 16 : i32
    %shift_right_logical3A_700 = vector.broadcast %shift_right_logical3A_699 : i32 to vector<16xi32>
    %shift_right_logical3A_701 = arith.shrui %get3A_689, %shift_right_logical3A_700 : vector<16xi32>
    %swap3A_702 = arith.constant 1 : i32
    %swap3A_703 = arith.index_cast %swap3A_702 : i32 to index
    %swap3A_704 = arith.constant 0 : index
    %swap3A_705 = tpu.vector_load %arg7[%swap3A_703, %swap3A_704] {strides = array<i32>} : memref<3x80xi32, #tpu.memory_space<vmem>>, vector<1x16xi32>,
    %swap3A_706 = vector.shape_cast %swap3A_705 : vector<1x16xi32> to vector<16xi32>
    %swap3A_707 = vector.shape_cast %shift_right_logical3A_701 : vector<16xi32> to vector<1x16xi32>
    tpu.vector_store %arg7[%swap3A_703, %swap3A_704], %swap3A_707 {strides = array<i32>} : memref<3x80xi32, #tpu.memory_space<vmem>>, vector<1x16xi32>,
    %get3A_708 = arith.constant 124 : i32
    %get3A_709 = arith.index_cast %get3A_708 : i32 to index
    %get3A_710 = arith.constant 16 : index
    %get3A_711 = tpu.vector_load %arg5[%get3A_709, %get3A_710] {strides = array<i32>} : memref<125x80xi32, #tpu.memory_space<vmem>>, vector<1x16xi32>,
    %get3A_712 = vector.shape_cast %get3A_711 : vector<1x16xi32> to vector<16xi32>
    %and3A_713 = arith.constant 65535 : i32
    %and3A_714 = vector.broadcast %and3A_713 : i32 to vector<16xi32>
    %and3A_715 = arith.andi %get3A_712, %and3A_714 : vector<16xi32>
    %swap3A_716 = arith.constant 1 : i32
    %swap3A_717 = arith.index_cast %swap3A_716 : i32 to index
    %swap3A_718 = arith.constant 16 : index
    %swap3A_719 = tpu.vector_load %arg6[%swap3A_717, %swap3A_718] {strides = array<i32>} : memref<3x80xi32, #tpu.memory_space<vmem>>, vector<1x16xi32>,
    %swap3A_720 = vector.shape_cast %swap3A_719 : vector<1x16xi32> to vector<16xi32>
    %swap3A_721 = vector.shape_cast %and3A_715 : vector<16xi32> to vector<1x16xi32>
    tpu.vector_store %arg6[%swap3A_717, %swap3A_718], %swap3A_721 {strides = array<i32>} : memref<3x80xi32, #tpu.memory_space<vmem>>, vector<1x16xi32>,
    %shift_right_logical3A_722 = arith.constant 16 : i32
    %shift_right_logical3A_723 = vector.broadcast %shift_right_logical3A_722 : i32 to vector<16xi32>
    %shift_right_logical3A_724 = arith.shrui %get3A_712, %shift_right_logical3A_723 : vector<16xi32>
    %swap3A_725 = arith.constant 1 : i32
    %swap3A_726 = arith.index_cast %swap3A_725 : i32 to index
    %swap3A_727 = arith.constant 16 : index
    %swap3A_728 = tpu.vector_load %arg7[%swap3A_726, %swap3A_727] {strides = array<i32>} : memref<3x80xi32, #tpu.memory_space<vmem>>, vector<1x16xi32>,
    %swap3A_729 = vector.shape_cast %swap3A_728 : vector<1x16xi32> to vector<16xi32>
    %swap3A_730 = vector.shape_cast %shift_right_logical3A_724 : vector<16xi32> to vector<1x16xi32>
    tpu.vector_store %arg7[%swap3A_726, %swap3A_727], %swap3A_730 {strides = array<i32>} : memref<3x80xi32, #tpu.memory_space<vmem>>, vector<1x16xi32>,
    %get3A_731 = arith.constant 124 : i32
    %get3A_732 = arith.index_cast %get3A_731 : i32 to index
    %get3A_733 = arith.constant 32 : index
    %get3A_734 = tpu.vector_load %arg5[%get3A_732, %get3A_733] {strides = array<i32>} : memref<125x80xi32, #tpu.memory_space<vmem>>, vector<1x16xi32>,
    %get3A_735 = vector.shape_cast %get3A_734 : vector<1x16xi32> to vector<16xi32>
    %and3A_736 = arith.constant 65535 : i32
    %and3A_737 = vector.broadcast %and3A_736 : i32 to vector<16xi32>
    %and3A_738 = arith.andi %get3A_735, %and3A_737 : vector<16xi32>
    %swap3A_739 = arith.constant 1 : i32
    %swap3A_740 = arith.index_cast %swap3A_739 : i32 to index
    %swap3A_741 = arith.constant 32 : index
    %swap3A_742 = tpu.vector_load %arg6[%swap3A_740, %swap3A_741] {strides = array<i32>} : memref<3x80xi32, #tpu.memory_space<vmem>>, vector<1x16xi32>,
    %swap3A_743 = vector.shape_cast %swap3A_742 : vector<1x16xi32> to vector<16xi32>
    %swap3A_744 = vector.shape_cast %and3A_738 : vector<16xi32> to vector<1x16xi32>
    tpu.vector_store %arg6[%swap3A_740, %swap3A_741], %swap3A_744 {strides = array<i32>} : memref<3x80xi32, #tpu.memory_space<vmem>>, vector<1x16xi32>,
    %shift_right_logical3A_745 = arith.constant 16 : i32
    %shift_right_logical3A_746 = vector.broadcast %shift_right_logical3A_745 : i32 to vector<16xi32>
    %shift_right_logical3A_747 = arith.shrui %get3A_735, %shift_right_logical3A_746 : vector<16xi32>
    %swap3A_748 = arith.constant 1 : i32
    %swap3A_749 = arith.index_cast %swap3A_748 : i32 to index
    %swap3A_750 = arith.constant 32 : index
    %swap3A_751 = tpu.vector_load %arg7[%swap3A_749, %swap3A_750] {strides = array<i32>} : memref<3x80xi32, #tpu.memory_space<vmem>>, vector<1x16xi32>,
    %swap3A_752 = vector.shape_cast %swap3A_751 : vector<1x16xi32> to vector<16xi32>
    %swap3A_753 = vector.shape_cast %shift_right_logical3A_747 : vector<16xi32> to vector<1x16xi32>
    tpu.vector_store %arg7[%swap3A_749, %swap3A_750], %swap3A_753 {strides = array<i32>} : memref<3x80xi32, #tpu.memory_space<vmem>>, vector<1x16xi32>,
    %get3A_754 = arith.constant 124 : i32
    %get3A_755 = arith.index_cast %get3A_754 : i32 to index
    %get3A_756 = arith.constant 48 : index
    %get3A_757 = tpu.vector_load %arg5[%get3A_755, %get3A_756] {strides = array<i32>} : memref<125x80xi32, #tpu.memory_space<vmem>>, vector<1x16xi32>,
    %get3A_758 = vector.shape_cast %get3A_757 : vector<1x16xi32> to vector<16xi32>
    %and3A_759 = arith.constant 65535 : i32
    %and3A_760 = vector.broadcast %and3A_759 : i32 to vector<16xi32>
    %and3A_761 = arith.andi %get3A_758, %and3A_760 : vector<16xi32>
    %swap3A_762 = arith.constant 1 : i32
    %swap3A_763 = arith.index_cast %swap3A_762 : i32 to index
    %swap3A_764 = arith.constant 48 : index
    %swap3A_765 = tpu.vector_load %arg6[%swap3A_763, %swap3A_764] {strides = array<i32>} : memref<3x80xi32, #tpu.memory_space<vmem>>, vector<1x16xi32>,
    %swap3A_766 = vector.shape_cast %swap3A_765 : vector<1x16xi32> to vector<16xi32>
    %swap3A_767 = vector.shape_cast %and3A_761 : vector<16xi32> to vector<1x16xi32>
    tpu.vector_store %arg6[%swap3A_763, %swap3A_764], %swap3A_767 {strides = array<i32>} : memref<3x80xi32, #tpu.memory_space<vmem>>, vector<1x16xi32>,
    %shift_right_logical3A_768 = arith.constant 16 : i32
    %shift_right_logical3A_769 = vector.broadcast %shift_right_logical3A_768 : i32 to vector<16xi32>
    %shift_right_logical3A_770 = arith.shrui %get3A_758, %shift_right_logical3A_769 : vector<16xi32>
    %swap3A_771 = arith.constant 1 : i32
    %swap3A_772 = arith.index_cast %swap3A_771 : i32 to index
    %swap3A_773 = arith.constant 48 : index
    %swap3A_774 = tpu.vector_load %arg7[%swap3A_772, %swap3A_773] {strides = array<i32>} : memref<3x80xi32, #tpu.memory_space<vmem>>, vector<1x16xi32>,
    %swap3A_775 = vector.shape_cast %swap3A_774 : vector<1x16xi32> to vector<16xi32>
    %swap3A_776 = vector.shape_cast %shift_right_logical3A_770 : vector<16xi32> to vector<1x16xi32>
    tpu.vector_store %arg7[%swap3A_772, %swap3A_773], %swap3A_776 {strides = array<i32>} : memref<3x80xi32, #tpu.memory_space<vmem>>, vector<1x16xi32>,
    %get3A_777 = arith.constant 124 : i32
    %get3A_778 = arith.index_cast %get3A_777 : i32 to index
    %get3A_779 = arith.constant 64 : index
    %get3A_780 = tpu.vector_load %arg5[%get3A_778, %get3A_779] {strides = array<i32>} : memref<125x80xi32, #tpu.memory_space<vmem>>, vector<1x16xi32>,
    %get3A_781 = vector.shape_cast %get3A_780 : vector<1x16xi32> to vector<16xi32>
    %and3A_782 = arith.constant 65535 : i32
    %and3A_783 = vector.broadcast %and3A_782 : i32 to vector<16xi32>
    %and3A_784 = arith.andi %get3A_781, %and3A_783 : vector<16xi32>
    %swap3A_785 = arith.constant 1 : i32
    %swap3A_786 = arith.index_cast %swap3A_785 : i32 to index
    %swap3A_787 = arith.constant 64 : index
    %swap3A_788 = tpu.vector_load %arg6[%swap3A_786, %swap3A_787] {strides = array<i32>} : memref<3x80xi32, #tpu.memory_space<vmem>>, vector<1x16xi32>,
    %swap3A_789 = vector.shape_cast %swap3A_788 : vector<1x16xi32> to vector<16xi32>
    %swap3A_790 = vector.shape_cast %and3A_784 : vector<16xi32> to vector<1x16xi32>
    tpu.vector_store %arg6[%swap3A_786, %swap3A_787], %swap3A_790 {strides = array<i32>} : memref<3x80xi32, #tpu.memory_space<vmem>>, vector<1x16xi32>,
    %shift_right_logical3A_791 = arith.constant 16 : i32
    %shift_right_logical3A_792 = vector.broadcast %shift_right_logical3A_791 : i32 to vector<16xi32>
    %shift_right_logical3A_793 = arith.shrui %get3A_781, %shift_right_logical3A_792 : vector<16xi32>
    %swap3A_794 = arith.constant 1 : i32
    %swap3A_795 = arith.index_cast %swap3A_794 : i32 to index
    %swap3A_796 = arith.constant 64 : index
    %swap3A_797 = tpu.vector_load %arg7[%swap3A_795, %swap3A_796] {strides = array<i32>} : memref<3x80xi32, #tpu.memory_space<vmem>>, vector<1x16xi32>,
    %swap3A_798 = vector.shape_cast %swap3A_797 : vector<1x16xi32> to vector<16xi32>
    %swap3A_799 = vector.shape_cast %shift_right_logical3A_793 : vector<16xi32> to vector<1x16xi32>
    tpu.vector_store %arg7[%swap3A_795, %swap3A_796], %swap3A_799 {strides = array<i32>} : memref<3x80xi32, #tpu.memory_space<vmem>>, vector<1x16xi32>,
    %dma_start3A_800 = arith.constant 1 : i32
    %dma_start3A_801 = arith.constant 1 : i32
    %dma_start3A_802 = arith.constant 1 : i32
    %dma_start3A_803 = arith.constant 0 : i32
    %dma_start3A_804 = arith.constant 0 : i32
    %dma_start3A_805 = tpu.memref_slice %arg8[%dma_start3A_801, %dma_start3A_803, %dma_start3A_804] : memref<3x80x128xf32, #tpu.memory_space<vmem>> -> memref<1x80x128xf32, #tpu.memory_space<vmem>>
    %dma_start3A_806 = tpu.memref_squeeze %dma_start3A_805 : memref<1x80x128xf32, #tpu.memory_space<vmem>> -> memref<80x128xf32, #tpu.memory_space<vmem>>
    %dma_start3A_807 = arith.constant 0 : i32
    %dma_start3A_808 = tpu.memref_slice %arg6[%dma_start3A_800, %dma_start3A_807] : memref<3x80xi32, #tpu.memory_space<vmem>> -> memref<1x80xi32, #tpu.memory_space<vmem>>
    %dma_start3A_809 = tpu.memref_squeeze %dma_start3A_808 : memref<1x80xi32, #tpu.memory_space<vmem>> -> memref<80xi32, #tpu.memory_space<vmem>>
    %dma_start3A_810 = arith.constant 0 : i32
    %dma_start3A_811 = arith.constant 0 : i32
    %dma_start3A_812 = tpu.memref_slice %arg2[%dma_start3A_810, %dma_start3A_811] : memref<10000x128xf32, #tpu.memory_space<hbm>> -> memref<10000x128xf32, #tpu.memory_space<hbm>>
    %dma_start3A_813 = tpu.memref_slice %arg10[%dma_start3A_802] : memref<3x!tpu.dma_semaphore, #tpu.memory_space<semaphore_mem>> -> memref<1x!tpu.dma_semaphore, #tpu.memory_space<semaphore_mem>>
    %dma_start3A_814 = tpu.memref_squeeze %dma_start3A_813 : memref<1x!tpu.dma_semaphore, #tpu.memory_space<semaphore_mem>> -> memref<!tpu.dma_semaphore, #tpu.memory_space<semaphore_mem>>
    tpu.enqueue_indirect_dma source(%dma_start3A_812 : memref<10000x128xf32, #tpu.memory_space<hbm>>) target(%dma_start3A_806 : memref<80x128xf32, #tpu.memory_space<vmem>>) offsets(%dma_start3A_809 : memref<80xi32, #tpu.memory_space<vmem>>) semaphore(%dma_start3A_814 : memref<!tpu.dma_semaphore, #tpu.memory_space<semaphore_mem>>)
    %dma_wait3A_815 = arith.constant 0 : i32
    %dma_wait3A_816 = arith.constant 0 : i32
    %dma_wait3A_817 = arith.constant 0 : i32
    %dma_wait3A_818 = arith.constant 0 : i32
    %dma_wait3A_819 = arith.constant 0 : i32
    %dma_wait3A_820 = tpu.memref_slice %arg8[%dma_wait3A_816, %dma_wait3A_818, %dma_wait3A_819] : memref<3x80x128xf32, #tpu.memory_space<vmem>> -> memref<1x80x128xf32, #tpu.memory_space<vmem>>
    %dma_wait3A_821 = tpu.memref_squeeze %dma_wait3A_820 : memref<1x80x128xf32, #tpu.memory_space<vmem>> -> memref<80x128xf32, #tpu.memory_space<vmem>>
    %dma_wait3A_822 = arith.constant 0 : i32
    %dma_wait3A_823 = tpu.memref_slice %arg6[%dma_wait3A_815, %dma_wait3A_822] : memref<3x80xi32, #tpu.memory_space<vmem>> -> memref<1x80xi32, #tpu.memory_space<vmem>>
    %dma_wait3A_824 = tpu.memref_squeeze %dma_wait3A_823 : memref<1x80xi32, #tpu.memory_space<vmem>> -> memref<80xi32, #tpu.memory_space<vmem>>
    %dma_wait3A_825 = arith.constant 0 : i32
    %dma_wait3A_826 = arith.constant 0 : i32
    %dma_wait3A_827 = tpu.memref_slice %arg2[%dma_wait3A_825, %dma_wait3A_826] : memref<10000x128xf32, #tpu.memory_space<hbm>> -> memref<10000x128xf32, #tpu.memory_space<hbm>>
    %dma_wait3A_828 = tpu.memref_slice %arg10[%dma_wait3A_817] : memref<3x!tpu.dma_semaphore, #tpu.memory_space<semaphore_mem>> -> memref<1x!tpu.dma_semaphore, #tpu.memory_space<semaphore_mem>>
    %dma_wait3A_829 = tpu.memref_squeeze %dma_wait3A_828 : memref<1x!tpu.dma_semaphore, #tpu.memory_space<semaphore_mem>> -> memref<!tpu.dma_semaphore, #tpu.memory_space<semaphore_mem>>
    tpu.wait_indirect_dma semaphore(%dma_wait3A_829 : memref<!tpu.dma_semaphore, #tpu.memory_space<semaphore_mem>>) src(%dma_wait3A_827 : memref<10000x128xf32, #tpu.memory_space<hbm>>) dst(%dma_wait3A_821 : memref<80x128xf32, #tpu.memory_space<vmem>>)
    %dma_wait3A_830 = arith.constant 2 : i32
    %dma_wait3A_831 = arith.constant 2 : i32
    %dma_wait3A_832 = arith.constant 2 : i32
    %dma_wait3A_833 = arith.constant 0 : i32
    %dma_wait3A_834 = arith.constant 0 : i32
    %dma_wait3A_835 = tpu.memref_slice %arg8[%dma_wait3A_830, %dma_wait3A_833, %dma_wait3A_834] : memref<3x80x128xf32, #tpu.memory_space<vmem>> -> memref<1x80x128xf32, #tpu.memory_space<vmem>>
    %dma_wait3A_836 = tpu.memref_squeeze %dma_wait3A_835 : memref<1x80x128xf32, #tpu.memory_space<vmem>> -> memref<80x128xf32, #tpu.memory_space<vmem>>
    %dma_wait3A_837 = arith.constant 0 : i32
    %dma_wait3A_838 = tpu.memref_slice %arg7[%dma_wait3A_831, %dma_wait3A_837] : memref<3x80xi32, #tpu.memory_space<vmem>> -> memref<1x80xi32, #tpu.memory_space<vmem>>
    %dma_wait3A_839 = tpu.memref_squeeze %dma_wait3A_838 : memref<1x80xi32, #tpu.memory_space<vmem>> -> memref<80xi32, #tpu.memory_space<vmem>>
    %dma_wait3A_840 = arith.constant 0 : i32
    %dma_wait3A_841 = arith.constant 0 : i32
    %dma_wait3A_842 = tpu.memref_slice %arg9[%dma_wait3A_840, %dma_wait3A_841] : memref<10240x128xf32, #tpu.memory_space<vmem_shared>> -> memref<10240x128xf32, #tpu.memory_space<vmem_shared>>
    %dma_wait3A_843 = tpu.memref_slice %arg11[%dma_wait3A_832] : memref<3x!tpu.dma_semaphore, #tpu.memory_space<semaphore_mem>> -> memref<1x!tpu.dma_semaphore, #tpu.memory_space<semaphore_mem>>
    %dma_wait3A_844 = tpu.memref_squeeze %dma_wait3A_843 : memref<1x!tpu.dma_semaphore, #tpu.memory_space<semaphore_mem>> -> memref<!tpu.dma_semaphore, #tpu.memory_space<semaphore_mem>>
    tpu.wait_indirect_dma semaphore(%dma_wait3A_844 : memref<!tpu.dma_semaphore, #tpu.memory_space<semaphore_mem>>) src(%dma_wait3A_836 : memref<80x128xf32, #tpu.memory_space<vmem>>) dst(%dma_wait3A_842 : memref<10240x128xf32, #tpu.memory_space<vmem_shared>>)
    %dma_start3A_845 = arith.constant 0 : i32
    %dma_start3A_846 = arith.constant 0 : i32
    %dma_start3A_847 = arith.constant 0 : i32
    %dma_start3A_848 = arith.constant 0 : i32
    %dma_start3A_849 = arith.constant 0 : i32
    %dma_start3A_850 = tpu.memref_slice %arg8[%dma_start3A_845, %dma_start3A_848, %dma_start3A_849] : memref<3x80x128xf32, #tpu.memory_space<vmem>> -> memref<1x80x128xf32, #tpu.memory_space<vmem>>
    %dma_start3A_851 = tpu.memref_squeeze %dma_start3A_850 : memref<1x80x128xf32, #tpu.memory_space<vmem>> -> memref<80x128xf32, #tpu.memory_space<vmem>>
    %dma_start3A_852 = arith.constant 0 : i32
    %dma_start3A_853 = tpu.memref_slice %arg7[%dma_start3A_846, %dma_start3A_852] : memref<3x80xi32, #tpu.memory_space<vmem>> -> memref<1x80xi32, #tpu.memory_space<vmem>>
    %dma_start3A_854 = tpu.memref_squeeze %dma_start3A_853 : memref<1x80xi32, #tpu.memory_space<vmem>> -> memref<80xi32, #tpu.memory_space<vmem>>
    %dma_start3A_855 = arith.constant 0 : i32
    %dma_start3A_856 = arith.constant 0 : i32
    %dma_start3A_857 = tpu.memref_slice %arg9[%dma_start3A_855, %dma_start3A_856] : memref<10240x128xf32, #tpu.memory_space<vmem_shared>> -> memref<10240x128xf32, #tpu.memory_space<vmem_shared>>
    %dma_start3A_858 = tpu.memref_slice %arg11[%dma_start3A_847] : memref<3x!tpu.dma_semaphore, #tpu.memory_space<semaphore_mem>> -> memref<1x!tpu.dma_semaphore, #tpu.memory_space<semaphore_mem>>
    %dma_start3A_859 = tpu.memref_squeeze %dma_start3A_858 : memref<1x!tpu.dma_semaphore, #tpu.memory_space<semaphore_mem>> -> memref<!tpu.dma_semaphore, #tpu.memory_space<semaphore_mem>>
    tpu.enqueue_indirect_dma source(%dma_start3A_851 : memref<80x128xf32, #tpu.memory_space<vmem>>) target(%dma_start3A_857 : memref<10240x128xf32, #tpu.memory_space<vmem_shared>>) offsets(%dma_start3A_854 : memref<80xi32, #tpu.memory_space<vmem>>) semaphore(%dma_start3A_859 : memref<!tpu.dma_semaphore, #tpu.memory_space<semaphore_mem>>) {add = true}
    %dma_wait3A_860 = arith.constant 1 : i32
    %dma_wait3A_861 = arith.constant 1 : i32
    %dma_wait3A_862 = arith.constant 1 : i32
    %dma_wait3A_863 = arith.constant 0 : i32
    %dma_wait3A_864 = arith.constant 0 : i32
    %dma_wait3A_865 = tpu.memref_slice %arg8[%dma_wait3A_861, %dma_wait3A_863, %dma_wait3A_864] : memref<3x80x128xf32, #tpu.memory_space<vmem>> -> memref<1x80x128xf32, #tpu.memory_space<vmem>>
    %dma_wait3A_866 = tpu.memref_squeeze %dma_wait3A_865 : memref<1x80x128xf32, #tpu.memory_space<vmem>> -> memref<80x128xf32, #tpu.memory_space<vmem>>
    %dma_wait3A_867 = arith.constant 0 : i32
    %dma_wait3A_868 = tpu.memref_slice %arg6[%dma_wait3A_860, %dma_wait3A_867] : memref<3x80xi32, #tpu.memory_space<vmem>> -> memref<1x80xi32, #tpu.memory_space<vmem>>
    %dma_wait3A_869 = tpu.memref_squeeze %dma_wait3A_868 : memref<1x80xi32, #tpu.memory_space<vmem>> -> memref<80xi32, #tpu.memory_space<vmem>>
    %dma_wait3A_870 = arith.constant 0 : i32
    %dma_wait3A_871 = arith.constant 0 : i32
    %dma_wait3A_872 = tpu.memref_slice %arg2[%dma_wait3A_870, %dma_wait3A_871] : memref<10000x128xf32, #tpu.memory_space<hbm>> -> memref<10000x128xf32, #tpu.memory_space<hbm>>
    %dma_wait3A_873 = tpu.memref_slice %arg10[%dma_wait3A_862] : memref<3x!tpu.dma_semaphore, #tpu.memory_space<semaphore_mem>> -> memref<1x!tpu.dma_semaphore, #tpu.memory_space<semaphore_mem>>
    %dma_wait3A_874 = tpu.memref_squeeze %dma_wait3A_873 : memref<1x!tpu.dma_semaphore, #tpu.memory_space<semaphore_mem>> -> memref<!tpu.dma_semaphore, #tpu.memory_space<semaphore_mem>>
    tpu.wait_indirect_dma semaphore(%dma_wait3A_874 : memref<!tpu.dma_semaphore, #tpu.memory_space<semaphore_mem>>) src(%dma_wait3A_872 : memref<10000x128xf32, #tpu.memory_space<hbm>>) dst(%dma_wait3A_866 : memref<80x128xf32, #tpu.memory_space<vmem>>)
    %dma_wait3A_875 = arith.constant 0 : i32
    %dma_wait3A_876 = arith.constant 0 : i32
    %dma_wait3A_877 = arith.constant 0 : i32
    %dma_wait3A_878 = arith.constant 0 : i32
    %dma_wait3A_879 = arith.constant 0 : i32
    %dma_wait3A_880 = tpu.memref_slice %arg8[%dma_wait3A_875, %dma_wait3A_878, %dma_wait3A_879] : memref<3x80x128xf32, #tpu.memory_space<vmem>> -> memref<1x80x128xf32, #tpu.memory_space<vmem>>
    %dma_wait3A_881 = tpu.memref_squeeze %dma_wait3A_880 : memref<1x80x128xf32, #tpu.memory_space<vmem>> -> memref<80x128xf32, #tpu.memory_space<vmem>>
    %dma_wait3A_882 = arith.constant 0 : i32
    %dma_wait3A_883 = tpu.memref_slice %arg7[%dma_wait3A_876, %dma_wait3A_882] : memref<3x80xi32, #tpu.memory_space<vmem>> -> memref<1x80xi32, #tpu.memory_space<vmem>>
    %dma_wait3A_884 = tpu.memref_squeeze %dma_wait3A_883 : memref<1x80xi32, #tpu.memory_space<vmem>> -> memref<80xi32, #tpu.memory_space<vmem>>
    %dma_wait3A_885 = arith.constant 0 : i32
    %dma_wait3A_886 = arith.constant 0 : i32
    %dma_wait3A_887 = tpu.memref_slice %arg9[%dma_wait3A_885, %dma_wait3A_886] : memref<10240x128xf32, #tpu.memory_space<vmem_shared>> -> memref<10240x128xf32, #tpu.memory_space<vmem_shared>>
    %dma_wait3A_888 = tpu.memref_slice %arg11[%dma_wait3A_877] : memref<3x!tpu.dma_semaphore, #tpu.memory_space<semaphore_mem>> -> memref<1x!tpu.dma_semaphore, #tpu.memory_space<semaphore_mem>>
    %dma_wait3A_889 = tpu.memref_squeeze %dma_wait3A_888 : memref<1x!tpu.dma_semaphore, #tpu.memory_space<semaphore_mem>> -> memref<!tpu.dma_semaphore, #tpu.memory_space<semaphore_mem>>
    tpu.wait_indirect_dma semaphore(%dma_wait3A_889 : memref<!tpu.dma_semaphore, #tpu.memory_space<semaphore_mem>>) src(%dma_wait3A_881 : memref<80x128xf32, #tpu.memory_space<vmem>>) dst(%dma_wait3A_887 : memref<10240x128xf32, #tpu.memory_space<vmem_shared>>)
    %dma_start3A_890 = arith.constant 1 : i32
    %dma_start3A_891 = arith.constant 1 : i32
    %dma_start3A_892 = arith.constant 1 : i32
    %dma_start3A_893 = arith.constant 0 : i32
    %dma_start3A_894 = arith.constant 0 : i32
    %dma_start3A_895 = tpu.memref_slice %arg8[%dma_start3A_890, %dma_start3A_893, %dma_start3A_894] : memref<3x80x128xf32, #tpu.memory_space<vmem>> -> memref<1x80x128xf32, #tpu.memory_space<vmem>>
    %dma_start3A_896 = tpu.memref_squeeze %dma_start3A_895 : memref<1x80x128xf32, #tpu.memory_space<vmem>> -> memref<80x128xf32, #tpu.memory_space<vmem>>
    %dma_start3A_897 = arith.constant 0 : i32
    %dma_start3A_898 = tpu.memref_slice %arg7[%dma_start3A_891, %dma_start3A_897] : memref<3x80xi32, #tpu.memory_space<vmem>> -> memref<1x80xi32, #tpu.memory_space<vmem>>
    %dma_start3A_899 = tpu.memref_squeeze %dma_start3A_898 : memref<1x80xi32, #tpu.memory_space<vmem>> -> memref<80xi32, #tpu.memory_space<vmem>>
    %dma_start3A_900 = arith.constant 0 : i32
    %dma_start3A_901 = arith.constant 0 : i32
    %dma_start3A_902 = tpu.memref_slice %arg9[%dma_start3A_900, %dma_start3A_901] : memref<10240x128xf32, #tpu.memory_space<vmem_shared>> -> memref<10240x128xf32, #tpu.memory_space<vmem_shared>>
    %dma_start3A_903 = tpu.memref_slice %arg11[%dma_start3A_892] : memref<3x!tpu.dma_semaphore, #tpu.memory_space<semaphore_mem>> -> memref<1x!tpu.dma_semaphore, #tpu.memory_space<semaphore_mem>>
    %dma_start3A_904 = tpu.memref_squeeze %dma_start3A_903 : memref<1x!tpu.dma_semaphore, #tpu.memory_space<semaphore_mem>> -> memref<!tpu.dma_semaphore, #tpu.memory_space<semaphore_mem>>
    tpu.enqueue_indirect_dma source(%dma_start3A_896 : memref<80x128xf32, #tpu.memory_space<vmem>>) target(%dma_start3A_902 : memref<10240x128xf32, #tpu.memory_space<vmem_shared>>) offsets(%dma_start3A_899 : memref<80xi32, #tpu.memory_space<vmem>>) semaphore(%dma_start3A_904 : memref<!tpu.dma_semaphore, #tpu.memory_space<semaphore_mem>>) {add = true}
    %dma_wait3A_905 = arith.constant 1 : i32
    %dma_wait3A_906 = arith.constant 1 : i32
    %dma_wait3A_907 = arith.constant 1 : i32
    %dma_wait3A_908 = arith.constant 0 : i32
    %dma_wait3A_909 = arith.constant 0 : i32
    %dma_wait3A_910 = tpu.memref_slice %arg8[%dma_wait3A_905, %dma_wait3A_908, %dma_wait3A_909] : memref<3x80x128xf32, #tpu.memory_space<vmem>> -> memref<1x80x128xf32, #tpu.memory_space<vmem>>
    %dma_wait3A_911 = tpu.memref_squeeze %dma_wait3A_910 : memref<1x80x128xf32, #tpu.memory_space<vmem>> -> memref<80x128xf32, #tpu.memory_space<vmem>>
    %dma_wait3A_912 = arith.constant 0 : i32
    %dma_wait3A_913 = tpu.memref_slice %arg7[%dma_wait3A_906, %dma_wait3A_912] : memref<3x80xi32, #tpu.memory_space<vmem>> -> memref<1x80xi32, #tpu.memory_space<vmem>>
    %dma_wait3A_914 = tpu.memref_squeeze %dma_wait3A_913 : memref<1x80xi32, #tpu.memory_space<vmem>> -> memref<80xi32, #tpu.memory_space<vmem>>
    %dma_wait3A_915 = arith.constant 0 : i32
    %dma_wait3A_916 = arith.constant 0 : i32
    %dma_wait3A_917 = tpu.memref_slice %arg9[%dma_wait3A_915, %dma_wait3A_916] : memref<10240x128xf32, #tpu.memory_space<vmem_shared>> -> memref<10240x128xf32, #tpu.memory_space<vmem_shared>>
    %dma_wait3A_918 = tpu.memref_slice %arg11[%dma_wait3A_907] : memref<3x!tpu.dma_semaphore, #tpu.memory_space<semaphore_mem>> -> memref<1x!tpu.dma_semaphore, #tpu.memory_space<semaphore_mem>>
    %dma_wait3A_919 = tpu.memref_squeeze %dma_wait3A_918 : memref<1x!tpu.dma_semaphore, #tpu.memory_space<semaphore_mem>> -> memref<!tpu.dma_semaphore, #tpu.memory_space<semaphore_mem>>
    tpu.wait_indirect_dma semaphore(%dma_wait3A_919 : memref<!tpu.dma_semaphore, #tpu.memory_space<semaphore_mem>>) src(%dma_wait3A_911 : memref<80x128xf32, #tpu.memory_space<vmem>>) dst(%dma_wait3A_917 : memref<10240x128xf32, #tpu.memory_space<vmem_shared>>)
    %barrier3A_920 = arith.constant 0 : index
    tpu.barrier barrier_id(%barrier3A_920)
    %mul3A_921 = arith.constant 640 : i32
    %mul3A_922 = arith.muli %arg1, %mul3A_921 : i32
    %add3A_923 = arith.constant 0 : i32
    %add3A_924 = arith.addi %mul3A_922, %add3A_923 : i32
    "tpu.region"() ({
      %run_scoped3A_941 = tpu.sem_alloc : memref<!tpu.dma_semaphore, #tpu.memory_space<semaphore_mem>>
      %dma_start3A_942 = arith.constant 0 : i32
      %dma_start3A_943 = tpu.memref_slice %arg4[%arg0, %add3A_924, %dma_start3A_942] : memref<2x10240x128xf32, #tpu.memory_space<hbm>> -> memref<1x128x128xf32, #tpu.memory_space<hbm>>
      %dma_start3A_944 = tpu.memref_squeeze %dma_start3A_943 : memref<1x128x128xf32, #tpu.memory_space<hbm>> -> memref<128x128xf32, #tpu.memory_space<hbm>>
      %dma_start3A_945 = arith.constant 0 : i32
      %dma_start3A_946 = tpu.memref_slice %arg9[%add3A_924, %dma_start3A_945] : memref<10240x128xf32, #tpu.memory_space<vmem_shared>> -> memref<128x128xf32, #tpu.memory_space<vmem_shared>>
      tpu.enqueue_dma source(%dma_start3A_946 : memref<128x128xf32, #tpu.memory_space<vmem_shared>>) target(%dma_start3A_944 : memref<128x128xf32, #tpu.memory_space<hbm>>) target_semaphore(%run_scoped3A_941 : memref<!tpu.dma_semaphore, #tpu.memory_space<semaphore_mem>>)
      %dma_wait3A_947 = arith.constant 0 : i32
      %dma_wait3A_948 = tpu.memref_slice %arg4[%arg0, %add3A_924, %dma_wait3A_947] : memref<2x10240x128xf32, #tpu.memory_space<hbm>> -> memref<1x128x128xf32, #tpu.memory_space<hbm>>
      %dma_wait3A_949 = tpu.memref_squeeze %dma_wait3A_948 : memref<1x128x128xf32, #tpu.memory_space<hbm>> -> memref<128x128xf32, #tpu.memory_space<hbm>>
      %dma_wait3A_950 = arith.constant 0 : i32
      %dma_wait3A_951 = tpu.memref_slice %arg9[%add3A_924, %dma_wait3A_950] : memref<10240x128xf32, #tpu.memory_space<vmem_shared>> -> memref<128x128xf32, #tpu.memory_space<vmem_shared>>
      tpu.wait_dma2 semaphore(%run_scoped3A_941 : memref<!tpu.dma_semaphore, #tpu.memory_space<semaphore_mem>>) src(%dma_wait3A_951 : memref<128x128xf32, #tpu.memory_space<vmem_shared>>) dst(%dma_wait3A_949 : memref<128x128xf32, #tpu.memory_space<hbm>>)
      tpu.yield
    }) : () -> ()
    %mul3A_925 = arith.constant 640 : i32
    %mul3A_926 = arith.muli %arg1, %mul3A_925 : i32
    %add3A_927 = arith.constant 128 : i32
    %add3A_928 = arith.addi %mul3A_926, %add3A_927 : i32
    "tpu.region"() ({
      %run_scoped3A_941 = tpu.sem_alloc : memref<!tpu.dma_semaphore, #tpu.memory_space<semaphore_mem>>
      %dma_start3A_942 = arith.constant 0 : i32
      %dma_start3A_943 = tpu.memref_slice %arg4[%arg0, %add3A_928, %dma_start3A_942] : memref<2x10240x128xf32, #tpu.memory_space<hbm>> -> memref<1x128x128xf32, #tpu.memory_space<hbm>>
      %dma_start3A_944 = tpu.memref_squeeze %dma_start3A_943 : memref<1x128x128xf32, #tpu.memory_space<hbm>> -> memref<128x128xf32, #tpu.memory_space<hbm>>
      %dma_start3A_945 = arith.constant 0 : i32
      %dma_start3A_946 = tpu.memref_slice %arg9[%add3A_928, %dma_start3A_945] : memref<10240x128xf32, #tpu.memory_space<vmem_shared>> -> memref<128x128xf32, #tpu.memory_space<vmem_shared>>
      tpu.enqueue_dma source(%dma_start3A_946 : memref<128x128xf32, #tpu.memory_space<vmem_shared>>) target(%dma_start3A_944 : memref<128x128xf32, #tpu.memory_space<hbm>>) target_semaphore(%run_scoped3A_941 : memref<!tpu.dma_semaphore, #tpu.memory_space<semaphore_mem>>)
      %dma_wait3A_947 = arith.constant 0 : i32
      %dma_wait3A_948 = tpu.memref_slice %arg4[%arg0, %add3A_928, %dma_wait3A_947] : memref<2x10240x128xf32, #tpu.memory_space<hbm>> -> memref<1x128x128xf32, #tpu.memory_space<hbm>>
      %dma_wait3A_949 = tpu.memref_squeeze %dma_wait3A_948 : memref<1x128x128xf32, #tpu.memory_space<hbm>> -> memref<128x128xf32, #tpu.memory_space<hbm>>
      %dma_wait3A_950 = arith.constant 0 : i32
      %dma_wait3A_951 = tpu.memref_slice %arg9[%add3A_928, %dma_wait3A_950] : memref<10240x128xf32, #tpu.memory_space<vmem_shared>> -> memref<128x128xf32, #tpu.memory_space<vmem_shared>>
      tpu.wait_dma2 semaphore(%run_scoped3A_941 : memref<!tpu.dma_semaphore, #tpu.memory_space<semaphore_mem>>) src(%dma_wait3A_951 : memref<128x128xf32, #tpu.memory_space<vmem_shared>>) dst(%dma_wait3A_949 : memref<128x128xf32, #tpu.memory_space<hbm>>)
      tpu.yield
    }) : () -> ()
    %mul3A_929 = arith.constant 640 : i32
    %mul3A_930 = arith.muli %arg1, %mul3A_929 : i32
    %add3A_931 = arith.constant 256 : i32
    %add3A_932 = arith.addi %mul3A_930, %add3A_931 : i32
    "tpu.region"() ({
      %run_scoped3A_941 = tpu.sem_alloc : memref<!tpu.dma_semaphore, #tpu.memory_space<semaphore_mem>>
      %dma_start3A_942 = arith.constant 0 : i32
      %dma_start3A_943 = tpu.memref_slice %arg4[%arg0, %add3A_932, %dma_start3A_942] : memref<2x10240x128xf32, #tpu.memory_space<hbm>> -> memref<1x128x128xf32, #tpu.memory_space<hbm>>
      %dma_start3A_944 = tpu.memref_squeeze %dma_start3A_943 : memref<1x128x128xf32, #tpu.memory_space<hbm>> -> memref<128x128xf32, #tpu.memory_space<hbm>>
      %dma_start3A_945 = arith.constant 0 : i32
      %dma_start3A_946 = tpu.memref_slice %arg9[%add3A_932, %dma_start3A_945] : memref<10240x128xf32, #tpu.memory_space<vmem_shared>> -> memref<128x128xf32, #tpu.memory_space<vmem_shared>>
      tpu.enqueue_dma source(%dma_start3A_946 : memref<128x128xf32, #tpu.memory_space<vmem_shared>>) target(%dma_start3A_944 : memref<128x128xf32, #tpu.memory_space<hbm>>) target_semaphore(%run_scoped3A_941 : memref<!tpu.dma_semaphore, #tpu.memory_space<semaphore_mem>>)
      %dma_wait3A_947 = arith.constant 0 : i32
      %dma_wait3A_948 = tpu.memref_slice %arg4[%arg0, %add3A_932, %dma_wait3A_947] : memref<2x10240x128xf32, #tpu.memory_space<hbm>> -> memref<1x128x128xf32, #tpu.memory_space<hbm>>
      %dma_wait3A_949 = tpu.memref_squeeze %dma_wait3A_948 : memref<1x128x128xf32, #tpu.memory_space<hbm>> -> memref<128x128xf32, #tpu.memory_space<hbm>>
      %dma_wait3A_950 = arith.constant 0 : i32
      %dma_wait3A_951 = tpu.memref_slice %arg9[%add3A_932, %dma_wait3A_950] : memref<10240x128xf32, #tpu.memory_space<vmem_shared>> -> memref<128x128xf32, #tpu.memory_space<vmem_shared>>
      tpu.wait_dma2 semaphore(%run_scoped3A_941 : memref<!tpu.dma_semaphore, #tpu.memory_space<semaphore_mem>>) src(%dma_wait3A_951 : memref<128x128xf32, #tpu.memory_space<vmem_shared>>) dst(%dma_wait3A_949 : memref<128x128xf32, #tpu.memory_space<hbm>>)
      tpu.yield
    }) : () -> ()
    %mul3A_933 = arith.constant 640 : i32
    %mul3A_934 = arith.muli %arg1, %mul3A_933 : i32
    %add3A_935 = arith.constant 384 : i32
    %add3A_936 = arith.addi %mul3A_934, %add3A_935 : i32
    "tpu.region"() ({
      %run_scoped3A_941 = tpu.sem_alloc : memref<!tpu.dma_semaphore, #tpu.memory_space<semaphore_mem>>
      %dma_start3A_942 = arith.constant 0 : i32
      %dma_start3A_943 = tpu.memref_slice %arg4[%arg0, %add3A_936, %dma_start3A_942] : memref<2x10240x128xf32, #tpu.memory_space<hbm>> -> memref<1x128x128xf32, #tpu.memory_space<hbm>>
      %dma_start3A_944 = tpu.memref_squeeze %dma_start3A_943 : memref<1x128x128xf32, #tpu.memory_space<hbm>> -> memref<128x128xf32, #tpu.memory_space<hbm>>
      %dma_start3A_945 = arith.constant 0 : i32
      %dma_start3A_946 = tpu.memref_slice %arg9[%add3A_936, %dma_start3A_945] : memref<10240x128xf32, #tpu.memory_space<vmem_shared>> -> memref<128x128xf32, #tpu.memory_space<vmem_shared>>
      tpu.enqueue_dma source(%dma_start3A_946 : memref<128x128xf32, #tpu.memory_space<vmem_shared>>) target(%dma_start3A_944 : memref<128x128xf32, #tpu.memory_space<hbm>>) target_semaphore(%run_scoped3A_941 : memref<!tpu.dma_semaphore, #tpu.memory_space<semaphore_mem>>)
      %dma_wait3A_947 = arith.constant 0 : i32
      %dma_wait3A_948 = tpu.memref_slice %arg4[%arg0, %add3A_936, %dma_wait3A_947] : memref<2x10240x128xf32, #tpu.memory_space<hbm>> -> memref<1x128x128xf32, #tpu.memory_space<hbm>>
      %dma_wait3A_949 = tpu.memref_squeeze %dma_wait3A_948 : memref<1x128x128xf32, #tpu.memory_space<hbm>> -> memref<128x128xf32, #tpu.memory_space<hbm>>
      %dma_wait3A_950 = arith.constant 0 : i32
      %dma_wait3A_951 = tpu.memref_slice %arg9[%add3A_936, %dma_wait3A_950] : memref<10240x128xf32, #tpu.memory_space<vmem_shared>> -> memref<128x128xf32, #tpu.memory_space<vmem_shared>>
      tpu.wait_dma2 semaphore(%run_scoped3A_941 : memref<!tpu.dma_semaphore, #tpu.memory_space<semaphore_mem>>) src(%dma_wait3A_951 : memref<128x128xf32, #tpu.memory_space<vmem_shared>>) dst(%dma_wait3A_949 : memref<128x128xf32, #tpu.memory_space<hbm>>)
      tpu.yield
    }) : () -> ()
    %mul3A_937 = arith.constant 640 : i32
    %mul3A_938 = arith.muli %arg1, %mul3A_937 : i32
    %add3A_939 = arith.constant 512 : i32
    %add3A_940 = arith.addi %mul3A_938, %add3A_939 : i32
    "tpu.region"() ({
      %run_scoped3A_941 = tpu.sem_alloc : memref<!tpu.dma_semaphore, #tpu.memory_space<semaphore_mem>>
      %dma_start3A_942 = arith.constant 0 : i32
      %dma_start3A_943 = tpu.memref_slice %arg4[%arg0, %add3A_940, %dma_start3A_942] : memref<2x10240x128xf32, #tpu.memory_space<hbm>> -> memref<1x128x128xf32, #tpu.memory_space<hbm>>
      %dma_start3A_944 = tpu.memref_squeeze %dma_start3A_943 : memref<1x128x128xf32, #tpu.memory_space<hbm>> -> memref<128x128xf32, #tpu.memory_space<hbm>>
      %dma_start3A_945 = arith.constant 0 : i32
      %dma_start3A_946 = tpu.memref_slice %arg9[%add3A_940, %dma_start3A_945] : memref<10240x128xf32, #tpu.memory_space<vmem_shared>> -> memref<128x128xf32, #tpu.memory_space<vmem_shared>>
      tpu.enqueue_dma source(%dma_start3A_946 : memref<128x128xf32, #tpu.memory_space<vmem_shared>>) target(%dma_start3A_944 : memref<128x128xf32, #tpu.memory_space<hbm>>) target_semaphore(%run_scoped3A_941 : memref<!tpu.dma_semaphore, #tpu.memory_space<semaphore_mem>>)
      %dma_wait3A_947 = arith.constant 0 : i32
      %dma_wait3A_948 = tpu.memref_slice %arg4[%arg0, %add3A_940, %dma_wait3A_947] : memref<2x10240x128xf32, #tpu.memory_space<hbm>> -> memref<1x128x128xf32, #tpu.memory_space<hbm>>
      %dma_wait3A_949 = tpu.memref_squeeze %dma_wait3A_948 : memref<1x128x128xf32, #tpu.memory_space<hbm>> -> memref<128x128xf32, #tpu.memory_space<hbm>>
      %dma_wait3A_950 = arith.constant 0 : i32
      %dma_wait3A_951 = tpu.memref_slice %arg9[%add3A_940, %dma_wait3A_950] : memref<10240x128xf32, #tpu.memory_space<vmem_shared>> -> memref<128x128xf32, #tpu.memory_space<vmem_shared>>
      tpu.wait_dma2 semaphore(%run_scoped3A_941 : memref<!tpu.dma_semaphore, #tpu.memory_space<semaphore_mem>>) src(%dma_wait3A_951 : memref<128x128xf32, #tpu.memory_space<vmem_shared>>) dst(%dma_wait3A_949 : memref<128x128xf32, #tpu.memory_space<hbm>>)
      tpu.yield
    }) : () -> ()
    return
  }
}

#map = affine_map<(d0, d1) -> (0, 0, 0)>
#map1 = affine_map<(d0, d1) -> (0, 0)>
module attributes {stable_mosaic.version = 14 : i64} {
  func.func @_sc_degree_body(%arg0: i32, %arg1: i32, %arg2: memref<32x125x80xi32, #tpu.memory_space<hbm>>, %arg3: memref<2x10000xf32, #tpu.memory_space<hbm>>, %arg4: memref<125x80xi32, #tpu.memory_space<vmem>>, %arg5: memref<80xf32, #tpu.memory_space<vmem>>, %arg6: memref<10000xf32, #tpu.memory_space<vmem>>, %arg7: memref<10000xf32, #tpu.memory_space<vmem_shared>>) attributes {dimension_semantics = [#tpu.dimension_semantics<core_parallel>, #tpu.dimension_semantics<subcore_parallel>], iteration_bounds = array<i64: 2, 16>, scalar_prefetch = 0 : i64, scratch_operands = 4 : i64, tpu.core_type = #tpu.core_type<sc_vector_subcore>, window_params = [{transform_indices = #map}, {transform_indices = #map1}]} {
    %mul3A = arith.constant 16 : i32
    %mul3A_0 = arith.muli %arg0, %mul3A : i32
    %add3A = arith.addi %mul3A_0, %arg1 : i32
    %scan3A = arith.constant 0 : i32
    %scan3A_1 = arith.constant 0 : i32
    %scan3A_2 = arith.constant 5 : i32
    %scan3A_3 = arith.addi %scan3A_1, %scan3A_2 : i32
    %scan3A_4 = arith.constant 1 : i32
    scf.for %scan3A_26 = %scan3A_1 to %scan3A_3 step %scan3A_4  : i32 {
      %broadcast_in_dim3A = arith.constant 1.000000e+00 : f32
      %broadcast_in_dim3A_27 = vector.broadcast %broadcast_in_dim3A : f32 to vector<16xf32>
      %mul3A_28 = arith.constant 16 : i32
      %mul3A_29 = arith.muli %scan3A_26, %mul3A_28 : i32
      %swap3A = arith.index_cast %mul3A_29 : i32 to index
      %swap3A_30 = tpu.vector_load %arg5[%swap3A] {strides = array<i32>} : memref<80xf32, #tpu.memory_space<vmem>>, vector<16xf32>,
      %swap3A_31 = vector.shape_cast %swap3A_30 : vector<16xf32> to vector<16xf32>
      %swap3A_32 = vector.shape_cast %broadcast_in_dim3A_27 : vector<16xf32> to vector<16xf32>
      tpu.vector_store %arg5[%swap3A], %swap3A_32 {strides = array<i32>} : memref<80xf32, #tpu.memory_space<vmem>>, vector<16xf32>,
    }
    %scan3A_5 = arith.constant 5 : i32
    %scan3A_6 = arith.constant 0 : i32
    %scan3A_7 = arith.constant 0 : i32
    %scan3A_8 = arith.constant 625 : i32
    %scan3A_9 = arith.addi %scan3A_7, %scan3A_8 : i32
    %scan3A_10 = arith.constant 1 : i32
    scf.for %scan3A_26 = %scan3A_7 to %scan3A_9 step %scan3A_10  : i32 {
      %broadcast_in_dim3A = arith.constant 0.000000e+00 : f32
      %broadcast_in_dim3A_27 = vector.broadcast %broadcast_in_dim3A : f32 to vector<16xf32>
      %mul3A_28 = arith.constant 16 : i32
      %mul3A_29 = arith.muli %scan3A_26, %mul3A_28 : i32
      %swap3A = arith.index_cast %mul3A_29 : i32 to index
      %swap3A_30 = tpu.vector_load %arg6[%swap3A] {strides = array<i32>} : memref<10000xf32, #tpu.memory_space<vmem>>, vector<16xf32>,
      %swap3A_31 = vector.shape_cast %swap3A_30 : vector<16xf32> to vector<16xf32>
      %swap3A_32 = vector.shape_cast %broadcast_in_dim3A_27 : vector<16xf32> to vector<16xf32>
      tpu.vector_store %arg6[%swap3A], %swap3A_32 {strides = array<i32>} : memref<10000xf32, #tpu.memory_space<vmem>>, vector<16xf32>,
    }
    %scan3A_11 = arith.constant 625 : i32
    %eq3A = arith.constant 0 : i32
    %eq3A_12 = arith.cmpi eq, %arg1, %eq3A : i32
    %convert_element_type3A = arith.extui %eq3A_12 : i1 to i32
    %cond3A = arith.constant 0 : i32
    %cond3A_13 = arith.cmpi ne, %convert_element_type3A, %cond3A : i32
    scf.if %cond3A_13 {
      "tpu.region"() ({
        %run_scoped3A = tpu.sem_alloc : memref<!tpu.dma_semaphore, #tpu.memory_space<semaphore_mem>>
        tpu.enqueue_dma source(%arg6 : memref<10000xf32, #tpu.memory_space<vmem>>) target(%arg7 : memref<10000xf32, #tpu.memory_space<vmem_shared>>) target_semaphore(%run_scoped3A : memref<!tpu.dma_semaphore, #tpu.memory_space<semaphore_mem>>)
        tpu.wait_dma2 semaphore(%run_scoped3A : memref<!tpu.dma_semaphore, #tpu.memory_space<semaphore_mem>>) src(%arg6 : memref<10000xf32, #tpu.memory_space<vmem>>) dst(%arg7 : memref<10000xf32, #tpu.memory_space<vmem_shared>>)
        tpu.yield
      }) : () -> ()
    } else {
    }
    "tpu.region"() ({
      %run_scoped3A = tpu.sem_alloc : memref<!tpu.dma_semaphore, #tpu.memory_space<semaphore_mem>>
      %dma_start3A = arith.constant 0 : i32
      %dma_start3A_26 = arith.constant 0 : i32
      %dma_start3A_27 = tpu.memref_slice %arg2[%add3A, %dma_start3A, %dma_start3A_26] : memref<32x125x80xi32, #tpu.memory_space<hbm>> -> memref<1x125x80xi32, #tpu.memory_space<hbm>>
      %dma_start3A_28 = tpu.memref_squeeze %dma_start3A_27 : memref<1x125x80xi32, #tpu.memory_space<hbm>> -> memref<125x80xi32, #tpu.memory_space<hbm>>
      %dma_start3A_29 = arith.constant 0 : i32
      %dma_start3A_30 = arith.constant 0 : i32
      %dma_start3A_31 = tpu.memref_slice %arg2[%add3A, %dma_start3A_29, %dma_start3A_30] : memref<32x125x80xi32, #tpu.memory_space<hbm>> -> memref<1x125x80xi32, #tpu.memory_space<hbm>>
      %dma_start3A_32 = tpu.memref_squeeze %dma_start3A_31 : memref<1x125x80xi32, #tpu.memory_space<hbm>> -> memref<125x80xi32, #tpu.memory_space<hbm>>
      tpu.enqueue_dma source(%dma_start3A_32 : memref<125x80xi32, #tpu.memory_space<hbm>>) target(%arg4 : memref<125x80xi32, #tpu.memory_space<vmem>>) target_semaphore(%run_scoped3A : memref<!tpu.dma_semaphore, #tpu.memory_space<semaphore_mem>>)
      %dma_wait3A = arith.constant 0 : i32
      %dma_wait3A_33 = arith.constant 0 : i32
      %dma_wait3A_34 = tpu.memref_slice %arg2[%add3A, %dma_wait3A, %dma_wait3A_33] : memref<32x125x80xi32, #tpu.memory_space<hbm>> -> memref<1x125x80xi32, #tpu.memory_space<hbm>>
      %dma_wait3A_35 = tpu.memref_squeeze %dma_wait3A_34 : memref<1x125x80xi32, #tpu.memory_space<hbm>> -> memref<125x80xi32, #tpu.memory_space<hbm>>
      %dma_wait3A_36 = arith.constant 0 : i32
      %dma_wait3A_37 = arith.constant 0 : i32
      %dma_wait3A_38 = tpu.memref_slice %arg2[%add3A, %dma_wait3A_36, %dma_wait3A_37] : memref<32x125x80xi32, #tpu.memory_space<hbm>> -> memref<1x125x80xi32, #tpu.memory_space<hbm>>
      %dma_wait3A_39 = tpu.memref_squeeze %dma_wait3A_38 : memref<1x125x80xi32, #tpu.memory_space<hbm>> -> memref<125x80xi32, #tpu.memory_space<hbm>>
      tpu.wait_dma2 semaphore(%run_scoped3A : memref<!tpu.dma_semaphore, #tpu.memory_space<semaphore_mem>>) src(%dma_wait3A_39 : memref<125x80xi32, #tpu.memory_space<hbm>>) dst(%arg4 : memref<125x80xi32, #tpu.memory_space<vmem>>)
      tpu.yield
    }) : () -> ()
    %barrier3A = arith.constant 0 : index
    tpu.barrier barrier_id(%barrier3A)
    %scan3A_14 = arith.constant 0 : i32
    %scan3A_15 = arith.constant 0 : i32
    %scan3A_16 = arith.constant 125 : i32
    %scan3A_17 = arith.addi %scan3A_15, %scan3A_16 : i32
    %scan3A_18 = arith.constant 1 : i32
    scf.for %scan3A_26 = %scan3A_15 to %scan3A_17 step %scan3A_18  : i32 {
      "tpu.region"() ({
        %run_scoped3A = tpu.sem_alloc : memref<!tpu.dma_semaphore, #tpu.memory_space<semaphore_mem>>
        %dma_start3A = arith.constant 0 : i32
        %dma_start3A_27 = tpu.memref_slice %arg4[%scan3A_26, %dma_start3A] : memref<125x80xi32, #tpu.memory_space<vmem>> -> memref<1x80xi32, #tpu.memory_space<vmem>>
        %dma_start3A_28 = tpu.memref_squeeze %dma_start3A_27 : memref<1x80xi32, #tpu.memory_space<vmem>> -> memref<80xi32, #tpu.memory_space<vmem>>
        %dma_start3A_29 = arith.constant 0 : i32
        %dma_start3A_30 = tpu.memref_slice %arg7[%dma_start3A_29] : memref<10000xf32, #tpu.memory_space<vmem_shared>> -> memref<10000xf32, #tpu.memory_space<vmem_shared>>
        tpu.enqueue_indirect_dma source(%arg5 : memref<80xf32, #tpu.memory_space<vmem>>) target(%dma_start3A_30 : memref<10000xf32, #tpu.memory_space<vmem_shared>>) offsets(%dma_start3A_28 : memref<80xi32, #tpu.memory_space<vmem>>) semaphore(%run_scoped3A : memref<!tpu.dma_semaphore, #tpu.memory_space<semaphore_mem>>) {add = true}
        %dma_wait3A = arith.constant 0 : i32
        %dma_wait3A_31 = tpu.memref_slice %arg4[%scan3A_26, %dma_wait3A] : memref<125x80xi32, #tpu.memory_space<vmem>> -> memref<1x80xi32, #tpu.memory_space<vmem>>
        %dma_wait3A_32 = tpu.memref_squeeze %dma_wait3A_31 : memref<1x80xi32, #tpu.memory_space<vmem>> -> memref<80xi32, #tpu.memory_space<vmem>>
        %dma_wait3A_33 = arith.constant 0 : i32
        %dma_wait3A_34 = tpu.memref_slice %arg7[%dma_wait3A_33] : memref<10000xf32, #tpu.memory_space<vmem_shared>> -> memref<10000xf32, #tpu.memory_space<vmem_shared>>
        tpu.wait_indirect_dma semaphore(%run_scoped3A : memref<!tpu.dma_semaphore, #tpu.memory_space<semaphore_mem>>) src(%arg5 : memref<80xf32, #tpu.memory_space<vmem>>) dst(%dma_wait3A_34 : memref<10000xf32, #tpu.memory_space<vmem_shared>>)
        tpu.yield
      }) : () -> ()
    }
    %scan3A_19 = arith.constant 125 : i32
    %barrier3A_20 = arith.constant 0 : index
    tpu.barrier barrier_id(%barrier3A_20)
    %eq3A_21 = arith.constant 0 : i32
    %eq3A_22 = arith.cmpi eq, %arg1, %eq3A_21 : i32
    %convert_element_type3A_23 = arith.extui %eq3A_22 : i1 to i32
    %cond3A_24 = arith.constant 0 : i32
    %cond3A_25 = arith.cmpi ne, %convert_element_type3A_23, %cond3A_24 : i32
    scf.if %cond3A_25 {
      "tpu.region"() ({
        %run_scoped3A = tpu.sem_alloc : memref<!tpu.dma_semaphore, #tpu.memory_space<semaphore_mem>>
        %dma_start3A = arith.constant 0 : i32
        %dma_start3A_26 = tpu.memref_slice %arg3[%arg0, %dma_start3A] : memref<2x10000xf32, #tpu.memory_space<hbm>> -> memref<1x10000xf32, #tpu.memory_space<hbm>>
        %dma_start3A_27 = tpu.memref_squeeze %dma_start3A_26 : memref<1x10000xf32, #tpu.memory_space<hbm>> -> memref<10000xf32, #tpu.memory_space<hbm>>
        tpu.enqueue_dma source(%arg7 : memref<10000xf32, #tpu.memory_space<vmem_shared>>) target(%dma_start3A_27 : memref<10000xf32, #tpu.memory_space<hbm>>) target_semaphore(%run_scoped3A : memref<!tpu.dma_semaphore, #tpu.memory_space<semaphore_mem>>)
        %dma_wait3A = arith.constant 0 : i32
        %dma_wait3A_28 = tpu.memref_slice %arg3[%arg0, %dma_wait3A] : memref<2x10000xf32, #tpu.memory_space<hbm>> -> memref<1x10000xf32, #tpu.memory_space<hbm>>
        %dma_wait3A_29 = tpu.memref_squeeze %dma_wait3A_28 : memref<1x10000xf32, #tpu.memory_space<hbm>> -> memref<10000xf32, #tpu.memory_space<hbm>>
        tpu.wait_dma2 semaphore(%run_scoped3A : memref<!tpu.dma_semaphore, #tpu.memory_space<semaphore_mem>>) src(%arg7 : memref<10000xf32, #tpu.memory_space<vmem_shared>>) dst(%dma_wait3A_29 : memref<10000xf32, #tpu.memory_space<hbm>>)
        tpu.yield
      }) : () -> ()
    } else {
    }
    return
  }
}

module attributes {stable_mosaic.version = 14 : i64} {
  func.func @_tc_lin_body(%arg0: memref<10000x128xf32, #tpu.memory_space<vmem>>, %arg1: memref<128x128xf32, #tpu.memory_space<vmem>>, %arg2: memref<1x128xf32, #tpu.memory_space<vmem>>, %arg3: memref<10000x1xf32, #tpu.memory_space<vmem>>, %arg4: memref<10000x1xf32, #tpu.memory_space<vmem>>, %arg5: memref<10000x128xf32, #tpu.memory_space<vmem>>, %arg6: memref<10000x1xf32, #tpu.memory_space<vmem>>) attributes {dimension_semantics = [], scalar_prefetch = 0 : i64, scratch_operands = 0 : i64, tpu.core_type = #tpu.core_type<tc>} {
    %get3A = arith.constant 0 : index
    %get3A_0 = arith.constant 0 : index
    %get3A_1 = vector.load %arg3[%get3A, %get3A_0] : memref<10000x1xf32, #tpu.memory_space<vmem>>, vector<10000x1xf32>
    %get3A_2 = arith.constant 0 : index
    %get3A_3 = arith.constant 0 : index
    %get3A_4 = vector.load %arg4[%get3A_2, %get3A_3] : memref<10000x1xf32, #tpu.memory_space<vmem>>, vector<10000x1xf32>
    %add3A = arith.addf %get3A_1, %get3A_4 : vector<10000x1xf32>
    %max3A = arith.constant 1.000000e+00 : f32
    %max3A_5 = vector.broadcast %max3A : f32 to vector<10000x1xf32>
    %max3A_6 = arith.maximumf %add3A, %max3A_5 : vector<10000x1xf32>
    %rsqrt3A = math.rsqrt %max3A_6 : vector<10000x1xf32>
    %get3A_7 = arith.constant 0 : index
    %get3A_8 = arith.constant 0 : index
    %get3A_9 = vector.load %arg0[%get3A_7, %get3A_8] : memref<10000x128xf32, #tpu.memory_space<vmem>>, vector<10000x128xf32>
    %get3A_10 = arith.constant 0 : index
    %get3A_11 = arith.constant 0 : index
    %get3A_12 = vector.load %arg1[%get3A_10, %get3A_11] : memref<128x128xf32, #tpu.memory_space<vmem>>, vector<128x128xf32>
    %dot_general3A = arith.constant dense<0.000000e+00> : vector<10000x128xf32>
    %dot_general3A_13 = tpu.matmul %get3A_9, %get3A_12, %dot_general3A {dimension_numbers = #tpu.dot_dimension_numbers<[1], [0], [0], [1], [0, 0, 1, 1], [], []>, transpose_lhs_hint = false} : vector<10000x128xf32>, vector<128x128xf32>, vector<10000x128xf32> -> vector<10000x128xf32>
    %get3A_14 = arith.constant 0 : index
    %get3A_15 = arith.constant 0 : index
    %get3A_16 = vector.load %arg2[%get3A_14, %get3A_15] : memref<1x128xf32, #tpu.memory_space<vmem>>, vector<1x128xf32>
    %add3A_17 = vector.broadcast %get3A_16 : vector<1x128xf32> to vector<10000x128xf32>
    %add3A_18 = arith.addf %dot_general3A_13, %add3A_17 : vector<10000x128xf32>
    %mul3A = vector.broadcast %rsqrt3A : vector<10000x1xf32> to vector<10000x128xf32>
    %mul3A_19 = arith.mulf %add3A_18, %mul3A : vector<10000x128xf32>
    %swap3A = arith.constant 0 : index
    %swap3A_20 = arith.constant 0 : index
    %swap3A_21 = vector.load %arg5[%swap3A, %swap3A_20] : memref<10000x128xf32, #tpu.memory_space<vmem>>, vector<10000x128xf32>
    tpu.vector_store %arg5[%swap3A, %swap3A_20], %mul3A_19 {strides = array<i32>} : memref<10000x128xf32, #tpu.memory_space<vmem>>, vector<10000x128xf32>,
    %swap3A_22 = arith.constant 0 : index
    %swap3A_23 = arith.constant 0 : index
    %swap3A_24 = vector.load %arg6[%swap3A_22, %swap3A_23] : memref<10000x1xf32, #tpu.memory_space<vmem>>, vector<10000x1xf32>
    tpu.vector_store %arg6[%swap3A_22, %swap3A_23], %rsqrt3A {strides = array<i32>} : memref<10000x1xf32, #tpu.memory_space<vmem>>, vector<10000x1xf32>,
    return
  }
}

module attributes {stable_mosaic.version = 14 : i64} {
  func.func @_tc_layer_body(%arg0: memref<10240x128xf32, #tpu.memory_space<vmem>>, %arg1: memref<10240x128xf32, #tpu.memory_space<vmem>>, %arg2: memref<10000x1xf32, #tpu.memory_space<vmem>>, %arg3: memref<128x128xf32, #tpu.memory_space<vmem>>, %arg4: memref<1x128xf32, #tpu.memory_space<vmem>>, %arg5: memref<1x1xf32, #tpu.memory_space<vmem>>, %arg6: memref<10000x128xf32, #tpu.memory_space<vmem>>) attributes {dimension_semantics = [], scalar_prefetch = 0 : i64, scratch_operands = 0 : i64, tpu.core_type = #tpu.core_type<tc>} {
    %get3A = arith.constant 0 : index
    %get3A_0 = arith.constant 0 : index
    %get3A_1 = vector.load %arg2[%get3A, %get3A_0] : memref<10000x1xf32, #tpu.memory_space<vmem>>, vector<10000x1xf32>
    %get3A_2 = arith.constant 0 : index
    %get3A_3 = arith.constant 0 : index
    %get3A_4 = vector.load %arg0[%get3A_2, %get3A_3] : memref<10240x128xf32, #tpu.memory_space<vmem>>, vector<10240x128xf32>
    %slice3A = vector.extract_strided_slice %get3A_4 {offsets = [0, 0], sizes = [10000, 128], strides = [1, 1]} : vector<10240x128xf32> to vector<10000x128xf32>
    %get3A_5 = arith.constant 0 : index
    %get3A_6 = arith.constant 0 : index
    %get3A_7 = vector.load %arg1[%get3A_5, %get3A_6] : memref<10240x128xf32, #tpu.memory_space<vmem>>, vector<10240x128xf32>
    %slice3A_8 = vector.extract_strided_slice %get3A_7 {offsets = [0, 0], sizes = [10000, 128], strides = [1, 1]} : vector<10240x128xf32> to vector<10000x128xf32>
    %add3A = arith.addf %slice3A, %slice3A_8 : vector<10000x128xf32>
    %mul3A = vector.broadcast %get3A_1 : vector<10000x1xf32> to vector<10000x128xf32>
    %mul3A_9 = arith.mulf %add3A, %mul3A : vector<10000x128xf32>
    %get3A_10 = arith.constant 0 : index
    %get3A_11 = arith.constant 0 : index
    %get3A_12 = vector.load %arg3[%get3A_10, %get3A_11] : memref<128x128xf32, #tpu.memory_space<vmem>>, vector<128x128xf32>
    %dot_general3A = arith.constant dense<0.000000e+00> : vector<10000x128xf32>
    %dot_general3A_13 = tpu.matmul %mul3A_9, %get3A_12, %dot_general3A {dimension_numbers = #tpu.dot_dimension_numbers<[1], [0], [0], [1], [0, 0, 1, 1], [], []>, transpose_lhs_hint = false} : vector<10000x128xf32>, vector<128x128xf32>, vector<10000x128xf32> -> vector<10000x128xf32>
    %get3A_14 = arith.constant 0 : index
    %get3A_15 = arith.constant 0 : index
    %get3A_16 = vector.load %arg4[%get3A_14, %get3A_15] : memref<1x128xf32, #tpu.memory_space<vmem>>, vector<1x128xf32>
    %add3A_17 = vector.broadcast %get3A_16 : vector<1x128xf32> to vector<10000x128xf32>
    %add3A_18 = arith.addf %dot_general3A_13, %add3A_17 : vector<10000x128xf32>
    %ge3A = arith.constant 0.000000e+00 : f32
    %ge3A_19 = vector.broadcast %ge3A : f32 to vector<10000x128xf32>
    %ge3A_20 = arith.cmpf oge, %add3A_18, %ge3A_19 : vector<10000x128xf32>
    %get3A_21 = arith.constant 0 : index
    %get3A_22 = arith.constant 0 : index
    %get3A_23 = vector.load %arg5[%get3A_21, %get3A_22] : memref<1x1xf32, #tpu.memory_space<vmem>>, vector<1x1xf32>
    %mul3A_24 = vector.broadcast %get3A_23 : vector<1x1xf32> to vector<10000x128xf32>
    %mul3A_25 = arith.mulf %mul3A_24, %add3A_18 : vector<10000x128xf32>
    %select_n3A = arith.select %ge3A_20, %add3A_18, %mul3A_25 : vector<10000x128xi1>, vector<10000x128xf32>
    %mul3A_26 = vector.broadcast %get3A_1 : vector<10000x1xf32> to vector<10000x128xf32>
    %mul3A_27 = arith.mulf %select_n3A, %mul3A_26 : vector<10000x128xf32>
    %swap3A = arith.constant 0 : index
    %swap3A_28 = arith.constant 0 : index
    %swap3A_29 = vector.load %arg6[%swap3A, %swap3A_28] : memref<10000x128xf32, #tpu.memory_space<vmem>>, vector<10000x128xf32>
    tpu.vector_store %arg6[%swap3A, %swap3A_28], %mul3A_27 {strides = array<i32>} : memref<10000x128xf32, #tpu.memory_space<vmem>>, vector<10000x128xf32>,
    return
  }
}

module attributes {stable_mosaic.version = 14 : i64} {
  func.func @_tc_layer_body(%arg0: memref<10240x128xf32, #tpu.memory_space<vmem>>, %arg1: memref<10240x128xf32, #tpu.memory_space<vmem>>, %arg2: memref<10000x1xf32, #tpu.memory_space<vmem>>, %arg3: memref<128x128xf32, #tpu.memory_space<vmem>>, %arg4: memref<1x128xf32, #tpu.memory_space<vmem>>, %arg5: memref<1x1xf32, #tpu.memory_space<vmem>>, %arg6: memref<10000x128xf32, #tpu.memory_space<vmem>>) attributes {dimension_semantics = [], scalar_prefetch = 0 : i64, scratch_operands = 0 : i64, tpu.core_type = #tpu.core_type<tc>} {
    %get3A = arith.constant 0 : index
    %get3A_0 = arith.constant 0 : index
    %get3A_1 = vector.load %arg2[%get3A, %get3A_0] : memref<10000x1xf32, #tpu.memory_space<vmem>>, vector<10000x1xf32>
    %get3A_2 = arith.constant 0 : index
    %get3A_3 = arith.constant 0 : index
    %get3A_4 = vector.load %arg0[%get3A_2, %get3A_3] : memref<10240x128xf32, #tpu.memory_space<vmem>>, vector<10240x128xf32>
    %slice3A = vector.extract_strided_slice %get3A_4 {offsets = [0, 0], sizes = [10000, 128], strides = [1, 1]} : vector<10240x128xf32> to vector<10000x128xf32>
    %get3A_5 = arith.constant 0 : index
    %get3A_6 = arith.constant 0 : index
    %get3A_7 = vector.load %arg1[%get3A_5, %get3A_6] : memref<10240x128xf32, #tpu.memory_space<vmem>>, vector<10240x128xf32>
    %slice3A_8 = vector.extract_strided_slice %get3A_7 {offsets = [0, 0], sizes = [10000, 128], strides = [1, 1]} : vector<10240x128xf32> to vector<10000x128xf32>
    %add3A = arith.addf %slice3A, %slice3A_8 : vector<10000x128xf32>
    %mul3A = vector.broadcast %get3A_1 : vector<10000x1xf32> to vector<10000x128xf32>
    %mul3A_9 = arith.mulf %add3A, %mul3A : vector<10000x128xf32>
    %get3A_10 = arith.constant 0 : index
    %get3A_11 = arith.constant 0 : index
    %get3A_12 = vector.load %arg3[%get3A_10, %get3A_11] : memref<128x128xf32, #tpu.memory_space<vmem>>, vector<128x128xf32>
    %dot_general3A = arith.constant dense<0.000000e+00> : vector<10000x128xf32>
    %dot_general3A_13 = tpu.matmul %mul3A_9, %get3A_12, %dot_general3A {dimension_numbers = #tpu.dot_dimension_numbers<[1], [0], [0], [1], [0, 0, 1, 1], [], []>, transpose_lhs_hint = false} : vector<10000x128xf32>, vector<128x128xf32>, vector<10000x128xf32> -> vector<10000x128xf32>
    %get3A_14 = arith.constant 0 : index
    %get3A_15 = arith.constant 0 : index
    %get3A_16 = vector.load %arg4[%get3A_14, %get3A_15] : memref<1x128xf32, #tpu.memory_space<vmem>>, vector<1x128xf32>
    %add3A_17 = vector.broadcast %get3A_16 : vector<1x128xf32> to vector<10000x128xf32>
    %add3A_18 = arith.addf %dot_general3A_13, %add3A_17 : vector<10000x128xf32>
    %ge3A = arith.constant 0.000000e+00 : f32
    %ge3A_19 = vector.broadcast %ge3A : f32 to vector<10000x128xf32>
    %ge3A_20 = arith.cmpf oge, %add3A_18, %ge3A_19 : vector<10000x128xf32>
    %get3A_21 = arith.constant 0 : index
    %get3A_22 = arith.constant 0 : index
    %get3A_23 = vector.load %arg5[%get3A_21, %get3A_22] : memref<1x1xf32, #tpu.memory_space<vmem>>, vector<1x1xf32>
    %mul3A_24 = vector.broadcast %get3A_23 : vector<1x1xf32> to vector<10000x128xf32>
    %mul3A_25 = arith.mulf %mul3A_24, %add3A_18 : vector<10000x128xf32>
    %select_n3A = arith.select %ge3A_20, %add3A_18, %mul3A_25 : vector<10000x128xi1>, vector<10000x128xf32>
    %swap3A = arith.constant 0 : index
    %swap3A_26 = arith.constant 0 : index
    %swap3A_27 = vector.load %arg6[%swap3A, %swap3A_26] : memref<10000x128xf32, #tpu.memory_space<vmem>>, vector<10000x128xf32>
    tpu.vector_store %arg6[%swap3A, %swap3A_26], %select_n3A {strides = array<i32>} : memref<10000x128xf32, #tpu.memory_space<vmem>>, vector<10000x128xf32>,
    return
  }
}

</mosaic_0001>

<sc_bundles>
// kernel: kernel.11.cloned.1.call-start
scs
__scs_entry_jumppad:
0x0: {  	(pc) =	sbr.rel $0x88, $3  }
0x1: {  	(tag) =	ssettag $0x0;
	lr =	simm.s32 $0x1  }
0x2: {  	[smem:$0x3F97] =	sst lr;
	_ =	strace $0xD0000000  }
0x3: {  	_ = 	snop  }
0x4: {  	_ = 	snop  }
0x5: {  	_ = 	snop  }
0x6: {  	_ = 	snop  }
0x7: {  	_ = 	snop  }
__scs_overlays_trampoline_lowered:
0x8: {  	[smem:$0x3FA6] =	sst s0  }
0x9: {  	[smem:$0x3FA7] =	sst s1  }
0xa: {  	[smem:$0x3FA8] =	sst s2  }
0xb: {  	[smem:$0x3FA9] =	sst s3  }
0xc: {  	[smem:$0x3FAA] =	sst s4  }
0xd: {  	[smem:$0x3FAB] =	sst s5  }
0xe: {  	[smem:$0x3FAC] =	sst s6  }
0xf: {  	[smem:$0x3FAD] =	sst s7  }
0x10: {  	[smem:$0x3FAE] =	sst s8  }
0x11: {  	[smem:$0x3FAF] =	sst s9;
	s0 =	simm.s32 @!p0 $0x0  }
0x12: {  	s1 =	sld [smem:$0x3F95];
	s0 =	simm.s32 @p0 $0x1  }
0x13: {  	[smem:$0x3FB0] =	sst s0;
	s0 =	simm.s32 @!p1 $0x0  }
0x14: {  	s2 =	sld [smem:$0x3F94];
	s0 =	simm.s32 @p1 $0x1  }
0x15: {  	[smem:$0x3FB1] =	sst s0;
	s0 =	simm.s32 @!p2 $0x0  }
0x16: {  	s3 =	sld [smem:$0x3FDB];
	s0 =	simm.s32 @p2 $0x1  }
0x17: {  	s4 =	simm.s32 $0x1BF5;
	[smem:$0x3FB3] =	sst s0  }
0x18: {  	s0 =	sld [smem:$0x3F96];
	_ =	swait.ge [sflag:s4], $0x0  }
0x19: {  	s7 =	sld [smem:$0x3F97]  }
0x1a: {  	s8 =	sadd.s32 $0xFFFFE003, lr  }
0x1b: {  	s9 =	sadd.s32 $0xFFFFFEF7, lr;
	s5 =	simm.s32 $0xFFFFFFFF;
	p2 =	slt.u32 s8, $0xFFFFF086  }
0x1c: {  	p1 =	slt.u32 s9, $0xF7A;
	s5 =	simm.s32 @!p2 $0x0  }
0x1d: {  	s5 =	simm.s32 @p1 $0x1;
	p0 =	seq.s32 s7, s2  }
0x1e: {  	s7 =	smul.u32 @!p0 $0xF7A, s2;
	p2 =	seq.s32 @!p0 s5, $0x0  }
0x1f: {  	s9 =	smul.u32 $0xF7A, s1;
	s8 =	simm.s32 @!p0 $0x1BF5;
	p2 =	por !p2, p0  }
0x20: {  	[sflag:s8] =	ssyncset.s32 @!p0 $0xFFFFF086;
	s6 =	sadd.s32 @!p0 s3, s7;
	s7 =	simm.s32 @!p0 $0x108  }
0x21: {  	s3 =	sadd.s32 s3, s9;
	s6 =	sadd.s32 @!p0 $0x88, s6;
	s7 =	simm.s32 @p2 $0x1082  }
0x22: {  	[simem:s7], [sflag:s8] =	dma.local @!p0 [hbm:s6], $0xF7A  }
0x23: {  	s9 =	sor.u32 $0xD0000000, s2;
	s6 =	simm.s32 $0x108;
	_ =	swait.ge @!p0 [sflag:s8], $0x0  }
0x24: {  	s3 =	sadd.s32 $0x88, s3;
	s6 =	simm.s32 @!p1 $0x1082;
	[sflag:s4] =	ssyncset.s32 $0xFFFFF086  }
0x25: {  	[simem:s6], [sflag:s4] =	dma.local [hbm:s3], $0xF7A  }
0x26: {  	[smem:$0x3F97] =	sst s1;
	(tag) =	ssettag s2;
	_ =	strace s9  }
0x27: {  	s1 =	sld [smem:$0x3FA7]  }
0x28: {  	s2 =	sld [smem:$0x3FA8]  }
0x29: {  	s4 =	sld [smem:$0x3FAA]  }
0x2a: {  	p0 =	seq.s32 s5, $0x0;
	s5 =	sld [smem:$0x3FAB]  }
0x2b: {  	s6 =	sld [smem:$0x3FAC]  }
0x2c: {  	s7 =	sld [smem:$0x3FAD]  }
0x2d: {  	s3 =	simm.s32 $0x108;
	s8 =	sld [smem:$0x3FAE]  }
0x2e: {  	s3 =	simm.s32 @!p0 $0x1082;
	s9 =	sld [smem:$0x3FAF]  }
0x2f: {  	lr =	sadd.s32 s0, s3;
	s0 =	sld [smem:$0x3FA6]  }
0x30: {  	s3 =	sld [smem:$0x3FA9]  }
0x31: {  	[smem:$0x3FB2] =	sst s10  }
0x32: {  	s10 =	sld [smem:$0x3FB0];
	_ =	sdelay $0x3  }
0x33: {  	p0 =	seq.s32 s10, $0x1;
	s10 =	sld [smem:$0x3FB2];
	_ =	sdelay $0x3  }
0x34: {  	[smem:$0x3FB2] =	sst s10  }
0x35: {  	s10 =	sld [smem:$0x3FB1];
	_ =	sdelay $0x3  }
0x36: {  	p1 =	seq.s32 s10, $0x1;
	s10 =	sld [smem:$0x3FB2];
	_ =	sdelay $0x3  }
0x37: {  	[smem:$0x3FB2] =	sst s10  }
0x38: {  	s10 =	sld [smem:$0x3FB3]  }
0x39: {  	_ = 	snop;
	(pc) =	sbr.ind lr, $3  }
0x3a: {  	_ = 	snop  }
0x3b: {  	_ = 	snop  }
0x3c: {  	p2 =	seq.s32 s10, $0x1;
	s10 =	sld [smem:$0x3FB2]  }
0x3d: {  	_ =	shalt  }
0x3e: {  	_ =	shalt  }
0x3f: {  	_ =	shalt  }
0x40: {  	_ =	shalt  }
0x41: {  	_ =	shalt  }
0x42: {  	_ =	shalt  }
0x43: {  	_ =	shalt  }
0x44: {  	_ =	shalt  }
0x45: {  	_ =	shalt  }
0x46: {  	_ =	shalt  }
0x47: {  	_ =	shalt  }
0x48: {  	_ =	shalt  }
0x49: {  	_ =	shalt  }
0x4a: {  	_ =	shalt  }
0x4b: {  	_ =	shalt  }
0x4c: {  	_ =	shalt  }
0x4d: {  	_ =	shalt  }
0x4e: {  	_ =	shalt  }
0x4f: {  	_ =	shalt  }
0x50: {  	_ =	shalt  }
0x51: {  	_ =	shalt  }
0x52: {  	_ =	shalt  }
0x53: {  	_ =	shalt  }
0x54: {  	_ =	shalt  }
0x55: {  	_ =	shalt  }
0x56: {  	_ =	shalt  }
0x57: {  	_ =	shalt  }
0x58: {  	_ =	shalt  }
0x59: {  	_ =	shalt  }
0x5a: {  	_ =	shalt  }
0x5b: {  	_ =	shalt  }
0x5c: {  	_ =	shalt  }
0x5d: {  	_ =	shalt  }
0x5e: {  	_ =	shalt  }
0x5f: {  	_ =	shalt  }
0x60: {  	_ =	shalt  }
0x61: {  	_ =	shalt  }
0x62: {  	_ =	shalt  }
0x63: {  	_ =	shalt  }
0x64: {  	_ =	shalt  }
0x65: {  	_ =	shalt  }
0x66: {  	_ =	shalt  }
0x67: {  	_ =	shalt  }
0x68: {  	_ =	shalt  }
0x69: {  	_ =	shalt  }
0x6a: {  	_ =	shalt  }
0x6b: {  	_ =	shalt  }
0x6c: {  	_ =	shalt  }
0x6d: {  	_ =	shalt  }
0x6e: {  	_ =	shalt  }
0x6f: {  	_ =	shalt  }
0x70: {  	_ =	shalt  }
0x71: {  	_ =	shalt  }
0x72: {  	_ =	shalt  }
0x73: {  	_ =	shalt  }
0x74: {  	_ =	shalt  }
0x75: {  	_ =	shalt  }
0x76: {  	_ =	shalt  }
0x77: {  	_ =	shalt  }
0x78: {  	_ =	shalt  }
0x79: {  	_ =	shalt  }
0x7a: {  	_ =	shalt  }
0x7b: {  	_ =	shalt  }
0x7c: {  	_ =	shalt  }
0x7d: {  	_ =	shalt  }
0x7e: {  	_ =	shalt  }
0x7f: {  	_ =	shalt  }
0x80: {  	_ =	shalt  }
0x81: {  	_ =	shalt  }
0x82: {  	_ =	shalt  }
0x83: {  	_ =	shalt  }
0x84: {  	_ =	shalt  }
0x85: {  	_ =	shalt  }
0x86: {  	_ =	shalt  }
0x87: {  	_ =	shalt  }
.Lfunc_end0:
.L_simem_size_0:
called_computation.1_lowered:
.L_overlay_start_0:
0x88: {  	s2 =	sld [smem:$0x3FD9]  }
0x89: {  	s3 =	sld [smem:$0x3FFE];
	_ =	sdelay $0x1  }
0x8a: {  	s1 =	srdreg.scid  }
0x8b: {  	s0 =	sand.u32 $0x1, s1  }
0x8c: {  	s17 =	sshll.u32 s0, $0xA;
	s2 =	sadd.s32 s3, s2  }
0x8d: {  	s2 =	sadd.s32 s2, s17  }
0x8e: {  	[smem:$0x3FBE] =	sst s2  }
0x8f: {  	_ = 	snop  }
0x90: {  	s2 =	sld [smem:$0x3FD0];
	(tm) =	ssettm $0x1  }
0x91: {  	s18 =	sld [smem:$0x3FFB];
	_ =	sdelay $0x3  }
0x92: {  	_ =	strace s18  }
0x93: {  	s3 =	sld [smem:$0x3FFC];
	_ =	sdelay $0x3  }
0x94: {  	_ =	strace s3  }
0x95: {  	s3 =	sld [smem:$0x3FFD];
	_ =	sdelay $0x3  }
0x96: {  	_ =	strace s3  }
0x97: {  	_ =	strace $0x8FFFFFFF  }
0x98: {  	s19 =	sld [smem:$0x3FDB];
	_ =	sdelay $0x1  }
0x99: {  	s4 =	simm.s32 $_scs_section_size  }
0x9a: {  	s5 =	simm.s32 $_size__tile_overlayer_lowered;
	s6 =	simm.s32 $_tile_overlayer_lowered  }
0x9b: {  	s22 =	simm.s32 $0x1BFF;
	s21 =	sshll.u32 s6, $0x1;
	s3 =	sadd.s32 s4, s19  }
0x9c: {  	s7 =	simm.s32 $0x0;
	s20 =	sshll.u32 s5, $0x1;
	s5 =	sadd.s32 s21, s3  }
0x9d: {  	[timem:s7], [sflag:s22] =	dma.local [hbm:s5], s20  }
0x9e: {  	_ =	swait.ge [sflag:s22], s20  }
0x9f: {  	s4 =	ssub.s32 $0x0, s20;
	[sflag:s22] =	ssyncset.done $0x0  }
0xa0: {  	[sflag:s22] =	ssyncadd.s32 s4;
	_ =	sdelay $0x1  }
0xa1: {  	s23 =	simm.s32 $0x1B8B  }
0xa2: {  	_ =	swait.ge [sflag:s23], $0x1  }
0xa3: {  	[sflag:s23] =	ssyncset.done $0x0  }
0xa4: {  	s25 =	simm.s32 $0x1B8E;
	s24 =	sld [smem:$0x3FFE];
	[sflag:s23] =	ssyncadd.s32 $0xFFFFFFFF  }
0xa5: {  	s26 =	simm.s32 $execute0_lowered;
	[smem:$0x3FD2] =	sst s25  }
0xa6: {  	s5 =	sshll.u32 s26, $0x1;
	_ =	strace $0x80000049;
	[dreg:$0x1] =	wrdreg $0xFFFFFFFF  }
0xa7: {  	s28 =	simm.s32 $_size_execute0_lowered;
	s3 =	sadd.s32 s3, s5;
	[dreg:$0x0] =	wrdreg $0x0  }
0xa8: {  	s5 =	sshll.u32 s28, $0x1;
	[dreg:$0x2] =	wrdreg s3  }
0xa9: {  	[dreg:$0x3] =	wrdreg s5  }
0xaa: {  	[dreg:$0x4] =	wrdreg $0xC0  }
0xab: {  	_ =	task [dreg:s7], $0x5FFFF  }
0xac: {  	[dreg:$0x1] =	wrdreg $0xFFFFFFFF  }
0xad: {  	[dreg:$0x0] =	wrdreg $0x60  }
0xae: {  	[dreg:$0x2] =	wrdreg s2  }
0xaf: {  	[dreg:$0x3] =	wrdreg s24  }
0xb0: {  	[dreg:$0x4] =	wrdreg $0xBC000  }
0xb1: {  	[dreg:$0x5] =	wrdreg $0x9  }
0xb2: {  	_ =	task.clear_ibuf [dreg:s7], $0x6FFFF;
	_ =	strace $0x90000049  }
0xb3: {  	s29 =	simm.s32 $0x9;
	_ =	strace $0x8000004B  }
0xb4: {  	_ =	swait.ge [sflag:s29], $0x1  }
0xb5: {  	[sflag:s29] =	ssyncadd.s32 $0xFFFFFFFF  }
0xb6: {  	_ =	strace $0x9000004B  }
0xb7: {  	_ =	sfence  }
0xb8: {  	s30 =	sld [smem:$0x0];
	_ =	sdelay $0x2  }
0xb9: {  	s31 =	sshll.u32 s1, $0xD;
	s1 =	sshrl.u32 s1, $0x2  }
0xba: {  	s3 =	sand.u32 $0x4000, s31;
	s1 =	sadd.s32 s1, s30  }
0xbb: {  	s0 =	sor.u32 s3, s0;
	s1 =	sshll.u32 s1, $0x11  }
0xbc: {  	s0 =	sor.u32 s1, s0  }
0xbd: {  	s0 =	sadd.s32 $0x8F2B, s0  }
0xbe: {  	[sflag:s0] =	ssyncadd.remote.s32 $0x1  }
0xbf: {  	_ =	sfence.sel $0xFFFF  }
0xc0: {  	[dreg:$0x0] =	wrdreg $0xFFFFFFFF;
	(pc) =	sbr.abs _section_cstart, $3  }
0xc1: {  	[dreg:$0x1] =	wrdreg $0xFFFFFFFF  }
0xc2: {  	_ =	task.clear_ibuf [dreg:s7], $0x2FFFF;
	_ =	strace $0x9FFFFFFF  }
0xc3: {  	(tm) =	ssettm $0x7FFFFFFF  }
tec
execute0_lowered:
.L_overlay_start_1:
0x0: {  	(tag) =	ssettag $0x1  }
0x1: {  	s1 =	rddreg [dreg:$0x0]  }
0x2: {  	s0 =	rddreg [dreg:$0x1]  }
0x3: {  	s3 =	rddreg [dreg:$0x2];
	s4 =	simm.s32 $0x0;
	s9 =	stileid.u32  }
0x4: {  	s2 =	srdreg.scid;
	s28 =	simm.s32 $0x4000;
	s29 =	simm.s32 $0x4080  }
0x5: {  	s30 =	simm.s32 $0x6C00;
	s31 =	simm.s32 $0x1;
	[smem:$0x7FF] =	sst s4  }
0x6: {  	s5 =	smul.u32 $0x50000, s9;
	s2 =	sand.u32 $0x1, s2;
	s6 =	sshll.u32 s9, $0xB  }
0x7: {  	s9 =	smul.u32 $0x14000, s9;
	_ =	strace $0x8000004A;
	s7 =	ssub.s32 $0x2, s2  }
0x8: {  	s6 =	sadd.s32 s6, s0;
	s0 =	sadd.s32 $0x13000, s0;
	s12 =	smul.u32 $0x140000, s2  }
0x9: {  	s2 =	sshll.u32 s2, $0xF;
	s5 =	sshrl.u32 s5, $0x2;
	s8 =	sshrl.u32 s7, $0x1  }
0xa: {  	s2 =	sadd.s32 s2, s6;
	s17 =	sadd.s32 $0x4000, s9;
	s21 =	sadd.s32 $0x8000, s9  }
0xb: {  	s5 =	sadd.s32 s5, s3;
	s7 =	ssub.s32 s7, s8;
	s16 =	sadd.s32 s9, s12  }
0xc: {  	s2 =	sadd.s32 $0x3000, s2;
	s19 =	sadd.s32 s12, s17;
	s22 =	sadd.s32 s17, s3  }
0xd: {  	s23 =	sadd.s32 s12, s21;
	s6 =	sadd.s32 s21, s3;
	s21 =	simm.s32 $0x7  }
0xe: {  	s26 =	sadd.s32 $0x2800, s5;
	s10 =	sadd.s32 $0x5000, s5;
	[dreg:$0xb] =	wrdreg s2  }
0xf: {  	s11 =	sadd.s32 $0x7800, s5;
	s13 =	sadd.s32 $0xC800, s5;
	[dreg:$0x4] =	wrdreg s26  }
0x10: {  	s14 =	sadd.s32 $0xF000, s5;
	s15 =	sadd.s32 $0x11800, s5;
	[dreg:$0x5] =	wrdreg s10  }
0x11: {  	s18 =	sshrl.u32 s16, $0x3;
	s20 =	sshrl.u32 s19, $0x3;
	[dreg:$0x6] =	wrdreg s11  }
0x12: {  	s19 =	smax.u32 s7, $0x1;
	s22 =	sshrl.u32 s22, $0x3;
	[dreg:$0x8] =	wrdreg s13  }
0x13: {  	s7 =	simm.s32 $0x2;
	s10 =	sadd.s32 $0xA000, s5;
	[dreg:$0x9] =	wrdreg s14  }
0x14: {  	[dreg:$0xa] =	wrdreg s15;
	s2 =	sadd.s32 s0, s18;
	s11 =	sadd.s32 $0xC000, s9  }
0x15: {  	s9 =	sadd.s32 $0x10000, s9;
	s13 =	simm.s32 $0x6;
	[dreg:$0x7] =	wrdreg s10  }
0x16: {  	s14 =	simm.s32 $0x0;
	[dreg:$0xc] =	wrdreg s2;
	s2 =	sadd.s32 s0, s20  }
0x17: {  	s10 =	sshrl.u32 s23, $0x3;
	s24 =	sadd.s32 s12, s11;
	s8 =	sadd.s32 s12, s9  }
0x18: {  	s25 =	sadd.s32 s11, s3;
	s26 =	sadd.s32 s9, s3;
	s20 =	simm.s32 $0x4400  }
0x19: {  	s23 =	sshrl.u32 s6, $0x3;
	s6 =	simm.s32 $0x9400;
	s9 =	simm.s32 $0x4280  }
0x1a: {  	s11 =	simm.s32 $0x5;
	s12 =	simm.s32 $0x4300;
	[dreg:$0xd] =	wrdreg s2  }
0x1b: {  	s10 =	sadd.s32 s0, s10;
	s8 =	sshrl.u32 s8, $0x3;
	s2 =	simm.s32 $0x4100  }
0x1c: {  	[dreg:$0xe] =	wrdreg s10;
	s10 =	sshrl.u32 s24, $0x3;
	s24 =	sshrl.u32 s25, $0x3  }
0x1d: {  	s25 =	sshrl.u32 s26, $0x3;
	s26 =	simm.s32 $0x50;
	s10 =	sadd.s32 s0, s10  }
0x1e: {  	s0 =	sadd.s32 s0, s8;
	s8 =	simm.s32 $0x4;
	[dreg:$0xf] =	wrdreg s10  }
0x1f: {  	v0 =	vimm.f32 $0.0e+00;
	[dreg:$0x10] =	wrdreg s0;
	s0 =	simm.s32 $0x4200;
	s10 =	simm.s32 $0x3  }
.LBB2_1:
0x20: {  	s15 =	sand.u32 $0xFE00, s4  }
0x21: {  	s16 =	sand.u32 $0x70, s4;
	s17 =	sshrl.u32 s15, $0x2  }
0x22: {  	s15 =	simm.s32 $0x40;
	s17 =	sor.u32 s16, s17;
	s16 =	simm.s32 $0x0  }
.LBB2_2:
0x23: {  	p0 =	sne.s32 s15, $0x9FC0  }
0x24: {  	[tilespmem:s17+$0x4400] =	vst v0;
	s16 =	sadd.s32 $0x10, s16;
	s17 =	smov.u32 s15;
	s15 =	sadd.s32 $0x40, s15  }
.Ltmp0:
0x25: {  	(pc) =	sbr.rel @p0 .LBB2_2-.Ltmp0, $4  }
0x26: {  	_ = 	snop  }
0x27: {  	s17 =	sand.u32 $0xFE00, s17  }
0x28: {  	s18 =	sand.u32 $0x70, s16;
	s17 =	sshrl.u32 s17, $0x2  }
0x29: {  	s17 =	sor.u32 s18, s17  }
0x2a: {  	[tilespmem:s17+$0x4400] =	vst v0  }
0x2b: {  	[spmem:s5] =	stream.linear.scatter [tilespmem:s20], [sflag:$0x7], $0x2800, $0x38;
	[tilespmem:$0x1FC00] =	vst v63  }
0x2c: {  	_ =	swait.ge [sflag:s21], $0x2800  }
0x2d: {  	[sflag:s21] =	ssyncset.done $0x0  }
0x2e: {  	s15 =	rddreg [dreg:$0x4];
	[sflag:s21] =	ssyncadd.s32 $0xFFFFD800  }
0x2f: {  	[spmem:s15] =	stream.linear.scatter [tilespmem:s20], [sflag:$0x7], $0x2800, $0x38;
	[tilespmem:$0x1FC00] =	vst v63  }
0x30: {  	_ =	swait.ge [sflag:s21], $0x2800  }
0x31: {  	[sflag:s21] =	ssyncset.done $0x0  }
0x32: {  	s18 =	rddreg [dreg:$0x5];
	[sflag:s21] =	ssyncadd.s32 $0xFFFFD800  }
0x33: {  	[spmem:s18] =	stream.linear.scatter [tilespmem:s20], [sflag:$0x7], $0x2800, $0x38;
	[tilespmem:$0x1FC00] =	vst v63  }
0x34: {  	_ =	swait.ge [sflag:s21], $0x2800  }
0x35: {  	[sflag:s21] =	ssyncset.done $0x0  }
0x36: {  	s16 =	rddreg [dreg:$0x6];
	[sflag:s21] =	ssyncadd.s32 $0xFFFFD800  }
0x37: {  	[spmem:s16] =	stream.linear.scatter [tilespmem:s20], [sflag:$0x7], $0x2800, $0x38;
	[tilespmem:$0x1FC00] =	vst v63  }
0x38: {  	_ =	swait.ge [sflag:s21], $0x2800  }
0x39: {  	[sflag:s21] =	ssyncset.done $0x0  }
0x3a: {  	s17 =	rddreg [dreg:$0x7];
	[sflag:s21] =	ssyncadd.s32 $0xFFFFD800  }
0x3b: {  	[spmem:s17] =	stream.linear.scatter [tilespmem:s20], [sflag:$0x7], $0x2800, $0x38;
	[tilespmem:$0x1FC00] =	vst v63  }
0x3c: {  	_ =	swait.ge [sflag:s21], $0x2800  }
0x3d: {  	[sflag:s21] =	ssyncset.done $0x0  }
0x3e: {  	s18 =	rddreg [dreg:$0x8];
	[sflag:s21] =	ssyncadd.s32 $0xFFFFD800  }
0x3f: {  	[spmem:s18] =	stream.linear.scatter [tilespmem:s20], [sflag:$0x7], $0x2800, $0x38;
	[tilespmem:$0x1FC00] =	vst v63  }
0x40: {  	_ =	swait.ge [sflag:s21], $0x2800  }
0x41: {  	[sflag:s21] =	ssyncset.done $0x0  }
0x42: {  	s16 =	rddreg [dreg:$0x9];
	[sflag:s21] =	ssyncadd.s32 $0xFFFFD800  }
0x43: {  	[spmem:s16] =	stream.linear.scatter [tilespmem:s20], [sflag:$0x7], $0x2800, $0x38;
	[tilespmem:$0x1FC00] =	vst v63  }
0x44: {  	_ =	swait.ge [sflag:s21], $0x2800  }
0x45: {  	[sflag:s21] =	ssyncset.done $0x0  }
0x46: {  	s17 =	rddreg [dreg:$0xa];
	[sflag:s21] =	ssyncadd.s32 $0xFFFFD800  }
0x47: {  	[spmem:s17] =	stream.linear.scatter [tilespmem:s20], [sflag:$0x7], $0x2800, $0x38;
	[tilespmem:$0x1FC00] =	vst v63  }
0x48: {  	_ =	swait.ge [sflag:s21], $0x2800  }
0x49: {  	[sflag:s21] =	ssyncset.done $0x0  }
0x4a: {  	s18 =	rddreg [dreg:$0xb];
	[sflag:s21] =	ssyncadd.s32 $0xFFFFD800  }
0x4b: {  	[tilespmem:s4], [sflag:$0x7] =	stream.linear.gather [hbm4b:s18+s4], $0x3E80, $0x38;
	[tilespmem:$0x1FC00] =	vst v63  }
0x4c: {  	_ =	swait.ge [sflag:s21], $0x3E80  }
0x4d: {  	[sflag:s21] =	ssyncset.done $0x0  }
0x4e: {  	[sflag:s21] =	ssyncadd.s32 $0xFFFFC180  }
0x4f: {  	[bflag:$0x0] =	sbarrier.arrive $0xFFFF  }
0x50: {  	v1 =	vld [tilespmem:$0x0];
	_ =	sdelay $0x1  }
0x51: {  	v2 =	vld [tilespmem:$0x10];
	_ =	sdelay $0x1  }
0x52: {  	v3 =	vld [tilespmem:$0x20]  }
0x53: {  	v4 =	vand.u32 $0xFFFF, v1  }
0x54: {  	v59 =	vld [tilespmem:$0x30];
	v1 =	vshrl.u32 v1, $0x10;
	[tilespmem:$0x4000] =	vst v4  }
0x55: {  	[tilespmem:$0x4200] =	vst v1;
	v1 =	vand.u32 $0xFFFF, v2  }
0x56: {  	[tilespmem:$0x4010] =	vst v1;
	v1 =	vshrl.u32 v2, $0x10;
	v2 =	vld [tilespmem:$0x40]  }
0x57: {  	[tilespmem:$0x4210] =	vst v1;
	v1 =	vand.u32 $0xFFFF, v3  }
0x58: {  	[tilespmem:$0x4020] =	vst v1;
	v1 =	vshrl.u32 v3, $0x10  }
0x59: {  	[tilespmem:$0x4220] =	vst v1;
	v1 =	vand.u32 $0xFFFF, v59  }
0x5a: {  	[tilespmem:$0x4030] =	vst v1;
	v1 =	vshrl.u32 v59, $0x10  }
0x5b: {  	[tilespmem:$0x4230] =	vst v1;
	v1 =	vand.u32 $0xFFFF, v2  }
0x5c: {  	[tilespmem:$0x4040] =	vst v1;
	v1 =	vshrl.u32 v2, $0x10  }
0x5d: {  	[tilespmem:$0x4240] =	vst v1  }
0x5e: {  	[tilespmem:s20], [sflag:$0x1] =	stream.indirect.gather [hbm4b:s1+s26], $0x80, s28, s26, $0xb8;
	[tilespmem:$0x1FC00] =	vst v63  }
0x5f: {  	v1 =	vld [tilespmem:$0x80];
	_ =	sdelay $0x1  }
0x60: {  	v2 =	vld [tilespmem:$0x90];
	_ =	sdelay $0x1  }
0x61: {  	v3 =	vld [tilespmem:$0xA0]  }
0x62: {  	v60 =	vand.u32 $0xFFFF, v1  }
0x63: {  	v61 =	vld [tilespmem:$0xB0];
	v1 =	vshrl.u32 v1, $0x10;
	[tilespmem:$0x4080] =	vst v60  }
0x64: {  	[tilespmem:$0x4280] =	vst v1;
	v1 =	vand.u32 $0xFFFF, v2  }
0x65: {  	[tilespmem:$0x4090] =	vst v1;
	v1 =	vshrl.u32 v2, $0x10;
	v2 =	vld [tilespmem:$0xC0]  }
0x66: {  	[tilespmem:$0x4290] =	vst v1;
	v1 =	vand.u32 $0xFFFF, v3  }
0x67: {  	[tilespmem:$0x40A0] =	vst v1;
	v1 =	vshrl.u32 v3, $0x10  }
0x68: {  	[tilespmem:$0x42A0] =	vst v1;
	v1 =	vand.u32 $0xFFFF, v61  }
0x69: {  	[tilespmem:$0x40B0] =	vst v1;
	v1 =	vshrl.u32 v61, $0x10  }
0x6a: {  	[tilespmem:$0x42B0] =	vst v1;
	v1 =	vand.u32 $0xFFFF, v2  }
0x6b: {  	[tilespmem:$0x40C0] =	vst v1;
	v1 =	vshrl.u32 v2, $0x10  }
0x6c: {  	[tilespmem:$0x42C0] =	vst v1  }
0x6d: {  	[tilespmem:s30], [sflag:$0x2] =	stream.indirect.gather [hbm4b:s1+s26], $0x80, s29, s26, $0xb8;
	[tilespmem:$0x1FC00] =	vst v63  }
0x6e: {  	_ =	swait.ge [sflag:s31], $0x2800  }
0x6f: {  	[sflag:s31] =	ssyncset.done $0x0  }
0x70: {  	[sflag:s31] =	ssyncadd.s32 $0xFFFFD800  }
0x71: {  	[spmem:s3] =	stream.indirect.scatter.add.f32 [tilespmem:s20], [sflag:$0x4], $0x80, s0, s26, $0xb8;
	[tilespmem:$0x1FC00] =	vst v63  }
0x72: {  	v1 =	vld [tilespmem:$0x100];
	_ =	sdelay $0x1  }
0x73: {  	v2 =	vld [tilespmem:$0x110];
	_ =	sdelay $0x1  }
0x74: {  	v3 =	vld [tilespmem:$0x120]  }
0x75: {  	v62 =	vand.u32 $0xFFFF, v1  }
0x76: {  	v63 =	vld [tilespmem:$0x130];
	v1 =	vshrl.u32 v1, $0x10;
	[tilespmem:$0x4100] =	vst v62  }
0x77: {  	[tilespmem:$0x4300] =	vst v1;
	v1 =	vand.u32 $0xFFFF, v2  }
0x78: {  	[tilespmem:$0x4110] =	vst v1;
	v1 =	vshrl.u32 v2, $0x10;
	v2 =	vld [tilespmem:$0x140]  }
0x79: {  	[tilespmem:$0x4310] =	vst v1;
	v1 =	vand.u32 $0xFFFF, v3  }
0x7a: {  	[tilespmem:$0x4120] =	vst v1;
	v1 =	vshrl.u32 v3, $0x10  }
0x7b: {  	[tilespmem:$0x4320] =	vst v1;
	v1 =	vand.u32 $0xFFFF, v63  }
0x7c: {  	[tilespmem:$0x4130] =	vst v1;
	v1 =	vshrl.u32 v63, $0x10  }
0x7d: {  	[tilespmem:$0x4330] =	vst v1;
	v1 =	vand.u32 $0xFFFF, v2  }
0x7e: {  	[tilespmem:$0x4140] =	vst v1;
	v1 =	vshrl.u32 v2, $0x10  }
0x7f: {  	[tilespmem:$0x4340] =	vst v1  }
0x80: {  	[tilespmem:s6], [sflag:$0x3] =	stream.indirect.gather [hbm4b:s1+s26], $0x80, s2, s26, $0xb8;
	[tilespmem:$0x1FC00] =	vst v63  }
0x81: {  	_ =	swait.ge [sflag:s7], $0x2800  }
0x82: {  	[sflag:s7] =	ssyncset.done $0x0  }
0x83: {  	[sflag:s7] =	ssyncadd.s32 $0xFFFFD800  }
0x84: {  	_ =	swait.ge [sflag:s8], $0x2800  }
0x85: {  	[sflag:s8] =	ssyncset.done $0x0  }
0x86: {  	s15 =	simm.s32 $0x2C0;
	[sflag:s8] =	ssyncadd.s32 $0xFFFFD800  }
0x87: {  	[spmem:s3] =	stream.indirect.scatter.add.f32 [tilespmem:s30], [sflag:$0x5], $0x80, s9, s26, $0xb8;
	[tilespmem:$0x1FC00] =	vst v63  }
0x88: {  	v1 =	vld [tilespmem:s15+$0xFFFFFEC0];
	_ =	sdelay $0x4  }
0x89: {  	v2 =	vand.u32 $0xFFFF, v1  }
0x8a: {  	v1 =	vshrl.u32 v1, $0x10;
	[tilespmem:$0x4000] =	vst v2  }
0x8b: {  	[tilespmem:$0x4200] =	vst v1  }
0x8c: {  	v1 =	vld [tilespmem:s15+$0xFFFFFED0];
	_ =	sdelay $0x4  }
0x8d: {  	v2 =	vand.u32 $0xFFFF, v1  }
0x8e: {  	v1 =	vshrl.u32 v1, $0x10;
	[tilespmem:$0x4010] =	vst v2  }
0x8f: {  	[tilespmem:$0x4210] =	vst v1  }
0x90: {  	v1 =	vld [tilespmem:s15+$0xFFFFFEE0];
	_ =	sdelay $0x4  }
0x91: {  	v2 =	vand.u32 $0xFFFF, v1  }
0x92: {  	v1 =	vshrl.u32 v1, $0x10;
	[tilespmem:$0x4020] =	vst v2  }
0x93: {  	[tilespmem:$0x4220] =	vst v1  }
0x94: {  	v1 =	vld [tilespmem:s15+$0xFFFFFEF0];
	_ =	sdelay $0x4  }
0x95: {  	v2 =	vand.u32 $0xFFFF, v1  }
0x96: {  	v1 =	vshrl.u32 v1, $0x10;
	[tilespmem:$0x4030] =	vst v2  }
0x97: {  	[tilespmem:$0x4230] =	vst v1  }
0x98: {  	v1 =	vld [tilespmem:s15+$0xFFFFFF00];
	_ =	sdelay $0x4  }
0x99: {  	v2 =	vand.u32 $0xFFFF, v1  }
0x9a: {  	v1 =	vshrl.u32 v1, $0x10;
	[tilespmem:$0x4040] =	vst v2  }
0x9b: {  	[tilespmem:$0x4240] =	vst v1  }
0x9c: {  	[tilespmem:s20], [sflag:$0x1] =	stream.indirect.gather [hbm4b:s1+s26], $0x80, s28, s26, $0xb8;
	[tilespmem:$0x1FC00] =	vst v63  }
0x9d: {  	_ =	swait.ge [sflag:s10], $0x2800  }
0x9e: {  	[sflag:s10] =	ssyncset.done $0x0  }
0x9f: {  	[sflag:s10] =	ssyncadd.s32 $0xFFFFD800  }
0xa0: {  	_ =	swait.ge [sflag:s11], $0x2800  }
0xa1: {  	[sflag:s11] =	ssyncset.done $0x0  }
0xa2: {  	[sflag:s11] =	ssyncadd.s32 $0xFFFFD800  }
0xa3: {  	[spmem:s3] =	stream.indirect.scatter.add.f32 [tilespmem:s6], [sflag:$0x6], $0x80, s12, s26, $0xb8;
	[tilespmem:$0x1FC00] =	vst v63  }
0xa4: {  	v1 =	vld [tilespmem:s15+$0xFFFFFF40];
	_ =	sdelay $0x4  }
0xa5: {  	v2 =	vand.u32 $0xFFFF, v1  }
0xa6: {  	v1 =	vshrl.u32 v1, $0x10;
	[tilespmem:$0x4080] =	vst v2  }
0xa7: {  	[tilespmem:$0x4280] =	vst v1  }
0xa8: {  	v1 =	vld [tilespmem:s15+$0xFFFFFF50];
	_ =	sdelay $0x4  }
0xa9: {  	v2 =	vand.u32 $0xFFFF, v1  }
0xaa: {  	v1 =	vshrl.u32 v1, $0x10;
	[tilespmem:$0x4090] =	vst v2  }
0xab: {  	[tilespmem:$0x4290] =	vst v1  }
0xac: {  	v1 =	vld [tilespmem:s15+$0xFFFFFF60];
	_ =	sdelay $0x4  }
0xad: {  	v2 =	vand.u32 $0xFFFF, v1  }
0xae: {  	v1 =	vshrl.u32 v1, $0x10;
	[tilespmem:$0x40A0] =	vst v2  }
0xaf: {  	[tilespmem:$0x42A0] =	vst v1  }
0xb0: {  	v1 =	vld [tilespmem:s15+$0xFFFFFF70];
	_ =	sdelay $0x4  }
0xb1: {  	v2 =	vand.u32 $0xFFFF, v1  }
0xb2: {  	v1 =	vshrl.u32 v1, $0x10;
	[tilespmem:$0x40B0] =	vst v2  }
0xb3: {  	[tilespmem:$0x42B0] =	vst v1  }
0xb4: {  	v1 =	vld [tilespmem:s15+$0xFFFFFF80];
	_ =	sdelay $0x4  }
0xb5: {  	v2 =	vand.u32 $0xFFFF, v1  }
0xb6: {  	v1 =	vshrl.u32 v1, $0x10;
	[tilespmem:$0x40C0] =	vst v2  }
0xb7: {  	[tilespmem:$0x42C0] =	vst v1  }
0xb8: {  	[tilespmem:s30], [sflag:$0x2] =	stream.indirect.gather [hbm4b:s1+s26], $0x80, s29, s26, $0xb8;
	[tilespmem:$0x1FC00] =	vst v63  }
0xb9: {  	_ =	swait.ge [sflag:s31], $0x2800  }
0xba: {  	[sflag:s31] =	ssyncset.done $0x0  }
0xbb: {  	[sflag:s31] =	ssyncadd.s32 $0xFFFFD800  }
0xbc: {  	_ =	swait.ge [sflag:s13], $0x2800  }
0xbd: {  	[sflag:s13] =	ssyncset.done $0x0  }
0xbe: {  	[sflag:s13] =	ssyncadd.s32 $0xFFFFD800  }
0xbf: {  	[spmem:s3] =	stream.indirect.scatter.add.f32 [tilespmem:s20], [sflag:$0x4], $0x80, s0, s26, $0xb8;
	[tilespmem:$0x1FC00] =	vst v63  }
0xc0: {  	v1 =	vld [tilespmem:s15+$0xFFFFFFC0];
	_ =	sdelay $0x4  }
0xc1: {  	v2 =	vand.u32 $0xFFFF, v1  }
0xc2: {  	v1 =	vshrl.u32 v1, $0x10;
	[tilespmem:$0x4100] =	vst v2  }
0xc3: {  	[tilespmem:$0x4300] =	vst v1  }
0xc4: {  	v1 =	vld [tilespmem:s15+$0xFFFFFFD0];
	_ =	sdelay $0x4  }
0xc5: {  	v2 =	vand.u32 $0xFFFF, v1  }
0xc6: {  	v1 =	vshrl.u32 v1, $0x10;
	[tilespmem:$0x4110] =	vst v2  }
0xc7: {  	[tilespmem:$0x4310] =	vst v1  }
0xc8: {  	v1 =	vld [tilespmem:s15+$0xFFFFFFE0];
	_ =	sdelay $0x4  }
0xc9: {  	v2 =	vand.u32 $0xFFFF, v1  }
0xca: {  	v1 =	vshrl.u32 v1, $0x10;
	[tilespmem:$0x4120] =	vst v2  }
0xcb: {  	[tilespmem:$0x4320] =	vst v1  }
0xcc: {  	s16 =	simm.s32 $0x1100;
	v1 =	vld [tilespmem:s15+$0xFFFFFFF0]  }
.LBB2_4:
0xcd: {  	p0 =	sne.s32 s16, $0xF500;
	s17 =	smov.u32 s16;
	s16 =	sadd.s32 $0x600, s16  }
0xce: {  	_ =	sdelay $0x2  }
0xcf: {  	v2 =	vand.u32 $0xFFFF, v1;
	v1 =	vshrl.u32 v1, $0x10  }
0xd0: {  	[tilespmem:$0x4130] =	vst v2  }
0xd1: {  	[tilespmem:$0x4330] =	vst v1  }
0xd2: {  	v1 =	vld [tilespmem:s15+$0x0];
	_ =	sdelay $0x4  }
0xd3: {  	v2 =	vand.u32 $0xFFFF, v1;
	v1 =	vshrl.u32 v1, $0x10  }
0xd4: {  	[tilespmem:$0x4140] =	vst v2  }
0xd5: {  	[tilespmem:$0x4340] =	vst v1  }
0xd6: {  	[tilespmem:s6], [sflag:$0x3] =	stream.indirect.gather [hbm4b:s1+s26], $0x80, s2, s26, $0xb8;
	[tilespmem:$0x1FC00] =	vst v63  }
0xd7: {  	_ =	swait.ge [sflag:s7], $0x2800  }
0xd8: {  	[sflag:s7] =	ssyncset.done $0x0  }
0xd9: {  	[sflag:s7] =	ssyncadd.s32 $0xFFFFD800  }
0xda: {  	_ =	swait.ge [sflag:s8], $0x2800  }
0xdb: {  	[sflag:s8] =	ssyncset.done $0x0  }
0xdc: {  	s15 =	sshra.s32 s17, $0x2;
	[sflag:s8] =	ssyncadd.s32 $0xFFFFD800  }
0xdd: {  	[spmem:s3] =	stream.indirect.scatter.add.f32 [tilespmem:s30], [sflag:$0x5], $0x80, s9, s26, $0xb8;
	[tilespmem:$0x1FC00] =	vst v63  }
0xde: {  	v1 =	vld [tilespmem:s15+$0xFFFFFEC0];
	_ =	sdelay $0x4  }
0xdf: {  	v2 =	vand.u32 $0xFFFF, v1;
	v1 =	vshrl.u32 v1, $0x10  }
0xe0: {  	[tilespmem:$0x4000] =	vst v2  }
0xe1: {  	[tilespmem:$0x4200] =	vst v1  }
0xe2: {  	v1 =	vld [tilespmem:s15+$0xFFFFFED0];
	_ =	sdelay $0x4  }
0xe3: {  	v2 =	vand.u32 $0xFFFF, v1;
	v1 =	vshrl.u32 v1, $0x10  }
0xe4: {  	[tilespmem:$0x4010] =	vst v2  }
0xe5: {  	[tilespmem:$0x4210] =	vst v1  }
0xe6: {  	v1 =	vld [tilespmem:s15+$0xFFFFFEE0];
	_ =	sdelay $0x4  }
0xe7: {  	v2 =	vand.u32 $0xFFFF, v1;
	v1 =	vshrl.u32 v1, $0x10  }
0xe8: {  	[tilespmem:$0x4020] =	vst v2  }
0xe9: {  	[tilespmem:$0x4220] =	vst v1  }
0xea: {  	v1 =	vld [tilespmem:s15+$0xFFFFFEF0];
	_ =	sdelay $0x4  }
0xeb: {  	v2 =	vand.u32 $0xFFFF, v1;
	v1 =	vshrl.u32 v1, $0x10  }
0xec: {  	[tilespmem:$0x4030] =	vst v2  }
0xed: {  	[tilespmem:$0x4230] =	vst v1  }
0xee: {  	v1 =	vld [tilespmem:s15+$0xFFFFFF00];
	_ =	sdelay $0x4  }
0xef: {  	v2 =	vand.u32 $0xFFFF, v1;
	v1 =	vshrl.u32 v1, $0x10  }
0xf0: {  	[tilespmem:$0x4040] =	vst v2  }
0xf1: {  	[tilespmem:$0x4240] =	vst v1  }
0xf2: {  	[tilespmem:s20], [sflag:$0x1] =	stream.indirect.gather [hbm4b:s1+s26], $0x80, s28, s26, $0xb8;
	[tilespmem:$0x1FC00] =	vst v63  }
0xf3: {  	_ =	swait.ge [sflag:s10], $0x2800  }
0xf4: {  	[sflag:s10] =	ssyncset.done $0x0  }
0xf5: {  	[sflag:s10] =	ssyncadd.s32 $0xFFFFD800  }
0xf6: {  	_ =	swait.ge [sflag:s11], $0x2800  }
0xf7: {  	[sflag:s11] =	ssyncset.done $0x0  }
0xf8: {  	[sflag:s11] =	ssyncadd.s32 $0xFFFFD800  }
0xf9: {  	[spmem:s3] =	stream.indirect.scatter.add.f32 [tilespmem:s6], [sflag:$0x6], $0x80, s12, s26, $0xb8;
	[tilespmem:$0x1FC00] =	vst v63  }
0xfa: {  	v1 =	vld [tilespmem:s15+$0xFFFFFF40];
	_ =	sdelay $0x4  }
0xfb: {  	v2 =	vand.u32 $0xFFFF, v1;
	v1 =	vshrl.u32 v1, $0x10  }
0xfc: {  	[tilespmem:$0x4080] =	vst v2  }
0xfd: {  	[tilespmem:$0x4280] =	vst v1  }
0xfe: {  	v1 =	vld [tilespmem:s15+$0xFFFFFF50];
	_ =	sdelay $0x4  }
0xff: {  	v2 =	vand.u32 $0xFFFF, v1;
	v1 =	vshrl.u32 v1, $0x10  }
0x100: {  	[tilespmem:$0x4090] =	vst v2  }
0x101: {  	[tilespmem:$0x4290] =	vst v1  }
0x102: {  	v1 =	vld [tilespmem:s15+$0xFFFFFF60];
	_ =	sdelay $0x4  }
0x103: {  	v2 =	vand.u32 $0xFFFF, v1;
	v1 =	vshrl.u32 v1, $0x10  }
0x104: {  	[tilespmem:$0x40A0] =	vst v2  }
0x105: {  	[tilespmem:$0x42A0] =	vst v1  }
0x106: {  	v1 =	vld [tilespmem:s15+$0xFFFFFF70];
	_ =	sdelay $0x4  }
0x107: {  	v2 =	vand.u32 $0xFFFF, v1;
	v1 =	vshrl.u32 v1, $0x10  }
0x108: {  	[tilespmem:$0x40B0] =	vst v2  }
0x109: {  	[tilespmem:$0x42B0] =	vst v1  }
0x10a: {  	v1 =	vld [tilespmem:s15+$0xFFFFFF80];
	_ =	sdelay $0x4  }
0x10b: {  	v2 =	vand.u32 $0xFFFF, v1;
	v1 =	vshrl.u32 v1, $0x10  }
0x10c: {  	[tilespmem:$0x40C0] =	vst v2  }
0x10d: {  	[tilespmem:$0x42C0] =	vst v1  }
0x10e: {  	[tilespmem:s30], [sflag:$0x2] =	stream.indirect.gather [hbm4b:s1+s26], $0x80, s29, s26, $0xb8;
	[tilespmem:$0x1FC00] =	vst v63  }
0x10f: {  	_ =	swait.ge [sflag:s31], $0x2800  }
0x110: {  	[sflag:s31] =	ssyncset.done $0x0  }
0x111: {  	[sflag:s31] =	ssyncadd.s32 $0xFFFFD800  }
0x112: {  	_ =	swait.ge [sflag:s13], $0x2800  }
0x113: {  	[sflag:s13] =	ssyncset.done $0x0  }
0x114: {  	[sflag:s13] =	ssyncadd.s32 $0xFFFFD800  }
0x115: {  	[spmem:s3] =	stream.indirect.scatter.add.f32 [tilespmem:s20], [sflag:$0x4], $0x80, s0, s26, $0xb8;
	[tilespmem:$0x1FC00] =	vst v63  }
0x116: {  	v1 =	vld [tilespmem:s15+$0xFFFFFFC0];
	_ =	sdelay $0x4  }
0x117: {  	v2 =	vand.u32 $0xFFFF, v1;
	v1 =	vshrl.u32 v1, $0x10  }
0x118: {  	[tilespmem:$0x4100] =	vst v2  }
0x119: {  	[tilespmem:$0x4300] =	vst v1  }
0x11a: {  	v1 =	vld [tilespmem:s15+$0xFFFFFFD0];
	_ =	sdelay $0x4  }
0x11b: {  	v2 =	vand.u32 $0xFFFF, v1;
	v1 =	vshrl.u32 v1, $0x10  }
0x11c: {  	[tilespmem:$0x4110] =	vst v2  }
0x11d: {  	[tilespmem:$0x4310] =	vst v1  }
0x11e: {  	v1 =	vld [tilespmem:s15+$0xFFFFFFE0];
	_ =	sdelay $0x3  }
.Ltmp1:
0x11f: {  	(pc) =	sbr.rel @p0 .LBB2_4-.Ltmp1, $4  }
0x120: {  	v2 =	vand.u32 $0xFFFF, v1;
	v1 =	vshrl.u32 v1, $0x10  }
0x121: {  	[tilespmem:$0x4120] =	vst v2  }
0x122: {  	[tilespmem:$0x4320] =	vst v1  }
0x123: {  	v1 =	vld [tilespmem:s15+$0xFFFFFFF0]  }
0x124: {  	_ =	sdelay $0x3  }
0x125: {  	v2 =	vand.u32 $0xFFFF, v1  }
0x126: {  	v1 =	vshrl.u32 v1, $0x10;
	[tilespmem:$0x4130] =	vst v2  }
0x127: {  	[tilespmem:$0x4330] =	vst v1  }
0x128: {  	v1 =	vld [tilespmem:s15+$0x0];
	_ =	sdelay $0x4  }
0x129: {  	v2 =	vand.u32 $0xFFFF, v1  }
0x12a: {  	v1 =	vshrl.u32 v1, $0x10;
	[tilespmem:$0x4140] =	vst v2  }
0x12b: {  	[tilespmem:$0x4340] =	vst v1  }
0x12c: {  	[tilespmem:s6], [sflag:$0x3] =	stream.indirect.gather [hbm4b:s1+s26], $0x80, s2, s26, $0xb8;
	[tilespmem:$0x1FC00] =	vst v63  }
0x12d: {  	_ =	swait.ge [sflag:s7], $0x2800  }
0x12e: {  	[sflag:s7] =	ssyncset.done $0x0  }
0x12f: {  	[sflag:s7] =	ssyncadd.s32 $0xFFFFD800  }
0x130: {  	_ =	swait.ge [sflag:s8], $0x2800  }
0x131: {  	[sflag:s8] =	ssyncset.done $0x0  }
0x132: {  	[sflag:s8] =	ssyncadd.s32 $0xFFFFD800  }
0x133: {  	[spmem:s3] =	stream.indirect.scatter.add.f32 [tilespmem:s30], [sflag:$0x5], $0x80, s9, s26, $0xb8;
	[tilespmem:$0x1FC00] =	vst v63  }
0x134: {  	v1 =	vld [tilespmem:$0x3D80];
	_ =	sdelay $0x1  }
0x135: {  	v2 =	vld [tilespmem:$0x3D90];
	_ =	sdelay $0x1  }
0x136: {  	v3 =	vld [tilespmem:$0x3DA0]  }
0x137: {  	v4 =	vand.u32 $0xFFFF, v1  }
0x138: {  	v61 =	vld [tilespmem:$0x3DB0];
	v1 =	vshrl.u32 v1, $0x10;
	[tilespmem:$0x4000] =	vst v4  }
0x139: {  	[tilespmem:$0x4200] =	vst v1;
	v1 =	vand.u32 $0xFFFF, v2  }
0x13a: {  	[tilespmem:$0x4010] =	vst v1;
	v1 =	vshrl.u32 v2, $0x10;
	v2 =	vld [tilespmem:$0x3DC0]  }
0x13b: {  	[tilespmem:$0x4210] =	vst v1;
	v1 =	vand.u32 $0xFFFF, v3  }
0x13c: {  	[tilespmem:$0x4020] =	vst v1;
	v1 =	vshrl.u32 v3, $0x10  }
0x13d: {  	[tilespmem:$0x4220] =	vst v1;
	v1 =	vand.u32 $0xFFFF, v61  }
0x13e: {  	[tilespmem:$0x4030] =	vst v1;
	v1 =	vshrl.u32 v61, $0x10  }
0x13f: {  	[tilespmem:$0x4230] =	vst v1;
	v1 =	vand.u32 $0xFFFF, v2  }
0x140: {  	[tilespmem:$0x4040] =	vst v1;
	v1 =	vshrl.u32 v2, $0x10  }
0x141: {  	[tilespmem:$0x4240] =	vst v1  }
0x142: {  	[tilespmem:s20], [sflag:$0x1] =	stream.indirect.gather [hbm4b:s1+s26], $0x80, s28, s26, $0xb8;
	[tilespmem:$0x1FC00] =	vst v63  }
0x143: {  	_ =	swait.ge [sflag:s10], $0x2800  }
0x144: {  	[sflag:s10] =	ssyncset.done $0x0  }
0x145: {  	[sflag:s10] =	ssyncadd.s32 $0xFFFFD800  }
0x146: {  	_ =	swait.ge [sflag:s11], $0x2800  }
0x147: {  	[sflag:s11] =	ssyncset.done $0x0  }
0x148: {  	[sflag:s11] =	ssyncadd.s32 $0xFFFFD800  }
0x149: {  	[spmem:s3] =	stream.indirect.scatter.add.f32 [tilespmem:s6], [sflag:$0x6], $0x80, s12, s26, $0xb8;
	[tilespmem:$0x1FC00] =	vst v63  }
0x14a: {  	v1 =	vld [tilespmem:$0x3E00];
	_ =	sdelay $0x1  }
0x14b: {  	v2 =	vld [tilespmem:$0x3E10];
	_ =	sdelay $0x1  }
0x14c: {  	v3 =	vld [tilespmem:$0x3E20]  }
0x14d: {  	v62 =	vand.u32 $0xFFFF, v1  }
0x14e: {  	v63 =	vld [tilespmem:$0x3E30];
	v1 =	vshrl.u32 v1, $0x10;
	[tilespmem:$0x4080] =	vst v62  }
0x14f: {  	[tilespmem:$0x4280] =	vst v1;
	v1 =	vand.u32 $0xFFFF, v2  }
0x150: {  	[tilespmem:$0x4090] =	vst v1;
	v1 =	vshrl.u32 v2, $0x10;
	v2 =	vld [tilespmem:$0x3E40]  }
0x151: {  	[tilespmem:$0x4290] =	vst v1;
	v1 =	vand.u32 $0xFFFF, v3  }
0x152: {  	[tilespmem:$0x40A0] =	vst v1;
	v1 =	vshrl.u32 v3, $0x10  }
0x153: {  	[tilespmem:$0x42A0] =	vst v1;
	v1 =	vand.u32 $0xFFFF, v63  }
0x154: {  	[tilespmem:$0x40B0] =	vst v1;
	v1 =	vshrl.u32 v63, $0x10  }
0x155: {  	[tilespmem:$0x42B0] =	vst v1;
	v1 =	vand.u32 $0xFFFF, v2  }
0x156: {  	[tilespmem:$0x40C0] =	vst v1;
	v1 =	vshrl.u32 v2, $0x10  }
0x157: {  	[tilespmem:$0x42C0] =	vst v1  }
0x158: {  	[tilespmem:s30], [sflag:$0x2] =	stream.indirect.gather [hbm4b:s1+s26], $0x80, s29, s26, $0xb8;
	[tilespmem:$0x1FC00] =	vst v63  }
0x159: {  	_ =	swait.ge [sflag:s31], $0x2800  }
0x15a: {  	[sflag:s31] =	ssyncset.done $0x0  }
0x15b: {  	[sflag:s31] =	ssyncadd.s32 $0xFFFFD800  }
0x15c: {  	_ =	swait.ge [sflag:s13], $0x2800  }
0x15d: {  	[sflag:s13] =	ssyncset.done $0x0  }
0x15e: {  	[sflag:s13] =	ssyncadd.s32 $0xFFFFD800  }
0x15f: {  	[spmem:s3] =	stream.indirect.scatter.add.f32 [tilespmem:s20], [sflag:$0x4], $0x80, s0, s26, $0xb8;
	[tilespmem:$0x1FC00] =	vst v63  }
0x160: {  	_ =	swait.ge [sflag:s7], $0x2800  }
0x161: {  	[sflag:s7] =	ssyncset.done $0x0  }
0x162: {  	[sflag:s7] =	ssyncadd.s32 $0xFFFFD800  }
0x163: {  	_ =	swait.ge [sflag:s8], $0x2800  }
0x164: {  	[sflag:s8] =	ssyncset.done $0x0  }
0x165: {  	[sflag:s8] =	ssyncadd.s32 $0xFFFFD800  }
0x166: {  	[spmem:s3] =	stream.indirect.scatter.add.f32 [tilespmem:s30], [sflag:$0x5], $0x80, s9, s26, $0xb8;
	[tilespmem:$0x1FC00] =	vst v63  }
0x167: {  	_ =	swait.ge [sflag:s11], $0x2800  }
0x168: {  	[sflag:s11] =	ssyncset.done $0x0  }
0x169: {  	s16 =	stileid.u32;
	[sflag:s11] =	ssyncadd.s32 $0xFFFFD800  }
0x16a: {  	s15 =	sshll.u32 s16, $0x6;
	[bflag:$0x0] =	sbarrier.arrive $0xFFFF  }
0x16b: {  	s16 =	sshrl.u32 s5, $0x3;
	s15 =	sor.u32 $0x1C07, s15;
	s17 =	rddreg [dreg:$0xc]  }
0x16c: {  	[hbm:s17], [sflag:s15] =	dma.local [spmem:s16], $0x800  }
0x16d: {  	_ =	swait.ge [sflag:s21], $0x800  }
0x16e: {  	[sflag:s21] =	ssyncset.done $0x0  }
0x16f: {  	s17 =	rddreg [dreg:$0xd];
	[sflag:s21] =	ssyncadd.s32 $0xFFFFF800  }
0x170: {  	[hbm:s17], [sflag:s15] =	dma.local [spmem:s22], $0x800  }
0x171: {  	_ =	swait.ge [sflag:s21], $0x800  }
0x172: {  	[sflag:s21] =	ssyncset.done $0x0  }
0x173: {  	s18 =	rddreg [dreg:$0xe];
	[sflag:s21] =	ssyncadd.s32 $0xFFFFF800  }
0x174: {  	[hbm:s18], [sflag:s15] =	dma.local [spmem:s23], $0x800  }
0x175: {  	_ =	swait.ge [sflag:s21], $0x800  }
0x176: {  	[sflag:s21] =	ssyncset.done $0x0  }
0x177: {  	s17 =	rddreg [dreg:$0xf];
	[sflag:s21] =	ssyncadd.s32 $0xFFFFF800  }
0x178: {  	[hbm:s17], [sflag:s15] =	dma.local [spmem:s24], $0x800  }
0x179: {  	s14 =	sadd.s32 $0x1, s14;
	_ =	swait.ge [sflag:s21], $0x800  }
0x17a: {  	p0 =	sne.s32 s14, s19;
	[sflag:s21] =	ssyncset.done $0x0  }
.Ltmp2:
0x17b: {  	s18 =	rddreg [dreg:$0x10];
	[sflag:s21] =	ssyncadd.s32 $0xFFFFF800;
	(pc) =	sbr.rel @p0 .LBB2_1-.Ltmp2, $4  }
0x17c: {  	[hbm:s18], [sflag:s15] =	dma.local [spmem:s25], $0x800  }
0x17d: {  	_ =	swait.ge [sflag:s21], $0x800  }
0x17e: {  	[sflag:s21] =	ssyncset.done $0x0  }
0x17f: {  	[sflag:s21] =	ssyncadd.s32 $0xFFFFF800  }
0x180: {  	_ =	sfence.sel $0x180000  }
0x181: {  	[bflag:$0x0] =	sbarrier.arrive $0xFFFF  }
0x182: {  	_ =	strace $0x9000004A  }
0x183: {  	s0 =	stileid.u32;
	[bflag:$0x2] =	sbarrier.arrive $0xFFFF  }
0x184: {  	p0 =	sne.s32 s0, $0x0;
	s0 =	rddreg [dreg:$0x3]  }
0x185: {  	s0 =	sadd.s32 @!p0 $0x100000, s0  }
0x186: {  	[sflag:s0] =	ssyncadd.tile.s32 @!p0 $0x1;
	_ =	shalt  }
.Lfunc_end2:
_tile_overlayer_lowered:
.L_overlay_start_2:
0x187: {  	(tag) =	ssettag $0x2  }
0x188: {  	s0 =	rddreg [dreg:$0x0];
	s2 =	stileid.u32  }
0x189: {  	s1 =	rddreg [dreg:$0x1];
	p0 =	sne.s32 s2, $0x0  }
0x18a: {  	s3 =	rddreg [dreg:$0x2];
	[bflag:$0x3] =	sbarrier.arrive $0xFFFF;
	s2 =	simm.s32 @!p0 $0x1C07  }
0x18b: {  	[timem:s3], [sflag:s2] =	dma.local @!p0 [hbm:s0], s1  }
0x18c: {  	s0 =	simm.s32 @!p0 $0x7  }
0x18d: {  	_ =	swait.ge @!p0 [sflag:s0], s1  }
0x18e: {  	s1 =	ssub.s32 @!p0 $0x0, s1;
	[sflag:s0] =	ssyncset.done @!p0 $0x0  }
0x18f: {  	[sflag:s0] =	ssyncadd.s32 @!p0 s1  }
0x190: {  	[bflag:$0x3] =	sbarrier.arrive $0xFFFF  }
0x191: {  	_ =	shalt  }

// kernel: kernel.14.cloned.1.call-start
scs
__scs_entry_jumppad:
0x0: {  	(pc) =	sbr.rel $0x88, $3  }
0x1: {  	(tag) =	ssettag $0x0;
	lr =	simm.s32 $0x1  }
0x2: {  	[smem:$0x3F97] =	sst lr;
	_ =	strace $0xD0000000  }
0x3: {  	_ = 	snop  }
0x4: {  	_ = 	snop  }
0x5: {  	_ = 	snop  }
0x6: {  	_ = 	snop  }
0x7: {  	_ = 	snop  }
__scs_overlays_trampoline_lowered:
0x8: {  	[smem:$0x3FA6] =	sst s0  }
0x9: {  	[smem:$0x3FA7] =	sst s1  }
0xa: {  	[smem:$0x3FA8] =	sst s2  }
0xb: {  	[smem:$0x3FA9] =	sst s3  }
0xc: {  	[smem:$0x3FAA] =	sst s4  }
0xd: {  	[smem:$0x3FAB] =	sst s5  }
0xe: {  	[smem:$0x3FAC] =	sst s6  }
0xf: {  	[smem:$0x3FAD] =	sst s7  }
0x10: {  	[smem:$0x3FAE] =	sst s8  }
0x11: {  	[smem:$0x3FAF] =	sst s9;
	s0 =	simm.s32 @!p0 $0x0  }
0x12: {  	s1 =	sld [smem:$0x3F95];
	s0 =	simm.s32 @p0 $0x1  }
0x13: {  	[smem:$0x3FB0] =	sst s0;
	s0 =	simm.s32 @!p1 $0x0  }
0x14: {  	s2 =	sld [smem:$0x3F94];
	s0 =	simm.s32 @p1 $0x1  }
0x15: {  	[smem:$0x3FB1] =	sst s0;
	s0 =	simm.s32 @!p2 $0x0  }
0x16: {  	s3 =	sld [smem:$0x3FDB];
	s0 =	simm.s32 @p2 $0x1  }
0x17: {  	s4 =	simm.s32 $0x1BF5;
	[smem:$0x3FB3] =	sst s0  }
0x18: {  	s0 =	sld [smem:$0x3F96];
	_ =	swait.ge [sflag:s4], $0x0  }
0x19: {  	s7 =	sld [smem:$0x3F97]  }
0x1a: {  	s8 =	sadd.s32 $0xFFFFE003, lr  }
0x1b: {  	s9 =	sadd.s32 $0xFFFFFEF7, lr;
	s5 =	simm.s32 $0xFFFFFFFF;
	p2 =	slt.u32 s8, $0xFFFFF086  }
0x1c: {  	p1 =	slt.u32 s9, $0xF7A;
	s5 =	simm.s32 @!p2 $0x0  }
0x1d: {  	s5 =	simm.s32 @p1 $0x1;
	p0 =	seq.s32 s7, s2  }
0x1e: {  	s7 =	smul.u32 @!p0 $0xF7A, s2;
	p2 =	seq.s32 @!p0 s5, $0x0  }
0x1f: {  	s9 =	smul.u32 $0xF7A, s1;
	s8 =	simm.s32 @!p0 $0x1BF5;
	p2 =	por !p2, p0  }
0x20: {  	[sflag:s8] =	ssyncset.s32 @!p0 $0xFFFFF086;
	s6 =	sadd.s32 @!p0 s3, s7;
	s7 =	simm.s32 @!p0 $0x108  }
0x21: {  	s3 =	sadd.s32 s3, s9;
	s6 =	sadd.s32 @!p0 $0x88, s6;
	s7 =	simm.s32 @p2 $0x1082  }
0x22: {  	[simem:s7], [sflag:s8] =	dma.local @!p0 [hbm:s6], $0xF7A  }
0x23: {  	s9 =	sor.u32 $0xD0000000, s2;
	s6 =	simm.s32 $0x108;
	_ =	swait.ge @!p0 [sflag:s8], $0x0  }
0x24: {  	s3 =	sadd.s32 $0x88, s3;
	s6 =	simm.s32 @!p1 $0x1082;
	[sflag:s4] =	ssyncset.s32 $0xFFFFF086  }
0x25: {  	[simem:s6], [sflag:s4] =	dma.local [hbm:s3], $0xF7A  }
0x26: {  	[smem:$0x3F97] =	sst s1;
	(tag) =	ssettag s2;
	_ =	strace s9  }
0x27: {  	s1 =	sld [smem:$0x3FA7]  }
0x28: {  	s2 =	sld [smem:$0x3FA8]  }
0x29: {  	s4 =	sld [smem:$0x3FAA]  }
0x2a: {  	p0 =	seq.s32 s5, $0x0;
	s5 =	sld [smem:$0x3FAB]  }
0x2b: {  	s6 =	sld [smem:$0x3FAC]  }
0x2c: {  	s7 =	sld [smem:$0x3FAD]  }
0x2d: {  	s3 =	simm.s32 $0x108;
	s8 =	sld [smem:$0x3FAE]  }
0x2e: {  	s3 =	simm.s32 @!p0 $0x1082;
	s9 =	sld [smem:$0x3FAF]  }
0x2f: {  	lr =	sadd.s32 s0, s3;
	s0 =	sld [smem:$0x3FA6]  }
0x30: {  	s3 =	sld [smem:$0x3FA9]  }
0x31: {  	[smem:$0x3FB2] =	sst s10  }
0x32: {  	s10 =	sld [smem:$0x3FB0];
	_ =	sdelay $0x3  }
0x33: {  	p0 =	seq.s32 s10, $0x1;
	s10 =	sld [smem:$0x3FB2];
	_ =	sdelay $0x3  }
0x34: {  	[smem:$0x3FB2] =	sst s10  }
0x35: {  	s10 =	sld [smem:$0x3FB1];
	_ =	sdelay $0x3  }
0x36: {  	p1 =	seq.s32 s10, $0x1;
	s10 =	sld [smem:$0x3FB2];
	_ =	sdelay $0x3  }
0x37: {  	[smem:$0x3FB2] =	sst s10  }
0x38: {  	s10 =	sld [smem:$0x3FB3]  }
0x39: {  	_ = 	snop;
	(pc) =	sbr.ind lr, $3  }
0x3a: {  	_ = 	snop  }
0x3b: {  	_ = 	snop  }
0x3c: {  	p2 =	seq.s32 s10, $0x1;
	s10 =	sld [smem:$0x3FB2]  }
0x3d: {  	_ =	shalt  }
0x3e: {  	_ =	shalt  }
0x3f: {  	_ =	shalt  }
0x40: {  	_ =	shalt  }
0x41: {  	_ =	shalt  }
0x42: {  	_ =	shalt  }
0x43: {  	_ =	shalt  }
0x44: {  	_ =	shalt  }
0x45: {  	_ =	shalt  }
0x46: {  	_ =	shalt  }
0x47: {  	_ =	shalt  }
0x48: {  	_ =	shalt  }
0x49: {  	_ =	shalt  }
0x4a: {  	_ =	shalt  }
0x4b: {  	_ =	shalt  }
0x4c: {  	_ =	shalt  }
0x4d: {  	_ =	shalt  }
0x4e: {  	_ =	shalt  }
0x4f: {  	_ =	shalt  }
0x50: {  	_ =	shalt  }
0x51: {  	_ =	shalt  }
0x52: {  	_ =	shalt  }
0x53: {  	_ =	shalt  }
0x54: {  	_ =	shalt  }
0x55: {  	_ =	shalt  }
0x56: {  	_ =	shalt  }
0x57: {  	_ =	shalt  }
0x58: {  	_ =	shalt  }
0x59: {  	_ =	shalt  }
0x5a: {  	_ =	shalt  }
0x5b: {  	_ =	shalt  }
0x5c: {  	_ =	shalt  }
0x5d: {  	_ =	shalt  }
0x5e: {  	_ =	shalt  }
0x5f: {  	_ =	shalt  }
0x60: {  	_ =	shalt  }
0x61: {  	_ =	shalt  }
0x62: {  	_ =	shalt  }
0x63: {  	_ =	shalt  }
0x64: {  	_ =	shalt  }
0x65: {  	_ =	shalt  }
0x66: {  	_ =	shalt  }
0x67: {  	_ =	shalt  }
0x68: {  	_ =	shalt  }
0x69: {  	_ =	shalt  }
0x6a: {  	_ =	shalt  }
0x6b: {  	_ =	shalt  }
0x6c: {  	_ =	shalt  }
0x6d: {  	_ =	shalt  }
0x6e: {  	_ =	shalt  }
0x6f: {  	_ =	shalt  }
0x70: {  	_ =	shalt  }
0x71: {  	_ =	shalt  }
0x72: {  	_ =	shalt  }
0x73: {  	_ =	shalt  }
0x74: {  	_ =	shalt  }
0x75: {  	_ =	shalt  }
0x76: {  	_ =	shalt  }
0x77: {  	_ =	shalt  }
0x78: {  	_ =	shalt  }
0x79: {  	_ =	shalt  }
0x7a: {  	_ =	shalt  }
0x7b: {  	_ =	shalt  }
0x7c: {  	_ =	shalt  }
0x7d: {  	_ =	shalt  }
0x7e: {  	_ =	shalt  }
0x7f: {  	_ =	shalt  }
0x80: {  	_ =	shalt  }
0x81: {  	_ =	shalt  }
0x82: {  	_ =	shalt  }
0x83: {  	_ =	shalt  }
0x84: {  	_ =	shalt  }
0x85: {  	_ =	shalt  }
0x86: {  	_ =	shalt  }
0x87: {  	_ =	shalt  }
.Lfunc_end0:
.L_simem_size_0:
called_computation.2_lowered:
.L_overlay_start_0:
0x88: {  	s2 =	sld [smem:$0x3FD9]  }
0x89: {  	s3 =	sld [smem:$0x3FFE];
	_ =	sdelay $0x1  }
0x8a: {  	s1 =	srdreg.scid  }
0x8b: {  	s0 =	sand.u32 $0x1, s1  }
0x8c: {  	s17 =	sshll.u32 s0, $0xA;
	s2 =	sadd.s32 s3, s2  }
0x8d: {  	s2 =	sadd.s32 s2, s17  }
0x8e: {  	[smem:$0x3FBE] =	sst s2  }
0x8f: {  	_ = 	snop  }
0x90: {  	s2 =	sld [smem:$0x3FD0];
	(tm) =	ssettm $0x1  }
0x91: {  	s18 =	sld [smem:$0x3FFB];
	_ =	sdelay $0x3  }
0x92: {  	_ =	strace s18  }
0x93: {  	s3 =	sld [smem:$0x3FFC];
	_ =	sdelay $0x3  }
0x94: {  	_ =	strace s3  }
0x95: {  	s3 =	sld [smem:$0x3FFD];
	_ =	sdelay $0x3  }
0x96: {  	_ =	strace s3  }
0x97: {  	_ =	strace $0x8FFFFFFF  }
0x98: {  	s19 =	sld [smem:$0x3FDB];
	_ =	sdelay $0x1  }
0x99: {  	s4 =	simm.s32 $_scs_section_size  }
0x9a: {  	s5 =	simm.s32 $_size__tile_overlayer_lowered;
	s6 =	simm.s32 $_tile_overlayer_lowered  }
0x9b: {  	s22 =	simm.s32 $0x1BFF;
	s21 =	sshll.u32 s6, $0x1;
	s3 =	sadd.s32 s4, s19  }
0x9c: {  	s7 =	simm.s32 $0x0;
	s20 =	sshll.u32 s5, $0x1;
	s5 =	sadd.s32 s21, s3  }
0x9d: {  	[timem:s7], [sflag:s22] =	dma.local [hbm:s5], s20  }
0x9e: {  	_ =	swait.ge [sflag:s22], s20  }
0x9f: {  	s4 =	ssub.s32 $0x0, s20;
	[sflag:s22] =	ssyncset.done $0x0  }
0xa0: {  	[sflag:s22] =	ssyncadd.s32 s4;
	_ =	sdelay $0x1  }
0xa1: {  	s23 =	simm.s32 $0x1B8B  }
0xa2: {  	_ =	swait.ge [sflag:s23], $0x1  }
0xa3: {  	[sflag:s23] =	ssyncset.done $0x0  }
0xa4: {  	s25 =	simm.s32 $0x1B8E;
	s24 =	sld [smem:$0x3FFE];
	[sflag:s23] =	ssyncadd.s32 $0xFFFFFFFF  }
0xa5: {  	s26 =	simm.s32 $execute0_lowered;
	[smem:$0x3FD2] =	sst s25  }
0xa6: {  	s5 =	sshll.u32 s26, $0x1;
	_ =	strace $0x8000004C;
	[dreg:$0x1] =	wrdreg $0xFFFFFFFF  }
0xa7: {  	s28 =	simm.s32 $_size_execute0_lowered;
	s3 =	sadd.s32 s3, s5;
	[dreg:$0x0] =	wrdreg $0x0  }
0xa8: {  	s5 =	sshll.u32 s28, $0x1;
	[dreg:$0x2] =	wrdreg s3  }
0xa9: {  	[dreg:$0x3] =	wrdreg s5  }
0xaa: {  	[dreg:$0x4] =	wrdreg $0xC0  }
0xab: {  	_ =	task [dreg:s7], $0x5FFFF  }
0xac: {  	[dreg:$0x1] =	wrdreg $0xFFFFFFFF  }
0xad: {  	[dreg:$0x0] =	wrdreg $0x60  }
0xae: {  	[dreg:$0x2] =	wrdreg s2  }
0xaf: {  	[dreg:$0x3] =	wrdreg s24  }
0xb0: {  	[dreg:$0x4] =	wrdreg $0xBC000  }
0xb1: {  	[dreg:$0x5] =	wrdreg $0x9  }
0xb2: {  	_ =	task.clear_ibuf [dreg:s7], $0x6FFFF;
	_ =	strace $0x9000004C  }
0xb3: {  	s29 =	simm.s32 $0x9;
	_ =	strace $0x8000004E  }
0xb4: {  	_ =	swait.ge [sflag:s29], $0x1  }
0xb5: {  	[sflag:s29] =	ssyncadd.s32 $0xFFFFFFFF  }
0xb6: {  	_ =	strace $0x9000004E  }
0xb7: {  	_ =	sfence  }
0xb8: {  	s30 =	sld [smem:$0x0];
	_ =	sdelay $0x2  }
0xb9: {  	s31 =	sshll.u32 s1, $0xD;
	s1 =	sshrl.u32 s1, $0x2  }
0xba: {  	s3 =	sand.u32 $0x4000, s31;
	s1 =	sadd.s32 s1, s30  }
0xbb: {  	s0 =	sor.u32 s3, s0;
	s1 =	sshll.u32 s1, $0x11  }
0xbc: {  	s0 =	sor.u32 s1, s0  }
0xbd: {  	s0 =	sadd.s32 $0x8F2B, s0  }
0xbe: {  	[sflag:s0] =	ssyncadd.remote.s32 $0x1  }
0xbf: {  	_ =	sfence.sel $0xFFFF  }
0xc0: {  	[dreg:$0x0] =	wrdreg $0xFFFFFFFF;
	(pc) =	sbr.abs _section_cstart, $3  }
0xc1: {  	[dreg:$0x1] =	wrdreg $0xFFFFFFFF  }
0xc2: {  	_ =	task.clear_ibuf [dreg:s7], $0x2FFFF;
	_ =	strace $0x9FFFFFFF  }
0xc3: {  	(tm) =	ssettm $0x7FFFFFFF  }
tec
execute0_lowered:
.L_overlay_start_1:
0x0: {  	(tag) =	ssettag $0x1  }
0x1: {  	s1 =	rddreg [dreg:$0x0]  }
0x2: {  	s0 =	rddreg [dreg:$0x1]  }
0x3: {  	s3 =	rddreg [dreg:$0x2];
	s4 =	simm.s32 $0x0;
	s9 =	stileid.u32  }
0x4: {  	s2 =	srdreg.scid;
	s28 =	simm.s32 $0x4000;
	s29 =	simm.s32 $0x4080  }
0x5: {  	s30 =	simm.s32 $0x6C00;
	s31 =	simm.s32 $0x1;
	[smem:$0x7FF] =	sst s4  }
0x6: {  	s5 =	smul.u32 $0x50000, s9;
	s2 =	sand.u32 $0x1, s2;
	s6 =	sshll.u32 s9, $0xB  }
0x7: {  	s9 =	smul.u32 $0x14000, s9;
	_ =	strace $0x8000004D;
	s7 =	ssub.s32 $0x2, s2  }
0x8: {  	s6 =	sadd.s32 s6, s0;
	s0 =	sadd.s32 $0x13000, s0;
	s12 =	smul.u32 $0x140000, s2  }
0x9: {  	s2 =	sshll.u32 s2, $0xF;
	s5 =	sshrl.u32 s5, $0x2;
	s8 =	sshrl.u32 s7, $0x1  }
0xa: {  	s2 =	sadd.s32 s2, s6;
	s17 =	sadd.s32 $0x4000, s9;
	s21 =	sadd.s32 $0x8000, s9  }
0xb: {  	s5 =	sadd.s32 s5, s3;
	s7 =	ssub.s32 s7, s8;
	s16 =	sadd.s32 s9, s12  }
0xc: {  	s2 =	sadd.s32 $0x3000, s2;
	s19 =	sadd.s32 s12, s17;
	s22 =	sadd.s32 s17, s3  }
0xd: {  	s23 =	sadd.s32 s12, s21;
	s6 =	sadd.s32 s21, s3;
	s21 =	simm.s32 $0x7  }
0xe: {  	s26 =	sadd.s32 $0x2800, s5;
	s10 =	sadd.s32 $0x5000, s5;
	[dreg:$0xb] =	wrdreg s2  }
0xf: {  	s11 =	sadd.s32 $0x7800, s5;
	s13 =	sadd.s32 $0xC800, s5;
	[dreg:$0x4] =	wrdreg s26  }
0x10: {  	s14 =	sadd.s32 $0xF000, s5;
	s15 =	sadd.s32 $0x11800, s5;
	[dreg:$0x5] =	wrdreg s10  }
0x11: {  	s18 =	sshrl.u32 s16, $0x3;
	s20 =	sshrl.u32 s19, $0x3;
	[dreg:$0x6] =	wrdreg s11  }
0x12: {  	s19 =	smax.u32 s7, $0x1;
	s22 =	sshrl.u32 s22, $0x3;
	[dreg:$0x8] =	wrdreg s13  }
0x13: {  	s7 =	simm.s32 $0x2;
	s10 =	sadd.s32 $0xA000, s5;
	[dreg:$0x9] =	wrdreg s14  }
0x14: {  	[dreg:$0xa] =	wrdreg s15;
	s2 =	sadd.s32 s0, s18;
	s11 =	sadd.s32 $0xC000, s9  }
0x15: {  	s9 =	sadd.s32 $0x10000, s9;
	s13 =	simm.s32 $0x6;
	[dreg:$0x7] =	wrdreg s10  }
0x16: {  	s14 =	simm.s32 $0x0;
	[dreg:$0xc] =	wrdreg s2;
	s2 =	sadd.s32 s0, s20  }
0x17: {  	s10 =	sshrl.u32 s23, $0x3;
	s24 =	sadd.s32 s12, s11;
	s8 =	sadd.s32 s12, s9  }
0x18: {  	s25 =	sadd.s32 s11, s3;
	s26 =	sadd.s32 s9, s3;
	s20 =	simm.s32 $0x4400  }
0x19: {  	s23 =	sshrl.u32 s6, $0x3;
	s6 =	simm.s32 $0x9400;
	s9 =	simm.s32 $0x4280  }
0x1a: {  	s11 =	simm.s32 $0x5;
	s12 =	simm.s32 $0x4300;
	[dreg:$0xd] =	wrdreg s2  }
0x1b: {  	s10 =	sadd.s32 s0, s10;
	s8 =	sshrl.u32 s8, $0x3;
	s2 =	simm.s32 $0x4100  }
0x1c: {  	[dreg:$0xe] =	wrdreg s10;
	s10 =	sshrl.u32 s24, $0x3;
	s24 =	sshrl.u32 s25, $0x3  }
0x1d: {  	s25 =	sshrl.u32 s26, $0x3;
	s26 =	simm.s32 $0x50;
	s10 =	sadd.s32 s0, s10  }
0x1e: {  	s0 =	sadd.s32 s0, s8;
	s8 =	simm.s32 $0x4;
	[dreg:$0xf] =	wrdreg s10  }
0x1f: {  	v0 =	vimm.f32 $0.0e+00;
	[dreg:$0x10] =	wrdreg s0;
	s0 =	simm.s32 $0x4200;
	s10 =	simm.s32 $0x3  }
.LBB2_1:
0x20: {  	s15 =	sand.u32 $0xFE00, s4  }
0x21: {  	s16 =	sand.u32 $0x70, s4;
	s17 =	sshrl.u32 s15, $0x2  }
0x22: {  	s15 =	simm.s32 $0x40;
	s17 =	sor.u32 s16, s17;
	s16 =	simm.s32 $0x0  }
.LBB2_2:
0x23: {  	p0 =	sne.s32 s15, $0x9FC0  }
0x24: {  	[tilespmem:s17+$0x4400] =	vst v0;
	s16 =	sadd.s32 $0x10, s16;
	s17 =	smov.u32 s15;
	s15 =	sadd.s32 $0x40, s15  }
.Ltmp0:
0x25: {  	(pc) =	sbr.rel @p0 .LBB2_2-.Ltmp0, $4  }
0x26: {  	_ = 	snop  }
0x27: {  	s17 =	sand.u32 $0xFE00, s17  }
0x28: {  	s18 =	sand.u32 $0x70, s16;
	s17 =	sshrl.u32 s17, $0x2  }
0x29: {  	s17 =	sor.u32 s18, s17  }
0x2a: {  	[tilespmem:s17+$0x4400] =	vst v0  }
0x2b: {  	[spmem:s5] =	stream.linear.scatter [tilespmem:s20], [sflag:$0x7], $0x2800, $0x38;
	[tilespmem:$0x1FC00] =	vst v63  }
0x2c: {  	_ =	swait.ge [sflag:s21], $0x2800  }
0x2d: {  	[sflag:s21] =	ssyncset.done $0x0  }
0x2e: {  	s15 =	rddreg [dreg:$0x4];
	[sflag:s21] =	ssyncadd.s32 $0xFFFFD800  }
0x2f: {  	[spmem:s15] =	stream.linear.scatter [tilespmem:s20], [sflag:$0x7], $0x2800, $0x38;
	[tilespmem:$0x1FC00] =	vst v63  }
0x30: {  	_ =	swait.ge [sflag:s21], $0x2800  }
0x31: {  	[sflag:s21] =	ssyncset.done $0x0  }
0x32: {  	s18 =	rddreg [dreg:$0x5];
	[sflag:s21] =	ssyncadd.s32 $0xFFFFD800  }
0x33: {  	[spmem:s18] =	stream.linear.scatter [tilespmem:s20], [sflag:$0x7], $0x2800, $0x38;
	[tilespmem:$0x1FC00] =	vst v63  }
0x34: {  	_ =	swait.ge [sflag:s21], $0x2800  }
0x35: {  	[sflag:s21] =	ssyncset.done $0x0  }
0x36: {  	s16 =	rddreg [dreg:$0x6];
	[sflag:s21] =	ssyncadd.s32 $0xFFFFD800  }
0x37: {  	[spmem:s16] =	stream.linear.scatter [tilespmem:s20], [sflag:$0x7], $0x2800, $0x38;
	[tilespmem:$0x1FC00] =	vst v63  }
0x38: {  	_ =	swait.ge [sflag:s21], $0x2800  }
0x39: {  	[sflag:s21] =	ssyncset.done $0x0  }
0x3a: {  	s17 =	rddreg [dreg:$0x7];
	[sflag:s21] =	ssyncadd.s32 $0xFFFFD800  }
0x3b: {  	[spmem:s17] =	stream.linear.scatter [tilespmem:s20], [sflag:$0x7], $0x2800, $0x38;
	[tilespmem:$0x1FC00] =	vst v63  }
0x3c: {  	_ =	swait.ge [sflag:s21], $0x2800  }
0x3d: {  	[sflag:s21] =	ssyncset.done $0x0  }
0x3e: {  	s18 =	rddreg [dreg:$0x8];
	[sflag:s21] =	ssyncadd.s32 $0xFFFFD800  }
0x3f: {  	[spmem:s18] =	stream.linear.scatter [tilespmem:s20], [sflag:$0x7], $0x2800, $0x38;
	[tilespmem:$0x1FC00] =	vst v63  }
0x40: {  	_ =	swait.ge [sflag:s21], $0x2800  }
0x41: {  	[sflag:s21] =	ssyncset.done $0x0  }
0x42: {  	s16 =	rddreg [dreg:$0x9];
	[sflag:s21] =	ssyncadd.s32 $0xFFFFD800  }
0x43: {  	[spmem:s16] =	stream.linear.scatter [tilespmem:s20], [sflag:$0x7], $0x2800, $0x38;
	[tilespmem:$0x1FC00] =	vst v63  }
0x44: {  	_ =	swait.ge [sflag:s21], $0x2800  }
0x45: {  	[sflag:s21] =	ssyncset.done $0x0  }
0x46: {  	s17 =	rddreg [dreg:$0xa];
	[sflag:s21] =	ssyncadd.s32 $0xFFFFD800  }
0x47: {  	[spmem:s17] =	stream.linear.scatter [tilespmem:s20], [sflag:$0x7], $0x2800, $0x38;
	[tilespmem:$0x1FC00] =	vst v63  }
0x48: {  	_ =	swait.ge [sflag:s21], $0x2800  }
0x49: {  	[sflag:s21] =	ssyncset.done $0x0  }
0x4a: {  	s18 =	rddreg [dreg:$0xb];
	[sflag:s21] =	ssyncadd.s32 $0xFFFFD800  }
0x4b: {  	[tilespmem:s4], [sflag:$0x7] =	stream.linear.gather [hbm4b:s18+s4], $0x3E80, $0x38;
	[tilespmem:$0x1FC00] =	vst v63  }
0x4c: {  	_ =	swait.ge [sflag:s21], $0x3E80  }
0x4d: {  	[sflag:s21] =	ssyncset.done $0x0  }
0x4e: {  	[sflag:s21] =	ssyncadd.s32 $0xFFFFC180  }
0x4f: {  	[bflag:$0x0] =	sbarrier.arrive $0xFFFF  }
0x50: {  	v1 =	vld [tilespmem:$0x0];
	_ =	sdelay $0x1  }
0x51: {  	v2 =	vld [tilespmem:$0x10];
	_ =	sdelay $0x1  }
0x52: {  	v3 =	vld [tilespmem:$0x20]  }
0x53: {  	v4 =	vand.u32 $0xFFFF, v1  }
0x54: {  	v59 =	vld [tilespmem:$0x30];
	v1 =	vshrl.u32 v1, $0x10;
	[tilespmem:$0x4000] =	vst v4  }
0x55: {  	[tilespmem:$0x4200] =	vst v1;
	v1 =	vand.u32 $0xFFFF, v2  }
0x56: {  	[tilespmem:$0x4010] =	vst v1;
	v1 =	vshrl.u32 v2, $0x10;
	v2 =	vld [tilespmem:$0x40]  }
0x57: {  	[tilespmem:$0x4210] =	vst v1;
	v1 =	vand.u32 $0xFFFF, v3  }
0x58: {  	[tilespmem:$0x4020] =	vst v1;
	v1 =	vshrl.u32 v3, $0x10  }
0x59: {  	[tilespmem:$0x4220] =	vst v1;
	v1 =	vand.u32 $0xFFFF, v59  }
0x5a: {  	[tilespmem:$0x4030] =	vst v1;
	v1 =	vshrl.u32 v59, $0x10  }
0x5b: {  	[tilespmem:$0x4230] =	vst v1;
	v1 =	vand.u32 $0xFFFF, v2  }
0x5c: {  	[tilespmem:$0x4040] =	vst v1;
	v1 =	vshrl.u32 v2, $0x10  }
0x5d: {  	[tilespmem:$0x4240] =	vst v1  }
0x5e: {  	[tilespmem:s20], [sflag:$0x1] =	stream.indirect.gather [hbm4b:s1+s26], $0x80, s28, s26, $0xb8;
	[tilespmem:$0x1FC00] =	vst v63  }
0x5f: {  	v1 =	vld [tilespmem:$0x80];
	_ =	sdelay $0x1  }
0x60: {  	v2 =	vld [tilespmem:$0x90];
	_ =	sdelay $0x1  }
0x61: {  	v3 =	vld [tilespmem:$0xA0]  }
0x62: {  	v60 =	vand.u32 $0xFFFF, v1  }
0x63: {  	v61 =	vld [tilespmem:$0xB0];
	v1 =	vshrl.u32 v1, $0x10;
	[tilespmem:$0x4080] =	vst v60  }
0x64: {  	[tilespmem:$0x4280] =	vst v1;
	v1 =	vand.u32 $0xFFFF, v2  }
0x65: {  	[tilespmem:$0x4090] =	vst v1;
	v1 =	vshrl.u32 v2, $0x10;
	v2 =	vld [tilespmem:$0xC0]  }
0x66: {  	[tilespmem:$0x4290] =	vst v1;
	v1 =	vand.u32 $0xFFFF, v3  }
0x67: {  	[tilespmem:$0x40A0] =	vst v1;
	v1 =	vshrl.u32 v3, $0x10  }
0x68: {  	[tilespmem:$0x42A0] =	vst v1;
	v1 =	vand.u32 $0xFFFF, v61  }
0x69: {  	[tilespmem:$0x40B0] =	vst v1;
	v1 =	vshrl.u32 v61, $0x10  }
0x6a: {  	[tilespmem:$0x42B0] =	vst v1;
	v1 =	vand.u32 $0xFFFF, v2  }
0x6b: {  	[tilespmem:$0x40C0] =	vst v1;
	v1 =	vshrl.u32 v2, $0x10  }
0x6c: {  	[tilespmem:$0x42C0] =	vst v1  }
0x6d: {  	[tilespmem:s30], [sflag:$0x2] =	stream.indirect.gather [hbm4b:s1+s26], $0x80, s29, s26, $0xb8;
	[tilespmem:$0x1FC00] =	vst v63  }
0x6e: {  	_ =	swait.ge [sflag:s31], $0x2800  }
0x6f: {  	[sflag:s31] =	ssyncset.done $0x0  }
0x70: {  	[sflag:s31] =	ssyncadd.s32 $0xFFFFD800  }
0x71: {  	[spmem:s3] =	stream.indirect.scatter.add.f32 [tilespmem:s20], [sflag:$0x4], $0x80, s0, s26, $0xb8;
	[tilespmem:$0x1FC00] =	vst v63  }
0x72: {  	v1 =	vld [tilespmem:$0x100];
	_ =	sdelay $0x1  }
0x73: {  	v2 =	vld [tilespmem:$0x110];
	_ =	sdelay $0x1  }
0x74: {  	v3 =	vld [tilespmem:$0x120]  }
0x75: {  	v62 =	vand.u32 $0xFFFF, v1  }
0x76: {  	v63 =	vld [tilespmem:$0x130];
	v1 =	vshrl.u32 v1, $0x10;
	[tilespmem:$0x4100] =	vst v62  }
0x77: {  	[tilespmem:$0x4300] =	vst v1;
	v1 =	vand.u32 $0xFFFF, v2  }
0x78: {  	[tilespmem:$0x4110] =	vst v1;
	v1 =	vshrl.u32 v2, $0x10;
	v2 =	vld [tilespmem:$0x140]  }
0x79: {  	[tilespmem:$0x4310] =	vst v1;
	v1 =	vand.u32 $0xFFFF, v3  }
0x7a: {  	[tilespmem:$0x4120] =	vst v1;
	v1 =	vshrl.u32 v3, $0x10  }
0x7b: {  	[tilespmem:$0x4320] =	vst v1;
	v1 =	vand.u32 $0xFFFF, v63  }
0x7c: {  	[tilespmem:$0x4130] =	vst v1;
	v1 =	vshrl.u32 v63, $0x10  }
0x7d: {  	[tilespmem:$0x4330] =	vst v1;
	v1 =	vand.u32 $0xFFFF, v2  }
0x7e: {  	[tilespmem:$0x4140] =	vst v1;
	v1 =	vshrl.u32 v2, $0x10  }
0x7f: {  	[tilespmem:$0x4340] =	vst v1  }
0x80: {  	[tilespmem:s6], [sflag:$0x3] =	stream.indirect.gather [hbm4b:s1+s26], $0x80, s2, s26, $0xb8;
	[tilespmem:$0x1FC00] =	vst v63  }
0x81: {  	_ =	swait.ge [sflag:s7], $0x2800  }
0x82: {  	[sflag:s7] =	ssyncset.done $0x0  }
0x83: {  	[sflag:s7] =	ssyncadd.s32 $0xFFFFD800  }
0x84: {  	_ =	swait.ge [sflag:s8], $0x2800  }
0x85: {  	[sflag:s8] =	ssyncset.done $0x0  }
0x86: {  	s15 =	simm.s32 $0x2C0;
	[sflag:s8] =	ssyncadd.s32 $0xFFFFD800  }
0x87: {  	[spmem:s3] =	stream.indirect.scatter.add.f32 [tilespmem:s30], [sflag:$0x5], $0x80, s9, s26, $0xb8;
	[tilespmem:$0x1FC00] =	vst v63  }
0x88: {  	v1 =	vld [tilespmem:s15+$0xFFFFFEC0];
	_ =	sdelay $0x4  }
0x89: {  	v2 =	vand.u32 $0xFFFF, v1  }
0x8a: {  	v1 =	vshrl.u32 v1, $0x10;
	[tilespmem:$0x4000] =	vst v2  }
0x8b: {  	[tilespmem:$0x4200] =	vst v1  }
0x8c: {  	v1 =	vld [tilespmem:s15+$0xFFFFFED0];
	_ =	sdelay $0x4  }
0x8d: {  	v2 =	vand.u32 $0xFFFF, v1  }
0x8e: {  	v1 =	vshrl.u32 v1, $0x10;
	[tilespmem:$0x4010] =	vst v2  }
0x8f: {  	[tilespmem:$0x4210] =	vst v1  }
0x90: {  	v1 =	vld [tilespmem:s15+$0xFFFFFEE0];
	_ =	sdelay $0x4  }
0x91: {  	v2 =	vand.u32 $0xFFFF, v1  }
0x92: {  	v1 =	vshrl.u32 v1, $0x10;
	[tilespmem:$0x4020] =	vst v2  }
0x93: {  	[tilespmem:$0x4220] =	vst v1  }
0x94: {  	v1 =	vld [tilespmem:s15+$0xFFFFFEF0];
	_ =	sdelay $0x4  }
0x95: {  	v2 =	vand.u32 $0xFFFF, v1  }
0x96: {  	v1 =	vshrl.u32 v1, $0x10;
	[tilespmem:$0x4030] =	vst v2  }
0x97: {  	[tilespmem:$0x4230] =	vst v1  }
0x98: {  	v1 =	vld [tilespmem:s15+$0xFFFFFF00];
	_ =	sdelay $0x4  }
0x99: {  	v2 =	vand.u32 $0xFFFF, v1  }
0x9a: {  	v1 =	vshrl.u32 v1, $0x10;
	[tilespmem:$0x4040] =	vst v2  }
0x9b: {  	[tilespmem:$0x4240] =	vst v1  }
0x9c: {  	[tilespmem:s20], [sflag:$0x1] =	stream.indirect.gather [hbm4b:s1+s26], $0x80, s28, s26, $0xb8;
	[tilespmem:$0x1FC00] =	vst v63  }
0x9d: {  	_ =	swait.ge [sflag:s10], $0x2800  }
0x9e: {  	[sflag:s10] =	ssyncset.done $0x0  }
0x9f: {  	[sflag:s10] =	ssyncadd.s32 $0xFFFFD800  }
0xa0: {  	_ =	swait.ge [sflag:s11], $0x2800  }
0xa1: {  	[sflag:s11] =	ssyncset.done $0x0  }
0xa2: {  	[sflag:s11] =	ssyncadd.s32 $0xFFFFD800  }
0xa3: {  	[spmem:s3] =	stream.indirect.scatter.add.f32 [tilespmem:s6], [sflag:$0x6], $0x80, s12, s26, $0xb8;
	[tilespmem:$0x1FC00] =	vst v63  }
0xa4: {  	v1 =	vld [tilespmem:s15+$0xFFFFFF40];
	_ =	sdelay $0x4  }
0xa5: {  	v2 =	vand.u32 $0xFFFF, v1  }
0xa6: {  	v1 =	vshrl.u32 v1, $0x10;
	[tilespmem:$0x4080] =	vst v2  }
0xa7: {  	[tilespmem:$0x4280] =	vst v1  }
0xa8: {  	v1 =	vld [tilespmem:s15+$0xFFFFFF50];
	_ =	sdelay $0x4  }
0xa9: {  	v2 =	vand.u32 $0xFFFF, v1  }
0xaa: {  	v1 =	vshrl.u32 v1, $0x10;
	[tilespmem:$0x4090] =	vst v2  }
0xab: {  	[tilespmem:$0x4290] =	vst v1  }
0xac: {  	v1 =	vld [tilespmem:s15+$0xFFFFFF60];
	_ =	sdelay $0x4  }
0xad: {  	v2 =	vand.u32 $0xFFFF, v1  }
0xae: {  	v1 =	vshrl.u32 v1, $0x10;
	[tilespmem:$0x40A0] =	vst v2  }
0xaf: {  	[tilespmem:$0x42A0] =	vst v1  }
0xb0: {  	v1 =	vld [tilespmem:s15+$0xFFFFFF70];
	_ =	sdelay $0x4  }
0xb1: {  	v2 =	vand.u32 $0xFFFF, v1  }
0xb2: {  	v1 =	vshrl.u32 v1, $0x10;
	[tilespmem:$0x40B0] =	vst v2  }
0xb3: {  	[tilespmem:$0x42B0] =	vst v1  }
0xb4: {  	v1 =	vld [tilespmem:s15+$0xFFFFFF80];
	_ =	sdelay $0x4  }
0xb5: {  	v2 =	vand.u32 $0xFFFF, v1  }
0xb6: {  	v1 =	vshrl.u32 v1, $0x10;
	[tilespmem:$0x40C0] =	vst v2  }
0xb7: {  	[tilespmem:$0x42C0] =	vst v1  }
0xb8: {  	[tilespmem:s30], [sflag:$0x2] =	stream.indirect.gather [hbm4b:s1+s26], $0x80, s29, s26, $0xb8;
	[tilespmem:$0x1FC00] =	vst v63  }
0xb9: {  	_ =	swait.ge [sflag:s31], $0x2800  }
0xba: {  	[sflag:s31] =	ssyncset.done $0x0  }
0xbb: {  	[sflag:s31] =	ssyncadd.s32 $0xFFFFD800  }
0xbc: {  	_ =	swait.ge [sflag:s13], $0x2800  }
0xbd: {  	[sflag:s13] =	ssyncset.done $0x0  }
0xbe: {  	[sflag:s13] =	ssyncadd.s32 $0xFFFFD800  }
0xbf: {  	[spmem:s3] =	stream.indirect.scatter.add.f32 [tilespmem:s20], [sflag:$0x4], $0x80, s0, s26, $0xb8;
	[tilespmem:$0x1FC00] =	vst v63  }
0xc0: {  	v1 =	vld [tilespmem:s15+$0xFFFFFFC0];
	_ =	sdelay $0x4  }
0xc1: {  	v2 =	vand.u32 $0xFFFF, v1  }
0xc2: {  	v1 =	vshrl.u32 v1, $0x10;
	[tilespmem:$0x4100] =	vst v2  }
0xc3: {  	[tilespmem:$0x4300] =	vst v1  }
0xc4: {  	v1 =	vld [tilespmem:s15+$0xFFFFFFD0];
	_ =	sdelay $0x4  }
0xc5: {  	v2 =	vand.u32 $0xFFFF, v1  }
0xc6: {  	v1 =	vshrl.u32 v1, $0x10;
	[tilespmem:$0x4110] =	vst v2  }
0xc7: {  	[tilespmem:$0x4310] =	vst v1  }
0xc8: {  	v1 =	vld [tilespmem:s15+$0xFFFFFFE0];
	_ =	sdelay $0x4  }
0xc9: {  	v2 =	vand.u32 $0xFFFF, v1  }
0xca: {  	v1 =	vshrl.u32 v1, $0x10;
	[tilespmem:$0x4120] =	vst v2  }
0xcb: {  	[tilespmem:$0x4320] =	vst v1  }
0xcc: {  	s16 =	simm.s32 $0x1100;
	v1 =	vld [tilespmem:s15+$0xFFFFFFF0]  }
.LBB2_4:
0xcd: {  	p0 =	sne.s32 s16, $0xF500;
	s17 =	smov.u32 s16;
	s16 =	sadd.s32 $0x600, s16  }
0xce: {  	_ =	sdelay $0x2  }
0xcf: {  	v2 =	vand.u32 $0xFFFF, v1;
	v1 =	vshrl.u32 v1, $0x10  }
0xd0: {  	[tilespmem:$0x4130] =	vst v2  }
0xd1: {  	[tilespmem:$0x4330] =	vst v1  }
0xd2: {  	v1 =	vld [tilespmem:s15+$0x0];
	_ =	sdelay $0x4  }
0xd3: {  	v2 =	vand.u32 $0xFFFF, v1;
	v1 =	vshrl.u32 v1, $0x10  }
0xd4: {  	[tilespmem:$0x4140] =	vst v2  }
0xd5: {  	[tilespmem:$0x4340] =	vst v1  }
0xd6: {  	[tilespmem:s6], [sflag:$0x3] =	stream.indirect.gather [hbm4b:s1+s26], $0x80, s2, s26, $0xb8;
	[tilespmem:$0x1FC00] =	vst v63  }
0xd7: {  	_ =	swait.ge [sflag:s7], $0x2800  }
0xd8: {  	[sflag:s7] =	ssyncset.done $0x0  }
0xd9: {  	[sflag:s7] =	ssyncadd.s32 $0xFFFFD800  }
0xda: {  	_ =	swait.ge [sflag:s8], $0x2800  }
0xdb: {  	[sflag:s8] =	ssyncset.done $0x0  }
0xdc: {  	s15 =	sshra.s32 s17, $0x2;
	[sflag:s8] =	ssyncadd.s32 $0xFFFFD800  }
0xdd: {  	[spmem:s3] =	stream.indirect.scatter.add.f32 [tilespmem:s30], [sflag:$0x5], $0x80, s9, s26, $0xb8;
	[tilespmem:$0x1FC00] =	vst v63  }
0xde: {  	v1 =	vld [tilespmem:s15+$0xFFFFFEC0];
	_ =	sdelay $0x4  }
0xdf: {  	v2 =	vand.u32 $0xFFFF, v1;
	v1 =	vshrl.u32 v1, $0x10  }
0xe0: {  	[tilespmem:$0x4000] =	vst v2  }
0xe1: {  	[tilespmem:$0x4200] =	vst v1  }
0xe2: {  	v1 =	vld [tilespmem:s15+$0xFFFFFED0];
	_ =	sdelay $0x4  }
0xe3: {  	v2 =	vand.u32 $0xFFFF, v1;
	v1 =	vshrl.u32 v1, $0x10  }
0xe4: {  	[tilespmem:$0x4010] =	vst v2  }
0xe5: {  	[tilespmem:$0x4210] =	vst v1  }
0xe6: {  	v1 =	vld [tilespmem:s15+$0xFFFFFEE0];
	_ =	sdelay $0x4  }
0xe7: {  	v2 =	vand.u32 $0xFFFF, v1;
	v1 =	vshrl.u32 v1, $0x10  }
0xe8: {  	[tilespmem:$0x4020] =	vst v2  }
0xe9: {  	[tilespmem:$0x4220] =	vst v1  }
0xea: {  	v1 =	vld [tilespmem:s15+$0xFFFFFEF0];
	_ =	sdelay $0x4  }
0xeb: {  	v2 =	vand.u32 $0xFFFF, v1;
	v1 =	vshrl.u32 v1, $0x10  }
0xec: {  	[tilespmem:$0x4030] =	vst v2  }
0xed: {  	[tilespmem:$0x4230] =	vst v1  }
0xee: {  	v1 =	vld [tilespmem:s15+$0xFFFFFF00];
	_ =	sdelay $0x4  }
0xef: {  	v2 =	vand.u32 $0xFFFF, v1;
	v1 =	vshrl.u32 v1, $0x10  }
0xf0: {  	[tilespmem:$0x4040] =	vst v2  }
0xf1: {  	[tilespmem:$0x4240] =	vst v1  }
0xf2: {  	[tilespmem:s20], [sflag:$0x1] =	stream.indirect.gather [hbm4b:s1+s26], $0x80, s28, s26, $0xb8;
	[tilespmem:$0x1FC00] =	vst v63  }
0xf3: {  	_ =	swait.ge [sflag:s10], $0x2800  }
0xf4: {  	[sflag:s10] =	ssyncset.done $0x0  }
0xf5: {  	[sflag:s10] =	ssyncadd.s32 $0xFFFFD800  }
0xf6: {  	_ =	swait.ge [sflag:s11], $0x2800  }
0xf7: {  	[sflag:s11] =	ssyncset.done $0x0  }
0xf8: {  	[sflag:s11] =	ssyncadd.s32 $0xFFFFD800  }
0xf9: {  	[spmem:s3] =	stream.indirect.scatter.add.f32 [tilespmem:s6], [sflag:$0x6], $0x80, s12, s26, $0xb8;
	[tilespmem:$0x1FC00] =	vst v63  }
0xfa: {  	v1 =	vld [tilespmem:s15+$0xFFFFFF40];
	_ =	sdelay $0x4  }
0xfb: {  	v2 =	vand.u32 $0xFFFF, v1;
	v1 =	vshrl.u32 v1, $0x10  }
0xfc: {  	[tilespmem:$0x4080] =	vst v2  }
0xfd: {  	[tilespmem:$0x4280] =	vst v1  }
0xfe: {  	v1 =	vld [tilespmem:s15+$0xFFFFFF50];
	_ =	sdelay $0x4  }
0xff: {  	v2 =	vand.u32 $0xFFFF, v1;
	v1 =	vshrl.u32 v1, $0x10  }
0x100: {  	[tilespmem:$0x4090] =	vst v2  }
0x101: {  	[tilespmem:$0x4290] =	vst v1  }
0x102: {  	v1 =	vld [tilespmem:s15+$0xFFFFFF60];
	_ =	sdelay $0x4  }
0x103: {  	v2 =	vand.u32 $0xFFFF, v1;
	v1 =	vshrl.u32 v1, $0x10  }
0x104: {  	[tilespmem:$0x40A0] =	vst v2  }
0x105: {  	[tilespmem:$0x42A0] =	vst v1  }
0x106: {  	v1 =	vld [tilespmem:s15+$0xFFFFFF70];
	_ =	sdelay $0x4  }
0x107: {  	v2 =	vand.u32 $0xFFFF, v1;
	v1 =	vshrl.u32 v1, $0x10  }
0x108: {  	[tilespmem:$0x40B0] =	vst v2  }
0x109: {  	[tilespmem:$0x42B0] =	vst v1  }
0x10a: {  	v1 =	vld [tilespmem:s15+$0xFFFFFF80];
	_ =	sdelay $0x4  }
0x10b: {  	v2 =	vand.u32 $0xFFFF, v1;
	v1 =	vshrl.u32 v1, $0x10  }
0x10c: {  	[tilespmem:$0x40C0] =	vst v2  }
0x10d: {  	[tilespmem:$0x42C0] =	vst v1  }
0x10e: {  	[tilespmem:s30], [sflag:$0x2] =	stream.indirect.gather [hbm4b:s1+s26], $0x80, s29, s26, $0xb8;
	[tilespmem:$0x1FC00] =	vst v63  }
0x10f: {  	_ =	swait.ge [sflag:s31], $0x2800  }
0x110: {  	[sflag:s31] =	ssyncset.done $0x0  }
0x111: {  	[sflag:s31] =	ssyncadd.s32 $0xFFFFD800  }
0x112: {  	_ =	swait.ge [sflag:s13], $0x2800  }
0x113: {  	[sflag:s13] =	ssyncset.done $0x0  }
0x114: {  	[sflag:s13] =	ssyncadd.s32 $0xFFFFD800  }
0x115: {  	[spmem:s3] =	stream.indirect.scatter.add.f32 [tilespmem:s20], [sflag:$0x4], $0x80, s0, s26, $0xb8;
	[tilespmem:$0x1FC00] =	vst v63  }
0x116: {  	v1 =	vld [tilespmem:s15+$0xFFFFFFC0];
	_ =	sdelay $0x4  }
0x117: {  	v2 =	vand.u32 $0xFFFF, v1;
	v1 =	vshrl.u32 v1, $0x10  }
0x118: {  	[tilespmem:$0x4100] =	vst v2  }
0x119: {  	[tilespmem:$0x4300] =	vst v1  }
0x11a: {  	v1 =	vld [tilespmem:s15+$0xFFFFFFD0];
	_ =	sdelay $0x4  }
0x11b: {  	v2 =	vand.u32 $0xFFFF, v1;
	v1 =	vshrl.u32 v1, $0x10  }
0x11c: {  	[tilespmem:$0x4110] =	vst v2  }
0x11d: {  	[tilespmem:$0x4310] =	vst v1  }
0x11e: {  	v1 =	vld [tilespmem:s15+$0xFFFFFFE0];
	_ =	sdelay $0x3  }
.Ltmp1:
0x11f: {  	(pc) =	sbr.rel @p0 .LBB2_4-.Ltmp1, $4  }
0x120: {  	v2 =	vand.u32 $0xFFFF, v1;
	v1 =	vshrl.u32 v1, $0x10  }
0x121: {  	[tilespmem:$0x4120] =	vst v2  }
0x122: {  	[tilespmem:$0x4320] =	vst v1  }
0x123: {  	v1 =	vld [tilespmem:s15+$0xFFFFFFF0]  }
0x124: {  	_ =	sdelay $0x3  }
0x125: {  	v2 =	vand.u32 $0xFFFF, v1  }
0x126: {  	v1 =	vshrl.u32 v1, $0x10;
	[tilespmem:$0x4130] =	vst v2  }
0x127: {  	[tilespmem:$0x4330] =	vst v1  }
0x128: {  	v1 =	vld [tilespmem:s15+$0x0];
	_ =	sdelay $0x4  }
0x129: {  	v2 =	vand.u32 $0xFFFF, v1  }
0x12a: {  	v1 =	vshrl.u32 v1, $0x10;
	[tilespmem:$0x4140] =	vst v2  }
0x12b: {  	[tilespmem:$0x4340] =	vst v1  }
0x12c: {  	[tilespmem:s6], [sflag:$0x3] =	stream.indirect.gather [hbm4b:s1+s26], $0x80, s2, s26, $0xb8;
	[tilespmem:$0x1FC00] =	vst v63  }
0x12d: {  	_ =	swait.ge [sflag:s7], $0x2800  }
0x12e: {  	[sflag:s7] =	ssyncset.done $0x0  }
0x12f: {  	[sflag:s7] =	ssyncadd.s32 $0xFFFFD800  }
0x130: {  	_ =	swait.ge [sflag:s8], $0x2800  }
0x131: {  	[sflag:s8] =	ssyncset.done $0x0  }
0x132: {  	[sflag:s8] =	ssyncadd.s32 $0xFFFFD800  }
0x133: {  	[spmem:s3] =	stream.indirect.scatter.add.f32 [tilespmem:s30], [sflag:$0x5], $0x80, s9, s26, $0xb8;
	[tilespmem:$0x1FC00] =	vst v63  }
0x134: {  	v1 =	vld [tilespmem:$0x3D80];
	_ =	sdelay $0x1  }
0x135: {  	v2 =	vld [tilespmem:$0x3D90];
	_ =	sdelay $0x1  }
0x136: {  	v3 =	vld [tilespmem:$0x3DA0]  }
0x137: {  	v4 =	vand.u32 $0xFFFF, v1  }
0x138: {  	v61 =	vld [tilespmem:$0x3DB0];
	v1 =	vshrl.u32 v1, $0x10;
	[tilespmem:$0x4000] =	vst v4  }
0x139: {  	[tilespmem:$0x4200] =	vst v1;
	v1 =	vand.u32 $0xFFFF, v2  }
0x13a: {  	[tilespmem:$0x4010] =	vst v1;
	v1 =	vshrl.u32 v2, $0x10;
	v2 =	vld [tilespmem:$0x3DC0]  }
0x13b: {  	[tilespmem:$0x4210] =	vst v1;
	v1 =	vand.u32 $0xFFFF, v3  }
0x13c: {  	[tilespmem:$0x4020] =	vst v1;
	v1 =	vshrl.u32 v3, $0x10  }
0x13d: {  	[tilespmem:$0x4220] =	vst v1;
	v1 =	vand.u32 $0xFFFF, v61  }
0x13e: {  	[tilespmem:$0x4030] =	vst v1;
	v1 =	vshrl.u32 v61, $0x10  }
0x13f: {  	[tilespmem:$0x4230] =	vst v1;
	v1 =	vand.u32 $0xFFFF, v2  }
0x140: {  	[tilespmem:$0x4040] =	vst v1;
	v1 =	vshrl.u32 v2, $0x10  }
0x141: {  	[tilespmem:$0x4240] =	vst v1  }
0x142: {  	[tilespmem:s20], [sflag:$0x1] =	stream.indirect.gather [hbm4b:s1+s26], $0x80, s28, s26, $0xb8;
	[tilespmem:$0x1FC00] =	vst v63  }
0x143: {  	_ =	swait.ge [sflag:s10], $0x2800  }
0x144: {  	[sflag:s10] =	ssyncset.done $0x0  }
0x145: {  	[sflag:s10] =	ssyncadd.s32 $0xFFFFD800  }
0x146: {  	_ =	swait.ge [sflag:s11], $0x2800  }
0x147: {  	[sflag:s11] =	ssyncset.done $0x0  }
0x148: {  	[sflag:s11] =	ssyncadd.s32 $0xFFFFD800  }
0x149: {  	[spmem:s3] =	stream.indirect.scatter.add.f32 [tilespmem:s6], [sflag:$0x6], $0x80, s12, s26, $0xb8;
	[tilespmem:$0x1FC00] =	vst v63  }
0x14a: {  	v1 =	vld [tilespmem:$0x3E00];
	_ =	sdelay $0x1  }
0x14b: {  	v2 =	vld [tilespmem:$0x3E10];
	_ =	sdelay $0x1  }
0x14c: {  	v3 =	vld [tilespmem:$0x3E20]  }
0x14d: {  	v62 =	vand.u32 $0xFFFF, v1  }
0x14e: {  	v63 =	vld [tilespmem:$0x3E30];
	v1 =	vshrl.u32 v1, $0x10;
	[tilespmem:$0x4080] =	vst v62  }
0x14f: {  	[tilespmem:$0x4280] =	vst v1;
	v1 =	vand.u32 $0xFFFF, v2  }
0x150: {  	[tilespmem:$0x4090] =	vst v1;
	v1 =	vshrl.u32 v2, $0x10;
	v2 =	vld [tilespmem:$0x3E40]  }
0x151: {  	[tilespmem:$0x4290] =	vst v1;
	v1 =	vand.u32 $0xFFFF, v3  }
0x152: {  	[tilespmem:$0x40A0] =	vst v1;
	v1 =	vshrl.u32 v3, $0x10  }
0x153: {  	[tilespmem:$0x42A0] =	vst v1;
	v1 =	vand.u32 $0xFFFF, v63  }
0x154: {  	[tilespmem:$0x40B0] =	vst v1;
	v1 =	vshrl.u32 v63, $0x10  }
0x155: {  	[tilespmem:$0x42B0] =	vst v1;
	v1 =	vand.u32 $0xFFFF, v2  }
0x156: {  	[tilespmem:$0x40C0] =	vst v1;
	v1 =	vshrl.u32 v2, $0x10  }
0x157: {  	[tilespmem:$0x42C0] =	vst v1  }
0x158: {  	[tilespmem:s30], [sflag:$0x2] =	stream.indirect.gather [hbm4b:s1+s26], $0x80, s29, s26, $0xb8;
	[tilespmem:$0x1FC00] =	vst v63  }
0x159: {  	_ =	swait.ge [sflag:s31], $0x2800  }
0x15a: {  	[sflag:s31] =	ssyncset.done $0x0  }
0x15b: {  	[sflag:s31] =	ssyncadd.s32 $0xFFFFD800  }
0x15c: {  	_ =	swait.ge [sflag:s13], $0x2800  }
0x15d: {  	[sflag:s13] =	ssyncset.done $0x0  }
0x15e: {  	[sflag:s13] =	ssyncadd.s32 $0xFFFFD800  }
0x15f: {  	[spmem:s3] =	stream.indirect.scatter.add.f32 [tilespmem:s20], [sflag:$0x4], $0x80, s0, s26, $0xb8;
	[tilespmem:$0x1FC00] =	vst v63  }
0x160: {  	_ =	swait.ge [sflag:s7], $0x2800  }
0x161: {  	[sflag:s7] =	ssyncset.done $0x0  }
0x162: {  	[sflag:s7] =	ssyncadd.s32 $0xFFFFD800  }
0x163: {  	_ =	swait.ge [sflag:s8], $0x2800  }
0x164: {  	[sflag:s8] =	ssyncset.done $0x0  }
0x165: {  	[sflag:s8] =	ssyncadd.s32 $0xFFFFD800  }
0x166: {  	[spmem:s3] =	stream.indirect.scatter.add.f32 [tilespmem:s30], [sflag:$0x5], $0x80, s9, s26, $0xb8;
	[tilespmem:$0x1FC00] =	vst v63  }
0x167: {  	_ =	swait.ge [sflag:s11], $0x2800  }
0x168: {  	[sflag:s11] =	ssyncset.done $0x0  }
0x169: {  	s16 =	stileid.u32;
	[sflag:s11] =	ssyncadd.s32 $0xFFFFD800  }
0x16a: {  	s15 =	sshll.u32 s16, $0x6;
	[bflag:$0x0] =	sbarrier.arrive $0xFFFF  }
0x16b: {  	s16 =	sshrl.u32 s5, $0x3;
	s15 =	sor.u32 $0x1C07, s15;
	s17 =	rddreg [dreg:$0xc]  }
0x16c: {  	[hbm:s17], [sflag:s15] =	dma.local [spmem:s16], $0x800  }
0x16d: {  	_ =	swait.ge [sflag:s21], $0x800  }
0x16e: {  	[sflag:s21] =	ssyncset.done $0x0  }
0x16f: {  	s17 =	rddreg [dreg:$0xd];
	[sflag:s21] =	ssyncadd.s32 $0xFFFFF800  }
0x170: {  	[hbm:s17], [sflag:s15] =	dma.local [spmem:s22], $0x800  }
0x171: {  	_ =	swait.ge [sflag:s21], $0x800  }
0x172: {  	[sflag:s21] =	ssyncset.done $0x0  }
0x173: {  	s18 =	rddreg [dreg:$0xe];
	[sflag:s21] =	ssyncadd.s32 $0xFFFFF800  }
0x174: {  	[hbm:s18], [sflag:s15] =	dma.local [spmem:s23], $0x800  }
0x175: {  	_ =	swait.ge [sflag:s21], $0x800  }
0x176: {  	[sflag:s21] =	ssyncset.done $0x0  }
0x177: {  	s17 =	rddreg [dreg:$0xf];
	[sflag:s21] =	ssyncadd.s32 $0xFFFFF800  }
0x178: {  	[hbm:s17], [sflag:s15] =	dma.local [spmem:s24], $0x800  }
0x179: {  	s14 =	sadd.s32 $0x1, s14;
	_ =	swait.ge [sflag:s21], $0x800  }
0x17a: {  	p0 =	sne.s32 s14, s19;
	[sflag:s21] =	ssyncset.done $0x0  }
.Ltmp2:
0x17b: {  	s18 =	rddreg [dreg:$0x10];
	[sflag:s21] =	ssyncadd.s32 $0xFFFFF800;
	(pc) =	sbr.rel @p0 .LBB2_1-.Ltmp2, $4  }
0x17c: {  	[hbm:s18], [sflag:s15] =	dma.local [spmem:s25], $0x800  }
0x17d: {  	_ =	swait.ge [sflag:s21], $0x800  }
0x17e: {  	[sflag:s21] =	ssyncset.done $0x0  }
0x17f: {  	[sflag:s21] =	ssyncadd.s32 $0xFFFFF800  }
0x180: {  	_ =	sfence.sel $0x180000  }
0x181: {  	[bflag:$0x0] =	sbarrier.arrive $0xFFFF  }
0x182: {  	_ =	strace $0x9000004D  }
0x183: {  	s0 =	stileid.u32;
	[bflag:$0x2] =	sbarrier.arrive $0xFFFF  }
0x184: {  	p0 =	sne.s32 s0, $0x0;
	s0 =	rddreg [dreg:$0x3]  }
0x185: {  	s0 =	sadd.s32 @!p0 $0x100000, s0  }
0x186: {  	[sflag:s0] =	ssyncadd.tile.s32 @!p0 $0x1;
	_ =	shalt  }
.Lfunc_end2:
_tile_overlayer_lowered:
.L_overlay_start_2:
0x187: {  	(tag) =	ssettag $0x2  }
0x188: {  	s0 =	rddreg [dreg:$0x0];
	s2 =	stileid.u32  }
0x189: {  	s1 =	rddreg [dreg:$0x1];
	p0 =	sne.s32 s2, $0x0  }
0x18a: {  	s3 =	rddreg [dreg:$0x2];
	[bflag:$0x3] =	sbarrier.arrive $0xFFFF;
	s2 =	simm.s32 @!p0 $0x1C07  }
0x18b: {  	[timem:s3], [sflag:s2] =	dma.local @!p0 [hbm:s0], s1  }
0x18c: {  	s0 =	simm.s32 @!p0 $0x7  }
0x18d: {  	_ =	swait.ge @!p0 [sflag:s0], s1  }
0x18e: {  	s1 =	ssub.s32 @!p0 $0x0, s1;
	[sflag:s0] =	ssyncset.done @!p0 $0x0  }
0x18f: {  	[sflag:s0] =	ssyncadd.s32 @!p0 s1  }
0x190: {  	[bflag:$0x3] =	sbarrier.arrive $0xFFFF  }
0x191: {  	_ =	shalt  }

// kernel: kernel.8.cloned.1.call-start
scs
__scs_entry_jumppad:
0x0: {  	(pc) =	sbr.rel $0x88, $3  }
0x1: {  	(tag) =	ssettag $0x0;
	lr =	simm.s32 $0x1  }
0x2: {  	[smem:$0x3F97] =	sst lr;
	_ =	strace $0xD0000000  }
0x3: {  	_ = 	snop  }
0x4: {  	_ = 	snop  }
0x5: {  	_ = 	snop  }
0x6: {  	_ = 	snop  }
0x7: {  	_ = 	snop  }
__scs_overlays_trampoline_lowered:
0x8: {  	[smem:$0x3FA6] =	sst s0  }
0x9: {  	[smem:$0x3FA7] =	sst s1  }
0xa: {  	[smem:$0x3FA8] =	sst s2  }
0xb: {  	[smem:$0x3FA9] =	sst s3  }
0xc: {  	[smem:$0x3FAA] =	sst s4  }
0xd: {  	[smem:$0x3FAB] =	sst s5  }
0xe: {  	[smem:$0x3FAC] =	sst s6  }
0xf: {  	[smem:$0x3FAD] =	sst s7  }
0x10: {  	[smem:$0x3FAE] =	sst s8  }
0x11: {  	[smem:$0x3FAF] =	sst s9;
	s0 =	simm.s32 @!p0 $0x0  }
0x12: {  	s1 =	sld [smem:$0x3F95];
	s0 =	simm.s32 @p0 $0x1  }
0x13: {  	[smem:$0x3FB0] =	sst s0;
	s0 =	simm.s32 @!p1 $0x0  }
0x14: {  	s2 =	sld [smem:$0x3F94];
	s0 =	simm.s32 @p1 $0x1  }
0x15: {  	[smem:$0x3FB1] =	sst s0;
	s0 =	simm.s32 @!p2 $0x0  }
0x16: {  	s3 =	sld [smem:$0x3FDB];
	s0 =	simm.s32 @p2 $0x1  }
0x17: {  	s4 =	simm.s32 $0x1BF5;
	[smem:$0x3FB3] =	sst s0  }
0x18: {  	s0 =	sld [smem:$0x3F96];
	_ =	swait.ge [sflag:s4], $0x0  }
0x19: {  	s7 =	sld [smem:$0x3F97]  }
0x1a: {  	s8 =	sadd.s32 $0xFFFFE003, lr  }
0x1b: {  	s9 =	sadd.s32 $0xFFFFFEF7, lr;
	s5 =	simm.s32 $0xFFFFFFFF;
	p2 =	slt.u32 s8, $0xFFFFF086  }
0x1c: {  	p1 =	slt.u32 s9, $0xF7A;
	s5 =	simm.s32 @!p2 $0x0  }
0x1d: {  	s5 =	simm.s32 @p1 $0x1;
	p0 =	seq.s32 s7, s2  }
0x1e: {  	s7 =	smul.u32 @!p0 $0xF7A, s2;
	p2 =	seq.s32 @!p0 s5, $0x0  }
0x1f: {  	s9 =	smul.u32 $0xF7A, s1;
	s8 =	simm.s32 @!p0 $0x1BF5;
	p2 =	por !p2, p0  }
0x20: {  	[sflag:s8] =	ssyncset.s32 @!p0 $0xFFFFF086;
	s6 =	sadd.s32 @!p0 s3, s7;
	s7 =	simm.s32 @!p0 $0x108  }
0x21: {  	s3 =	sadd.s32 s3, s9;
	s6 =	sadd.s32 @!p0 $0x88, s6;
	s7 =	simm.s32 @p2 $0x1082  }
0x22: {  	[simem:s7], [sflag:s8] =	dma.local @!p0 [hbm:s6], $0xF7A  }
0x23: {  	s9 =	sor.u32 $0xD0000000, s2;
	s6 =	simm.s32 $0x108;
	_ =	swait.ge @!p0 [sflag:s8], $0x0  }
0x24: {  	s3 =	sadd.s32 $0x88, s3;
	s6 =	simm.s32 @!p1 $0x1082;
	[sflag:s4] =	ssyncset.s32 $0xFFFFF086  }
0x25: {  	[simem:s6], [sflag:s4] =	dma.local [hbm:s3], $0xF7A  }
0x26: {  	[smem:$0x3F97] =	sst s1;
	(tag) =	ssettag s2;
	_ =	strace s9  }
0x27: {  	s1 =	sld [smem:$0x3FA7]  }
0x28: {  	s2 =	sld [smem:$0x3FA8]  }
0x29: {  	s4 =	sld [smem:$0x3FAA]  }
0x2a: {  	p0 =	seq.s32 s5, $0x0;
	s5 =	sld [smem:$0x3FAB]  }
0x2b: {  	s6 =	sld [smem:$0x3FAC]  }
0x2c: {  	s7 =	sld [smem:$0x3FAD]  }
0x2d: {  	s3 =	simm.s32 $0x108;
	s8 =	sld [smem:$0x3FAE]  }
0x2e: {  	s3 =	simm.s32 @!p0 $0x1082;
	s9 =	sld [smem:$0x3FAF]  }
0x2f: {  	lr =	sadd.s32 s0, s3;
	s0 =	sld [smem:$0x3FA6]  }
0x30: {  	s3 =	sld [smem:$0x3FA9]  }
0x31: {  	[smem:$0x3FB2] =	sst s10  }
0x32: {  	s10 =	sld [smem:$0x3FB0];
	_ =	sdelay $0x3  }
0x33: {  	p0 =	seq.s32 s10, $0x1;
	s10 =	sld [smem:$0x3FB2];
	_ =	sdelay $0x3  }
0x34: {  	[smem:$0x3FB2] =	sst s10  }
0x35: {  	s10 =	sld [smem:$0x3FB1];
	_ =	sdelay $0x3  }
0x36: {  	p1 =	seq.s32 s10, $0x1;
	s10 =	sld [smem:$0x3FB2];
	_ =	sdelay $0x3  }
0x37: {  	[smem:$0x3FB2] =	sst s10  }
0x38: {  	s10 =	sld [smem:$0x3FB3]  }
0x39: {  	_ = 	snop;
	(pc) =	sbr.ind lr, $3  }
0x3a: {  	_ = 	snop  }
0x3b: {  	_ = 	snop  }
0x3c: {  	p2 =	seq.s32 s10, $0x1;
	s10 =	sld [smem:$0x3FB2]  }
0x3d: {  	_ =	shalt  }
0x3e: {  	_ =	shalt  }
0x3f: {  	_ =	shalt  }
0x40: {  	_ =	shalt  }
0x41: {  	_ =	shalt  }
0x42: {  	_ =	shalt  }
0x43: {  	_ =	shalt  }
0x44: {  	_ =	shalt  }
0x45: {  	_ =	shalt  }
0x46: {  	_ =	shalt  }
0x47: {  	_ =	shalt  }
0x48: {  	_ =	shalt  }
0x49: {  	_ =	shalt  }
0x4a: {  	_ =	shalt  }
0x4b: {  	_ =	shalt  }
0x4c: {  	_ =	shalt  }
0x4d: {  	_ =	shalt  }
0x4e: {  	_ =	shalt  }
0x4f: {  	_ =	shalt  }
0x50: {  	_ =	shalt  }
0x51: {  	_ =	shalt  }
0x52: {  	_ =	shalt  }
0x53: {  	_ =	shalt  }
0x54: {  	_ =	shalt  }
0x55: {  	_ =	shalt  }
0x56: {  	_ =	shalt  }
0x57: {  	_ =	shalt  }
0x58: {  	_ =	shalt  }
0x59: {  	_ =	shalt  }
0x5a: {  	_ =	shalt  }
0x5b: {  	_ =	shalt  }
0x5c: {  	_ =	shalt  }
0x5d: {  	_ =	shalt  }
0x5e: {  	_ =	shalt  }
0x5f: {  	_ =	shalt  }
0x60: {  	_ =	shalt  }
0x61: {  	_ =	shalt  }
0x62: {  	_ =	shalt  }
0x63: {  	_ =	shalt  }
0x64: {  	_ =	shalt  }
0x65: {  	_ =	shalt  }
0x66: {  	_ =	shalt  }
0x67: {  	_ =	shalt  }
0x68: {  	_ =	shalt  }
0x69: {  	_ =	shalt  }
0x6a: {  	_ =	shalt  }
0x6b: {  	_ =	shalt  }
0x6c: {  	_ =	shalt  }
0x6d: {  	_ =	shalt  }
0x6e: {  	_ =	shalt  }
0x6f: {  	_ =	shalt  }
0x70: {  	_ =	shalt  }
0x71: {  	_ =	shalt  }
0x72: {  	_ =	shalt  }
0x73: {  	_ =	shalt  }
0x74: {  	_ =	shalt  }
0x75: {  	_ =	shalt  }
0x76: {  	_ =	shalt  }
0x77: {  	_ =	shalt  }
0x78: {  	_ =	shalt  }
0x79: {  	_ =	shalt  }
0x7a: {  	_ =	shalt  }
0x7b: {  	_ =	shalt  }
0x7c: {  	_ =	shalt  }
0x7d: {  	_ =	shalt  }
0x7e: {  	_ =	shalt  }
0x7f: {  	_ =	shalt  }
0x80: {  	_ =	shalt  }
0x81: {  	_ =	shalt  }
0x82: {  	_ =	shalt  }
0x83: {  	_ =	shalt  }
0x84: {  	_ =	shalt  }
0x85: {  	_ =	shalt  }
0x86: {  	_ =	shalt  }
0x87: {  	_ =	shalt  }
.Lfunc_end0:
.L_simem_size_0:
called_computation_lowered:
.L_overlay_start_0:
0x88: {  	s2 =	sld [smem:$0x3FD9]  }
0x89: {  	s3 =	sld [smem:$0x3FFE];
	_ =	sdelay $0x1  }
0x8a: {  	s1 =	srdreg.scid  }
0x8b: {  	s0 =	sand.u32 $0x1, s1  }
0x8c: {  	s17 =	sshll.u32 s0, $0xA;
	s2 =	sadd.s32 s3, s2  }
0x8d: {  	s2 =	sadd.s32 s2, s17  }
0x8e: {  	[smem:$0x3FBE] =	sst s2  }
0x8f: {  	_ = 	snop  }
0x90: {  	s2 =	sld [smem:$0x3FD0];
	(tm) =	ssettm $0x1  }
0x91: {  	s18 =	sld [smem:$0x3FFB];
	_ =	sdelay $0x3  }
0x92: {  	_ =	strace s18  }
0x93: {  	s3 =	sld [smem:$0x3FFC];
	_ =	sdelay $0x3  }
0x94: {  	_ =	strace s3  }
0x95: {  	s3 =	sld [smem:$0x3FFD];
	_ =	sdelay $0x3  }
0x96: {  	_ =	strace s3  }
0x97: {  	_ =	strace $0x8FFFFFFF  }
0x98: {  	s19 =	sld [smem:$0x3FDB];
	_ =	sdelay $0x1  }
0x99: {  	s4 =	simm.s32 $_scs_section_size  }
0x9a: {  	s5 =	simm.s32 $_size__tile_overlayer_lowered;
	s6 =	simm.s32 $_tile_overlayer_lowered  }
0x9b: {  	s22 =	simm.s32 $0x1BFF;
	s21 =	sshll.u32 s6, $0x1;
	s3 =	sadd.s32 s4, s19  }
0x9c: {  	s7 =	simm.s32 $0x0;
	s20 =	sshll.u32 s5, $0x1;
	s5 =	sadd.s32 s21, s3  }
0x9d: {  	[timem:s7], [sflag:s22] =	dma.local [hbm:s5], s20  }
0x9e: {  	_ =	swait.ge [sflag:s22], s20  }
0x9f: {  	s4 =	ssub.s32 $0x0, s20;
	[sflag:s22] =	ssyncset.done $0x0  }
0xa0: {  	[sflag:s22] =	ssyncadd.s32 s4;
	_ =	sdelay $0x1  }
0xa1: {  	s23 =	simm.s32 $0x1B8B  }
0xa2: {  	_ =	swait.ge [sflag:s23], $0x1  }
0xa3: {  	[sflag:s23] =	ssyncset.done $0x0  }
0xa4: {  	s25 =	simm.s32 $0x1B8E;
	s24 =	sld [smem:$0x3FFE];
	[sflag:s23] =	ssyncadd.s32 $0xFFFFFFFF  }
0xa5: {  	s26 =	simm.s32 $execute0_lowered;
	[smem:$0x3FD2] =	sst s25  }
0xa6: {  	s5 =	sshll.u32 s26, $0x1;
	_ =	strace $0x80000046;
	[dreg:$0x1] =	wrdreg $0xFFFFFFFF  }
0xa7: {  	s28 =	simm.s32 $_size_execute0_lowered;
	s3 =	sadd.s32 s3, s5;
	[dreg:$0x0] =	wrdreg $0x0  }
0xa8: {  	s5 =	sshll.u32 s28, $0x1;
	[dreg:$0x2] =	wrdreg s3  }
0xa9: {  	[dreg:$0x3] =	wrdreg s5  }
0xaa: {  	[dreg:$0x4] =	wrdreg $0xC0  }
0xab: {  	_ =	task [dreg:s7], $0x5FFFF  }
0xac: {  	[dreg:$0x1] =	wrdreg $0xFFFFFFFF  }
0xad: {  	[dreg:$0x0] =	wrdreg $0x60  }
0xae: {  	[dreg:$0x2] =	wrdreg s2  }
0xaf: {  	[dreg:$0x3] =	wrdreg s24  }
0xb0: {  	[dreg:$0x4] =	wrdreg $0x68000  }
0xb1: {  	[dreg:$0x5] =	wrdreg $0x9  }
0xb2: {  	_ =	task.clear_ibuf [dreg:s7], $0x6FFFF;
	_ =	strace $0x90000046  }
0xb3: {  	s29 =	simm.s32 $0x9;
	_ =	strace $0x80000048  }
0xb4: {  	_ =	swait.ge [sflag:s29], $0x1  }
0xb5: {  	[sflag:s29] =	ssyncadd.s32 $0xFFFFFFFF  }
0xb6: {  	_ =	strace $0x90000048  }
0xb7: {  	_ =	sfence  }
0xb8: {  	s30 =	sld [smem:$0x0];
	_ =	sdelay $0x2  }
0xb9: {  	s31 =	sshll.u32 s1, $0xD;
	s1 =	sshrl.u32 s1, $0x2  }
0xba: {  	s3 =	sand.u32 $0x4000, s31;
	s1 =	sadd.s32 s1, s30  }
0xbb: {  	s0 =	sor.u32 s3, s0;
	s1 =	sshll.u32 s1, $0x11  }
0xbc: {  	s0 =	sor.u32 s1, s0  }
0xbd: {  	s0 =	sadd.s32 $0x8F2B, s0  }
0xbe: {  	[sflag:s0] =	ssyncadd.remote.s32 $0x1  }
0xbf: {  	_ =	sfence.sel $0xFFFF  }
0xc0: {  	[dreg:$0x0] =	wrdreg $0xFFFFFFFF;
	(pc) =	sbr.abs _section_cstart, $3  }
0xc1: {  	[dreg:$0x1] =	wrdreg $0xFFFFFFFF  }
0xc2: {  	_ =	task.clear_ibuf [dreg:s7], $0x2FFFF;
	_ =	strace $0x9FFFFFFF  }
0xc3: {  	(tm) =	ssettm $0x7FFFFFFF  }
tec
execute0_lowered:
.L_overlay_start_1:
0x0: {  	(tag) =	ssettag $0x1  }
0x1: {  	s3 =	rddreg [dreg:$0x0]  }
0x2: {  	s4 =	rddreg [dreg:$0x1]  }
0x3: {  	s1 =	rddreg [dreg:$0x2]  }
0x4: {  	s0 =	rddreg [dreg:$0x3];
	s2 =	simm.s32 $0x0;
	s5 =	srdreg.scid  }
0x5: {  	s7 =	stileid.u32;
	[smem:$0x7FF] =	sst s2  }
0x6: {  	s5 =	sand.u32 $0x1, s5;
	s8 =	sshll.u32 s7, $0xB;
	p0 =	sne.s32 s7, $0x0  }
0x7: {  	s7 =	simm.s32 $0x50;
	_ =	strace $0x80000047;
	s6 =	sshll.u32 s5, $0x4  }
0x8: {  	s31 =	ssub.s32 $0x2, s5;
	s5 =	sshll.u32 s5, $0xF;
	s3 =	sadd.s32 s3, s8  }
0x9: {  	s8 =	simm.s32 $0x4000;
	s4 =	sadd.s32 s6, s4;
	s9 =	sshrl.u32 s31, $0x1  }
0xa: {  	s3 =	sadd.s32 s5, s3;
	s6 =	ssub.s32 s31, s9;
	s4 =	sadd.s32 $0x2600, s4  }
0xb: {  	v0 =	vimm.f32 $1.000000000e+00;
	v1 =	vimm.f32 $0.0e+00;
	s9 =	sshrl.u32 @!p0 s1, $0x3;
	s5 =	smax.u32 s6, $0x1;
	s6 =	simm.s32 $0x1  }
.LBB2_1:
0xc: {  	[tilespmem:$0x4000] =	vst v0  }
0xd: {  	[tilespmem:$0x4010] =	vst v0  }
0xe: {  	[tilespmem:$0x4020] =	vst v0  }
0xf: {  	[tilespmem:$0x4030] =	vst v0  }
0x10: {  	[tilespmem:$0x4040] =	vst v0;
	s10 =	simm.s32 $0x40;
	s11 =	simm.s32 $0x0  }
.LBB2_2:
0x11: {  	p1 =	sne.s32 s10, $0x9C00;
	[tilespmem:s11+$0x4080] =	vst v1;
	s11 =	smov.u32 s10;
	s10 =	sadd.s32 $0x40, s10  }
.Ltmp0:
0x12: {  	(pc) =	sbr.rel @p1 .LBB2_2-.Ltmp0, $2  }
0x13: {  	_ =	sdelay $0x2  }
0x14: {  	s11 =	sshra.s32 s11, $0x2  }
0x15: {  	[tilespmem:s11+$0x4080] =	vst v1;
	s10 =	simm.s32 @!p0 $0x4080  }
0x16: {  	[spmem:s1] =	stream.linear.scatter @!p0 [tilespmem:s10], [sflag:$0x1], $0x2780, $0x38;
	[tilespmem:$0x6A78] =	vst v63  }
0x17: {  	s10 =	simm.s32 @!p0 $0x1  }
0x18: {  	_ =	swait.ge @!p0 [sflag:s10], $0x2780  }
0x19: {  	[sflag:s10] =	ssyncset.done @!p0 $0x0  }
0x1a: {  	s30 =	simm.s32 $0x0;
	[sflag:s10] =	ssyncadd.s32 @!p0 $0xFFFFD880  }
0x1b: {  	[tilespmem:s30], [sflag:$0x1] =	stream.linear.gather [hbm4b:s3+s30], $0x3E80, $0x38;
	[tilespmem:$0x6A78] =	vst v63  }
0x1c: {  	_ =	swait.ge [sflag:s6], $0x3E80  }
0x1d: {  	[sflag:s6] =	ssyncset.done $0x0  }
0x1e: {  	[sflag:s6] =	ssyncadd.s32 $0xFFFFC180  }
0x1f: {  	s31 =	simm.s32 $0x0;
	[bflag:$0x0] =	sbarrier.arrive $0xFFFF  }
0x20: {  	[spmem:s1] =	stream.indirect.scatter.add.f32 [tilespmem:s8], [sflag:$0x1], $0x1, s31, s7, $0xb8;
	[tilespmem:$0x6A78] =	vst v63  }
0x21: {  	_ =	swait.ge [sflag:s6], $0x50  }
0x22: {  	s10 =	simm.s32 $0x200;
	[sflag:s6] =	ssyncset.done $0x0  }
.LBB2_4:
0x23: {  	s11 =	sshra.s32 s10, $0x2;
	[sflag:s6] =	ssyncadd.s32 $0xFFFFFFB0;
	p1 =	sne.s32 s10, $0xF800  }
0x24: {  	[spmem:s1] =	stream.indirect.scatter.add.f32 [tilespmem:s8], [sflag:$0x1], $0x1, s11, s7, $0xb8;
	[tilespmem:$0x6A78] =	vst v63  }
.Ltmp1:
0x25: {  	_ = 	snop;
	(pc) =	sbr.rel @p1 .LBB2_4-.Ltmp1, $4  }
0x26: {  	_ = 	snop  }
0x27: {  	s10 =	sadd.s32 $0x200, s10  }
0x28: {  	_ =	swait.ge [sflag:s6], $0x50  }
0x29: {  	[sflag:s6] =	ssyncset.done $0x0  }
0x2a: {  	[sflag:s6] =	ssyncadd.s32 $0xFFFFFFB0;
	s10 =	simm.s32 @!p0 $0x1;
	s2 =	sadd.s32 $0x1, s2  }
0x2b: {  	s11 =	simm.s32 @!p0 $0x20;
	s12 =	simm.s32 @!p0 $0x10;
	p1 =	sne.s32 s2, s5  }
.Ltmp2:
0x2c: {  	s13 =	simm.s32 @!p0 $0x1C01;
	[bflag:$0x0] =	sbarrier.arrive $0xFFFF;
	(pc) =	sbr.rel @p1 .LBB2_1-.Ltmp2, $4  }
0x2d: {  	[hbm:s4@s11], [sflag:s13] =	dma.strided @!p0 [spmem:s9@s12], $0x4F0, s10, $0x10   }
0x2e: {  	_ =	swait.ge @!p0 [sflag:s10], $0x4F0  }
0x2f: {  	[sflag:s10] =	ssyncset.done @!p0 $0x0  }
0x30: {  	[sflag:s10] =	ssyncadd.s32 @!p0 $0xFFFFFB10  }
0x31: {  	_ =	sfence.sel $0x180000  }
0x32: {  	[bflag:$0x0] =	sbarrier.arrive $0xFFFF  }
0x33: {  	_ =	strace $0x90000047  }
0x34: {  	s0 =	sadd.s32 @!p0 $0x100000, s0;
	[bflag:$0x2] =	sbarrier.arrive $0xFFFF  }
0x35: {  	[sflag:s0] =	ssyncadd.tile.s32 @!p0 $0x1;
	_ =	shalt  }
.Lfunc_end2:
_tile_overlayer_lowered:
.L_overlay_start_2:
0x36: {  	(tag) =	ssettag $0x2  }
0x37: {  	s0 =	rddreg [dreg:$0x0];
	s2 =	stileid.u32  }
0x38: {  	s1 =	rddreg [dreg:$0x1];
	p0 =	sne.s32 s2, $0x0  }
0x39: {  	s3 =	rddreg [dreg:$0x2];
	[bflag:$0x3] =	sbarrier.arrive $0xFFFF;
	s2 =	simm.s32 @!p0 $0x1C01  }
0x3a: {  	[timem:s3], [sflag:s2] =	dma.local @!p0 [hbm:s0], s1  }
0x3b: {  	s0 =	simm.s32 @!p0 $0x1  }
0x3c: {  	_ =	swait.ge @!p0 [sflag:s0], s1  }
0x3d: {  	s1 =	ssub.s32 @!p0 $0x0, s1;
	[sflag:s0] =	ssyncset.done @!p0 $0x0  }
0x3e: {  	[sflag:s0] =	ssyncadd.s32 @!p0 s1  }
0x3f: {  	[bflag:$0x3] =	sbarrier.arrive $0xFFFF  }
0x40: {  	_ =	shalt  }

</sc_bundles>
